<compile_context>
chip_gen: v7x
topology: tpu7x:2x2x1
jax: 0.10.2.dev20260603
libtpu: 0.0.44.dev20260713+nightly
codegen_flags: <defaults>
</compile_context>

<pallas_src>
import jax
import jax.numpy as jnp
from jax import lax
from jax.experimental import pallas as pl
from jax.experimental.pallas import tpu as pltpu
from jax.experimental.pallas import tpu_sc as plsc

N_CLS = 1000
N_CTX = 16
D = 512
SEQ = 77
SUF = SEQ - 1 - N_CTX
B = 1024
SEQ_PAD = 128

NC, NS = 2, 16
NW = NC * NS
BPW = B // NW
NBUF = 4
ROW_BYTES = BPW * D * 4


def _sc_body(cls_w,
             pre_n, ctx_n, suf_n, pre_p, ctx_p, suf_p, tok_n, tok_p,
             out, out_tok,
             idx_v, ixb0, ixb1, ixb2, ixb3,
             gb0, gb1, gb2, gb3, tbuf,
             gs0, gs1, gs2, gs3, ss0, ss1, ss2, ss3, tsem):
    wid = lax.axis_index("s") * NC + lax.axis_index("c")
    base = wid * BPW

    pltpu.sync_copy(cls_w.at[wid], idx_v)

    ixb = [ixb0, ixb1, ixb2, ixb3]
    gb = [gb0, gb1, gb2, gb3]
    gs = [gs0, gs1, gs2, gs3]
    ss = [ss0, ss1, ss2, ss3]

    state = {"t": 0}

    def drain_scatter(b):
        pltpu.make_async_copy(gb[b], out.at[pl.ds(0, BPW), :], ss[b]).wait()

    def wait_gather(b):
        pltpu.make_async_copy(out.at[pl.ds(0, BPW), :], gb[b], gs[b]).wait()

    def set_idx(b, mul, off):
        for h in range(BPW // 16):
            v = idx_v[pl.ds(h * 16, 16)]
            ixb[b][pl.ds(h * 16, 16)] = v * mul + off

    def group(tasks):
        bs = []
        for table, mul, off, row0 in tasks:
            b = state["t"] % NBUF
            if state["t"] >= NBUF:
                drain_scatter(b)
            state["t"] += 1
            set_idx(b, mul, off)
            pltpu.async_copy(table.at[ixb[b]], gb[b], gs[b])
            bs.append((b, row0))
        for b, row0 in bs:
            wait_gather(b)
            pltpu.async_copy(gb[b], out.at[pl.ds(row0, BPW), :], ss[b])

    for pol, (pre_t, ctx_t, suf_t, tok_t) in enumerate(
            ((pre_n, ctx_n, suf_n, tok_n), (pre_p, ctx_p, suf_p, tok_p))):
        ob = pol * B + base
        static_tasks = [(pre_t, 1, 0, ob)]
        for k in range(N_CTX):
            static_tasks.append((ctx_t, N_CTX, k, (1 + k) * 2 * B + ob))
        for g0 in range(0, len(static_tasks), NBUF):
            group(static_tasks[g0:g0 + NBUF])

        t0 = state["t"]

        def suf_step(g, _, suf_t=suf_t, ob=ob, t0=t0):
            bs = []
            for bb in range(NBUF):
                s = g * NBUF + bb
                b = (t0 + bb) % NBUF
                drain_scatter(b)
                set_idx(b, 1, s * N_CLS)
                pltpu.async_copy(suf_t.at[ixb[b]], gb[b], gs[b])
                bs.append((b, s))
            for b, s in bs:
                wait_gather(b)
                pltpu.async_copy(
                    gb[b],
                    out.at[pl.ds((1 + N_CTX + s) * 2 * B + ob, BPW), :],
                    ss[b])
            return ()

        lax.fori_loop(0, SUF // NBUF, suf_step, ())
        state["t"] += SUF

        pltpu.async_copy(tok_t.at[idx_v], tbuf, tsem).wait()
        pltpu.sync_copy(tbuf, out_tok.at[pl.ds(ob, BPW), :])

    for b in range(NBUF):
        drain_scatter(b)


def _make_call():
    mesh = plsc.VectorSubcoreMesh(core_axis_name="c", subcore_axis_name="s",
                                  num_cores=NC, num_subcores=NS)
    return pl.kernel(
        _sc_body,
        out_type=(
            jax.ShapeDtypeStruct((SEQ * 2 * B, D), jnp.float32),
            jax.ShapeDtypeStruct((2 * B, SEQ_PAD), jnp.int32),
        ),
        mesh=mesh,
        scratch_types=[
            pltpu.VMEM((BPW,), jnp.int32),
            pltpu.VMEM((BPW,), jnp.int32),
            pltpu.VMEM((BPW,), jnp.int32),
            pltpu.VMEM((BPW,), jnp.int32),
            pltpu.VMEM((BPW,), jnp.int32),
            pltpu.VMEM((BPW, D), jnp.float32),
            pltpu.VMEM((BPW, D), jnp.float32),
            pltpu.VMEM((BPW, D), jnp.float32),
            pltpu.VMEM((BPW, D), jnp.float32),
            pltpu.VMEM((BPW, SEQ_PAD), jnp.int32),
        ] + [pltpu.SemaphoreType.DMA] * 9,
    )


@jax.jit
def _prompt_gather(cls_id, ctx_pos, ctx_neg, token_prefix_pos,
                   token_suffix_pos, token_prefix_neg, token_suffix_neg,
                   tok_neg, tok_pos):
    n_cls = ctx_pos.shape[0]
    cls_w = cls_id.reshape(NW, BPW)
    suf_pos2 = jnp.transpose(token_suffix_pos, (1, 0, 2)).reshape(
        SUF * n_cls, D)
    suf_neg2 = jnp.transpose(token_suffix_neg, (1, 0, 2)).reshape(
        SUF * n_cls, D)
    ctx_pos2 = ctx_pos.reshape(n_cls * N_CTX, D)
    ctx_neg2 = ctx_neg.reshape(n_cls * N_CTX, D)
    pre_pos2 = token_prefix_pos.reshape(n_cls, D)
    pre_neg2 = token_prefix_neg.reshape(n_cls, D)
    call = _make_call()
    out2, out_tok = call(cls_w,
                         pre_neg2, ctx_neg2, suf_neg2,
                         pre_pos2, ctx_pos2, suf_pos2,
                         tok_neg, tok_pos)
    prompts = jnp.transpose(out2.reshape(SEQ, 2 * B, D), (1, 0, 2))
    return prompts, out_tok[:, :SEQ]


def kernel(cls_id, ctx_pos, ctx_neg, token_prefix_pos, token_suffix_pos,
           token_prefix_neg, token_suffix_neg, tokenized_prompts):
    n_cls = ctx_pos.shape[0]
    return _prompt_gather(
        cls_id, ctx_pos, ctx_neg,
        token_prefix_pos, token_suffix_pos,
        token_prefix_neg, token_suffix_neg,
        jnp.pad(tokenized_prompts[:n_cls], ((0, 0), (0, SEQ_PAD - SEQ))),
        jnp.pad(tokenized_prompts[n_cls:], ((0, 0), (0, SEQ_PAD - SEQ))),
    )

# --- scband reference (transcript-rebuilt; emitter-appended) ---
"""Pipeline reference for scband-mlcprompt-learner-48722109006265 (READ-ONLY COPY).

The authoritative reference and input builder live on the scoring server;
editing this copy changes nothing except your own understanding.
"""

import jax, jax.numpy as jnp
import numpy as np

N_CLS = 1000
N_CTX_POS = 16
N_CTX_NEG = 16
CTX_DIM = 512
SEQ_LEN = 77
BATCH = 1024
VOCAB = 49408


def setup_inputs(seed: int = 0) -> dict:
    key = jax.random.key(seed)
    ks = jax.random.split(key, 9)
    suffix_pos_len = SEQ_LEN - 1 - N_CTX_POS
    suffix_neg_len = SEQ_LEN - 1 - N_CTX_NEG
    cls_id = jax.random.randint(ks[0], (BATCH,), 0, N_CLS, dtype=jnp.int32)
    ctx_pos = 0.02 * jax.random.normal(ks[1], (N_CLS, N_CTX_POS, CTX_DIM), dtype=jnp.float32)
    ctx_neg = 0.02 * jax.random.normal(ks[2], (N_CLS, N_CTX_NEG, CTX_DIM), dtype=jnp.float32)
    token_prefix_pos = jax.random.normal(ks[3], (N_CLS, 1, CTX_DIM), dtype=jnp.float32)
    token_suffix_pos = jax.random.normal(ks[4], (N_CLS, suffix_pos_len, CTX_DIM), dtype=jnp.float32)
    token_prefix_neg = jax.random.normal(ks[5], (N_CLS, 1, CTX_DIM), dtype=jnp.float32)
    token_suffix_neg = jax.random.normal(ks[6], (N_CLS, suffix_neg_len, CTX_DIM), dtype=jnp.float32)
    tokenized_prompts = jax.random.randint(ks[7], (2 * N_CLS, SEQ_LEN), 0, VOCAB, dtype=jnp.int32)
    return {
        'cls_id': cls_id,
        'ctx_pos': ctx_pos,
        'ctx_neg': ctx_neg,
        'token_prefix_pos': token_prefix_pos,
        'token_suffix_pos': token_suffix_pos,
        'token_prefix_neg': token_prefix_neg,
        'token_suffix_neg': token_suffix_neg,
        'tokenized_prompts': tokenized_prompts,
    }


def reference(cls_id, ctx_pos, ctx_neg, token_prefix_pos, token_suffix_pos,
              token_prefix_neg, token_suffix_neg, tokenized_prompts):
    n_cls = ctx_pos.shape[0]
    # class-specific contexts: gather rows by cls_id
    cp = jnp.take(ctx_pos, cls_id, axis=0)
    cn = jnp.take(ctx_neg, cls_id, axis=0)
    pp = jnp.take(token_prefix_pos, cls_id, axis=0)
    sp = jnp.take(token_suffix_pos, cls_id, axis=0)
    pn = jnp.take(token_prefix_neg, cls_id, axis=0)
    sn = jnp.take(token_suffix_neg, cls_id, axis=0)
    prompts_pos = jnp.concatenate([pp, cp, sp], axis=1)
    prompts_neg = jnp.concatenate([pn, cn, sn], axis=1)
    prompts = jnp.concatenate([prompts_neg, prompts_pos], axis=0)
    tp_pos = jnp.take(tokenized_prompts[n_cls:], cls_id, axis=0)
    tp_neg = jnp.take(tokenized_prompts[:n_cls], cls_id, axis=0)
    tokenized = jnp.concatenate([tp_neg, tp_pos], axis=0)
    return (prompts, tokenized)

if __name__ == "__main__":
    import jax
    _d = setup_inputs()
    print(jax.jit(kernel)(*tuple(_d.values())))

</pallas_src>

<mosaic_0001>
#map = affine_map<(d0, d1) -> (0, 0)>
module attributes {stable_mosaic.version = 14 : i64} {
  func.func @_sc_body(%arg0: i32, %arg1: i32, %arg2: memref<32x32xi32, #tpu.memory_space<hbm>>, %arg3: memref<1000x512xf32, #tpu.memory_space<hbm>>, %arg4: memref<16000x512xf32, #tpu.memory_space<hbm>>, %arg5: memref<60000x512xf32, #tpu.memory_space<hbm>>, %arg6: memref<1000x512xf32, #tpu.memory_space<hbm>>, %arg7: memref<16000x512xf32, #tpu.memory_space<hbm>>, %arg8: memref<60000x512xf32, #tpu.memory_space<hbm>>, %arg9: memref<1000x128xi32, #tpu.memory_space<hbm>>, %arg10: memref<1000x128xi32, #tpu.memory_space<hbm>>, %arg11: memref<157696x512xf32, #tpu.memory_space<hbm>>, %arg12: memref<2048x128xi32, #tpu.memory_space<hbm>>, %arg13: memref<32xi32, #tpu.memory_space<vmem>>, %arg14: memref<32xi32, #tpu.memory_space<vmem>>, %arg15: memref<32xi32, #tpu.memory_space<vmem>>, %arg16: memref<32xi32, #tpu.memory_space<vmem>>, %arg17: memref<32xi32, #tpu.memory_space<vmem>>, %arg18: memref<32x512xf32, #tpu.memory_space<vmem>>, %arg19: memref<32x512xf32, #tpu.memory_space<vmem>>, %arg20: memref<32x512xf32, #tpu.memory_space<vmem>>, %arg21: memref<32x512xf32, #tpu.memory_space<vmem>>, %arg22: memref<32x128xi32, #tpu.memory_space<vmem>>, %arg23: memref<!tpu.dma_semaphore, #tpu.memory_space<semaphore_mem>>, %arg24: memref<!tpu.dma_semaphore, #tpu.memory_space<semaphore_mem>>, %arg25: memref<!tpu.dma_semaphore, #tpu.memory_space<semaphore_mem>>, %arg26: memref<!tpu.dma_semaphore, #tpu.memory_space<semaphore_mem>>, %arg27: memref<!tpu.dma_semaphore, #tpu.memory_space<semaphore_mem>>, %arg28: memref<!tpu.dma_semaphore, #tpu.memory_space<semaphore_mem>>, %arg29: memref<!tpu.dma_semaphore, #tpu.memory_space<semaphore_mem>>, %arg30: memref<!tpu.dma_semaphore, #tpu.memory_space<semaphore_mem>>, %arg31: memref<!tpu.dma_semaphore, #tpu.memory_space<semaphore_mem>>) attributes {dimension_semantics = [#tpu.dimension_semantics<core_parallel>, #tpu.dimension_semantics<subcore_parallel>], iteration_bounds = array<i64: 2, 16>, scalar_prefetch = 0 : i64, scratch_operands = 19 : i64, tpu.core_type = #tpu.core_type<sc_vector_subcore>, window_params = [{transform_indices = #map}, {transform_indices = #map}, {transform_indices = #map}, {transform_indices = #map}, {transform_indices = #map}, {transform_indices = #map}, {transform_indices = #map}, {transform_indices = #map}, {transform_indices = #map}, {transform_indices = #map}, {transform_indices = #map}]} {
    %mul3A = arith.constant 2 : i32
    %mul3A_0 = arith.muli %arg1, %mul3A : i32
    %add3A = arith.addi %mul3A_0, %arg0 : i32
    %mul3A_1 = arith.constant 32 : i32
    %mul3A_2 = arith.muli %add3A, %mul3A_1 : i32
    "tpu.region"() ({
      %run_scoped3A = tpu.sem_alloc : memref<!tpu.dma_semaphore, #tpu.memory_space<semaphore_mem>>
      %dma_start3A_1618 = arith.constant 0 : i32
      %dma_start3A_1619 = tpu.memref_slice %arg2[%add3A, %dma_start3A_1618] : memref<32x32xi32, #tpu.memory_space<hbm>> -> memref<1x32xi32, #tpu.memory_space<hbm>>
      %dma_start3A_1620 = tpu.memref_squeeze %dma_start3A_1619 : memref<1x32xi32, #tpu.memory_space<hbm>> -> memref<32xi32, #tpu.memory_space<hbm>>
      %dma_start3A_1621 = arith.constant 0 : i32
      %dma_start3A_1622 = tpu.memref_slice %arg2[%add3A, %dma_start3A_1621] : memref<32x32xi32, #tpu.memory_space<hbm>> -> memref<1x32xi32, #tpu.memory_space<hbm>>
      %dma_start3A_1623 = tpu.memref_squeeze %dma_start3A_1622 : memref<1x32xi32, #tpu.memory_space<hbm>> -> memref<32xi32, #tpu.memory_space<hbm>>
      tpu.enqueue_dma source(%dma_start3A_1623 : memref<32xi32, #tpu.memory_space<hbm>>) target(%arg13 : memref<32xi32, #tpu.memory_space<vmem>>) target_semaphore(%run_scoped3A : memref<!tpu.dma_semaphore, #tpu.memory_space<semaphore_mem>>)
      %dma_wait3A_1624 = arith.constant 0 : i32
      %dma_wait3A_1625 = tpu.memref_slice %arg2[%add3A, %dma_wait3A_1624] : memref<32x32xi32, #tpu.memory_space<hbm>> -> memref<1x32xi32, #tpu.memory_space<hbm>>
      %dma_wait3A_1626 = tpu.memref_squeeze %dma_wait3A_1625 : memref<1x32xi32, #tpu.memory_space<hbm>> -> memref<32xi32, #tpu.memory_space<hbm>>
      %dma_wait3A_1627 = arith.constant 0 : i32
      %dma_wait3A_1628 = tpu.memref_slice %arg2[%add3A, %dma_wait3A_1627] : memref<32x32xi32, #tpu.memory_space<hbm>> -> memref<1x32xi32, #tpu.memory_space<hbm>>
      %dma_wait3A_1629 = tpu.memref_squeeze %dma_wait3A_1628 : memref<1x32xi32, #tpu.memory_space<hbm>> -> memref<32xi32, #tpu.memory_space<hbm>>
      tpu.wait_dma2 semaphore(%run_scoped3A : memref<!tpu.dma_semaphore, #tpu.memory_space<semaphore_mem>>) src(%dma_wait3A_1629 : memref<32xi32, #tpu.memory_space<hbm>>) dst(%arg13 : memref<32xi32, #tpu.memory_space<vmem>>)
      tpu.yield
    }) : () -> ()
    %add3A_3 = arith.constant 0 : i32
    %add3A_4 = arith.addi %add3A_3, %mul3A_2 : i32
    %add3A_5 = arith.constant 2048 : i32
    %add3A_6 = arith.addi %add3A_5, %add3A_4 : i32
    %add3A_7 = arith.constant 4096 : i32
    %add3A_8 = arith.addi %add3A_7, %add3A_4 : i32
    %add3A_9 = arith.constant 6144 : i32
    %add3A_10 = arith.addi %add3A_9, %add3A_4 : i32
    %add3A_11 = arith.constant 8192 : i32
    %add3A_12 = arith.addi %add3A_11, %add3A_4 : i32
    %add3A_13 = arith.constant 10240 : i32
    %add3A_14 = arith.addi %add3A_13, %add3A_4 : i32
    %add3A_15 = arith.constant 12288 : i32
    %add3A_16 = arith.addi %add3A_15, %add3A_4 : i32
    %add3A_17 = arith.constant 14336 : i32
    %add3A_18 = arith.addi %add3A_17, %add3A_4 : i32
    %add3A_19 = arith.constant 16384 : i32
    %add3A_20 = arith.addi %add3A_19, %add3A_4 : i32
    %add3A_21 = arith.constant 18432 : i32
    %add3A_22 = arith.addi %add3A_21, %add3A_4 : i32
    %add3A_23 = arith.constant 20480 : i32
    %add3A_24 = arith.addi %add3A_23, %add3A_4 : i32
    %add3A_25 = arith.constant 22528 : i32
    %add3A_26 = arith.addi %add3A_25, %add3A_4 : i32
    %add3A_27 = arith.constant 24576 : i32
    %add3A_28 = arith.addi %add3A_27, %add3A_4 : i32
    %add3A_29 = arith.constant 26624 : i32
    %add3A_30 = arith.addi %add3A_29, %add3A_4 : i32
    %add3A_31 = arith.constant 28672 : i32
    %add3A_32 = arith.addi %add3A_31, %add3A_4 : i32
    %add3A_33 = arith.constant 30720 : i32
    %add3A_34 = arith.addi %add3A_33, %add3A_4 : i32
    %add3A_35 = arith.constant 32768 : i32
    %add3A_36 = arith.addi %add3A_35, %add3A_4 : i32
    %get3A = arith.constant 0 : index
    %get3A_37 = tpu.vector_load %arg13[%get3A] {strides = array<i32>} : memref<32xi32, #tpu.memory_space<vmem>>, vector<16xi32>,
    %get3A_38 = vector.shape_cast %get3A_37 : vector<16xi32> to vector<16xi32>
    %mul3A_39 = arith.constant 1 : i32
    %mul3A_40 = vector.broadcast %mul3A_39 : i32 to vector<16xi32>
    %mul3A_41 = arith.muli %get3A_38, %mul3A_40 : vector<16xi32>
    %add3A_42 = arith.constant 0 : i32
    %add3A_43 = vector.broadcast %add3A_42 : i32 to vector<16xi32>
    %add3A_44 = arith.addi %mul3A_41, %add3A_43 : vector<16xi32>
    %swap3A = arith.constant 0 : index
    %swap3A_45 = tpu.vector_load %arg14[%swap3A] {strides = array<i32>} : memref<32xi32, #tpu.memory_space<vmem>>, vector<16xi32>,
    %swap3A_46 = vector.shape_cast %swap3A_45 : vector<16xi32> to vector<16xi32>
    %swap3A_47 = vector.shape_cast %add3A_44 : vector<16xi32> to vector<16xi32>
    tpu.vector_store %arg14[%swap3A], %swap3A_47 {strides = array<i32>} : memref<32xi32, #tpu.memory_space<vmem>>, vector<16xi32>,
    %get3A_48 = arith.constant 16 : index
    %get3A_49 = tpu.vector_load %arg13[%get3A_48] {strides = array<i32>} : memref<32xi32, #tpu.memory_space<vmem>>, vector<16xi32>,
    %get3A_50 = vector.shape_cast %get3A_49 : vector<16xi32> to vector<16xi32>
    %mul3A_51 = arith.constant 1 : i32
    %mul3A_52 = vector.broadcast %mul3A_51 : i32 to vector<16xi32>
    %mul3A_53 = arith.muli %get3A_50, %mul3A_52 : vector<16xi32>
    %add3A_54 = arith.constant 0 : i32
    %add3A_55 = vector.broadcast %add3A_54 : i32 to vector<16xi32>
    %add3A_56 = arith.addi %mul3A_53, %add3A_55 : vector<16xi32>
    %swap3A_57 = arith.constant 16 : index
    %swap3A_58 = tpu.vector_load %arg14[%swap3A_57] {strides = array<i32>} : memref<32xi32, #tpu.memory_space<vmem>>, vector<16xi32>,
    %swap3A_59 = vector.shape_cast %swap3A_58 : vector<16xi32> to vector<16xi32>
    %swap3A_60 = vector.shape_cast %add3A_56 : vector<16xi32> to vector<16xi32>
    tpu.vector_store %arg14[%swap3A_57], %swap3A_60 {strides = array<i32>} : memref<32xi32, #tpu.memory_space<vmem>>, vector<16xi32>,
    %dma_start3A = arith.constant 0 : i32
    %dma_start3A_61 = arith.constant 0 : i32
    %dma_start3A_62 = tpu.memref_slice %arg3[%dma_start3A, %dma_start3A_61] : memref<1000x512xf32, #tpu.memory_space<hbm>> -> memref<1000x512xf32, #tpu.memory_space<hbm>>
    tpu.enqueue_indirect_dma source(%dma_start3A_62 : memref<1000x512xf32, #tpu.memory_space<hbm>>) target(%arg18 : memref<32x512xf32, #tpu.memory_space<vmem>>) offsets(%arg14 : memref<32xi32, #tpu.memory_space<vmem>>) semaphore(%arg23 : memref<!tpu.dma_semaphore, #tpu.memory_space<semaphore_mem>>)
    %get3A_63 = arith.constant 0 : index
    %get3A_64 = tpu.vector_load %arg13[%get3A_63] {strides = array<i32>} : memref<32xi32, #tpu.memory_space<vmem>>, vector<16xi32>,
    %get3A_65 = vector.shape_cast %get3A_64 : vector<16xi32> to vector<16xi32>
    %mul3A_66 = arith.constant 16 : i32
    %mul3A_67 = vector.broadcast %mul3A_66 : i32 to vector<16xi32>
    %mul3A_68 = arith.muli %get3A_65, %mul3A_67 : vector<16xi32>
    %add3A_69 = arith.constant 0 : i32
    %add3A_70 = vector.broadcast %add3A_69 : i32 to vector<16xi32>
    %add3A_71 = arith.addi %mul3A_68, %add3A_70 : vector<16xi32>
    %swap3A_72 = arith.constant 0 : index
    %swap3A_73 = tpu.vector_load %arg15[%swap3A_72] {strides = array<i32>} : memref<32xi32, #tpu.memory_space<vmem>>, vector<16xi32>,
    %swap3A_74 = vector.shape_cast %swap3A_73 : vector<16xi32> to vector<16xi32>
    %swap3A_75 = vector.shape_cast %add3A_71 : vector<16xi32> to vector<16xi32>
    tpu.vector_store %arg15[%swap3A_72], %swap3A_75 {strides = array<i32>} : memref<32xi32, #tpu.memory_space<vmem>>, vector<16xi32>,
    %get3A_76 = arith.constant 16 : index
    %get3A_77 = tpu.vector_load %arg13[%get3A_76] {strides = array<i32>} : memref<32xi32, #tpu.memory_space<vmem>>, vector<16xi32>,
    %get3A_78 = vector.shape_cast %get3A_77 : vector<16xi32> to vector<16xi32>
    %mul3A_79 = arith.constant 16 : i32
    %mul3A_80 = vector.broadcast %mul3A_79 : i32 to vector<16xi32>
    %mul3A_81 = arith.muli %get3A_78, %mul3A_80 : vector<16xi32>
    %add3A_82 = arith.constant 0 : i32
    %add3A_83 = vector.broadcast %add3A_82 : i32 to vector<16xi32>
    %add3A_84 = arith.addi %mul3A_81, %add3A_83 : vector<16xi32>
    %swap3A_85 = arith.constant 16 : index
    %swap3A_86 = tpu.vector_load %arg15[%swap3A_85] {strides = array<i32>} : memref<32xi32, #tpu.memory_space<vmem>>, vector<16xi32>,
    %swap3A_87 = vector.shape_cast %swap3A_86 : vector<16xi32> to vector<16xi32>
    %swap3A_88 = vector.shape_cast %add3A_84 : vector<16xi32> to vector<16xi32>
    tpu.vector_store %arg15[%swap3A_85], %swap3A_88 {strides = array<i32>} : memref<32xi32, #tpu.memory_space<vmem>>, vector<16xi32>,
    %dma_start3A_89 = arith.constant 0 : i32
    %dma_start3A_90 = arith.constant 0 : i32
    %dma_start3A_91 = tpu.memref_slice %arg4[%dma_start3A_89, %dma_start3A_90] : memref<16000x512xf32, #tpu.memory_space<hbm>> -> memref<16000x512xf32, #tpu.memory_space<hbm>>
    tpu.enqueue_indirect_dma source(%dma_start3A_91 : memref<16000x512xf32, #tpu.memory_space<hbm>>) target(%arg19 : memref<32x512xf32, #tpu.memory_space<vmem>>) offsets(%arg15 : memref<32xi32, #tpu.memory_space<vmem>>) semaphore(%arg24 : memref<!tpu.dma_semaphore, #tpu.memory_space<semaphore_mem>>)
    %get3A_92 = arith.constant 0 : index
    %get3A_93 = tpu.vector_load %arg13[%get3A_92] {strides = array<i32>} : memref<32xi32, #tpu.memory_space<vmem>>, vector<16xi32>,
    %get3A_94 = vector.shape_cast %get3A_93 : vector<16xi32> to vector<16xi32>
    %mul3A_95 = arith.constant 16 : i32
    %mul3A_96 = vector.broadcast %mul3A_95 : i32 to vector<16xi32>
    %mul3A_97 = arith.muli %get3A_94, %mul3A_96 : vector<16xi32>
    %add3A_98 = arith.constant 1 : i32
    %add3A_99 = vector.broadcast %add3A_98 : i32 to vector<16xi32>
    %add3A_100 = arith.addi %mul3A_97, %add3A_99 : vector<16xi32>
    %swap3A_101 = arith.constant 0 : index
    %swap3A_102 = tpu.vector_load %arg16[%swap3A_101] {strides = array<i32>} : memref<32xi32, #tpu.memory_space<vmem>>, vector<16xi32>,
    %swap3A_103 = vector.shape_cast %swap3A_102 : vector<16xi32> to vector<16xi32>
    %swap3A_104 = vector.shape_cast %add3A_100 : vector<16xi32> to vector<16xi32>
    tpu.vector_store %arg16[%swap3A_101], %swap3A_104 {strides = array<i32>} : memref<32xi32, #tpu.memory_space<vmem>>, vector<16xi32>,
    %get3A_105 = arith.constant 16 : index
    %get3A_106 = tpu.vector_load %arg13[%get3A_105] {strides = array<i32>} : memref<32xi32, #tpu.memory_space<vmem>>, vector<16xi32>,
    %get3A_107 = vector.shape_cast %get3A_106 : vector<16xi32> to vector<16xi32>
    %mul3A_108 = arith.constant 16 : i32
    %mul3A_109 = vector.broadcast %mul3A_108 : i32 to vector<16xi32>
    %mul3A_110 = arith.muli %get3A_107, %mul3A_109 : vector<16xi32>
    %add3A_111 = arith.constant 1 : i32
    %add3A_112 = vector.broadcast %add3A_111 : i32 to vector<16xi32>
    %add3A_113 = arith.addi %mul3A_110, %add3A_112 : vector<16xi32>
    %swap3A_114 = arith.constant 16 : index
    %swap3A_115 = tpu.vector_load %arg16[%swap3A_114] {strides = array<i32>} : memref<32xi32, #tpu.memory_space<vmem>>, vector<16xi32>,
    %swap3A_116 = vector.shape_cast %swap3A_115 : vector<16xi32> to vector<16xi32>
    %swap3A_117 = vector.shape_cast %add3A_113 : vector<16xi32> to vector<16xi32>
    tpu.vector_store %arg16[%swap3A_114], %swap3A_117 {strides = array<i32>} : memref<32xi32, #tpu.memory_space<vmem>>, vector<16xi32>,
    %dma_start3A_118 = arith.constant 0 : i32
    %dma_start3A_119 = arith.constant 0 : i32
    %dma_start3A_120 = tpu.memref_slice %arg4[%dma_start3A_118, %dma_start3A_119] : memref<16000x512xf32, #tpu.memory_space<hbm>> -> memref<16000x512xf32, #tpu.memory_space<hbm>>
    tpu.enqueue_indirect_dma source(%dma_start3A_120 : memref<16000x512xf32, #tpu.memory_space<hbm>>) target(%arg20 : memref<32x512xf32, #tpu.memory_space<vmem>>) offsets(%arg16 : memref<32xi32, #tpu.memory_space<vmem>>) semaphore(%arg25 : memref<!tpu.dma_semaphore, #tpu.memory_space<semaphore_mem>>)
    %get3A_121 = arith.constant 0 : index
    %get3A_122 = tpu.vector_load %arg13[%get3A_121] {strides = array<i32>} : memref<32xi32, #tpu.memory_space<vmem>>, vector<16xi32>,
    %get3A_123 = vector.shape_cast %get3A_122 : vector<16xi32> to vector<16xi32>
    %mul3A_124 = arith.constant 16 : i32
    %mul3A_125 = vector.broadcast %mul3A_124 : i32 to vector<16xi32>
    %mul3A_126 = arith.muli %get3A_123, %mul3A_125 : vector<16xi32>
    %add3A_127 = arith.constant 2 : i32
    %add3A_128 = vector.broadcast %add3A_127 : i32 to vector<16xi32>
    %add3A_129 = arith.addi %mul3A_126, %add3A_128 : vector<16xi32>
    %swap3A_130 = arith.constant 0 : index
    %swap3A_131 = tpu.vector_load %arg17[%swap3A_130] {strides = array<i32>} : memref<32xi32, #tpu.memory_space<vmem>>, vector<16xi32>,
    %swap3A_132 = vector.shape_cast %swap3A_131 : vector<16xi32> to vector<16xi32>
    %swap3A_133 = vector.shape_cast %add3A_129 : vector<16xi32> to vector<16xi32>
    tpu.vector_store %arg17[%swap3A_130], %swap3A_133 {strides = array<i32>} : memref<32xi32, #tpu.memory_space<vmem>>, vector<16xi32>,
    %get3A_134 = arith.constant 16 : index
    %get3A_135 = tpu.vector_load %arg13[%get3A_134] {strides = array<i32>} : memref<32xi32, #tpu.memory_space<vmem>>, vector<16xi32>,
    %get3A_136 = vector.shape_cast %get3A_135 : vector<16xi32> to vector<16xi32>
    %mul3A_137 = arith.constant 16 : i32
    %mul3A_138 = vector.broadcast %mul3A_137 : i32 to vector<16xi32>
    %mul3A_139 = arith.muli %get3A_136, %mul3A_138 : vector<16xi32>
    %add3A_140 = arith.constant 2 : i32
    %add3A_141 = vector.broadcast %add3A_140 : i32 to vector<16xi32>
    %add3A_142 = arith.addi %mul3A_139, %add3A_141 : vector<16xi32>
    %swap3A_143 = arith.constant 16 : index
    %swap3A_144 = tpu.vector_load %arg17[%swap3A_143] {strides = array<i32>} : memref<32xi32, #tpu.memory_space<vmem>>, vector<16xi32>,
    %swap3A_145 = vector.shape_cast %swap3A_144 : vector<16xi32> to vector<16xi32>
    %swap3A_146 = vector.shape_cast %add3A_142 : vector<16xi32> to vector<16xi32>
    tpu.vector_store %arg17[%swap3A_143], %swap3A_146 {strides = array<i32>} : memref<32xi32, #tpu.memory_space<vmem>>, vector<16xi32>,
    %dma_start3A_147 = arith.constant 0 : i32
    %dma_start3A_148 = arith.constant 0 : i32
    %dma_start3A_149 = tpu.memref_slice %arg4[%dma_start3A_147, %dma_start3A_148] : memref<16000x512xf32, #tpu.memory_space<hbm>> -> memref<16000x512xf32, #tpu.memory_space<hbm>>
    tpu.enqueue_indirect_dma source(%dma_start3A_149 : memref<16000x512xf32, #tpu.memory_space<hbm>>) target(%arg21 : memref<32x512xf32, #tpu.memory_space<vmem>>) offsets(%arg17 : memref<32xi32, #tpu.memory_space<vmem>>) semaphore(%arg26 : memref<!tpu.dma_semaphore, #tpu.memory_space<semaphore_mem>>)
    %dma_wait3A = arith.constant 0 : i32
    %dma_wait3A_150 = arith.constant 0 : i32
    %dma_wait3A_151 = tpu.memref_slice %arg11[%dma_wait3A, %dma_wait3A_150] : memref<157696x512xf32, #tpu.memory_space<hbm>> -> memref<32x512xf32, #tpu.memory_space<hbm>>
    %dma_wait3A_152 = arith.constant 0 : i32
    %dma_wait3A_153 = arith.constant 0 : i32
    %dma_wait3A_154 = tpu.memref_slice %arg11[%dma_wait3A_152, %dma_wait3A_153] : memref<157696x512xf32, #tpu.memory_space<hbm>> -> memref<32x512xf32, #tpu.memory_space<hbm>>
    tpu.wait_dma2 semaphore(%arg23 : memref<!tpu.dma_semaphore, #tpu.memory_space<semaphore_mem>>) src(%dma_wait3A_154 : memref<32x512xf32, #tpu.memory_space<hbm>>) dst(%arg18 : memref<32x512xf32, #tpu.memory_space<vmem>>)
    %dma_start3A_155 = arith.constant 0 : i32
    %dma_start3A_156 = tpu.memref_slice %arg11[%add3A_4, %dma_start3A_155] : memref<157696x512xf32, #tpu.memory_space<hbm>> -> memref<32x512xf32, #tpu.memory_space<hbm>>
    %dma_start3A_157 = arith.constant 0 : i32
    %dma_start3A_158 = tpu.memref_slice %arg11[%add3A_4, %dma_start3A_157] : memref<157696x512xf32, #tpu.memory_space<hbm>> -> memref<32x512xf32, #tpu.memory_space<hbm>>
    tpu.enqueue_dma source(%arg18 : memref<32x512xf32, #tpu.memory_space<vmem>>) target(%dma_start3A_158 : memref<32x512xf32, #tpu.memory_space<hbm>>) target_semaphore(%arg27 : memref<!tpu.dma_semaphore, #tpu.memory_space<semaphore_mem>>)
    %dma_wait3A_159 = arith.constant 0 : i32
    %dma_wait3A_160 = arith.constant 0 : i32
    %dma_wait3A_161 = tpu.memref_slice %arg11[%dma_wait3A_159, %dma_wait3A_160] : memref<157696x512xf32, #tpu.memory_space<hbm>> -> memref<32x512xf32, #tpu.memory_space<hbm>>
    %dma_wait3A_162 = arith.constant 0 : i32
    %dma_wait3A_163 = arith.constant 0 : i32
    %dma_wait3A_164 = tpu.memref_slice %arg11[%dma_wait3A_162, %dma_wait3A_163] : memref<157696x512xf32, #tpu.memory_space<hbm>> -> memref<32x512xf32, #tpu.memory_space<hbm>>
    tpu.wait_dma2 semaphore(%arg24 : memref<!tpu.dma_semaphore, #tpu.memory_space<semaphore_mem>>) src(%dma_wait3A_164 : memref<32x512xf32, #tpu.memory_space<hbm>>) dst(%arg19 : memref<32x512xf32, #tpu.memory_space<vmem>>)
    %dma_start3A_165 = arith.constant 0 : i32
    %dma_start3A_166 = tpu.memref_slice %arg11[%add3A_6, %dma_start3A_165] : memref<157696x512xf32, #tpu.memory_space<hbm>> -> memref<32x512xf32, #tpu.memory_space<hbm>>
    %dma_start3A_167 = arith.constant 0 : i32
    %dma_start3A_168 = tpu.memref_slice %arg11[%add3A_6, %dma_start3A_167] : memref<157696x512xf32, #tpu.memory_space<hbm>> -> memref<32x512xf32, #tpu.memory_space<hbm>>
    tpu.enqueue_dma source(%arg19 : memref<32x512xf32, #tpu.memory_space<vmem>>) target(%dma_start3A_168 : memref<32x512xf32, #tpu.memory_space<hbm>>) target_semaphore(%arg28 : memref<!tpu.dma_semaphore, #tpu.memory_space<semaphore_mem>>)
    %dma_wait3A_169 = arith.constant 0 : i32
    %dma_wait3A_170 = arith.constant 0 : i32
    %dma_wait3A_171 = tpu.memref_slice %arg11[%dma_wait3A_169, %dma_wait3A_170] : memref<157696x512xf32, #tpu.memory_space<hbm>> -> memref<32x512xf32, #tpu.memory_space<hbm>>
    %dma_wait3A_172 = arith.constant 0 : i32
    %dma_wait3A_173 = arith.constant 0 : i32
    %dma_wait3A_174 = tpu.memref_slice %arg11[%dma_wait3A_172, %dma_wait3A_173] : memref<157696x512xf32, #tpu.memory_space<hbm>> -> memref<32x512xf32, #tpu.memory_space<hbm>>
    tpu.wait_dma2 semaphore(%arg25 : memref<!tpu.dma_semaphore, #tpu.memory_space<semaphore_mem>>) src(%dma_wait3A_174 : memref<32x512xf32, #tpu.memory_space<hbm>>) dst(%arg20 : memref<32x512xf32, #tpu.memory_space<vmem>>)
    %dma_start3A_175 = arith.constant 0 : i32
    %dma_start3A_176 = tpu.memref_slice %arg11[%add3A_8, %dma_start3A_175] : memref<157696x512xf32, #tpu.memory_space<hbm>> -> memref<32x512xf32, #tpu.memory_space<hbm>>
    %dma_start3A_177 = arith.constant 0 : i32
    %dma_start3A_178 = tpu.memref_slice %arg11[%add3A_8, %dma_start3A_177] : memref<157696x512xf32, #tpu.memory_space<hbm>> -> memref<32x512xf32, #tpu.memory_space<hbm>>
    tpu.enqueue_dma source(%arg20 : memref<32x512xf32, #tpu.memory_space<vmem>>) target(%dma_start3A_178 : memref<32x512xf32, #tpu.memory_space<hbm>>) target_semaphore(%arg29 : memref<!tpu.dma_semaphore, #tpu.memory_space<semaphore_mem>>)
    %dma_wait3A_179 = arith.constant 0 : i32
    %dma_wait3A_180 = arith.constant 0 : i32
    %dma_wait3A_181 = tpu.memref_slice %arg11[%dma_wait3A_179, %dma_wait3A_180] : memref<157696x512xf32, #tpu.memory_space<hbm>> -> memref<32x512xf32, #tpu.memory_space<hbm>>
    %dma_wait3A_182 = arith.constant 0 : i32
    %dma_wait3A_183 = arith.constant 0 : i32
    %dma_wait3A_184 = tpu.memref_slice %arg11[%dma_wait3A_182, %dma_wait3A_183] : memref<157696x512xf32, #tpu.memory_space<hbm>> -> memref<32x512xf32, #tpu.memory_space<hbm>>
    tpu.wait_dma2 semaphore(%arg26 : memref<!tpu.dma_semaphore, #tpu.memory_space<semaphore_mem>>) src(%dma_wait3A_184 : memref<32x512xf32, #tpu.memory_space<hbm>>) dst(%arg21 : memref<32x512xf32, #tpu.memory_space<vmem>>)
    %dma_start3A_185 = arith.constant 0 : i32
    %dma_start3A_186 = tpu.memref_slice %arg11[%add3A_10, %dma_start3A_185] : memref<157696x512xf32, #tpu.memory_space<hbm>> -> memref<32x512xf32, #tpu.memory_space<hbm>>
    %dma_start3A_187 = arith.constant 0 : i32
    %dma_start3A_188 = tpu.memref_slice %arg11[%add3A_10, %dma_start3A_187] : memref<157696x512xf32, #tpu.memory_space<hbm>> -> memref<32x512xf32, #tpu.memory_space<hbm>>
    tpu.enqueue_dma source(%arg21 : memref<32x512xf32, #tpu.memory_space<vmem>>) target(%dma_start3A_188 : memref<32x512xf32, #tpu.memory_space<hbm>>) target_semaphore(%arg30 : memref<!tpu.dma_semaphore, #tpu.memory_space<semaphore_mem>>)
    %dma_wait3A_189 = arith.constant 0 : i32
    %dma_wait3A_190 = arith.constant 0 : i32
    %dma_wait3A_191 = tpu.memref_slice %arg11[%dma_wait3A_189, %dma_wait3A_190] : memref<157696x512xf32, #tpu.memory_space<hbm>> -> memref<32x512xf32, #tpu.memory_space<hbm>>
    %dma_wait3A_192 = arith.constant 0 : i32
    %dma_wait3A_193 = arith.constant 0 : i32
    %dma_wait3A_194 = tpu.memref_slice %arg11[%dma_wait3A_192, %dma_wait3A_193] : memref<157696x512xf32, #tpu.memory_space<hbm>> -> memref<32x512xf32, #tpu.memory_space<hbm>>
    tpu.wait_dma2 semaphore(%arg27 : memref<!tpu.dma_semaphore, #tpu.memory_space<semaphore_mem>>) src(%arg18 : memref<32x512xf32, #tpu.memory_space<vmem>>) dst(%dma_wait3A_194 : memref<32x512xf32, #tpu.memory_space<hbm>>)
    %get3A_195 = arith.constant 0 : index
    %get3A_196 = tpu.vector_load %arg13[%get3A_195] {strides = array<i32>} : memref<32xi32, #tpu.memory_space<vmem>>, vector<16xi32>,
    %get3A_197 = vector.shape_cast %get3A_196 : vector<16xi32> to vector<16xi32>
    %mul3A_198 = arith.constant 16 : i32
    %mul3A_199 = vector.broadcast %mul3A_198 : i32 to vector<16xi32>
    %mul3A_200 = arith.muli %get3A_197, %mul3A_199 : vector<16xi32>
    %add3A_201 = arith.constant 3 : i32
    %add3A_202 = vector.broadcast %add3A_201 : i32 to vector<16xi32>
    %add3A_203 = arith.addi %mul3A_200, %add3A_202 : vector<16xi32>
    %swap3A_204 = arith.constant 0 : index
    %swap3A_205 = tpu.vector_load %arg14[%swap3A_204] {strides = array<i32>} : memref<32xi32, #tpu.memory_space<vmem>>, vector<16xi32>,
    %swap3A_206 = vector.shape_cast %swap3A_205 : vector<16xi32> to vector<16xi32>
    %swap3A_207 = vector.shape_cast %add3A_203 : vector<16xi32> to vector<16xi32>
    tpu.vector_store %arg14[%swap3A_204], %swap3A_207 {strides = array<i32>} : memref<32xi32, #tpu.memory_space<vmem>>, vector<16xi32>,
    %get3A_208 = arith.constant 16 : index
    %get3A_209 = tpu.vector_load %arg13[%get3A_208] {strides = array<i32>} : memref<32xi32, #tpu.memory_space<vmem>>, vector<16xi32>,
    %get3A_210 = vector.shape_cast %get3A_209 : vector<16xi32> to vector<16xi32>
    %mul3A_211 = arith.constant 16 : i32
    %mul3A_212 = vector.broadcast %mul3A_211 : i32 to vector<16xi32>
    %mul3A_213 = arith.muli %get3A_210, %mul3A_212 : vector<16xi32>
    %add3A_214 = arith.constant 3 : i32
    %add3A_215 = vector.broadcast %add3A_214 : i32 to vector<16xi32>
    %add3A_216 = arith.addi %mul3A_213, %add3A_215 : vector<16xi32>
    %swap3A_217 = arith.constant 16 : index
    %swap3A_218 = tpu.vector_load %arg14[%swap3A_217] {strides = array<i32>} : memref<32xi32, #tpu.memory_space<vmem>>, vector<16xi32>,
    %swap3A_219 = vector.shape_cast %swap3A_218 : vector<16xi32> to vector<16xi32>
    %swap3A_220 = vector.shape_cast %add3A_216 : vector<16xi32> to vector<16xi32>
    tpu.vector_store %arg14[%swap3A_217], %swap3A_220 {strides = array<i32>} : memref<32xi32, #tpu.memory_space<vmem>>, vector<16xi32>,
    %dma_start3A_221 = arith.constant 0 : i32
    %dma_start3A_222 = arith.constant 0 : i32
    %dma_start3A_223 = tpu.memref_slice %arg4[%dma_start3A_221, %dma_start3A_222] : memref<16000x512xf32, #tpu.memory_space<hbm>> -> memref<16000x512xf32, #tpu.memory_space<hbm>>
    tpu.enqueue_indirect_dma source(%dma_start3A_223 : memref<16000x512xf32, #tpu.memory_space<hbm>>) target(%arg18 : memref<32x512xf32, #tpu.memory_space<vmem>>) offsets(%arg14 : memref<32xi32, #tpu.memory_space<vmem>>) semaphore(%arg23 : memref<!tpu.dma_semaphore, #tpu.memory_space<semaphore_mem>>)
    %dma_wait3A_224 = arith.constant 0 : i32
    %dma_wait3A_225 = arith.constant 0 : i32
    %dma_wait3A_226 = tpu.memref_slice %arg11[%dma_wait3A_224, %dma_wait3A_225] : memref<157696x512xf32, #tpu.memory_space<hbm>> -> memref<32x512xf32, #tpu.memory_space<hbm>>
    %dma_wait3A_227 = arith.constant 0 : i32
    %dma_wait3A_228 = arith.constant 0 : i32
    %dma_wait3A_229 = tpu.memref_slice %arg11[%dma_wait3A_227, %dma_wait3A_228] : memref<157696x512xf32, #tpu.memory_space<hbm>> -> memref<32x512xf32, #tpu.memory_space<hbm>>
    tpu.wait_dma2 semaphore(%arg28 : memref<!tpu.dma_semaphore, #tpu.memory_space<semaphore_mem>>) src(%arg19 : memref<32x512xf32, #tpu.memory_space<vmem>>) dst(%dma_wait3A_229 : memref<32x512xf32, #tpu.memory_space<hbm>>)
    %get3A_230 = arith.constant 0 : index
    %get3A_231 = tpu.vector_load %arg13[%get3A_230] {strides = array<i32>} : memref<32xi32, #tpu.memory_space<vmem>>, vector<16xi32>,
    %get3A_232 = vector.shape_cast %get3A_231 : vector<16xi32> to vector<16xi32>
    %mul3A_233 = arith.constant 16 : i32
    %mul3A_234 = vector.broadcast %mul3A_233 : i32 to vector<16xi32>
    %mul3A_235 = arith.muli %get3A_232, %mul3A_234 : vector<16xi32>
    %add3A_236 = arith.constant 4 : i32
    %add3A_237 = vector.broadcast %add3A_236 : i32 to vector<16xi32>
    %add3A_238 = arith.addi %mul3A_235, %add3A_237 : vector<16xi32>
    %swap3A_239 = arith.constant 0 : index
    %swap3A_240 = tpu.vector_load %arg15[%swap3A_239] {strides = array<i32>} : memref<32xi32, #tpu.memory_space<vmem>>, vector<16xi32>,
    %swap3A_241 = vector.shape_cast %swap3A_240 : vector<16xi32> to vector<16xi32>
    %swap3A_242 = vector.shape_cast %add3A_238 : vector<16xi32> to vector<16xi32>
    tpu.vector_store %arg15[%swap3A_239], %swap3A_242 {strides = array<i32>} : memref<32xi32, #tpu.memory_space<vmem>>, vector<16xi32>,
    %get3A_243 = arith.constant 16 : index
    %get3A_244 = tpu.vector_load %arg13[%get3A_243] {strides = array<i32>} : memref<32xi32, #tpu.memory_space<vmem>>, vector<16xi32>,
    %get3A_245 = vector.shape_cast %get3A_244 : vector<16xi32> to vector<16xi32>
    %mul3A_246 = arith.constant 16 : i32
    %mul3A_247 = vector.broadcast %mul3A_246 : i32 to vector<16xi32>
    %mul3A_248 = arith.muli %get3A_245, %mul3A_247 : vector<16xi32>
    %add3A_249 = arith.constant 4 : i32
    %add3A_250 = vector.broadcast %add3A_249 : i32 to vector<16xi32>
    %add3A_251 = arith.addi %mul3A_248, %add3A_250 : vector<16xi32>
    %swap3A_252 = arith.constant 16 : index
    %swap3A_253 = tpu.vector_load %arg15[%swap3A_252] {strides = array<i32>} : memref<32xi32, #tpu.memory_space<vmem>>, vector<16xi32>,
    %swap3A_254 = vector.shape_cast %swap3A_253 : vector<16xi32> to vector<16xi32>
    %swap3A_255 = vector.shape_cast %add3A_251 : vector<16xi32> to vector<16xi32>
    tpu.vector_store %arg15[%swap3A_252], %swap3A_255 {strides = array<i32>} : memref<32xi32, #tpu.memory_space<vmem>>, vector<16xi32>,
    %dma_start3A_256 = arith.constant 0 : i32
    %dma_start3A_257 = arith.constant 0 : i32
    %dma_start3A_258 = tpu.memref_slice %arg4[%dma_start3A_256, %dma_start3A_257] : memref<16000x512xf32, #tpu.memory_space<hbm>> -> memref<16000x512xf32, #tpu.memory_space<hbm>>
    tpu.enqueue_indirect_dma source(%dma_start3A_258 : memref<16000x512xf32, #tpu.memory_space<hbm>>) target(%arg19 : memref<32x512xf32, #tpu.memory_space<vmem>>) offsets(%arg15 : memref<32xi32, #tpu.memory_space<vmem>>) semaphore(%arg24 : memref<!tpu.dma_semaphore, #tpu.memory_space<semaphore_mem>>)
    %dma_wait3A_259 = arith.constant 0 : i32
    %dma_wait3A_260 = arith.constant 0 : i32
    %dma_wait3A_261 = tpu.memref_slice %arg11[%dma_wait3A_259, %dma_wait3A_260] : memref<157696x512xf32, #tpu.memory_space<hbm>> -> memref<32x512xf32, #tpu.memory_space<hbm>>
    %dma_wait3A_262 = arith.constant 0 : i32
    %dma_wait3A_263 = arith.constant 0 : i32
    %dma_wait3A_264 = tpu.memref_slice %arg11[%dma_wait3A_262, %dma_wait3A_263] : memref<157696x512xf32, #tpu.memory_space<hbm>> -> memref<32x512xf32, #tpu.memory_space<hbm>>
    tpu.wait_dma2 semaphore(%arg29 : memref<!tpu.dma_semaphore, #tpu.memory_space<semaphore_mem>>) src(%arg20 : memref<32x512xf32, #tpu.memory_space<vmem>>) dst(%dma_wait3A_264 : memref<32x512xf32, #tpu.memory_space<hbm>>)
    %get3A_265 = arith.constant 0 : index
    %get3A_266 = tpu.vector_load %arg13[%get3A_265] {strides = array<i32>} : memref<32xi32, #tpu.memory_space<vmem>>, vector<16xi32>,
    %get3A_267 = vector.shape_cast %get3A_266 : vector<16xi32> to vector<16xi32>
    %mul3A_268 = arith.constant 16 : i32
    %mul3A_269 = vector.broadcast %mul3A_268 : i32 to vector<16xi32>
    %mul3A_270 = arith.muli %get3A_267, %mul3A_269 : vector<16xi32>
    %add3A_271 = arith.constant 5 : i32
    %add3A_272 = vector.broadcast %add3A_271 : i32 to vector<16xi32>
    %add3A_273 = arith.addi %mul3A_270, %add3A_272 : vector<16xi32>
    %swap3A_274 = arith.constant 0 : index
    %swap3A_275 = tpu.vector_load %arg16[%swap3A_274] {strides = array<i32>} : memref<32xi32, #tpu.memory_space<vmem>>, vector<16xi32>,
    %swap3A_276 = vector.shape_cast %swap3A_275 : vector<16xi32> to vector<16xi32>
    %swap3A_277 = vector.shape_cast %add3A_273 : vector<16xi32> to vector<16xi32>
    tpu.vector_store %arg16[%swap3A_274], %swap3A_277 {strides = array<i32>} : memref<32xi32, #tpu.memory_space<vmem>>, vector<16xi32>,
    %get3A_278 = arith.constant 16 : index
    %get3A_279 = tpu.vector_load %arg13[%get3A_278] {strides = array<i32>} : memref<32xi32, #tpu.memory_space<vmem>>, vector<16xi32>,
    %get3A_280 = vector.shape_cast %get3A_279 : vector<16xi32> to vector<16xi32>
    %mul3A_281 = arith.constant 16 : i32
    %mul3A_282 = vector.broadcast %mul3A_281 : i32 to vector<16xi32>
    %mul3A_283 = arith.muli %get3A_280, %mul3A_282 : vector<16xi32>
    %add3A_284 = arith.constant 5 : i32
    %add3A_285 = vector.broadcast %add3A_284 : i32 to vector<16xi32>
    %add3A_286 = arith.addi %mul3A_283, %add3A_285 : vector<16xi32>
    %swap3A_287 = arith.constant 16 : index
    %swap3A_288 = tpu.vector_load %arg16[%swap3A_287] {strides = array<i32>} : memref<32xi32, #tpu.memory_space<vmem>>, vector<16xi32>,
    %swap3A_289 = vector.shape_cast %swap3A_288 : vector<16xi32> to vector<16xi32>
    %swap3A_290 = vector.shape_cast %add3A_286 : vector<16xi32> to vector<16xi32>
    tpu.vector_store %arg16[%swap3A_287], %swap3A_290 {strides = array<i32>} : memref<32xi32, #tpu.memory_space<vmem>>, vector<16xi32>,
    %dma_start3A_291 = arith.constant 0 : i32
    %dma_start3A_292 = arith.constant 0 : i32
    %dma_start3A_293 = tpu.memref_slice %arg4[%dma_start3A_291, %dma_start3A_292] : memref<16000x512xf32, #tpu.memory_space<hbm>> -> memref<16000x512xf32, #tpu.memory_space<hbm>>
    tpu.enqueue_indirect_dma source(%dma_start3A_293 : memref<16000x512xf32, #tpu.memory_space<hbm>>) target(%arg20 : memref<32x512xf32, #tpu.memory_space<vmem>>) offsets(%arg16 : memref<32xi32, #tpu.memory_space<vmem>>) semaphore(%arg25 : memref<!tpu.dma_semaphore, #tpu.memory_space<semaphore_mem>>)
    %dma_wait3A_294 = arith.constant 0 : i32
    %dma_wait3A_295 = arith.constant 0 : i32
    %dma_wait3A_296 = tpu.memref_slice %arg11[%dma_wait3A_294, %dma_wait3A_295] : memref<157696x512xf32, #tpu.memory_space<hbm>> -> memref<32x512xf32, #tpu.memory_space<hbm>>
    %dma_wait3A_297 = arith.constant 0 : i32
    %dma_wait3A_298 = arith.constant 0 : i32
    %dma_wait3A_299 = tpu.memref_slice %arg11[%dma_wait3A_297, %dma_wait3A_298] : memref<157696x512xf32, #tpu.memory_space<hbm>> -> memref<32x512xf32, #tpu.memory_space<hbm>>
    tpu.wait_dma2 semaphore(%arg30 : memref<!tpu.dma_semaphore, #tpu.memory_space<semaphore_mem>>) src(%arg21 : memref<32x512xf32, #tpu.memory_space<vmem>>) dst(%dma_wait3A_299 : memref<32x512xf32, #tpu.memory_space<hbm>>)
    %get3A_300 = arith.constant 0 : index
    %get3A_301 = tpu.vector_load %arg13[%get3A_300] {strides = array<i32>} : memref<32xi32, #tpu.memory_space<vmem>>, vector<16xi32>,
    %get3A_302 = vector.shape_cast %get3A_301 : vector<16xi32> to vector<16xi32>
    %mul3A_303 = arith.constant 16 : i32
    %mul3A_304 = vector.broadcast %mul3A_303 : i32 to vector<16xi32>
    %mul3A_305 = arith.muli %get3A_302, %mul3A_304 : vector<16xi32>
    %add3A_306 = arith.constant 6 : i32
    %add3A_307 = vector.broadcast %add3A_306 : i32 to vector<16xi32>
    %add3A_308 = arith.addi %mul3A_305, %add3A_307 : vector<16xi32>
    %swap3A_309 = arith.constant 0 : index
    %swap3A_310 = tpu.vector_load %arg17[%swap3A_309] {strides = array<i32>} : memref<32xi32, #tpu.memory_space<vmem>>, vector<16xi32>,
    %swap3A_311 = vector.shape_cast %swap3A_310 : vector<16xi32> to vector<16xi32>
    %swap3A_312 = vector.shape_cast %add3A_308 : vector<16xi32> to vector<16xi32>
    tpu.vector_store %arg17[%swap3A_309], %swap3A_312 {strides = array<i32>} : memref<32xi32, #tpu.memory_space<vmem>>, vector<16xi32>,
    %get3A_313 = arith.constant 16 : index
    %get3A_314 = tpu.vector_load %arg13[%get3A_313] {strides = array<i32>} : memref<32xi32, #tpu.memory_space<vmem>>, vector<16xi32>,
    %get3A_315 = vector.shape_cast %get3A_314 : vector<16xi32> to vector<16xi32>
    %mul3A_316 = arith.constant 16 : i32
    %mul3A_317 = vector.broadcast %mul3A_316 : i32 to vector<16xi32>
    %mul3A_318 = arith.muli %get3A_315, %mul3A_317 : vector<16xi32>
    %add3A_319 = arith.constant 6 : i32
    %add3A_320 = vector.broadcast %add3A_319 : i32 to vector<16xi32>
    %add3A_321 = arith.addi %mul3A_318, %add3A_320 : vector<16xi32>
    %swap3A_322 = arith.constant 16 : index
    %swap3A_323 = tpu.vector_load %arg17[%swap3A_322] {strides = array<i32>} : memref<32xi32, #tpu.memory_space<vmem>>, vector<16xi32>,
    %swap3A_324 = vector.shape_cast %swap3A_323 : vector<16xi32> to vector<16xi32>
    %swap3A_325 = vector.shape_cast %add3A_321 : vector<16xi32> to vector<16xi32>
    tpu.vector_store %arg17[%swap3A_322], %swap3A_325 {strides = array<i32>} : memref<32xi32, #tpu.memory_space<vmem>>, vector<16xi32>,
    %dma_start3A_326 = arith.constant 0 : i32
    %dma_start3A_327 = arith.constant 0 : i32
    %dma_start3A_328 = tpu.memref_slice %arg4[%dma_start3A_326, %dma_start3A_327] : memref<16000x512xf32, #tpu.memory_space<hbm>> -> memref<16000x512xf32, #tpu.memory_space<hbm>>
    tpu.enqueue_indirect_dma source(%dma_start3A_328 : memref<16000x512xf32, #tpu.memory_space<hbm>>) target(%arg21 : memref<32x512xf32, #tpu.memory_space<vmem>>) offsets(%arg17 : memref<32xi32, #tpu.memory_space<vmem>>) semaphore(%arg26 : memref<!tpu.dma_semaphore, #tpu.memory_space<semaphore_mem>>)
    %dma_wait3A_329 = arith.constant 0 : i32
    %dma_wait3A_330 = arith.constant 0 : i32
    %dma_wait3A_331 = tpu.memref_slice %arg11[%dma_wait3A_329, %dma_wait3A_330] : memref<157696x512xf32, #tpu.memory_space<hbm>> -> memref<32x512xf32, #tpu.memory_space<hbm>>
    %dma_wait3A_332 = arith.constant 0 : i32
    %dma_wait3A_333 = arith.constant 0 : i32
    %dma_wait3A_334 = tpu.memref_slice %arg11[%dma_wait3A_332, %dma_wait3A_333] : memref<157696x512xf32, #tpu.memory_space<hbm>> -> memref<32x512xf32, #tpu.memory_space<hbm>>
    tpu.wait_dma2 semaphore(%arg23 : memref<!tpu.dma_semaphore, #tpu.memory_space<semaphore_mem>>) src(%dma_wait3A_334 : memref<32x512xf32, #tpu.memory_space<hbm>>) dst(%arg18 : memref<32x512xf32, #tpu.memory_space<vmem>>)
    %dma_start3A_335 = arith.constant 0 : i32
    %dma_start3A_336 = tpu.memref_slice %arg11[%add3A_12, %dma_start3A_335] : memref<157696x512xf32, #tpu.memory_space<hbm>> -> memref<32x512xf32, #tpu.memory_space<hbm>>
    %dma_start3A_337 = arith.constant 0 : i32
    %dma_start3A_338 = tpu.memref_slice %arg11[%add3A_12, %dma_start3A_337] : memref<157696x512xf32, #tpu.memory_space<hbm>> -> memref<32x512xf32, #tpu.memory_space<hbm>>
    tpu.enqueue_dma source(%arg18 : memref<32x512xf32, #tpu.memory_space<vmem>>) target(%dma_start3A_338 : memref<32x512xf32, #tpu.memory_space<hbm>>) target_semaphore(%arg27 : memref<!tpu.dma_semaphore, #tpu.memory_space<semaphore_mem>>)
    %dma_wait3A_339 = arith.constant 0 : i32
    %dma_wait3A_340 = arith.constant 0 : i32
    %dma_wait3A_341 = tpu.memref_slice %arg11[%dma_wait3A_339, %dma_wait3A_340] : memref<157696x512xf32, #tpu.memory_space<hbm>> -> memref<32x512xf32, #tpu.memory_space<hbm>>
    %dma_wait3A_342 = arith.constant 0 : i32
    %dma_wait3A_343 = arith.constant 0 : i32
    %dma_wait3A_344 = tpu.memref_slice %arg11[%dma_wait3A_342, %dma_wait3A_343] : memref<157696x512xf32, #tpu.memory_space<hbm>> -> memref<32x512xf32, #tpu.memory_space<hbm>>
    tpu.wait_dma2 semaphore(%arg24 : memref<!tpu.dma_semaphore, #tpu.memory_space<semaphore_mem>>) src(%dma_wait3A_344 : memref<32x512xf32, #tpu.memory_space<hbm>>) dst(%arg19 : memref<32x512xf32, #tpu.memory_space<vmem>>)
    %dma_start3A_345 = arith.constant 0 : i32
    %dma_start3A_346 = tpu.memref_slice %arg11[%add3A_14, %dma_start3A_345] : memref<157696x512xf32, #tpu.memory_space<hbm>> -> memref<32x512xf32, #tpu.memory_space<hbm>>
    %dma_start3A_347 = arith.constant 0 : i32
    %dma_start3A_348 = tpu.memref_slice %arg11[%add3A_14, %dma_start3A_347] : memref<157696x512xf32, #tpu.memory_space<hbm>> -> memref<32x512xf32, #tpu.memory_space<hbm>>
    tpu.enqueue_dma source(%arg19 : memref<32x512xf32, #tpu.memory_space<vmem>>) target(%dma_start3A_348 : memref<32x512xf32, #tpu.memory_space<hbm>>) target_semaphore(%arg28 : memref<!tpu.dma_semaphore, #tpu.memory_space<semaphore_mem>>)
    %dma_wait3A_349 = arith.constant 0 : i32
    %dma_wait3A_350 = arith.constant 0 : i32
    %dma_wait3A_351 = tpu.memref_slice %arg11[%dma_wait3A_349, %dma_wait3A_350] : memref<157696x512xf32, #tpu.memory_space<hbm>> -> memref<32x512xf32, #tpu.memory_space<hbm>>
    %dma_wait3A_352 = arith.constant 0 : i32
    %dma_wait3A_353 = arith.constant 0 : i32
    %dma_wait3A_354 = tpu.memref_slice %arg11[%dma_wait3A_352, %dma_wait3A_353] : memref<157696x512xf32, #tpu.memory_space<hbm>> -> memref<32x512xf32, #tpu.memory_space<hbm>>
    tpu.wait_dma2 semaphore(%arg25 : memref<!tpu.dma_semaphore, #tpu.memory_space<semaphore_mem>>) src(%dma_wait3A_354 : memref<32x512xf32, #tpu.memory_space<hbm>>) dst(%arg20 : memref<32x512xf32, #tpu.memory_space<vmem>>)
    %dma_start3A_355 = arith.constant 0 : i32
    %dma_start3A_356 = tpu.memref_slice %arg11[%add3A_16, %dma_start3A_355] : memref<157696x512xf32, #tpu.memory_space<hbm>> -> memref<32x512xf32, #tpu.memory_space<hbm>>
    %dma_start3A_357 = arith.constant 0 : i32
    %dma_start3A_358 = tpu.memref_slice %arg11[%add3A_16, %dma_start3A_357] : memref<157696x512xf32, #tpu.memory_space<hbm>> -> memref<32x512xf32, #tpu.memory_space<hbm>>
    tpu.enqueue_dma source(%arg20 : memref<32x512xf32, #tpu.memory_space<vmem>>) target(%dma_start3A_358 : memref<32x512xf32, #tpu.memory_space<hbm>>) target_semaphore(%arg29 : memref<!tpu.dma_semaphore, #tpu.memory_space<semaphore_mem>>)
    %dma_wait3A_359 = arith.constant 0 : i32
    %dma_wait3A_360 = arith.constant 0 : i32
    %dma_wait3A_361 = tpu.memref_slice %arg11[%dma_wait3A_359, %dma_wait3A_360] : memref<157696x512xf32, #tpu.memory_space<hbm>> -> memref<32x512xf32, #tpu.memory_space<hbm>>
    %dma_wait3A_362 = arith.constant 0 : i32
    %dma_wait3A_363 = arith.constant 0 : i32
    %dma_wait3A_364 = tpu.memref_slice %arg11[%dma_wait3A_362, %dma_wait3A_363] : memref<157696x512xf32, #tpu.memory_space<hbm>> -> memref<32x512xf32, #tpu.memory_space<hbm>>
    tpu.wait_dma2 semaphore(%arg26 : memref<!tpu.dma_semaphore, #tpu.memory_space<semaphore_mem>>) src(%dma_wait3A_364 : memref<32x512xf32, #tpu.memory_space<hbm>>) dst(%arg21 : memref<32x512xf32, #tpu.memory_space<vmem>>)
    %dma_start3A_365 = arith.constant 0 : i32
    %dma_start3A_366 = tpu.memref_slice %arg11[%add3A_18, %dma_start3A_365] : memref<157696x512xf32, #tpu.memory_space<hbm>> -> memref<32x512xf32, #tpu.memory_space<hbm>>
    %dma_start3A_367 = arith.constant 0 : i32
    %dma_start3A_368 = tpu.memref_slice %arg11[%add3A_18, %dma_start3A_367] : memref<157696x512xf32, #tpu.memory_space<hbm>> -> memref<32x512xf32, #tpu.memory_space<hbm>>
    tpu.enqueue_dma source(%arg21 : memref<32x512xf32, #tpu.memory_space<vmem>>) target(%dma_start3A_368 : memref<32x512xf32, #tpu.memory_space<hbm>>) target_semaphore(%arg30 : memref<!tpu.dma_semaphore, #tpu.memory_space<semaphore_mem>>)
    %dma_wait3A_369 = arith.constant 0 : i32
    %dma_wait3A_370 = arith.constant 0 : i32
    %dma_wait3A_371 = tpu.memref_slice %arg11[%dma_wait3A_369, %dma_wait3A_370] : memref<157696x512xf32, #tpu.memory_space<hbm>> -> memref<32x512xf32, #tpu.memory_space<hbm>>
    %dma_wait3A_372 = arith.constant 0 : i32
    %dma_wait3A_373 = arith.constant 0 : i32
    %dma_wait3A_374 = tpu.memref_slice %arg11[%dma_wait3A_372, %dma_wait3A_373] : memref<157696x512xf32, #tpu.memory_space<hbm>> -> memref<32x512xf32, #tpu.memory_space<hbm>>
    tpu.wait_dma2 semaphore(%arg27 : memref<!tpu.dma_semaphore, #tpu.memory_space<semaphore_mem>>) src(%arg18 : memref<32x512xf32, #tpu.memory_space<vmem>>) dst(%dma_wait3A_374 : memref<32x512xf32, #tpu.memory_space<hbm>>)
    %get3A_375 = arith.constant 0 : index
    %get3A_376 = tpu.vector_load %arg13[%get3A_375] {strides = array<i32>} : memref<32xi32, #tpu.memory_space<vmem>>, vector<16xi32>,
    %get3A_377 = vector.shape_cast %get3A_376 : vector<16xi32> to vector<16xi32>
    %mul3A_378 = arith.constant 16 : i32
    %mul3A_379 = vector.broadcast %mul3A_378 : i32 to vector<16xi32>
    %mul3A_380 = arith.muli %get3A_377, %mul3A_379 : vector<16xi32>
    %add3A_381 = arith.constant 7 : i32
    %add3A_382 = vector.broadcast %add3A_381 : i32 to vector<16xi32>
    %add3A_383 = arith.addi %mul3A_380, %add3A_382 : vector<16xi32>
    %swap3A_384 = arith.constant 0 : index
    %swap3A_385 = tpu.vector_load %arg14[%swap3A_384] {strides = array<i32>} : memref<32xi32, #tpu.memory_space<vmem>>, vector<16xi32>,
    %swap3A_386 = vector.shape_cast %swap3A_385 : vector<16xi32> to vector<16xi32>
    %swap3A_387 = vector.shape_cast %add3A_383 : vector<16xi32> to vector<16xi32>
    tpu.vector_store %arg14[%swap3A_384], %swap3A_387 {strides = array<i32>} : memref<32xi32, #tpu.memory_space<vmem>>, vector<16xi32>,
    %get3A_388 = arith.constant 16 : index
    %get3A_389 = tpu.vector_load %arg13[%get3A_388] {strides = array<i32>} : memref<32xi32, #tpu.memory_space<vmem>>, vector<16xi32>,
    %get3A_390 = vector.shape_cast %get3A_389 : vector<16xi32> to vector<16xi32>
    %mul3A_391 = arith.constant 16 : i32
    %mul3A_392 = vector.broadcast %mul3A_391 : i32 to vector<16xi32>
    %mul3A_393 = arith.muli %get3A_390, %mul3A_392 : vector<16xi32>
    %add3A_394 = arith.constant 7 : i32
    %add3A_395 = vector.broadcast %add3A_394 : i32 to vector<16xi32>
    %add3A_396 = arith.addi %mul3A_393, %add3A_395 : vector<16xi32>
    %swap3A_397 = arith.constant 16 : index
    %swap3A_398 = tpu.vector_load %arg14[%swap3A_397] {strides = array<i32>} : memref<32xi32, #tpu.memory_space<vmem>>, vector<16xi32>,
    %swap3A_399 = vector.shape_cast %swap3A_398 : vector<16xi32> to vector<16xi32>
    %swap3A_400 = vector.shape_cast %add3A_396 : vector<16xi32> to vector<16xi32>
    tpu.vector_store %arg14[%swap3A_397], %swap3A_400 {strides = array<i32>} : memref<32xi32, #tpu.memory_space<vmem>>, vector<16xi32>,
    %dma_start3A_401 = arith.constant 0 : i32
    %dma_start3A_402 = arith.constant 0 : i32
    %dma_start3A_403 = tpu.memref_slice %arg4[%dma_start3A_401, %dma_start3A_402] : memref<16000x512xf32, #tpu.memory_space<hbm>> -> memref<16000x512xf32, #tpu.memory_space<hbm>>
    tpu.enqueue_indirect_dma source(%dma_start3A_403 : memref<16000x512xf32, #tpu.memory_space<hbm>>) target(%arg18 : memref<32x512xf32, #tpu.memory_space<vmem>>) offsets(%arg14 : memref<32xi32, #tpu.memory_space<vmem>>) semaphore(%arg23 : memref<!tpu.dma_semaphore, #tpu.memory_space<semaphore_mem>>)
    %dma_wait3A_404 = arith.constant 0 : i32
    %dma_wait3A_405 = arith.constant 0 : i32
    %dma_wait3A_406 = tpu.memref_slice %arg11[%dma_wait3A_404, %dma_wait3A_405] : memref<157696x512xf32, #tpu.memory_space<hbm>> -> memref<32x512xf32, #tpu.memory_space<hbm>>
    %dma_wait3A_407 = arith.constant 0 : i32
    %dma_wait3A_408 = arith.constant 0 : i32
    %dma_wait3A_409 = tpu.memref_slice %arg11[%dma_wait3A_407, %dma_wait3A_408] : memref<157696x512xf32, #tpu.memory_space<hbm>> -> memref<32x512xf32, #tpu.memory_space<hbm>>
    tpu.wait_dma2 semaphore(%arg28 : memref<!tpu.dma_semaphore, #tpu.memory_space<semaphore_mem>>) src(%arg19 : memref<32x512xf32, #tpu.memory_space<vmem>>) dst(%dma_wait3A_409 : memref<32x512xf32, #tpu.memory_space<hbm>>)
    %get3A_410 = arith.constant 0 : index
    %get3A_411 = tpu.vector_load %arg13[%get3A_410] {strides = array<i32>} : memref<32xi32, #tpu.memory_space<vmem>>, vector<16xi32>,
    %get3A_412 = vector.shape_cast %get3A_411 : vector<16xi32> to vector<16xi32>
    %mul3A_413 = arith.constant 16 : i32
    %mul3A_414 = vector.broadcast %mul3A_413 : i32 to vector<16xi32>
    %mul3A_415 = arith.muli %get3A_412, %mul3A_414 : vector<16xi32>
    %add3A_416 = arith.constant 8 : i32
    %add3A_417 = vector.broadcast %add3A_416 : i32 to vector<16xi32>
    %add3A_418 = arith.addi %mul3A_415, %add3A_417 : vector<16xi32>
    %swap3A_419 = arith.constant 0 : index
    %swap3A_420 = tpu.vector_load %arg15[%swap3A_419] {strides = array<i32>} : memref<32xi32, #tpu.memory_space<vmem>>, vector<16xi32>,
    %swap3A_421 = vector.shape_cast %swap3A_420 : vector<16xi32> to vector<16xi32>
    %swap3A_422 = vector.shape_cast %add3A_418 : vector<16xi32> to vector<16xi32>
    tpu.vector_store %arg15[%swap3A_419], %swap3A_422 {strides = array<i32>} : memref<32xi32, #tpu.memory_space<vmem>>, vector<16xi32>,
    %get3A_423 = arith.constant 16 : index
    %get3A_424 = tpu.vector_load %arg13[%get3A_423] {strides = array<i32>} : memref<32xi32, #tpu.memory_space<vmem>>, vector<16xi32>,
    %get3A_425 = vector.shape_cast %get3A_424 : vector<16xi32> to vector<16xi32>
    %mul3A_426 = arith.constant 16 : i32
    %mul3A_427 = vector.broadcast %mul3A_426 : i32 to vector<16xi32>
    %mul3A_428 = arith.muli %get3A_425, %mul3A_427 : vector<16xi32>
    %add3A_429 = arith.constant 8 : i32
    %add3A_430 = vector.broadcast %add3A_429 : i32 to vector<16xi32>
    %add3A_431 = arith.addi %mul3A_428, %add3A_430 : vector<16xi32>
    %swap3A_432 = arith.constant 16 : index
    %swap3A_433 = tpu.vector_load %arg15[%swap3A_432] {strides = array<i32>} : memref<32xi32, #tpu.memory_space<vmem>>, vector<16xi32>,
    %swap3A_434 = vector.shape_cast %swap3A_433 : vector<16xi32> to vector<16xi32>
    %swap3A_435 = vector.shape_cast %add3A_431 : vector<16xi32> to vector<16xi32>
    tpu.vector_store %arg15[%swap3A_432], %swap3A_435 {strides = array<i32>} : memref<32xi32, #tpu.memory_space<vmem>>, vector<16xi32>,
    %dma_start3A_436 = arith.constant 0 : i32
    %dma_start3A_437 = arith.constant 0 : i32
    %dma_start3A_438 = tpu.memref_slice %arg4[%dma_start3A_436, %dma_start3A_437] : memref<16000x512xf32, #tpu.memory_space<hbm>> -> memref<16000x512xf32, #tpu.memory_space<hbm>>
    tpu.enqueue_indirect_dma source(%dma_start3A_438 : memref<16000x512xf32, #tpu.memory_space<hbm>>) target(%arg19 : memref<32x512xf32, #tpu.memory_space<vmem>>) offsets(%arg15 : memref<32xi32, #tpu.memory_space<vmem>>) semaphore(%arg24 : memref<!tpu.dma_semaphore, #tpu.memory_space<semaphore_mem>>)
    %dma_wait3A_439 = arith.constant 0 : i32
    %dma_wait3A_440 = arith.constant 0 : i32
    %dma_wait3A_441 = tpu.memref_slice %arg11[%dma_wait3A_439, %dma_wait3A_440] : memref<157696x512xf32, #tpu.memory_space<hbm>> -> memref<32x512xf32, #tpu.memory_space<hbm>>
    %dma_wait3A_442 = arith.constant 0 : i32
    %dma_wait3A_443 = arith.constant 0 : i32
    %dma_wait3A_444 = tpu.memref_slice %arg11[%dma_wait3A_442, %dma_wait3A_443] : memref<157696x512xf32, #tpu.memory_space<hbm>> -> memref<32x512xf32, #tpu.memory_space<hbm>>
    tpu.wait_dma2 semaphore(%arg29 : memref<!tpu.dma_semaphore, #tpu.memory_space<semaphore_mem>>) src(%arg20 : memref<32x512xf32, #tpu.memory_space<vmem>>) dst(%dma_wait3A_444 : memref<32x512xf32, #tpu.memory_space<hbm>>)
    %get3A_445 = arith.constant 0 : index
    %get3A_446 = tpu.vector_load %arg13[%get3A_445] {strides = array<i32>} : memref<32xi32, #tpu.memory_space<vmem>>, vector<16xi32>,
    %get3A_447 = vector.shape_cast %get3A_446 : vector<16xi32> to vector<16xi32>
    %mul3A_448 = arith.constant 16 : i32
    %mul3A_449 = vector.broadcast %mul3A_448 : i32 to vector<16xi32>
    %mul3A_450 = arith.muli %get3A_447, %mul3A_449 : vector<16xi32>
    %add3A_451 = arith.constant 9 : i32
    %add3A_452 = vector.broadcast %add3A_451 : i32 to vector<16xi32>
    %add3A_453 = arith.addi %mul3A_450, %add3A_452 : vector<16xi32>
    %swap3A_454 = arith.constant 0 : index
    %swap3A_455 = tpu.vector_load %arg16[%swap3A_454] {strides = array<i32>} : memref<32xi32, #tpu.memory_space<vmem>>, vector<16xi32>,
    %swap3A_456 = vector.shape_cast %swap3A_455 : vector<16xi32> to vector<16xi32>
    %swap3A_457 = vector.shape_cast %add3A_453 : vector<16xi32> to vector<16xi32>
    tpu.vector_store %arg16[%swap3A_454], %swap3A_457 {strides = array<i32>} : memref<32xi32, #tpu.memory_space<vmem>>, vector<16xi32>,
    %get3A_458 = arith.constant 16 : index
    %get3A_459 = tpu.vector_load %arg13[%get3A_458] {strides = array<i32>} : memref<32xi32, #tpu.memory_space<vmem>>, vector<16xi32>,
    %get3A_460 = vector.shape_cast %get3A_459 : vector<16xi32> to vector<16xi32>
    %mul3A_461 = arith.constant 16 : i32
    %mul3A_462 = vector.broadcast %mul3A_461 : i32 to vector<16xi32>
    %mul3A_463 = arith.muli %get3A_460, %mul3A_462 : vector<16xi32>
    %add3A_464 = arith.constant 9 : i32
    %add3A_465 = vector.broadcast %add3A_464 : i32 to vector<16xi32>
    %add3A_466 = arith.addi %mul3A_463, %add3A_465 : vector<16xi32>
    %swap3A_467 = arith.constant 16 : index
    %swap3A_468 = tpu.vector_load %arg16[%swap3A_467] {strides = array<i32>} : memref<32xi32, #tpu.memory_space<vmem>>, vector<16xi32>,
    %swap3A_469 = vector.shape_cast %swap3A_468 : vector<16xi32> to vector<16xi32>
    %swap3A_470 = vector.shape_cast %add3A_466 : vector<16xi32> to vector<16xi32>
    tpu.vector_store %arg16[%swap3A_467], %swap3A_470 {strides = array<i32>} : memref<32xi32, #tpu.memory_space<vmem>>, vector<16xi32>,
    %dma_start3A_471 = arith.constant 0 : i32
    %dma_start3A_472 = arith.constant 0 : i32
    %dma_start3A_473 = tpu.memref_slice %arg4[%dma_start3A_471, %dma_start3A_472] : memref<16000x512xf32, #tpu.memory_space<hbm>> -> memref<16000x512xf32, #tpu.memory_space<hbm>>
    tpu.enqueue_indirect_dma source(%dma_start3A_473 : memref<16000x512xf32, #tpu.memory_space<hbm>>) target(%arg20 : memref<32x512xf32, #tpu.memory_space<vmem>>) offsets(%arg16 : memref<32xi32, #tpu.memory_space<vmem>>) semaphore(%arg25 : memref<!tpu.dma_semaphore, #tpu.memory_space<semaphore_mem>>)
    %dma_wait3A_474 = arith.constant 0 : i32
    %dma_wait3A_475 = arith.constant 0 : i32
    %dma_wait3A_476 = tpu.memref_slice %arg11[%dma_wait3A_474, %dma_wait3A_475] : memref<157696x512xf32, #tpu.memory_space<hbm>> -> memref<32x512xf32, #tpu.memory_space<hbm>>
    %dma_wait3A_477 = arith.constant 0 : i32
    %dma_wait3A_478 = arith.constant 0 : i32
    %dma_wait3A_479 = tpu.memref_slice %arg11[%dma_wait3A_477, %dma_wait3A_478] : memref<157696x512xf32, #tpu.memory_space<hbm>> -> memref<32x512xf32, #tpu.memory_space<hbm>>
    tpu.wait_dma2 semaphore(%arg30 : memref<!tpu.dma_semaphore, #tpu.memory_space<semaphore_mem>>) src(%arg21 : memref<32x512xf32, #tpu.memory_space<vmem>>) dst(%dma_wait3A_479 : memref<32x512xf32, #tpu.memory_space<hbm>>)
    %get3A_480 = arith.constant 0 : index
    %get3A_481 = tpu.vector_load %arg13[%get3A_480] {strides = array<i32>} : memref<32xi32, #tpu.memory_space<vmem>>, vector<16xi32>,
    %get3A_482 = vector.shape_cast %get3A_481 : vector<16xi32> to vector<16xi32>
    %mul3A_483 = arith.constant 16 : i32
    %mul3A_484 = vector.broadcast %mul3A_483 : i32 to vector<16xi32>
    %mul3A_485 = arith.muli %get3A_482, %mul3A_484 : vector<16xi32>
    %add3A_486 = arith.constant 10 : i32
    %add3A_487 = vector.broadcast %add3A_486 : i32 to vector<16xi32>
    %add3A_488 = arith.addi %mul3A_485, %add3A_487 : vector<16xi32>
    %swap3A_489 = arith.constant 0 : index
    %swap3A_490 = tpu.vector_load %arg17[%swap3A_489] {strides = array<i32>} : memref<32xi32, #tpu.memory_space<vmem>>, vector<16xi32>,
    %swap3A_491 = vector.shape_cast %swap3A_490 : vector<16xi32> to vector<16xi32>
    %swap3A_492 = vector.shape_cast %add3A_488 : vector<16xi32> to vector<16xi32>
    tpu.vector_store %arg17[%swap3A_489], %swap3A_492 {strides = array<i32>} : memref<32xi32, #tpu.memory_space<vmem>>, vector<16xi32>,
    %get3A_493 = arith.constant 16 : index
    %get3A_494 = tpu.vector_load %arg13[%get3A_493] {strides = array<i32>} : memref<32xi32, #tpu.memory_space<vmem>>, vector<16xi32>,
    %get3A_495 = vector.shape_cast %get3A_494 : vector<16xi32> to vector<16xi32>
    %mul3A_496 = arith.constant 16 : i32
    %mul3A_497 = vector.broadcast %mul3A_496 : i32 to vector<16xi32>
    %mul3A_498 = arith.muli %get3A_495, %mul3A_497 : vector<16xi32>
    %add3A_499 = arith.constant 10 : i32
    %add3A_500 = vector.broadcast %add3A_499 : i32 to vector<16xi32>
    %add3A_501 = arith.addi %mul3A_498, %add3A_500 : vector<16xi32>
    %swap3A_502 = arith.constant 16 : index
    %swap3A_503 = tpu.vector_load %arg17[%swap3A_502] {strides = array<i32>} : memref<32xi32, #tpu.memory_space<vmem>>, vector<16xi32>,
    %swap3A_504 = vector.shape_cast %swap3A_503 : vector<16xi32> to vector<16xi32>
    %swap3A_505 = vector.shape_cast %add3A_501 : vector<16xi32> to vector<16xi32>
    tpu.vector_store %arg17[%swap3A_502], %swap3A_505 {strides = array<i32>} : memref<32xi32, #tpu.memory_space<vmem>>, vector<16xi32>,
    %dma_start3A_506 = arith.constant 0 : i32
    %dma_start3A_507 = arith.constant 0 : i32
    %dma_start3A_508 = tpu.memref_slice %arg4[%dma_start3A_506, %dma_start3A_507] : memref<16000x512xf32, #tpu.memory_space<hbm>> -> memref<16000x512xf32, #tpu.memory_space<hbm>>
    tpu.enqueue_indirect_dma source(%dma_start3A_508 : memref<16000x512xf32, #tpu.memory_space<hbm>>) target(%arg21 : memref<32x512xf32, #tpu.memory_space<vmem>>) offsets(%arg17 : memref<32xi32, #tpu.memory_space<vmem>>) semaphore(%arg26 : memref<!tpu.dma_semaphore, #tpu.memory_space<semaphore_mem>>)
    %dma_wait3A_509 = arith.constant 0 : i32
    %dma_wait3A_510 = arith.constant 0 : i32
    %dma_wait3A_511 = tpu.memref_slice %arg11[%dma_wait3A_509, %dma_wait3A_510] : memref<157696x512xf32, #tpu.memory_space<hbm>> -> memref<32x512xf32, #tpu.memory_space<hbm>>
    %dma_wait3A_512 = arith.constant 0 : i32
    %dma_wait3A_513 = arith.constant 0 : i32
    %dma_wait3A_514 = tpu.memref_slice %arg11[%dma_wait3A_512, %dma_wait3A_513] : memref<157696x512xf32, #tpu.memory_space<hbm>> -> memref<32x512xf32, #tpu.memory_space<hbm>>
    tpu.wait_dma2 semaphore(%arg23 : memref<!tpu.dma_semaphore, #tpu.memory_space<semaphore_mem>>) src(%dma_wait3A_514 : memref<32x512xf32, #tpu.memory_space<hbm>>) dst(%arg18 : memref<32x512xf32, #tpu.memory_space<vmem>>)
    %dma_start3A_515 = arith.constant 0 : i32
    %dma_start3A_516 = tpu.memref_slice %arg11[%add3A_20, %dma_start3A_515] : memref<157696x512xf32, #tpu.memory_space<hbm>> -> memref<32x512xf32, #tpu.memory_space<hbm>>
    %dma_start3A_517 = arith.constant 0 : i32
    %dma_start3A_518 = tpu.memref_slice %arg11[%add3A_20, %dma_start3A_517] : memref<157696x512xf32, #tpu.memory_space<hbm>> -> memref<32x512xf32, #tpu.memory_space<hbm>>
    tpu.enqueue_dma source(%arg18 : memref<32x512xf32, #tpu.memory_space<vmem>>) target(%dma_start3A_518 : memref<32x512xf32, #tpu.memory_space<hbm>>) target_semaphore(%arg27 : memref<!tpu.dma_semaphore, #tpu.memory_space<semaphore_mem>>)
    %dma_wait3A_519 = arith.constant 0 : i32
    %dma_wait3A_520 = arith.constant 0 : i32
    %dma_wait3A_521 = tpu.memref_slice %arg11[%dma_wait3A_519, %dma_wait3A_520] : memref<157696x512xf32, #tpu.memory_space<hbm>> -> memref<32x512xf32, #tpu.memory_space<hbm>>
    %dma_wait3A_522 = arith.constant 0 : i32
    %dma_wait3A_523 = arith.constant 0 : i32
    %dma_wait3A_524 = tpu.memref_slice %arg11[%dma_wait3A_522, %dma_wait3A_523] : memref<157696x512xf32, #tpu.memory_space<hbm>> -> memref<32x512xf32, #tpu.memory_space<hbm>>
    tpu.wait_dma2 semaphore(%arg24 : memref<!tpu.dma_semaphore, #tpu.memory_space<semaphore_mem>>) src(%dma_wait3A_524 : memref<32x512xf32, #tpu.memory_space<hbm>>) dst(%arg19 : memref<32x512xf32, #tpu.memory_space<vmem>>)
    %dma_start3A_525 = arith.constant 0 : i32
    %dma_start3A_526 = tpu.memref_slice %arg11[%add3A_22, %dma_start3A_525] : memref<157696x512xf32, #tpu.memory_space<hbm>> -> memref<32x512xf32, #tpu.memory_space<hbm>>
    %dma_start3A_527 = arith.constant 0 : i32
    %dma_start3A_528 = tpu.memref_slice %arg11[%add3A_22, %dma_start3A_527] : memref<157696x512xf32, #tpu.memory_space<hbm>> -> memref<32x512xf32, #tpu.memory_space<hbm>>
    tpu.enqueue_dma source(%arg19 : memref<32x512xf32, #tpu.memory_space<vmem>>) target(%dma_start3A_528 : memref<32x512xf32, #tpu.memory_space<hbm>>) target_semaphore(%arg28 : memref<!tpu.dma_semaphore, #tpu.memory_space<semaphore_mem>>)
    %dma_wait3A_529 = arith.constant 0 : i32
    %dma_wait3A_530 = arith.constant 0 : i32
    %dma_wait3A_531 = tpu.memref_slice %arg11[%dma_wait3A_529, %dma_wait3A_530] : memref<157696x512xf32, #tpu.memory_space<hbm>> -> memref<32x512xf32, #tpu.memory_space<hbm>>
    %dma_wait3A_532 = arith.constant 0 : i32
    %dma_wait3A_533 = arith.constant 0 : i32
    %dma_wait3A_534 = tpu.memref_slice %arg11[%dma_wait3A_532, %dma_wait3A_533] : memref<157696x512xf32, #tpu.memory_space<hbm>> -> memref<32x512xf32, #tpu.memory_space<hbm>>
    tpu.wait_dma2 semaphore(%arg25 : memref<!tpu.dma_semaphore, #tpu.memory_space<semaphore_mem>>) src(%dma_wait3A_534 : memref<32x512xf32, #tpu.memory_space<hbm>>) dst(%arg20 : memref<32x512xf32, #tpu.memory_space<vmem>>)
    %dma_start3A_535 = arith.constant 0 : i32
    %dma_start3A_536 = tpu.memref_slice %arg11[%add3A_24, %dma_start3A_535] : memref<157696x512xf32, #tpu.memory_space<hbm>> -> memref<32x512xf32, #tpu.memory_space<hbm>>
    %dma_start3A_537 = arith.constant 0 : i32
    %dma_start3A_538 = tpu.memref_slice %arg11[%add3A_24, %dma_start3A_537] : memref<157696x512xf32, #tpu.memory_space<hbm>> -> memref<32x512xf32, #tpu.memory_space<hbm>>
    tpu.enqueue_dma source(%arg20 : memref<32x512xf32, #tpu.memory_space<vmem>>) target(%dma_start3A_538 : memref<32x512xf32, #tpu.memory_space<hbm>>) target_semaphore(%arg29 : memref<!tpu.dma_semaphore, #tpu.memory_space<semaphore_mem>>)
    %dma_wait3A_539 = arith.constant 0 : i32
    %dma_wait3A_540 = arith.constant 0 : i32
    %dma_wait3A_541 = tpu.memref_slice %arg11[%dma_wait3A_539, %dma_wait3A_540] : memref<157696x512xf32, #tpu.memory_space<hbm>> -> memref<32x512xf32, #tpu.memory_space<hbm>>
    %dma_wait3A_542 = arith.constant 0 : i32
    %dma_wait3A_543 = arith.constant 0 : i32
    %dma_wait3A_544 = tpu.memref_slice %arg11[%dma_wait3A_542, %dma_wait3A_543] : memref<157696x512xf32, #tpu.memory_space<hbm>> -> memref<32x512xf32, #tpu.memory_space<hbm>>
    tpu.wait_dma2 semaphore(%arg26 : memref<!tpu.dma_semaphore, #tpu.memory_space<semaphore_mem>>) src(%dma_wait3A_544 : memref<32x512xf32, #tpu.memory_space<hbm>>) dst(%arg21 : memref<32x512xf32, #tpu.memory_space<vmem>>)
    %dma_start3A_545 = arith.constant 0 : i32
    %dma_start3A_546 = tpu.memref_slice %arg11[%add3A_26, %dma_start3A_545] : memref<157696x512xf32, #tpu.memory_space<hbm>> -> memref<32x512xf32, #tpu.memory_space<hbm>>
    %dma_start3A_547 = arith.constant 0 : i32
    %dma_start3A_548 = tpu.memref_slice %arg11[%add3A_26, %dma_start3A_547] : memref<157696x512xf32, #tpu.memory_space<hbm>> -> memref<32x512xf32, #tpu.memory_space<hbm>>
    tpu.enqueue_dma source(%arg21 : memref<32x512xf32, #tpu.memory_space<vmem>>) target(%dma_start3A_548 : memref<32x512xf32, #tpu.memory_space<hbm>>) target_semaphore(%arg30 : memref<!tpu.dma_semaphore, #tpu.memory_space<semaphore_mem>>)
    %dma_wait3A_549 = arith.constant 0 : i32
    %dma_wait3A_550 = arith.constant 0 : i32
    %dma_wait3A_551 = tpu.memref_slice %arg11[%dma_wait3A_549, %dma_wait3A_550] : memref<157696x512xf32, #tpu.memory_space<hbm>> -> memref<32x512xf32, #tpu.memory_space<hbm>>
    %dma_wait3A_552 = arith.constant 0 : i32
    %dma_wait3A_553 = arith.constant 0 : i32
    %dma_wait3A_554 = tpu.memref_slice %arg11[%dma_wait3A_552, %dma_wait3A_553] : memref<157696x512xf32, #tpu.memory_space<hbm>> -> memref<32x512xf32, #tpu.memory_space<hbm>>
    tpu.wait_dma2 semaphore(%arg27 : memref<!tpu.dma_semaphore, #tpu.memory_space<semaphore_mem>>) src(%arg18 : memref<32x512xf32, #tpu.memory_space<vmem>>) dst(%dma_wait3A_554 : memref<32x512xf32, #tpu.memory_space<hbm>>)
    %get3A_555 = arith.constant 0 : index
    %get3A_556 = tpu.vector_load %arg13[%get3A_555] {strides = array<i32>} : memref<32xi32, #tpu.memory_space<vmem>>, vector<16xi32>,
    %get3A_557 = vector.shape_cast %get3A_556 : vector<16xi32> to vector<16xi32>
    %mul3A_558 = arith.constant 16 : i32
    %mul3A_559 = vector.broadcast %mul3A_558 : i32 to vector<16xi32>
    %mul3A_560 = arith.muli %get3A_557, %mul3A_559 : vector<16xi32>
    %add3A_561 = arith.constant 11 : i32
    %add3A_562 = vector.broadcast %add3A_561 : i32 to vector<16xi32>
    %add3A_563 = arith.addi %mul3A_560, %add3A_562 : vector<16xi32>
    %swap3A_564 = arith.constant 0 : index
    %swap3A_565 = tpu.vector_load %arg14[%swap3A_564] {strides = array<i32>} : memref<32xi32, #tpu.memory_space<vmem>>, vector<16xi32>,
    %swap3A_566 = vector.shape_cast %swap3A_565 : vector<16xi32> to vector<16xi32>
    %swap3A_567 = vector.shape_cast %add3A_563 : vector<16xi32> to vector<16xi32>
    tpu.vector_store %arg14[%swap3A_564], %swap3A_567 {strides = array<i32>} : memref<32xi32, #tpu.memory_space<vmem>>, vector<16xi32>,
    %get3A_568 = arith.constant 16 : index
    %get3A_569 = tpu.vector_load %arg13[%get3A_568] {strides = array<i32>} : memref<32xi32, #tpu.memory_space<vmem>>, vector<16xi32>,
    %get3A_570 = vector.shape_cast %get3A_569 : vector<16xi32> to vector<16xi32>
    %mul3A_571 = arith.constant 16 : i32
    %mul3A_572 = vector.broadcast %mul3A_571 : i32 to vector<16xi32>
    %mul3A_573 = arith.muli %get3A_570, %mul3A_572 : vector<16xi32>
    %add3A_574 = arith.constant 11 : i32
    %add3A_575 = vector.broadcast %add3A_574 : i32 to vector<16xi32>
    %add3A_576 = arith.addi %mul3A_573, %add3A_575 : vector<16xi32>
    %swap3A_577 = arith.constant 16 : index
    %swap3A_578 = tpu.vector_load %arg14[%swap3A_577] {strides = array<i32>} : memref<32xi32, #tpu.memory_space<vmem>>, vector<16xi32>,
    %swap3A_579 = vector.shape_cast %swap3A_578 : vector<16xi32> to vector<16xi32>
    %swap3A_580 = vector.shape_cast %add3A_576 : vector<16xi32> to vector<16xi32>
    tpu.vector_store %arg14[%swap3A_577], %swap3A_580 {strides = array<i32>} : memref<32xi32, #tpu.memory_space<vmem>>, vector<16xi32>,
    %dma_start3A_581 = arith.constant 0 : i32
    %dma_start3A_582 = arith.constant 0 : i32
    %dma_start3A_583 = tpu.memref_slice %arg4[%dma_start3A_581, %dma_start3A_582] : memref<16000x512xf32, #tpu.memory_space<hbm>> -> memref<16000x512xf32, #tpu.memory_space<hbm>>
    tpu.enqueue_indirect_dma source(%dma_start3A_583 : memref<16000x512xf32, #tpu.memory_space<hbm>>) target(%arg18 : memref<32x512xf32, #tpu.memory_space<vmem>>) offsets(%arg14 : memref<32xi32, #tpu.memory_space<vmem>>) semaphore(%arg23 : memref<!tpu.dma_semaphore, #tpu.memory_space<semaphore_mem>>)
    %dma_wait3A_584 = arith.constant 0 : i32
    %dma_wait3A_585 = arith.constant 0 : i32
    %dma_wait3A_586 = tpu.memref_slice %arg11[%dma_wait3A_584, %dma_wait3A_585] : memref<157696x512xf32, #tpu.memory_space<hbm>> -> memref<32x512xf32, #tpu.memory_space<hbm>>
    %dma_wait3A_587 = arith.constant 0 : i32
    %dma_wait3A_588 = arith.constant 0 : i32
    %dma_wait3A_589 = tpu.memref_slice %arg11[%dma_wait3A_587, %dma_wait3A_588] : memref<157696x512xf32, #tpu.memory_space<hbm>> -> memref<32x512xf32, #tpu.memory_space<hbm>>
    tpu.wait_dma2 semaphore(%arg28 : memref<!tpu.dma_semaphore, #tpu.memory_space<semaphore_mem>>) src(%arg19 : memref<32x512xf32, #tpu.memory_space<vmem>>) dst(%dma_wait3A_589 : memref<32x512xf32, #tpu.memory_space<hbm>>)
    %get3A_590 = arith.constant 0 : index
    %get3A_591 = tpu.vector_load %arg13[%get3A_590] {strides = array<i32>} : memref<32xi32, #tpu.memory_space<vmem>>, vector<16xi32>,
    %get3A_592 = vector.shape_cast %get3A_591 : vector<16xi32> to vector<16xi32>
    %mul3A_593 = arith.constant 16 : i32
    %mul3A_594 = vector.broadcast %mul3A_593 : i32 to vector<16xi32>
    %mul3A_595 = arith.muli %get3A_592, %mul3A_594 : vector<16xi32>
    %add3A_596 = arith.constant 12 : i32
    %add3A_597 = vector.broadcast %add3A_596 : i32 to vector<16xi32>
    %add3A_598 = arith.addi %mul3A_595, %add3A_597 : vector<16xi32>
    %swap3A_599 = arith.constant 0 : index
    %swap3A_600 = tpu.vector_load %arg15[%swap3A_599] {strides = array<i32>} : memref<32xi32, #tpu.memory_space<vmem>>, vector<16xi32>,
    %swap3A_601 = vector.shape_cast %swap3A_600 : vector<16xi32> to vector<16xi32>
    %swap3A_602 = vector.shape_cast %add3A_598 : vector<16xi32> to vector<16xi32>
    tpu.vector_store %arg15[%swap3A_599], %swap3A_602 {strides = array<i32>} : memref<32xi32, #tpu.memory_space<vmem>>, vector<16xi32>,
    %get3A_603 = arith.constant 16 : index
    %get3A_604 = tpu.vector_load %arg13[%get3A_603] {strides = array<i32>} : memref<32xi32, #tpu.memory_space<vmem>>, vector<16xi32>,
    %get3A_605 = vector.shape_cast %get3A_604 : vector<16xi32> to vector<16xi32>
    %mul3A_606 = arith.constant 16 : i32
    %mul3A_607 = vector.broadcast %mul3A_606 : i32 to vector<16xi32>
    %mul3A_608 = arith.muli %get3A_605, %mul3A_607 : vector<16xi32>
    %add3A_609 = arith.constant 12 : i32
    %add3A_610 = vector.broadcast %add3A_609 : i32 to vector<16xi32>
    %add3A_611 = arith.addi %mul3A_608, %add3A_610 : vector<16xi32>
    %swap3A_612 = arith.constant 16 : index
    %swap3A_613 = tpu.vector_load %arg15[%swap3A_612] {strides = array<i32>} : memref<32xi32, #tpu.memory_space<vmem>>, vector<16xi32>,
    %swap3A_614 = vector.shape_cast %swap3A_613 : vector<16xi32> to vector<16xi32>
    %swap3A_615 = vector.shape_cast %add3A_611 : vector<16xi32> to vector<16xi32>
    tpu.vector_store %arg15[%swap3A_612], %swap3A_615 {strides = array<i32>} : memref<32xi32, #tpu.memory_space<vmem>>, vector<16xi32>,
    %dma_start3A_616 = arith.constant 0 : i32
    %dma_start3A_617 = arith.constant 0 : i32
    %dma_start3A_618 = tpu.memref_slice %arg4[%dma_start3A_616, %dma_start3A_617] : memref<16000x512xf32, #tpu.memory_space<hbm>> -> memref<16000x512xf32, #tpu.memory_space<hbm>>
    tpu.enqueue_indirect_dma source(%dma_start3A_618 : memref<16000x512xf32, #tpu.memory_space<hbm>>) target(%arg19 : memref<32x512xf32, #tpu.memory_space<vmem>>) offsets(%arg15 : memref<32xi32, #tpu.memory_space<vmem>>) semaphore(%arg24 : memref<!tpu.dma_semaphore, #tpu.memory_space<semaphore_mem>>)
    %dma_wait3A_619 = arith.constant 0 : i32
    %dma_wait3A_620 = arith.constant 0 : i32
    %dma_wait3A_621 = tpu.memref_slice %arg11[%dma_wait3A_619, %dma_wait3A_620] : memref<157696x512xf32, #tpu.memory_space<hbm>> -> memref<32x512xf32, #tpu.memory_space<hbm>>
    %dma_wait3A_622 = arith.constant 0 : i32
    %dma_wait3A_623 = arith.constant 0 : i32
    %dma_wait3A_624 = tpu.memref_slice %arg11[%dma_wait3A_622, %dma_wait3A_623] : memref<157696x512xf32, #tpu.memory_space<hbm>> -> memref<32x512xf32, #tpu.memory_space<hbm>>
    tpu.wait_dma2 semaphore(%arg29 : memref<!tpu.dma_semaphore, #tpu.memory_space<semaphore_mem>>) src(%arg20 : memref<32x512xf32, #tpu.memory_space<vmem>>) dst(%dma_wait3A_624 : memref<32x512xf32, #tpu.memory_space<hbm>>)
    %get3A_625 = arith.constant 0 : index
    %get3A_626 = tpu.vector_load %arg13[%get3A_625] {strides = array<i32>} : memref<32xi32, #tpu.memory_space<vmem>>, vector<16xi32>,
    %get3A_627 = vector.shape_cast %get3A_626 : vector<16xi32> to vector<16xi32>
    %mul3A_628 = arith.constant 16 : i32
    %mul3A_629 = vector.broadcast %mul3A_628 : i32 to vector<16xi32>
    %mul3A_630 = arith.muli %get3A_627, %mul3A_629 : vector<16xi32>
    %add3A_631 = arith.constant 13 : i32
    %add3A_632 = vector.broadcast %add3A_631 : i32 to vector<16xi32>
    %add3A_633 = arith.addi %mul3A_630, %add3A_632 : vector<16xi32>
    %swap3A_634 = arith.constant 0 : index
    %swap3A_635 = tpu.vector_load %arg16[%swap3A_634] {strides = array<i32>} : memref<32xi32, #tpu.memory_space<vmem>>, vector<16xi32>,
    %swap3A_636 = vector.shape_cast %swap3A_635 : vector<16xi32> to vector<16xi32>
    %swap3A_637 = vector.shape_cast %add3A_633 : vector<16xi32> to vector<16xi32>
    tpu.vector_store %arg16[%swap3A_634], %swap3A_637 {strides = array<i32>} : memref<32xi32, #tpu.memory_space<vmem>>, vector<16xi32>,
    %get3A_638 = arith.constant 16 : index
    %get3A_639 = tpu.vector_load %arg13[%get3A_638] {strides = array<i32>} : memref<32xi32, #tpu.memory_space<vmem>>, vector<16xi32>,
    %get3A_640 = vector.shape_cast %get3A_639 : vector<16xi32> to vector<16xi32>
    %mul3A_641 = arith.constant 16 : i32
    %mul3A_642 = vector.broadcast %mul3A_641 : i32 to vector<16xi32>
    %mul3A_643 = arith.muli %get3A_640, %mul3A_642 : vector<16xi32>
    %add3A_644 = arith.constant 13 : i32
    %add3A_645 = vector.broadcast %add3A_644 : i32 to vector<16xi32>
    %add3A_646 = arith.addi %mul3A_643, %add3A_645 : vector<16xi32>
    %swap3A_647 = arith.constant 16 : index
    %swap3A_648 = tpu.vector_load %arg16[%swap3A_647] {strides = array<i32>} : memref<32xi32, #tpu.memory_space<vmem>>, vector<16xi32>,
    %swap3A_649 = vector.shape_cast %swap3A_648 : vector<16xi32> to vector<16xi32>
    %swap3A_650 = vector.shape_cast %add3A_646 : vector<16xi32> to vector<16xi32>
    tpu.vector_store %arg16[%swap3A_647], %swap3A_650 {strides = array<i32>} : memref<32xi32, #tpu.memory_space<vmem>>, vector<16xi32>,
    %dma_start3A_651 = arith.constant 0 : i32
    %dma_start3A_652 = arith.constant 0 : i32
    %dma_start3A_653 = tpu.memref_slice %arg4[%dma_start3A_651, %dma_start3A_652] : memref<16000x512xf32, #tpu.memory_space<hbm>> -> memref<16000x512xf32, #tpu.memory_space<hbm>>
    tpu.enqueue_indirect_dma source(%dma_start3A_653 : memref<16000x512xf32, #tpu.memory_space<hbm>>) target(%arg20 : memref<32x512xf32, #tpu.memory_space<vmem>>) offsets(%arg16 : memref<32xi32, #tpu.memory_space<vmem>>) semaphore(%arg25 : memref<!tpu.dma_semaphore, #tpu.memory_space<semaphore_mem>>)
    %dma_wait3A_654 = arith.constant 0 : i32
    %dma_wait3A_655 = arith.constant 0 : i32
    %dma_wait3A_656 = tpu.memref_slice %arg11[%dma_wait3A_654, %dma_wait3A_655] : memref<157696x512xf32, #tpu.memory_space<hbm>> -> memref<32x512xf32, #tpu.memory_space<hbm>>
    %dma_wait3A_657 = arith.constant 0 : i32
    %dma_wait3A_658 = arith.constant 0 : i32
    %dma_wait3A_659 = tpu.memref_slice %arg11[%dma_wait3A_657, %dma_wait3A_658] : memref<157696x512xf32, #tpu.memory_space<hbm>> -> memref<32x512xf32, #tpu.memory_space<hbm>>
    tpu.wait_dma2 semaphore(%arg30 : memref<!tpu.dma_semaphore, #tpu.memory_space<semaphore_mem>>) src(%arg21 : memref<32x512xf32, #tpu.memory_space<vmem>>) dst(%dma_wait3A_659 : memref<32x512xf32, #tpu.memory_space<hbm>>)
    %get3A_660 = arith.constant 0 : index
    %get3A_661 = tpu.vector_load %arg13[%get3A_660] {strides = array<i32>} : memref<32xi32, #tpu.memory_space<vmem>>, vector<16xi32>,
    %get3A_662 = vector.shape_cast %get3A_661 : vector<16xi32> to vector<16xi32>
    %mul3A_663 = arith.constant 16 : i32
    %mul3A_664 = vector.broadcast %mul3A_663 : i32 to vector<16xi32>
    %mul3A_665 = arith.muli %get3A_662, %mul3A_664 : vector<16xi32>
    %add3A_666 = arith.constant 14 : i32
    %add3A_667 = vector.broadcast %add3A_666 : i32 to vector<16xi32>
    %add3A_668 = arith.addi %mul3A_665, %add3A_667 : vector<16xi32>
    %swap3A_669 = arith.constant 0 : index
    %swap3A_670 = tpu.vector_load %arg17[%swap3A_669] {strides = array<i32>} : memref<32xi32, #tpu.memory_space<vmem>>, vector<16xi32>,
    %swap3A_671 = vector.shape_cast %swap3A_670 : vector<16xi32> to vector<16xi32>
    %swap3A_672 = vector.shape_cast %add3A_668 : vector<16xi32> to vector<16xi32>
    tpu.vector_store %arg17[%swap3A_669], %swap3A_672 {strides = array<i32>} : memref<32xi32, #tpu.memory_space<vmem>>, vector<16xi32>,
    %get3A_673 = arith.constant 16 : index
    %get3A_674 = tpu.vector_load %arg13[%get3A_673] {strides = array<i32>} : memref<32xi32, #tpu.memory_space<vmem>>, vector<16xi32>,
    %get3A_675 = vector.shape_cast %get3A_674 : vector<16xi32> to vector<16xi32>
    %mul3A_676 = arith.constant 16 : i32
    %mul3A_677 = vector.broadcast %mul3A_676 : i32 to vector<16xi32>
    %mul3A_678 = arith.muli %get3A_675, %mul3A_677 : vector<16xi32>
    %add3A_679 = arith.constant 14 : i32
    %add3A_680 = vector.broadcast %add3A_679 : i32 to vector<16xi32>
    %add3A_681 = arith.addi %mul3A_678, %add3A_680 : vector<16xi32>
    %swap3A_682 = arith.constant 16 : index
    %swap3A_683 = tpu.vector_load %arg17[%swap3A_682] {strides = array<i32>} : memref<32xi32, #tpu.memory_space<vmem>>, vector<16xi32>,
    %swap3A_684 = vector.shape_cast %swap3A_683 : vector<16xi32> to vector<16xi32>
    %swap3A_685 = vector.shape_cast %add3A_681 : vector<16xi32> to vector<16xi32>
    tpu.vector_store %arg17[%swap3A_682], %swap3A_685 {strides = array<i32>} : memref<32xi32, #tpu.memory_space<vmem>>, vector<16xi32>,
    %dma_start3A_686 = arith.constant 0 : i32
    %dma_start3A_687 = arith.constant 0 : i32
    %dma_start3A_688 = tpu.memref_slice %arg4[%dma_start3A_686, %dma_start3A_687] : memref<16000x512xf32, #tpu.memory_space<hbm>> -> memref<16000x512xf32, #tpu.memory_space<hbm>>
    tpu.enqueue_indirect_dma source(%dma_start3A_688 : memref<16000x512xf32, #tpu.memory_space<hbm>>) target(%arg21 : memref<32x512xf32, #tpu.memory_space<vmem>>) offsets(%arg17 : memref<32xi32, #tpu.memory_space<vmem>>) semaphore(%arg26 : memref<!tpu.dma_semaphore, #tpu.memory_space<semaphore_mem>>)
    %dma_wait3A_689 = arith.constant 0 : i32
    %dma_wait3A_690 = arith.constant 0 : i32
    %dma_wait3A_691 = tpu.memref_slice %arg11[%dma_wait3A_689, %dma_wait3A_690] : memref<157696x512xf32, #tpu.memory_space<hbm>> -> memref<32x512xf32, #tpu.memory_space<hbm>>
    %dma_wait3A_692 = arith.constant 0 : i32
    %dma_wait3A_693 = arith.constant 0 : i32
    %dma_wait3A_694 = tpu.memref_slice %arg11[%dma_wait3A_692, %dma_wait3A_693] : memref<157696x512xf32, #tpu.memory_space<hbm>> -> memref<32x512xf32, #tpu.memory_space<hbm>>
    tpu.wait_dma2 semaphore(%arg23 : memref<!tpu.dma_semaphore, #tpu.memory_space<semaphore_mem>>) src(%dma_wait3A_694 : memref<32x512xf32, #tpu.memory_space<hbm>>) dst(%arg18 : memref<32x512xf32, #tpu.memory_space<vmem>>)
    %dma_start3A_695 = arith.constant 0 : i32
    %dma_start3A_696 = tpu.memref_slice %arg11[%add3A_28, %dma_start3A_695] : memref<157696x512xf32, #tpu.memory_space<hbm>> -> memref<32x512xf32, #tpu.memory_space<hbm>>
    %dma_start3A_697 = arith.constant 0 : i32
    %dma_start3A_698 = tpu.memref_slice %arg11[%add3A_28, %dma_start3A_697] : memref<157696x512xf32, #tpu.memory_space<hbm>> -> memref<32x512xf32, #tpu.memory_space<hbm>>
    tpu.enqueue_dma source(%arg18 : memref<32x512xf32, #tpu.memory_space<vmem>>) target(%dma_start3A_698 : memref<32x512xf32, #tpu.memory_space<hbm>>) target_semaphore(%arg27 : memref<!tpu.dma_semaphore, #tpu.memory_space<semaphore_mem>>)
    %dma_wait3A_699 = arith.constant 0 : i32
    %dma_wait3A_700 = arith.constant 0 : i32
    %dma_wait3A_701 = tpu.memref_slice %arg11[%dma_wait3A_699, %dma_wait3A_700] : memref<157696x512xf32, #tpu.memory_space<hbm>> -> memref<32x512xf32, #tpu.memory_space<hbm>>
    %dma_wait3A_702 = arith.constant 0 : i32
    %dma_wait3A_703 = arith.constant 0 : i32
    %dma_wait3A_704 = tpu.memref_slice %arg11[%dma_wait3A_702, %dma_wait3A_703] : memref<157696x512xf32, #tpu.memory_space<hbm>> -> memref<32x512xf32, #tpu.memory_space<hbm>>
    tpu.wait_dma2 semaphore(%arg24 : memref<!tpu.dma_semaphore, #tpu.memory_space<semaphore_mem>>) src(%dma_wait3A_704 : memref<32x512xf32, #tpu.memory_space<hbm>>) dst(%arg19 : memref<32x512xf32, #tpu.memory_space<vmem>>)
    %dma_start3A_705 = arith.constant 0 : i32
    %dma_start3A_706 = tpu.memref_slice %arg11[%add3A_30, %dma_start3A_705] : memref<157696x512xf32, #tpu.memory_space<hbm>> -> memref<32x512xf32, #tpu.memory_space<hbm>>
    %dma_start3A_707 = arith.constant 0 : i32
    %dma_start3A_708 = tpu.memref_slice %arg11[%add3A_30, %dma_start3A_707] : memref<157696x512xf32, #tpu.memory_space<hbm>> -> memref<32x512xf32, #tpu.memory_space<hbm>>
    tpu.enqueue_dma source(%arg19 : memref<32x512xf32, #tpu.memory_space<vmem>>) target(%dma_start3A_708 : memref<32x512xf32, #tpu.memory_space<hbm>>) target_semaphore(%arg28 : memref<!tpu.dma_semaphore, #tpu.memory_space<semaphore_mem>>)
    %dma_wait3A_709 = arith.constant 0 : i32
    %dma_wait3A_710 = arith.constant 0 : i32
    %dma_wait3A_711 = tpu.memref_slice %arg11[%dma_wait3A_709, %dma_wait3A_710] : memref<157696x512xf32, #tpu.memory_space<hbm>> -> memref<32x512xf32, #tpu.memory_space<hbm>>
    %dma_wait3A_712 = arith.constant 0 : i32
    %dma_wait3A_713 = arith.constant 0 : i32
    %dma_wait3A_714 = tpu.memref_slice %arg11[%dma_wait3A_712, %dma_wait3A_713] : memref<157696x512xf32, #tpu.memory_space<hbm>> -> memref<32x512xf32, #tpu.memory_space<hbm>>
    tpu.wait_dma2 semaphore(%arg25 : memref<!tpu.dma_semaphore, #tpu.memory_space<semaphore_mem>>) src(%dma_wait3A_714 : memref<32x512xf32, #tpu.memory_space<hbm>>) dst(%arg20 : memref<32x512xf32, #tpu.memory_space<vmem>>)
    %dma_start3A_715 = arith.constant 0 : i32
    %dma_start3A_716 = tpu.memref_slice %arg11[%add3A_32, %dma_start3A_715] : memref<157696x512xf32, #tpu.memory_space<hbm>> -> memref<32x512xf32, #tpu.memory_space<hbm>>
    %dma_start3A_717 = arith.constant 0 : i32
    %dma_start3A_718 = tpu.memref_slice %arg11[%add3A_32, %dma_start3A_717] : memref<157696x512xf32, #tpu.memory_space<hbm>> -> memref<32x512xf32, #tpu.memory_space<hbm>>
    tpu.enqueue_dma source(%arg20 : memref<32x512xf32, #tpu.memory_space<vmem>>) target(%dma_start3A_718 : memref<32x512xf32, #tpu.memory_space<hbm>>) target_semaphore(%arg29 : memref<!tpu.dma_semaphore, #tpu.memory_space<semaphore_mem>>)
    %dma_wait3A_719 = arith.constant 0 : i32
    %dma_wait3A_720 = arith.constant 0 : i32
    %dma_wait3A_721 = tpu.memref_slice %arg11[%dma_wait3A_719, %dma_wait3A_720] : memref<157696x512xf32, #tpu.memory_space<hbm>> -> memref<32x512xf32, #tpu.memory_space<hbm>>
    %dma_wait3A_722 = arith.constant 0 : i32
    %dma_wait3A_723 = arith.constant 0 : i32
    %dma_wait3A_724 = tpu.memref_slice %arg11[%dma_wait3A_722, %dma_wait3A_723] : memref<157696x512xf32, #tpu.memory_space<hbm>> -> memref<32x512xf32, #tpu.memory_space<hbm>>
    tpu.wait_dma2 semaphore(%arg26 : memref<!tpu.dma_semaphore, #tpu.memory_space<semaphore_mem>>) src(%dma_wait3A_724 : memref<32x512xf32, #tpu.memory_space<hbm>>) dst(%arg21 : memref<32x512xf32, #tpu.memory_space<vmem>>)
    %dma_start3A_725 = arith.constant 0 : i32
    %dma_start3A_726 = tpu.memref_slice %arg11[%add3A_34, %dma_start3A_725] : memref<157696x512xf32, #tpu.memory_space<hbm>> -> memref<32x512xf32, #tpu.memory_space<hbm>>
    %dma_start3A_727 = arith.constant 0 : i32
    %dma_start3A_728 = tpu.memref_slice %arg11[%add3A_34, %dma_start3A_727] : memref<157696x512xf32, #tpu.memory_space<hbm>> -> memref<32x512xf32, #tpu.memory_space<hbm>>
    tpu.enqueue_dma source(%arg21 : memref<32x512xf32, #tpu.memory_space<vmem>>) target(%dma_start3A_728 : memref<32x512xf32, #tpu.memory_space<hbm>>) target_semaphore(%arg30 : memref<!tpu.dma_semaphore, #tpu.memory_space<semaphore_mem>>)
    %dma_wait3A_729 = arith.constant 0 : i32
    %dma_wait3A_730 = arith.constant 0 : i32
    %dma_wait3A_731 = tpu.memref_slice %arg11[%dma_wait3A_729, %dma_wait3A_730] : memref<157696x512xf32, #tpu.memory_space<hbm>> -> memref<32x512xf32, #tpu.memory_space<hbm>>
    %dma_wait3A_732 = arith.constant 0 : i32
    %dma_wait3A_733 = arith.constant 0 : i32
    %dma_wait3A_734 = tpu.memref_slice %arg11[%dma_wait3A_732, %dma_wait3A_733] : memref<157696x512xf32, #tpu.memory_space<hbm>> -> memref<32x512xf32, #tpu.memory_space<hbm>>
    tpu.wait_dma2 semaphore(%arg27 : memref<!tpu.dma_semaphore, #tpu.memory_space<semaphore_mem>>) src(%arg18 : memref<32x512xf32, #tpu.memory_space<vmem>>) dst(%dma_wait3A_734 : memref<32x512xf32, #tpu.memory_space<hbm>>)
    %get3A_735 = arith.constant 0 : index
    %get3A_736 = tpu.vector_load %arg13[%get3A_735] {strides = array<i32>} : memref<32xi32, #tpu.memory_space<vmem>>, vector<16xi32>,
    %get3A_737 = vector.shape_cast %get3A_736 : vector<16xi32> to vector<16xi32>
    %mul3A_738 = arith.constant 16 : i32
    %mul3A_739 = vector.broadcast %mul3A_738 : i32 to vector<16xi32>
    %mul3A_740 = arith.muli %get3A_737, %mul3A_739 : vector<16xi32>
    %add3A_741 = arith.constant 15 : i32
    %add3A_742 = vector.broadcast %add3A_741 : i32 to vector<16xi32>
    %add3A_743 = arith.addi %mul3A_740, %add3A_742 : vector<16xi32>
    %swap3A_744 = arith.constant 0 : index
    %swap3A_745 = tpu.vector_load %arg14[%swap3A_744] {strides = array<i32>} : memref<32xi32, #tpu.memory_space<vmem>>, vector<16xi32>,
    %swap3A_746 = vector.shape_cast %swap3A_745 : vector<16xi32> to vector<16xi32>
    %swap3A_747 = vector.shape_cast %add3A_743 : vector<16xi32> to vector<16xi32>
    tpu.vector_store %arg14[%swap3A_744], %swap3A_747 {strides = array<i32>} : memref<32xi32, #tpu.memory_space<vmem>>, vector<16xi32>,
    %get3A_748 = arith.constant 16 : index
    %get3A_749 = tpu.vector_load %arg13[%get3A_748] {strides = array<i32>} : memref<32xi32, #tpu.memory_space<vmem>>, vector<16xi32>,
    %get3A_750 = vector.shape_cast %get3A_749 : vector<16xi32> to vector<16xi32>
    %mul3A_751 = arith.constant 16 : i32
    %mul3A_752 = vector.broadcast %mul3A_751 : i32 to vector<16xi32>
    %mul3A_753 = arith.muli %get3A_750, %mul3A_752 : vector<16xi32>
    %add3A_754 = arith.constant 15 : i32
    %add3A_755 = vector.broadcast %add3A_754 : i32 to vector<16xi32>
    %add3A_756 = arith.addi %mul3A_753, %add3A_755 : vector<16xi32>
    %swap3A_757 = arith.constant 16 : index
    %swap3A_758 = tpu.vector_load %arg14[%swap3A_757] {strides = array<i32>} : memref<32xi32, #tpu.memory_space<vmem>>, vector<16xi32>,
    %swap3A_759 = vector.shape_cast %swap3A_758 : vector<16xi32> to vector<16xi32>
    %swap3A_760 = vector.shape_cast %add3A_756 : vector<16xi32> to vector<16xi32>
    tpu.vector_store %arg14[%swap3A_757], %swap3A_760 {strides = array<i32>} : memref<32xi32, #tpu.memory_space<vmem>>, vector<16xi32>,
    %dma_start3A_761 = arith.constant 0 : i32
    %dma_start3A_762 = arith.constant 0 : i32
    %dma_start3A_763 = tpu.memref_slice %arg4[%dma_start3A_761, %dma_start3A_762] : memref<16000x512xf32, #tpu.memory_space<hbm>> -> memref<16000x512xf32, #tpu.memory_space<hbm>>
    tpu.enqueue_indirect_dma source(%dma_start3A_763 : memref<16000x512xf32, #tpu.memory_space<hbm>>) target(%arg18 : memref<32x512xf32, #tpu.memory_space<vmem>>) offsets(%arg14 : memref<32xi32, #tpu.memory_space<vmem>>) semaphore(%arg23 : memref<!tpu.dma_semaphore, #tpu.memory_space<semaphore_mem>>)
    %dma_wait3A_764 = arith.constant 0 : i32
    %dma_wait3A_765 = arith.constant 0 : i32
    %dma_wait3A_766 = tpu.memref_slice %arg11[%dma_wait3A_764, %dma_wait3A_765] : memref<157696x512xf32, #tpu.memory_space<hbm>> -> memref<32x512xf32, #tpu.memory_space<hbm>>
    %dma_wait3A_767 = arith.constant 0 : i32
    %dma_wait3A_768 = arith.constant 0 : i32
    %dma_wait3A_769 = tpu.memref_slice %arg11[%dma_wait3A_767, %dma_wait3A_768] : memref<157696x512xf32, #tpu.memory_space<hbm>> -> memref<32x512xf32, #tpu.memory_space<hbm>>
    tpu.wait_dma2 semaphore(%arg23 : memref<!tpu.dma_semaphore, #tpu.memory_space<semaphore_mem>>) src(%dma_wait3A_769 : memref<32x512xf32, #tpu.memory_space<hbm>>) dst(%arg18 : memref<32x512xf32, #tpu.memory_space<vmem>>)
    %dma_start3A_770 = arith.constant 0 : i32
    %dma_start3A_771 = tpu.memref_slice %arg11[%add3A_36, %dma_start3A_770] : memref<157696x512xf32, #tpu.memory_space<hbm>> -> memref<32x512xf32, #tpu.memory_space<hbm>>
    %dma_start3A_772 = arith.constant 0 : i32
    %dma_start3A_773 = tpu.memref_slice %arg11[%add3A_36, %dma_start3A_772] : memref<157696x512xf32, #tpu.memory_space<hbm>> -> memref<32x512xf32, #tpu.memory_space<hbm>>
    tpu.enqueue_dma source(%arg18 : memref<32x512xf32, #tpu.memory_space<vmem>>) target(%dma_start3A_773 : memref<32x512xf32, #tpu.memory_space<hbm>>) target_semaphore(%arg27 : memref<!tpu.dma_semaphore, #tpu.memory_space<semaphore_mem>>)
    %scan3A = arith.constant 0 : i32
    %scan3A_774 = arith.constant 15 : i32
    %scan3A_775 = arith.addi %scan3A, %scan3A_774 : i32
    %scan3A_776 = arith.constant 1 : i32
    scf.for %scan3A_1618 = %scan3A to %scan3A_775 step %scan3A_776  : i32 {
      %mul3A_1619 = arith.constant 4 : i32
      %mul3A_1620 = arith.muli %scan3A_1618, %mul3A_1619 : i32
      %add3A_1621 = arith.constant 0 : i32
      %add3A_1622 = arith.addi %mul3A_1620, %add3A_1621 : i32
      %dma_wait3A_1623 = arith.constant 0 : i32
      %dma_wait3A_1624 = arith.constant 0 : i32
      %dma_wait3A_1625 = tpu.memref_slice %arg11[%dma_wait3A_1623, %dma_wait3A_1624] : memref<157696x512xf32, #tpu.memory_space<hbm>> -> memref<32x512xf32, #tpu.memory_space<hbm>>
      %dma_wait3A_1626 = arith.constant 0 : i32
      %dma_wait3A_1627 = arith.constant 0 : i32
      %dma_wait3A_1628 = tpu.memref_slice %arg11[%dma_wait3A_1626, %dma_wait3A_1627] : memref<157696x512xf32, #tpu.memory_space<hbm>> -> memref<32x512xf32, #tpu.memory_space<hbm>>
      tpu.wait_dma2 semaphore(%arg28 : memref<!tpu.dma_semaphore, #tpu.memory_space<semaphore_mem>>) src(%arg19 : memref<32x512xf32, #tpu.memory_space<vmem>>) dst(%dma_wait3A_1628 : memref<32x512xf32, #tpu.memory_space<hbm>>)
      %mul3A_1629 = arith.constant 1000 : i32
      %mul3A_1630 = arith.muli %add3A_1622, %mul3A_1629 : i32
      %get3A_1631 = arith.constant 0 : index
      %get3A_1632 = tpu.vector_load %arg13[%get3A_1631] {strides = array<i32>} : memref<32xi32, #tpu.memory_space<vmem>>, vector<16xi32>,
      %get3A_1633 = vector.shape_cast %get3A_1632 : vector<16xi32> to vector<16xi32>
      %mul3A_1634 = arith.constant 1 : i32
      %mul3A_1635 = vector.broadcast %mul3A_1634 : i32 to vector<16xi32>
      %mul3A_1636 = arith.muli %get3A_1633, %mul3A_1635 : vector<16xi32>
      %add3A_1637 = vector.broadcast %mul3A_1630 : i32 to vector<16xi32>
      %add3A_1638 = arith.addi %mul3A_1636, %add3A_1637 : vector<16xi32>
      %swap3A_1639 = arith.constant 0 : index
      %swap3A_1640 = tpu.vector_load %arg15[%swap3A_1639] {strides = array<i32>} : memref<32xi32, #tpu.memory_space<vmem>>, vector<16xi32>,
      %swap3A_1641 = vector.shape_cast %swap3A_1640 : vector<16xi32> to vector<16xi32>
      %swap3A_1642 = vector.shape_cast %add3A_1638 : vector<16xi32> to vector<16xi32>
      tpu.vector_store %arg15[%swap3A_1639], %swap3A_1642 {strides = array<i32>} : memref<32xi32, #tpu.memory_space<vmem>>, vector<16xi32>,
      %get3A_1643 = arith.constant 16 : index
      %get3A_1644 = tpu.vector_load %arg13[%get3A_1643] {strides = array<i32>} : memref<32xi32, #tpu.memory_space<vmem>>, vector<16xi32>,
      %get3A_1645 = vector.shape_cast %get3A_1644 : vector<16xi32> to vector<16xi32>
      %mul3A_1646 = arith.constant 1 : i32
      %mul3A_1647 = vector.broadcast %mul3A_1646 : i32 to vector<16xi32>
      %mul3A_1648 = arith.muli %get3A_1645, %mul3A_1647 : vector<16xi32>
      %add3A_1649 = vector.broadcast %mul3A_1630 : i32 to vector<16xi32>
      %add3A_1650 = arith.addi %mul3A_1648, %add3A_1649 : vector<16xi32>
      %swap3A_1651 = arith.constant 16 : index
      %swap3A_1652 = tpu.vector_load %arg15[%swap3A_1651] {strides = array<i32>} : memref<32xi32, #tpu.memory_space<vmem>>, vector<16xi32>,
      %swap3A_1653 = vector.shape_cast %swap3A_1652 : vector<16xi32> to vector<16xi32>
      %swap3A_1654 = vector.shape_cast %add3A_1650 : vector<16xi32> to vector<16xi32>
      tpu.vector_store %arg15[%swap3A_1651], %swap3A_1654 {strides = array<i32>} : memref<32xi32, #tpu.memory_space<vmem>>, vector<16xi32>,
      %dma_start3A_1655 = arith.constant 0 : i32
      %dma_start3A_1656 = arith.constant 0 : i32
      %dma_start3A_1657 = tpu.memref_slice %arg5[%dma_start3A_1655, %dma_start3A_1656] : memref<60000x512xf32, #tpu.memory_space<hbm>> -> memref<60000x512xf32, #tpu.memory_space<hbm>>
      tpu.enqueue_indirect_dma source(%dma_start3A_1657 : memref<60000x512xf32, #tpu.memory_space<hbm>>) target(%arg19 : memref<32x512xf32, #tpu.memory_space<vmem>>) offsets(%arg15 : memref<32xi32, #tpu.memory_space<vmem>>) semaphore(%arg24 : memref<!tpu.dma_semaphore, #tpu.memory_space<semaphore_mem>>)
      %mul3A_1658 = arith.constant 4 : i32
      %mul3A_1659 = arith.muli %scan3A_1618, %mul3A_1658 : i32
      %add3A_1660 = arith.constant 1 : i32
      %add3A_1661 = arith.addi %mul3A_1659, %add3A_1660 : i32
      %dma_wait3A_1662 = arith.constant 0 : i32
      %dma_wait3A_1663 = arith.constant 0 : i32
      %dma_wait3A_1664 = tpu.memref_slice %arg11[%dma_wait3A_1662, %dma_wait3A_1663] : memref<157696x512xf32, #tpu.memory_space<hbm>> -> memref<32x512xf32, #tpu.memory_space<hbm>>
      %dma_wait3A_1665 = arith.constant 0 : i32
      %dma_wait3A_1666 = arith.constant 0 : i32
      %dma_wait3A_1667 = tpu.memref_slice %arg11[%dma_wait3A_1665, %dma_wait3A_1666] : memref<157696x512xf32, #tpu.memory_space<hbm>> -> memref<32x512xf32, #tpu.memory_space<hbm>>
      tpu.wait_dma2 semaphore(%arg29 : memref<!tpu.dma_semaphore, #tpu.memory_space<semaphore_mem>>) src(%arg20 : memref<32x512xf32, #tpu.memory_space<vmem>>) dst(%dma_wait3A_1667 : memref<32x512xf32, #tpu.memory_space<hbm>>)
      %mul3A_1668 = arith.constant 1000 : i32
      %mul3A_1669 = arith.muli %add3A_1661, %mul3A_1668 : i32
      %get3A_1670 = arith.constant 0 : index
      %get3A_1671 = tpu.vector_load %arg13[%get3A_1670] {strides = array<i32>} : memref<32xi32, #tpu.memory_space<vmem>>, vector<16xi32>,
      %get3A_1672 = vector.shape_cast %get3A_1671 : vector<16xi32> to vector<16xi32>
      %mul3A_1673 = arith.constant 1 : i32
      %mul3A_1674 = vector.broadcast %mul3A_1673 : i32 to vector<16xi32>
      %mul3A_1675 = arith.muli %get3A_1672, %mul3A_1674 : vector<16xi32>
      %add3A_1676 = vector.broadcast %mul3A_1669 : i32 to vector<16xi32>
      %add3A_1677 = arith.addi %mul3A_1675, %add3A_1676 : vector<16xi32>
      %swap3A_1678 = arith.constant 0 : index
      %swap3A_1679 = tpu.vector_load %arg16[%swap3A_1678] {strides = array<i32>} : memref<32xi32, #tpu.memory_space<vmem>>, vector<16xi32>,
      %swap3A_1680 = vector.shape_cast %swap3A_1679 : vector<16xi32> to vector<16xi32>
      %swap3A_1681 = vector.shape_cast %add3A_1677 : vector<16xi32> to vector<16xi32>
      tpu.vector_store %arg16[%swap3A_1678], %swap3A_1681 {strides = array<i32>} : memref<32xi32, #tpu.memory_space<vmem>>, vector<16xi32>,
      %get3A_1682 = arith.constant 16 : index
      %get3A_1683 = tpu.vector_load %arg13[%get3A_1682] {strides = array<i32>} : memref<32xi32, #tpu.memory_space<vmem>>, vector<16xi32>,
      %get3A_1684 = vector.shape_cast %get3A_1683 : vector<16xi32> to vector<16xi32>
      %mul3A_1685 = arith.constant 1 : i32
      %mul3A_1686 = vector.broadcast %mul3A_1685 : i32 to vector<16xi32>
      %mul3A_1687 = arith.muli %get3A_1684, %mul3A_1686 : vector<16xi32>
      %add3A_1688 = vector.broadcast %mul3A_1669 : i32 to vector<16xi32>
      %add3A_1689 = arith.addi %mul3A_1687, %add3A_1688 : vector<16xi32>
      %swap3A_1690 = arith.constant 16 : index
      %swap3A_1691 = tpu.vector_load %arg16[%swap3A_1690] {strides = array<i32>} : memref<32xi32, #tpu.memory_space<vmem>>, vector<16xi32>,
      %swap3A_1692 = vector.shape_cast %swap3A_1691 : vector<16xi32> to vector<16xi32>
      %swap3A_1693 = vector.shape_cast %add3A_1689 : vector<16xi32> to vector<16xi32>
      tpu.vector_store %arg16[%swap3A_1690], %swap3A_1693 {strides = array<i32>} : memref<32xi32, #tpu.memory_space<vmem>>, vector<16xi32>,
      %dma_start3A_1694 = arith.constant 0 : i32
      %dma_start3A_1695 = arith.constant 0 : i32
      %dma_start3A_1696 = tpu.memref_slice %arg5[%dma_start3A_1694, %dma_start3A_1695] : memref<60000x512xf32, #tpu.memory_space<hbm>> -> memref<60000x512xf32, #tpu.memory_space<hbm>>
      tpu.enqueue_indirect_dma source(%dma_start3A_1696 : memref<60000x512xf32, #tpu.memory_space<hbm>>) target(%arg20 : memref<32x512xf32, #tpu.memory_space<vmem>>) offsets(%arg16 : memref<32xi32, #tpu.memory_space<vmem>>) semaphore(%arg25 : memref<!tpu.dma_semaphore, #tpu.memory_space<semaphore_mem>>)
      %mul3A_1697 = arith.constant 4 : i32
      %mul3A_1698 = arith.muli %scan3A_1618, %mul3A_1697 : i32
      %add3A_1699 = arith.constant 2 : i32
      %add3A_1700 = arith.addi %mul3A_1698, %add3A_1699 : i32
      %dma_wait3A_1701 = arith.constant 0 : i32
      %dma_wait3A_1702 = arith.constant 0 : i32
      %dma_wait3A_1703 = tpu.memref_slice %arg11[%dma_wait3A_1701, %dma_wait3A_1702] : memref<157696x512xf32, #tpu.memory_space<hbm>> -> memref<32x512xf32, #tpu.memory_space<hbm>>
      %dma_wait3A_1704 = arith.constant 0 : i32
      %dma_wait3A_1705 = arith.constant 0 : i32
      %dma_wait3A_1706 = tpu.memref_slice %arg11[%dma_wait3A_1704, %dma_wait3A_1705] : memref<157696x512xf32, #tpu.memory_space<hbm>> -> memref<32x512xf32, #tpu.memory_space<hbm>>
      tpu.wait_dma2 semaphore(%arg30 : memref<!tpu.dma_semaphore, #tpu.memory_space<semaphore_mem>>) src(%arg21 : memref<32x512xf32, #tpu.memory_space<vmem>>) dst(%dma_wait3A_1706 : memref<32x512xf32, #tpu.memory_space<hbm>>)
      %mul3A_1707 = arith.constant 1000 : i32
      %mul3A_1708 = arith.muli %add3A_1700, %mul3A_1707 : i32
      %get3A_1709 = arith.constant 0 : index
      %get3A_1710 = tpu.vector_load %arg13[%get3A_1709] {strides = array<i32>} : memref<32xi32, #tpu.memory_space<vmem>>, vector<16xi32>,
      %get3A_1711 = vector.shape_cast %get3A_1710 : vector<16xi32> to vector<16xi32>
      %mul3A_1712 = arith.constant 1 : i32
      %mul3A_1713 = vector.broadcast %mul3A_1712 : i32 to vector<16xi32>
      %mul3A_1714 = arith.muli %get3A_1711, %mul3A_1713 : vector<16xi32>
      %add3A_1715 = vector.broadcast %mul3A_1708 : i32 to vector<16xi32>
      %add3A_1716 = arith.addi %mul3A_1714, %add3A_1715 : vector<16xi32>
      %swap3A_1717 = arith.constant 0 : index
      %swap3A_1718 = tpu.vector_load %arg17[%swap3A_1717] {strides = array<i32>} : memref<32xi32, #tpu.memory_space<vmem>>, vector<16xi32>,
      %swap3A_1719 = vector.shape_cast %swap3A_1718 : vector<16xi32> to vector<16xi32>
      %swap3A_1720 = vector.shape_cast %add3A_1716 : vector<16xi32> to vector<16xi32>
      tpu.vector_store %arg17[%swap3A_1717], %swap3A_1720 {strides = array<i32>} : memref<32xi32, #tpu.memory_space<vmem>>, vector<16xi32>,
      %get3A_1721 = arith.constant 16 : index
      %get3A_1722 = tpu.vector_load %arg13[%get3A_1721] {strides = array<i32>} : memref<32xi32, #tpu.memory_space<vmem>>, vector<16xi32>,
      %get3A_1723 = vector.shape_cast %get3A_1722 : vector<16xi32> to vector<16xi32>
      %mul3A_1724 = arith.constant 1 : i32
      %mul3A_1725 = vector.broadcast %mul3A_1724 : i32 to vector<16xi32>
      %mul3A_1726 = arith.muli %get3A_1723, %mul3A_1725 : vector<16xi32>
      %add3A_1727 = vector.broadcast %mul3A_1708 : i32 to vector<16xi32>
      %add3A_1728 = arith.addi %mul3A_1726, %add3A_1727 : vector<16xi32>
      %swap3A_1729 = arith.constant 16 : index
      %swap3A_1730 = tpu.vector_load %arg17[%swap3A_1729] {strides = array<i32>} : memref<32xi32, #tpu.memory_space<vmem>>, vector<16xi32>,
      %swap3A_1731 = vector.shape_cast %swap3A_1730 : vector<16xi32> to vector<16xi32>
      %swap3A_1732 = vector.shape_cast %add3A_1728 : vector<16xi32> to vector<16xi32>
      tpu.vector_store %arg17[%swap3A_1729], %swap3A_1732 {strides = array<i32>} : memref<32xi32, #tpu.memory_space<vmem>>, vector<16xi32>,
      %dma_start3A_1733 = arith.constant 0 : i32
      %dma_start3A_1734 = arith.constant 0 : i32
      %dma_start3A_1735 = tpu.memref_slice %arg5[%dma_start3A_1733, %dma_start3A_1734] : memref<60000x512xf32, #tpu.memory_space<hbm>> -> memref<60000x512xf32, #tpu.memory_space<hbm>>
      tpu.enqueue_indirect_dma source(%dma_start3A_1735 : memref<60000x512xf32, #tpu.memory_space<hbm>>) target(%arg21 : memref<32x512xf32, #tpu.memory_space<vmem>>) offsets(%arg17 : memref<32xi32, #tpu.memory_space<vmem>>) semaphore(%arg26 : memref<!tpu.dma_semaphore, #tpu.memory_space<semaphore_mem>>)
      %mul3A_1736 = arith.constant 4 : i32
      %mul3A_1737 = arith.muli %scan3A_1618, %mul3A_1736 : i32
      %add3A_1738 = arith.constant 3 : i32
      %add3A_1739 = arith.addi %mul3A_1737, %add3A_1738 : i32
      %dma_wait3A_1740 = arith.constant 0 : i32
      %dma_wait3A_1741 = arith.constant 0 : i32
      %dma_wait3A_1742 = tpu.memref_slice %arg11[%dma_wait3A_1740, %dma_wait3A_1741] : memref<157696x512xf32, #tpu.memory_space<hbm>> -> memref<32x512xf32, #tpu.memory_space<hbm>>
      %dma_wait3A_1743 = arith.constant 0 : i32
      %dma_wait3A_1744 = arith.constant 0 : i32
      %dma_wait3A_1745 = tpu.memref_slice %arg11[%dma_wait3A_1743, %dma_wait3A_1744] : memref<157696x512xf32, #tpu.memory_space<hbm>> -> memref<32x512xf32, #tpu.memory_space<hbm>>
      tpu.wait_dma2 semaphore(%arg27 : memref<!tpu.dma_semaphore, #tpu.memory_space<semaphore_mem>>) src(%arg18 : memref<32x512xf32, #tpu.memory_space<vmem>>) dst(%dma_wait3A_1745 : memref<32x512xf32, #tpu.memory_space<hbm>>)
      %mul3A_1746 = arith.constant 1000 : i32
      %mul3A_1747 = arith.muli %add3A_1739, %mul3A_1746 : i32
      %get3A_1748 = arith.constant 0 : index
      %get3A_1749 = tpu.vector_load %arg13[%get3A_1748] {strides = array<i32>} : memref<32xi32, #tpu.memory_space<vmem>>, vector<16xi32>,
      %get3A_1750 = vector.shape_cast %get3A_1749 : vector<16xi32> to vector<16xi32>
      %mul3A_1751 = arith.constant 1 : i32
      %mul3A_1752 = vector.broadcast %mul3A_1751 : i32 to vector<16xi32>
      %mul3A_1753 = arith.muli %get3A_1750, %mul3A_1752 : vector<16xi32>
      %add3A_1754 = vector.broadcast %mul3A_1747 : i32 to vector<16xi32>
      %add3A_1755 = arith.addi %mul3A_1753, %add3A_1754 : vector<16xi32>
      %swap3A_1756 = arith.constant 0 : index
      %swap3A_1757 = tpu.vector_load %arg14[%swap3A_1756] {strides = array<i32>} : memref<32xi32, #tpu.memory_space<vmem>>, vector<16xi32>,
      %swap3A_1758 = vector.shape_cast %swap3A_1757 : vector<16xi32> to vector<16xi32>
      %swap3A_1759 = vector.shape_cast %add3A_1755 : vector<16xi32> to vector<16xi32>
      tpu.vector_store %arg14[%swap3A_1756], %swap3A_1759 {strides = array<i32>} : memref<32xi32, #tpu.memory_space<vmem>>, vector<16xi32>,
      %get3A_1760 = arith.constant 16 : index
      %get3A_1761 = tpu.vector_load %arg13[%get3A_1760] {strides = array<i32>} : memref<32xi32, #tpu.memory_space<vmem>>, vector<16xi32>,
      %get3A_1762 = vector.shape_cast %get3A_1761 : vector<16xi32> to vector<16xi32>
      %mul3A_1763 = arith.constant 1 : i32
      %mul3A_1764 = vector.broadcast %mul3A_1763 : i32 to vector<16xi32>
      %mul3A_1765 = arith.muli %get3A_1762, %mul3A_1764 : vector<16xi32>
      %add3A_1766 = vector.broadcast %mul3A_1747 : i32 to vector<16xi32>
      %add3A_1767 = arith.addi %mul3A_1765, %add3A_1766 : vector<16xi32>
      %swap3A_1768 = arith.constant 16 : index
      %swap3A_1769 = tpu.vector_load %arg14[%swap3A_1768] {strides = array<i32>} : memref<32xi32, #tpu.memory_space<vmem>>, vector<16xi32>,
      %swap3A_1770 = vector.shape_cast %swap3A_1769 : vector<16xi32> to vector<16xi32>
      %swap3A_1771 = vector.shape_cast %add3A_1767 : vector<16xi32> to vector<16xi32>
      tpu.vector_store %arg14[%swap3A_1768], %swap3A_1771 {strides = array<i32>} : memref<32xi32, #tpu.memory_space<vmem>>, vector<16xi32>,
      %dma_start3A_1772 = arith.constant 0 : i32
      %dma_start3A_1773 = arith.constant 0 : i32
      %dma_start3A_1774 = tpu.memref_slice %arg5[%dma_start3A_1772, %dma_start3A_1773] : memref<60000x512xf32, #tpu.memory_space<hbm>> -> memref<60000x512xf32, #tpu.memory_space<hbm>>
      tpu.enqueue_indirect_dma source(%dma_start3A_1774 : memref<60000x512xf32, #tpu.memory_space<hbm>>) target(%arg18 : memref<32x512xf32, #tpu.memory_space<vmem>>) offsets(%arg14 : memref<32xi32, #tpu.memory_space<vmem>>) semaphore(%arg23 : memref<!tpu.dma_semaphore, #tpu.memory_space<semaphore_mem>>)
      %dma_wait3A_1775 = arith.constant 0 : i32
      %dma_wait3A_1776 = arith.constant 0 : i32
      %dma_wait3A_1777 = tpu.memref_slice %arg11[%dma_wait3A_1775, %dma_wait3A_1776] : memref<157696x512xf32, #tpu.memory_space<hbm>> -> memref<32x512xf32, #tpu.memory_space<hbm>>
      %dma_wait3A_1778 = arith.constant 0 : i32
      %dma_wait3A_1779 = arith.constant 0 : i32
      %dma_wait3A_1780 = tpu.memref_slice %arg11[%dma_wait3A_1778, %dma_wait3A_1779] : memref<157696x512xf32, #tpu.memory_space<hbm>> -> memref<32x512xf32, #tpu.memory_space<hbm>>
      tpu.wait_dma2 semaphore(%arg24 : memref<!tpu.dma_semaphore, #tpu.memory_space<semaphore_mem>>) src(%dma_wait3A_1780 : memref<32x512xf32, #tpu.memory_space<hbm>>) dst(%arg19 : memref<32x512xf32, #tpu.memory_space<vmem>>)
      %add3A_1781 = arith.constant 17 : i32
      %add3A_1782 = arith.addi %add3A_1781, %add3A_1622 : i32
      %mul3A_1783 = arith.constant 2 : i32
      %mul3A_1784 = arith.muli %add3A_1782, %mul3A_1783 : i32
      %mul3A_1785 = arith.constant 1024 : i32
      %mul3A_1786 = arith.muli %mul3A_1784, %mul3A_1785 : i32
      %add3A_1787 = arith.addi %mul3A_1786, %add3A_4 : i32
      %dma_start3A_1788 = arith.constant 0 : i32
      %dma_start3A_1789 = tpu.memref_slice %arg11[%add3A_1787, %dma_start3A_1788] : memref<157696x512xf32, #tpu.memory_space<hbm>> -> memref<32x512xf32, #tpu.memory_space<hbm>>
      %dma_start3A_1790 = arith.constant 0 : i32
      %dma_start3A_1791 = tpu.memref_slice %arg11[%add3A_1787, %dma_start3A_1790] : memref<157696x512xf32, #tpu.memory_space<hbm>> -> memref<32x512xf32, #tpu.memory_space<hbm>>
      tpu.enqueue_dma source(%arg19 : memref<32x512xf32, #tpu.memory_space<vmem>>) target(%dma_start3A_1791 : memref<32x512xf32, #tpu.memory_space<hbm>>) target_semaphore(%arg28 : memref<!tpu.dma_semaphore, #tpu.memory_space<semaphore_mem>>)
      %dma_wait3A_1792 = arith.constant 0 : i32
      %dma_wait3A_1793 = arith.constant 0 : i32
      %dma_wait3A_1794 = tpu.memref_slice %arg11[%dma_wait3A_1792, %dma_wait3A_1793] : memref<157696x512xf32, #tpu.memory_space<hbm>> -> memref<32x512xf32, #tpu.memory_space<hbm>>
      %dma_wait3A_1795 = arith.constant 0 : i32
      %dma_wait3A_1796 = arith.constant 0 : i32
      %dma_wait3A_1797 = tpu.memref_slice %arg11[%dma_wait3A_1795, %dma_wait3A_1796] : memref<157696x512xf32, #tpu.memory_space<hbm>> -> memref<32x512xf32, #tpu.memory_space<hbm>>
      tpu.wait_dma2 semaphore(%arg25 : memref<!tpu.dma_semaphore, #tpu.memory_space<semaphore_mem>>) src(%dma_wait3A_1797 : memref<32x512xf32, #tpu.memory_space<hbm>>) dst(%arg20 : memref<32x512xf32, #tpu.memory_space<vmem>>)
      %add3A_1798 = arith.constant 17 : i32
      %add3A_1799 = arith.addi %add3A_1798, %add3A_1661 : i32
      %mul3A_1800 = arith.constant 2 : i32
      %mul3A_1801 = arith.muli %add3A_1799, %mul3A_1800 : i32
      %mul3A_1802 = arith.constant 1024 : i32
      %mul3A_1803 = arith.muli %mul3A_1801, %mul3A_1802 : i32
      %add3A_1804 = arith.addi %mul3A_1803, %add3A_4 : i32
      %dma_start3A_1805 = arith.constant 0 : i32
      %dma_start3A_1806 = tpu.memref_slice %arg11[%add3A_1804, %dma_start3A_1805] : memref<157696x512xf32, #tpu.memory_space<hbm>> -> memref<32x512xf32, #tpu.memory_space<hbm>>
      %dma_start3A_1807 = arith.constant 0 : i32
      %dma_start3A_1808 = tpu.memref_slice %arg11[%add3A_1804, %dma_start3A_1807] : memref<157696x512xf32, #tpu.memory_space<hbm>> -> memref<32x512xf32, #tpu.memory_space<hbm>>
      tpu.enqueue_dma source(%arg20 : memref<32x512xf32, #tpu.memory_space<vmem>>) target(%dma_start3A_1808 : memref<32x512xf32, #tpu.memory_space<hbm>>) target_semaphore(%arg29 : memref<!tpu.dma_semaphore, #tpu.memory_space<semaphore_mem>>)
      %dma_wait3A_1809 = arith.constant 0 : i32
      %dma_wait3A_1810 = arith.constant 0 : i32
      %dma_wait3A_1811 = tpu.memref_slice %arg11[%dma_wait3A_1809, %dma_wait3A_1810] : memref<157696x512xf32, #tpu.memory_space<hbm>> -> memref<32x512xf32, #tpu.memory_space<hbm>>
      %dma_wait3A_1812 = arith.constant 0 : i32
      %dma_wait3A_1813 = arith.constant 0 : i32
      %dma_wait3A_1814 = tpu.memref_slice %arg11[%dma_wait3A_1812, %dma_wait3A_1813] : memref<157696x512xf32, #tpu.memory_space<hbm>> -> memref<32x512xf32, #tpu.memory_space<hbm>>
      tpu.wait_dma2 semaphore(%arg26 : memref<!tpu.dma_semaphore, #tpu.memory_space<semaphore_mem>>) src(%dma_wait3A_1814 : memref<32x512xf32, #tpu.memory_space<hbm>>) dst(%arg21 : memref<32x512xf32, #tpu.memory_space<vmem>>)
      %add3A_1815 = arith.constant 17 : i32
      %add3A_1816 = arith.addi %add3A_1815, %add3A_1700 : i32
      %mul3A_1817 = arith.constant 2 : i32
      %mul3A_1818 = arith.muli %add3A_1816, %mul3A_1817 : i32
      %mul3A_1819 = arith.constant 1024 : i32
      %mul3A_1820 = arith.muli %mul3A_1818, %mul3A_1819 : i32
      %add3A_1821 = arith.addi %mul3A_1820, %add3A_4 : i32
      %dma_start3A_1822 = arith.constant 0 : i32
      %dma_start3A_1823 = tpu.memref_slice %arg11[%add3A_1821, %dma_start3A_1822] : memref<157696x512xf32, #tpu.memory_space<hbm>> -> memref<32x512xf32, #tpu.memory_space<hbm>>
      %dma_start3A_1824 = arith.constant 0 : i32
      %dma_start3A_1825 = tpu.memref_slice %arg11[%add3A_1821, %dma_start3A_1824] : memref<157696x512xf32, #tpu.memory_space<hbm>> -> memref<32x512xf32, #tpu.memory_space<hbm>>
      tpu.enqueue_dma source(%arg21 : memref<32x512xf32, #tpu.memory_space<vmem>>) target(%dma_start3A_1825 : memref<32x512xf32, #tpu.memory_space<hbm>>) target_semaphore(%arg30 : memref<!tpu.dma_semaphore, #tpu.memory_space<semaphore_mem>>)
      %dma_wait3A_1826 = arith.constant 0 : i32
      %dma_wait3A_1827 = arith.constant 0 : i32
      %dma_wait3A_1828 = tpu.memref_slice %arg11[%dma_wait3A_1826, %dma_wait3A_1827] : memref<157696x512xf32, #tpu.memory_space<hbm>> -> memref<32x512xf32, #tpu.memory_space<hbm>>
      %dma_wait3A_1829 = arith.constant 0 : i32
      %dma_wait3A_1830 = arith.constant 0 : i32
      %dma_wait3A_1831 = tpu.memref_slice %arg11[%dma_wait3A_1829, %dma_wait3A_1830] : memref<157696x512xf32, #tpu.memory_space<hbm>> -> memref<32x512xf32, #tpu.memory_space<hbm>>
      tpu.wait_dma2 semaphore(%arg23 : memref<!tpu.dma_semaphore, #tpu.memory_space<semaphore_mem>>) src(%dma_wait3A_1831 : memref<32x512xf32, #tpu.memory_space<hbm>>) dst(%arg18 : memref<32x512xf32, #tpu.memory_space<vmem>>)
      %add3A_1832 = arith.constant 17 : i32
      %add3A_1833 = arith.addi %add3A_1832, %add3A_1739 : i32
      %mul3A_1834 = arith.constant 2 : i32
      %mul3A_1835 = arith.muli %add3A_1833, %mul3A_1834 : i32
      %mul3A_1836 = arith.constant 1024 : i32
      %mul3A_1837 = arith.muli %mul3A_1835, %mul3A_1836 : i32
      %add3A_1838 = arith.addi %mul3A_1837, %add3A_4 : i32
      %dma_start3A_1839 = arith.constant 0 : i32
      %dma_start3A_1840 = tpu.memref_slice %arg11[%add3A_1838, %dma_start3A_1839] : memref<157696x512xf32, #tpu.memory_space<hbm>> -> memref<32x512xf32, #tpu.memory_space<hbm>>
      %dma_start3A_1841 = arith.constant 0 : i32
      %dma_start3A_1842 = tpu.memref_slice %arg11[%add3A_1838, %dma_start3A_1841] : memref<157696x512xf32, #tpu.memory_space<hbm>> -> memref<32x512xf32, #tpu.memory_space<hbm>>
      tpu.enqueue_dma source(%arg18 : memref<32x512xf32, #tpu.memory_space<vmem>>) target(%dma_start3A_1842 : memref<32x512xf32, #tpu.memory_space<hbm>>) target_semaphore(%arg27 : memref<!tpu.dma_semaphore, #tpu.memory_space<semaphore_mem>>)
    }
    %scan3A_777 = arith.constant 15 : i32
    %dma_start3A_778 = arith.constant 0 : i32
    %dma_start3A_779 = arith.constant 0 : i32
    %dma_start3A_780 = tpu.memref_slice %arg9[%dma_start3A_778, %dma_start3A_779] : memref<1000x128xi32, #tpu.memory_space<hbm>> -> memref<1000x128xi32, #tpu.memory_space<hbm>>
    tpu.enqueue_indirect_dma source(%dma_start3A_780 : memref<1000x128xi32, #tpu.memory_space<hbm>>) target(%arg22 : memref<32x128xi32, #tpu.memory_space<vmem>>) offsets(%arg13 : memref<32xi32, #tpu.memory_space<vmem>>) semaphore(%arg31 : memref<!tpu.dma_semaphore, #tpu.memory_space<semaphore_mem>>)
    %dma_wait3A_781 = arith.constant 0 : i32
    %dma_wait3A_782 = arith.constant 0 : i32
    %dma_wait3A_783 = tpu.memref_slice %arg9[%dma_wait3A_781, %dma_wait3A_782] : memref<1000x128xi32, #tpu.memory_space<hbm>> -> memref<1000x128xi32, #tpu.memory_space<hbm>>
    tpu.wait_indirect_dma semaphore(%arg31 : memref<!tpu.dma_semaphore, #tpu.memory_space<semaphore_mem>>) src(%dma_wait3A_783 : memref<1000x128xi32, #tpu.memory_space<hbm>>) dst(%arg22 : memref<32x128xi32, #tpu.memory_space<vmem>>)
    "tpu.region"() ({
      %run_scoped3A = tpu.sem_alloc : memref<!tpu.dma_semaphore, #tpu.memory_space<semaphore_mem>>
      %dma_start3A_1618 = arith.constant 0 : i32
      %dma_start3A_1619 = tpu.memref_slice %arg12[%add3A_4, %dma_start3A_1618] : memref<2048x128xi32, #tpu.memory_space<hbm>> -> memref<32x128xi32, #tpu.memory_space<hbm>>
      %dma_start3A_1620 = arith.constant 0 : i32
      %dma_start3A_1621 = tpu.memref_slice %arg12[%add3A_4, %dma_start3A_1620] : memref<2048x128xi32, #tpu.memory_space<hbm>> -> memref<32x128xi32, #tpu.memory_space<hbm>>
      tpu.enqueue_dma source(%arg22 : memref<32x128xi32, #tpu.memory_space<vmem>>) target(%dma_start3A_1621 : memref<32x128xi32, #tpu.memory_space<hbm>>) target_semaphore(%run_scoped3A : memref<!tpu.dma_semaphore, #tpu.memory_space<semaphore_mem>>)
      %dma_wait3A_1622 = arith.constant 0 : i32
      %dma_wait3A_1623 = tpu.memref_slice %arg12[%add3A_4, %dma_wait3A_1622] : memref<2048x128xi32, #tpu.memory_space<hbm>> -> memref<32x128xi32, #tpu.memory_space<hbm>>
      %dma_wait3A_1624 = arith.constant 0 : i32
      %dma_wait3A_1625 = tpu.memref_slice %arg12[%add3A_4, %dma_wait3A_1624] : memref<2048x128xi32, #tpu.memory_space<hbm>> -> memref<32x128xi32, #tpu.memory_space<hbm>>
      tpu.wait_dma2 semaphore(%run_scoped3A : memref<!tpu.dma_semaphore, #tpu.memory_space<semaphore_mem>>) src(%arg22 : memref<32x128xi32, #tpu.memory_space<vmem>>) dst(%dma_wait3A_1625 : memref<32x128xi32, #tpu.memory_space<hbm>>)
      tpu.yield
    }) : () -> ()
    %add3A_784 = arith.constant 1024 : i32
    %add3A_785 = arith.addi %add3A_784, %mul3A_2 : i32
    %add3A_786 = arith.constant 2048 : i32
    %add3A_787 = arith.addi %add3A_786, %add3A_785 : i32
    %add3A_788 = arith.constant 4096 : i32
    %add3A_789 = arith.addi %add3A_788, %add3A_785 : i32
    %add3A_790 = arith.constant 6144 : i32
    %add3A_791 = arith.addi %add3A_790, %add3A_785 : i32
    %add3A_792 = arith.constant 8192 : i32
    %add3A_793 = arith.addi %add3A_792, %add3A_785 : i32
    %add3A_794 = arith.constant 10240 : i32
    %add3A_795 = arith.addi %add3A_794, %add3A_785 : i32
    %add3A_796 = arith.constant 12288 : i32
    %add3A_797 = arith.addi %add3A_796, %add3A_785 : i32
    %add3A_798 = arith.constant 14336 : i32
    %add3A_799 = arith.addi %add3A_798, %add3A_785 : i32
    %add3A_800 = arith.constant 16384 : i32
    %add3A_801 = arith.addi %add3A_800, %add3A_785 : i32
    %add3A_802 = arith.constant 18432 : i32
    %add3A_803 = arith.addi %add3A_802, %add3A_785 : i32
    %add3A_804 = arith.constant 20480 : i32
    %add3A_805 = arith.addi %add3A_804, %add3A_785 : i32
    %add3A_806 = arith.constant 22528 : i32
    %add3A_807 = arith.addi %add3A_806, %add3A_785 : i32
    %add3A_808 = arith.constant 24576 : i32
    %add3A_809 = arith.addi %add3A_808, %add3A_785 : i32
    %add3A_810 = arith.constant 26624 : i32
    %add3A_811 = arith.addi %add3A_810, %add3A_785 : i32
    %add3A_812 = arith.constant 28672 : i32
    %add3A_813 = arith.addi %add3A_812, %add3A_785 : i32
    %add3A_814 = arith.constant 30720 : i32
    %add3A_815 = arith.addi %add3A_814, %add3A_785 : i32
    %add3A_816 = arith.constant 32768 : i32
    %add3A_817 = arith.addi %add3A_816, %add3A_785 : i32
    %dma_wait3A_818 = arith.constant 0 : i32
    %dma_wait3A_819 = arith.constant 0 : i32
    %dma_wait3A_820 = tpu.memref_slice %arg11[%dma_wait3A_818, %dma_wait3A_819] : memref<157696x512xf32, #tpu.memory_space<hbm>> -> memref<32x512xf32, #tpu.memory_space<hbm>>
    %dma_wait3A_821 = arith.constant 0 : i32
    %dma_wait3A_822 = arith.constant 0 : i32
    %dma_wait3A_823 = tpu.memref_slice %arg11[%dma_wait3A_821, %dma_wait3A_822] : memref<157696x512xf32, #tpu.memory_space<hbm>> -> memref<32x512xf32, #tpu.memory_space<hbm>>
    tpu.wait_dma2 semaphore(%arg28 : memref<!tpu.dma_semaphore, #tpu.memory_space<semaphore_mem>>) src(%arg19 : memref<32x512xf32, #tpu.memory_space<vmem>>) dst(%dma_wait3A_823 : memref<32x512xf32, #tpu.memory_space<hbm>>)
    %get3A_824 = arith.constant 0 : index
    %get3A_825 = tpu.vector_load %arg13[%get3A_824] {strides = array<i32>} : memref<32xi32, #tpu.memory_space<vmem>>, vector<16xi32>,
    %get3A_826 = vector.shape_cast %get3A_825 : vector<16xi32> to vector<16xi32>
    %mul3A_827 = arith.constant 1 : i32
    %mul3A_828 = vector.broadcast %mul3A_827 : i32 to vector<16xi32>
    %mul3A_829 = arith.muli %get3A_826, %mul3A_828 : vector<16xi32>
    %add3A_830 = arith.constant 0 : i32
    %add3A_831 = vector.broadcast %add3A_830 : i32 to vector<16xi32>
    %add3A_832 = arith.addi %mul3A_829, %add3A_831 : vector<16xi32>
    %swap3A_833 = arith.constant 0 : index
    %swap3A_834 = tpu.vector_load %arg15[%swap3A_833] {strides = array<i32>} : memref<32xi32, #tpu.memory_space<vmem>>, vector<16xi32>,
    %swap3A_835 = vector.shape_cast %swap3A_834 : vector<16xi32> to vector<16xi32>
    %swap3A_836 = vector.shape_cast %add3A_832 : vector<16xi32> to vector<16xi32>
    tpu.vector_store %arg15[%swap3A_833], %swap3A_836 {strides = array<i32>} : memref<32xi32, #tpu.memory_space<vmem>>, vector<16xi32>,
    %get3A_837 = arith.constant 16 : index
    %get3A_838 = tpu.vector_load %arg13[%get3A_837] {strides = array<i32>} : memref<32xi32, #tpu.memory_space<vmem>>, vector<16xi32>,
    %get3A_839 = vector.shape_cast %get3A_838 : vector<16xi32> to vector<16xi32>
    %mul3A_840 = arith.constant 1 : i32
    %mul3A_841 = vector.broadcast %mul3A_840 : i32 to vector<16xi32>
    %mul3A_842 = arith.muli %get3A_839, %mul3A_841 : vector<16xi32>
    %add3A_843 = arith.constant 0 : i32
    %add3A_844 = vector.broadcast %add3A_843 : i32 to vector<16xi32>
    %add3A_845 = arith.addi %mul3A_842, %add3A_844 : vector<16xi32>
    %swap3A_846 = arith.constant 16 : index
    %swap3A_847 = tpu.vector_load %arg15[%swap3A_846] {strides = array<i32>} : memref<32xi32, #tpu.memory_space<vmem>>, vector<16xi32>,
    %swap3A_848 = vector.shape_cast %swap3A_847 : vector<16xi32> to vector<16xi32>
    %swap3A_849 = vector.shape_cast %add3A_845 : vector<16xi32> to vector<16xi32>
    tpu.vector_store %arg15[%swap3A_846], %swap3A_849 {strides = array<i32>} : memref<32xi32, #tpu.memory_space<vmem>>, vector<16xi32>,
    %dma_start3A_850 = arith.constant 0 : i32
    %dma_start3A_851 = arith.constant 0 : i32
    %dma_start3A_852 = tpu.memref_slice %arg6[%dma_start3A_850, %dma_start3A_851] : memref<1000x512xf32, #tpu.memory_space<hbm>> -> memref<1000x512xf32, #tpu.memory_space<hbm>>
    tpu.enqueue_indirect_dma source(%dma_start3A_852 : memref<1000x512xf32, #tpu.memory_space<hbm>>) target(%arg19 : memref<32x512xf32, #tpu.memory_space<vmem>>) offsets(%arg15 : memref<32xi32, #tpu.memory_space<vmem>>) semaphore(%arg24 : memref<!tpu.dma_semaphore, #tpu.memory_space<semaphore_mem>>)
    %dma_wait3A_853 = arith.constant 0 : i32
    %dma_wait3A_854 = arith.constant 0 : i32
    %dma_wait3A_855 = tpu.memref_slice %arg11[%dma_wait3A_853, %dma_wait3A_854] : memref<157696x512xf32, #tpu.memory_space<hbm>> -> memref<32x512xf32, #tpu.memory_space<hbm>>
    %dma_wait3A_856 = arith.constant 0 : i32
    %dma_wait3A_857 = arith.constant 0 : i32
    %dma_wait3A_858 = tpu.memref_slice %arg11[%dma_wait3A_856, %dma_wait3A_857] : memref<157696x512xf32, #tpu.memory_space<hbm>> -> memref<32x512xf32, #tpu.memory_space<hbm>>
    tpu.wait_dma2 semaphore(%arg29 : memref<!tpu.dma_semaphore, #tpu.memory_space<semaphore_mem>>) src(%arg20 : memref<32x512xf32, #tpu.memory_space<vmem>>) dst(%dma_wait3A_858 : memref<32x512xf32, #tpu.memory_space<hbm>>)
    %get3A_859 = arith.constant 0 : index
    %get3A_860 = tpu.vector_load %arg13[%get3A_859] {strides = array<i32>} : memref<32xi32, #tpu.memory_space<vmem>>, vector<16xi32>,
    %get3A_861 = vector.shape_cast %get3A_860 : vector<16xi32> to vector<16xi32>
    %mul3A_862 = arith.constant 16 : i32
    %mul3A_863 = vector.broadcast %mul3A_862 : i32 to vector<16xi32>
    %mul3A_864 = arith.muli %get3A_861, %mul3A_863 : vector<16xi32>
    %add3A_865 = arith.constant 0 : i32
    %add3A_866 = vector.broadcast %add3A_865 : i32 to vector<16xi32>
    %add3A_867 = arith.addi %mul3A_864, %add3A_866 : vector<16xi32>
    %swap3A_868 = arith.constant 0 : index
    %swap3A_869 = tpu.vector_load %arg16[%swap3A_868] {strides = array<i32>} : memref<32xi32, #tpu.memory_space<vmem>>, vector<16xi32>,
    %swap3A_870 = vector.shape_cast %swap3A_869 : vector<16xi32> to vector<16xi32>
    %swap3A_871 = vector.shape_cast %add3A_867 : vector<16xi32> to vector<16xi32>
    tpu.vector_store %arg16[%swap3A_868], %swap3A_871 {strides = array<i32>} : memref<32xi32, #tpu.memory_space<vmem>>, vector<16xi32>,
    %get3A_872 = arith.constant 16 : index
    %get3A_873 = tpu.vector_load %arg13[%get3A_872] {strides = array<i32>} : memref<32xi32, #tpu.memory_space<vmem>>, vector<16xi32>,
    %get3A_874 = vector.shape_cast %get3A_873 : vector<16xi32> to vector<16xi32>
    %mul3A_875 = arith.constant 16 : i32
    %mul3A_876 = vector.broadcast %mul3A_875 : i32 to vector<16xi32>
    %mul3A_877 = arith.muli %get3A_874, %mul3A_876 : vector<16xi32>
    %add3A_878 = arith.constant 0 : i32
    %add3A_879 = vector.broadcast %add3A_878 : i32 to vector<16xi32>
    %add3A_880 = arith.addi %mul3A_877, %add3A_879 : vector<16xi32>
    %swap3A_881 = arith.constant 16 : index
    %swap3A_882 = tpu.vector_load %arg16[%swap3A_881] {strides = array<i32>} : memref<32xi32, #tpu.memory_space<vmem>>, vector<16xi32>,
    %swap3A_883 = vector.shape_cast %swap3A_882 : vector<16xi32> to vector<16xi32>
    %swap3A_884 = vector.shape_cast %add3A_880 : vector<16xi32> to vector<16xi32>
    tpu.vector_store %arg16[%swap3A_881], %swap3A_884 {strides = array<i32>} : memref<32xi32, #tpu.memory_space<vmem>>, vector<16xi32>,
    %dma_start3A_885 = arith.constant 0 : i32
    %dma_start3A_886 = arith.constant 0 : i32
    %dma_start3A_887 = tpu.memref_slice %arg7[%dma_start3A_885, %dma_start3A_886] : memref<16000x512xf32, #tpu.memory_space<hbm>> -> memref<16000x512xf32, #tpu.memory_space<hbm>>
    tpu.enqueue_indirect_dma source(%dma_start3A_887 : memref<16000x512xf32, #tpu.memory_space<hbm>>) target(%arg20 : memref<32x512xf32, #tpu.memory_space<vmem>>) offsets(%arg16 : memref<32xi32, #tpu.memory_space<vmem>>) semaphore(%arg25 : memref<!tpu.dma_semaphore, #tpu.memory_space<semaphore_mem>>)
    %dma_wait3A_888 = arith.constant 0 : i32
    %dma_wait3A_889 = arith.constant 0 : i32
    %dma_wait3A_890 = tpu.memref_slice %arg11[%dma_wait3A_888, %dma_wait3A_889] : memref<157696x512xf32, #tpu.memory_space<hbm>> -> memref<32x512xf32, #tpu.memory_space<hbm>>
    %dma_wait3A_891 = arith.constant 0 : i32
    %dma_wait3A_892 = arith.constant 0 : i32
    %dma_wait3A_893 = tpu.memref_slice %arg11[%dma_wait3A_891, %dma_wait3A_892] : memref<157696x512xf32, #tpu.memory_space<hbm>> -> memref<32x512xf32, #tpu.memory_space<hbm>>
    tpu.wait_dma2 semaphore(%arg30 : memref<!tpu.dma_semaphore, #tpu.memory_space<semaphore_mem>>) src(%arg21 : memref<32x512xf32, #tpu.memory_space<vmem>>) dst(%dma_wait3A_893 : memref<32x512xf32, #tpu.memory_space<hbm>>)
    %get3A_894 = arith.constant 0 : index
    %get3A_895 = tpu.vector_load %arg13[%get3A_894] {strides = array<i32>} : memref<32xi32, #tpu.memory_space<vmem>>, vector<16xi32>,
    %get3A_896 = vector.shape_cast %get3A_895 : vector<16xi32> to vector<16xi32>
    %mul3A_897 = arith.constant 16 : i32
    %mul3A_898 = vector.broadcast %mul3A_897 : i32 to vector<16xi32>
    %mul3A_899 = arith.muli %get3A_896, %mul3A_898 : vector<16xi32>
    %add3A_900 = arith.constant 1 : i32
    %add3A_901 = vector.broadcast %add3A_900 : i32 to vector<16xi32>
    %add3A_902 = arith.addi %mul3A_899, %add3A_901 : vector<16xi32>
    %swap3A_903 = arith.constant 0 : index
    %swap3A_904 = tpu.vector_load %arg17[%swap3A_903] {strides = array<i32>} : memref<32xi32, #tpu.memory_space<vmem>>, vector<16xi32>,
    %swap3A_905 = vector.shape_cast %swap3A_904 : vector<16xi32> to vector<16xi32>
    %swap3A_906 = vector.shape_cast %add3A_902 : vector<16xi32> to vector<16xi32>
    tpu.vector_store %arg17[%swap3A_903], %swap3A_906 {strides = array<i32>} : memref<32xi32, #tpu.memory_space<vmem>>, vector<16xi32>,
    %get3A_907 = arith.constant 16 : index
    %get3A_908 = tpu.vector_load %arg13[%get3A_907] {strides = array<i32>} : memref<32xi32, #tpu.memory_space<vmem>>, vector<16xi32>,
    %get3A_909 = vector.shape_cast %get3A_908 : vector<16xi32> to vector<16xi32>
    %mul3A_910 = arith.constant 16 : i32
    %mul3A_911 = vector.broadcast %mul3A_910 : i32 to vector<16xi32>
    %mul3A_912 = arith.muli %get3A_909, %mul3A_911 : vector<16xi32>
    %add3A_913 = arith.constant 1 : i32
    %add3A_914 = vector.broadcast %add3A_913 : i32 to vector<16xi32>
    %add3A_915 = arith.addi %mul3A_912, %add3A_914 : vector<16xi32>
    %swap3A_916 = arith.constant 16 : index
    %swap3A_917 = tpu.vector_load %arg17[%swap3A_916] {strides = array<i32>} : memref<32xi32, #tpu.memory_space<vmem>>, vector<16xi32>,
    %swap3A_918 = vector.shape_cast %swap3A_917 : vector<16xi32> to vector<16xi32>
    %swap3A_919 = vector.shape_cast %add3A_915 : vector<16xi32> to vector<16xi32>
    tpu.vector_store %arg17[%swap3A_916], %swap3A_919 {strides = array<i32>} : memref<32xi32, #tpu.memory_space<vmem>>, vector<16xi32>,
    %dma_start3A_920 = arith.constant 0 : i32
    %dma_start3A_921 = arith.constant 0 : i32
    %dma_start3A_922 = tpu.memref_slice %arg7[%dma_start3A_920, %dma_start3A_921] : memref<16000x512xf32, #tpu.memory_space<hbm>> -> memref<16000x512xf32, #tpu.memory_space<hbm>>
    tpu.enqueue_indirect_dma source(%dma_start3A_922 : memref<16000x512xf32, #tpu.memory_space<hbm>>) target(%arg21 : memref<32x512xf32, #tpu.memory_space<vmem>>) offsets(%arg17 : memref<32xi32, #tpu.memory_space<vmem>>) semaphore(%arg26 : memref<!tpu.dma_semaphore, #tpu.memory_space<semaphore_mem>>)
    %dma_wait3A_923 = arith.constant 0 : i32
    %dma_wait3A_924 = arith.constant 0 : i32
    %dma_wait3A_925 = tpu.memref_slice %arg11[%dma_wait3A_923, %dma_wait3A_924] : memref<157696x512xf32, #tpu.memory_space<hbm>> -> memref<32x512xf32, #tpu.memory_space<hbm>>
    %dma_wait3A_926 = arith.constant 0 : i32
    %dma_wait3A_927 = arith.constant 0 : i32
    %dma_wait3A_928 = tpu.memref_slice %arg11[%dma_wait3A_926, %dma_wait3A_927] : memref<157696x512xf32, #tpu.memory_space<hbm>> -> memref<32x512xf32, #tpu.memory_space<hbm>>
    tpu.wait_dma2 semaphore(%arg27 : memref<!tpu.dma_semaphore, #tpu.memory_space<semaphore_mem>>) src(%arg18 : memref<32x512xf32, #tpu.memory_space<vmem>>) dst(%dma_wait3A_928 : memref<32x512xf32, #tpu.memory_space<hbm>>)
    %get3A_929 = arith.constant 0 : index
    %get3A_930 = tpu.vector_load %arg13[%get3A_929] {strides = array<i32>} : memref<32xi32, #tpu.memory_space<vmem>>, vector<16xi32>,
    %get3A_931 = vector.shape_cast %get3A_930 : vector<16xi32> to vector<16xi32>
    %mul3A_932 = arith.constant 16 : i32
    %mul3A_933 = vector.broadcast %mul3A_932 : i32 to vector<16xi32>
    %mul3A_934 = arith.muli %get3A_931, %mul3A_933 : vector<16xi32>
    %add3A_935 = arith.constant 2 : i32
    %add3A_936 = vector.broadcast %add3A_935 : i32 to vector<16xi32>
    %add3A_937 = arith.addi %mul3A_934, %add3A_936 : vector<16xi32>
    %swap3A_938 = arith.constant 0 : index
    %swap3A_939 = tpu.vector_load %arg14[%swap3A_938] {strides = array<i32>} : memref<32xi32, #tpu.memory_space<vmem>>, vector<16xi32>,
    %swap3A_940 = vector.shape_cast %swap3A_939 : vector<16xi32> to vector<16xi32>
    %swap3A_941 = vector.shape_cast %add3A_937 : vector<16xi32> to vector<16xi32>
    tpu.vector_store %arg14[%swap3A_938], %swap3A_941 {strides = array<i32>} : memref<32xi32, #tpu.memory_space<vmem>>, vector<16xi32>,
    %get3A_942 = arith.constant 16 : index
    %get3A_943 = tpu.vector_load %arg13[%get3A_942] {strides = array<i32>} : memref<32xi32, #tpu.memory_space<vmem>>, vector<16xi32>,
    %get3A_944 = vector.shape_cast %get3A_943 : vector<16xi32> to vector<16xi32>
    %mul3A_945 = arith.constant 16 : i32
    %mul3A_946 = vector.broadcast %mul3A_945 : i32 to vector<16xi32>
    %mul3A_947 = arith.muli %get3A_944, %mul3A_946 : vector<16xi32>
    %add3A_948 = arith.constant 2 : i32
    %add3A_949 = vector.broadcast %add3A_948 : i32 to vector<16xi32>
    %add3A_950 = arith.addi %mul3A_947, %add3A_949 : vector<16xi32>
    %swap3A_951 = arith.constant 16 : index
    %swap3A_952 = tpu.vector_load %arg14[%swap3A_951] {strides = array<i32>} : memref<32xi32, #tpu.memory_space<vmem>>, vector<16xi32>,
    %swap3A_953 = vector.shape_cast %swap3A_952 : vector<16xi32> to vector<16xi32>
    %swap3A_954 = vector.shape_cast %add3A_950 : vector<16xi32> to vector<16xi32>
    tpu.vector_store %arg14[%swap3A_951], %swap3A_954 {strides = array<i32>} : memref<32xi32, #tpu.memory_space<vmem>>, vector<16xi32>,
    %dma_start3A_955 = arith.constant 0 : i32
    %dma_start3A_956 = arith.constant 0 : i32
    %dma_start3A_957 = tpu.memref_slice %arg7[%dma_start3A_955, %dma_start3A_956] : memref<16000x512xf32, #tpu.memory_space<hbm>> -> memref<16000x512xf32, #tpu.memory_space<hbm>>
    tpu.enqueue_indirect_dma source(%dma_start3A_957 : memref<16000x512xf32, #tpu.memory_space<hbm>>) target(%arg18 : memref<32x512xf32, #tpu.memory_space<vmem>>) offsets(%arg14 : memref<32xi32, #tpu.memory_space<vmem>>) semaphore(%arg23 : memref<!tpu.dma_semaphore, #tpu.memory_space<semaphore_mem>>)
    %dma_wait3A_958 = arith.constant 0 : i32
    %dma_wait3A_959 = arith.constant 0 : i32
    %dma_wait3A_960 = tpu.memref_slice %arg11[%dma_wait3A_958, %dma_wait3A_959] : memref<157696x512xf32, #tpu.memory_space<hbm>> -> memref<32x512xf32, #tpu.memory_space<hbm>>
    %dma_wait3A_961 = arith.constant 0 : i32
    %dma_wait3A_962 = arith.constant 0 : i32
    %dma_wait3A_963 = tpu.memref_slice %arg11[%dma_wait3A_961, %dma_wait3A_962] : memref<157696x512xf32, #tpu.memory_space<hbm>> -> memref<32x512xf32, #tpu.memory_space<hbm>>
    tpu.wait_dma2 semaphore(%arg24 : memref<!tpu.dma_semaphore, #tpu.memory_space<semaphore_mem>>) src(%dma_wait3A_963 : memref<32x512xf32, #tpu.memory_space<hbm>>) dst(%arg19 : memref<32x512xf32, #tpu.memory_space<vmem>>)
    %dma_start3A_964 = arith.constant 0 : i32
    %dma_start3A_965 = tpu.memref_slice %arg11[%add3A_785, %dma_start3A_964] : memref<157696x512xf32, #tpu.memory_space<hbm>> -> memref<32x512xf32, #tpu.memory_space<hbm>>
    %dma_start3A_966 = arith.constant 0 : i32
    %dma_start3A_967 = tpu.memref_slice %arg11[%add3A_785, %dma_start3A_966] : memref<157696x512xf32, #tpu.memory_space<hbm>> -> memref<32x512xf32, #tpu.memory_space<hbm>>
    tpu.enqueue_dma source(%arg19 : memref<32x512xf32, #tpu.memory_space<vmem>>) target(%dma_start3A_967 : memref<32x512xf32, #tpu.memory_space<hbm>>) target_semaphore(%arg28 : memref<!tpu.dma_semaphore, #tpu.memory_space<semaphore_mem>>)
    %dma_wait3A_968 = arith.constant 0 : i32
    %dma_wait3A_969 = arith.constant 0 : i32
    %dma_wait3A_970 = tpu.memref_slice %arg11[%dma_wait3A_968, %dma_wait3A_969] : memref<157696x512xf32, #tpu.memory_space<hbm>> -> memref<32x512xf32, #tpu.memory_space<hbm>>
    %dma_wait3A_971 = arith.constant 0 : i32
    %dma_wait3A_972 = arith.constant 0 : i32
    %dma_wait3A_973 = tpu.memref_slice %arg11[%dma_wait3A_971, %dma_wait3A_972] : memref<157696x512xf32, #tpu.memory_space<hbm>> -> memref<32x512xf32, #tpu.memory_space<hbm>>
    tpu.wait_dma2 semaphore(%arg25 : memref<!tpu.dma_semaphore, #tpu.memory_space<semaphore_mem>>) src(%dma_wait3A_973 : memref<32x512xf32, #tpu.memory_space<hbm>>) dst(%arg20 : memref<32x512xf32, #tpu.memory_space<vmem>>)
    %dma_start3A_974 = arith.constant 0 : i32
    %dma_start3A_975 = tpu.memref_slice %arg11[%add3A_787, %dma_start3A_974] : memref<157696x512xf32, #tpu.memory_space<hbm>> -> memref<32x512xf32, #tpu.memory_space<hbm>>
    %dma_start3A_976 = arith.constant 0 : i32
    %dma_start3A_977 = tpu.memref_slice %arg11[%add3A_787, %dma_start3A_976] : memref<157696x512xf32, #tpu.memory_space<hbm>> -> memref<32x512xf32, #tpu.memory_space<hbm>>
    tpu.enqueue_dma source(%arg20 : memref<32x512xf32, #tpu.memory_space<vmem>>) target(%dma_start3A_977 : memref<32x512xf32, #tpu.memory_space<hbm>>) target_semaphore(%arg29 : memref<!tpu.dma_semaphore, #tpu.memory_space<semaphore_mem>>)
    %dma_wait3A_978 = arith.constant 0 : i32
    %dma_wait3A_979 = arith.constant 0 : i32
    %dma_wait3A_980 = tpu.memref_slice %arg11[%dma_wait3A_978, %dma_wait3A_979] : memref<157696x512xf32, #tpu.memory_space<hbm>> -> memref<32x512xf32, #tpu.memory_space<hbm>>
    %dma_wait3A_981 = arith.constant 0 : i32
    %dma_wait3A_982 = arith.constant 0 : i32
    %dma_wait3A_983 = tpu.memref_slice %arg11[%dma_wait3A_981, %dma_wait3A_982] : memref<157696x512xf32, #tpu.memory_space<hbm>> -> memref<32x512xf32, #tpu.memory_space<hbm>>
    tpu.wait_dma2 semaphore(%arg26 : memref<!tpu.dma_semaphore, #tpu.memory_space<semaphore_mem>>) src(%dma_wait3A_983 : memref<32x512xf32, #tpu.memory_space<hbm>>) dst(%arg21 : memref<32x512xf32, #tpu.memory_space<vmem>>)
    %dma_start3A_984 = arith.constant 0 : i32
    %dma_start3A_985 = tpu.memref_slice %arg11[%add3A_789, %dma_start3A_984] : memref<157696x512xf32, #tpu.memory_space<hbm>> -> memref<32x512xf32, #tpu.memory_space<hbm>>
    %dma_start3A_986 = arith.constant 0 : i32
    %dma_start3A_987 = tpu.memref_slice %arg11[%add3A_789, %dma_start3A_986] : memref<157696x512xf32, #tpu.memory_space<hbm>> -> memref<32x512xf32, #tpu.memory_space<hbm>>
    tpu.enqueue_dma source(%arg21 : memref<32x512xf32, #tpu.memory_space<vmem>>) target(%dma_start3A_987 : memref<32x512xf32, #tpu.memory_space<hbm>>) target_semaphore(%arg30 : memref<!tpu.dma_semaphore, #tpu.memory_space<semaphore_mem>>)
    %dma_wait3A_988 = arith.constant 0 : i32
    %dma_wait3A_989 = arith.constant 0 : i32
    %dma_wait3A_990 = tpu.memref_slice %arg11[%dma_wait3A_988, %dma_wait3A_989] : memref<157696x512xf32, #tpu.memory_space<hbm>> -> memref<32x512xf32, #tpu.memory_space<hbm>>
    %dma_wait3A_991 = arith.constant 0 : i32
    %dma_wait3A_992 = arith.constant 0 : i32
    %dma_wait3A_993 = tpu.memref_slice %arg11[%dma_wait3A_991, %dma_wait3A_992] : memref<157696x512xf32, #tpu.memory_space<hbm>> -> memref<32x512xf32, #tpu.memory_space<hbm>>
    tpu.wait_dma2 semaphore(%arg23 : memref<!tpu.dma_semaphore, #tpu.memory_space<semaphore_mem>>) src(%dma_wait3A_993 : memref<32x512xf32, #tpu.memory_space<hbm>>) dst(%arg18 : memref<32x512xf32, #tpu.memory_space<vmem>>)
    %dma_start3A_994 = arith.constant 0 : i32
    %dma_start3A_995 = tpu.memref_slice %arg11[%add3A_791, %dma_start3A_994] : memref<157696x512xf32, #tpu.memory_space<hbm>> -> memref<32x512xf32, #tpu.memory_space<hbm>>
    %dma_start3A_996 = arith.constant 0 : i32
    %dma_start3A_997 = tpu.memref_slice %arg11[%add3A_791, %dma_start3A_996] : memref<157696x512xf32, #tpu.memory_space<hbm>> -> memref<32x512xf32, #tpu.memory_space<hbm>>
    tpu.enqueue_dma source(%arg18 : memref<32x512xf32, #tpu.memory_space<vmem>>) target(%dma_start3A_997 : memref<32x512xf32, #tpu.memory_space<hbm>>) target_semaphore(%arg27 : memref<!tpu.dma_semaphore, #tpu.memory_space<semaphore_mem>>)
    %dma_wait3A_998 = arith.constant 0 : i32
    %dma_wait3A_999 = arith.constant 0 : i32
    %dma_wait3A_1000 = tpu.memref_slice %arg11[%dma_wait3A_998, %dma_wait3A_999] : memref<157696x512xf32, #tpu.memory_space<hbm>> -> memref<32x512xf32, #tpu.memory_space<hbm>>
    %dma_wait3A_1001 = arith.constant 0 : i32
    %dma_wait3A_1002 = arith.constant 0 : i32
    %dma_wait3A_1003 = tpu.memref_slice %arg11[%dma_wait3A_1001, %dma_wait3A_1002] : memref<157696x512xf32, #tpu.memory_space<hbm>> -> memref<32x512xf32, #tpu.memory_space<hbm>>
    tpu.wait_dma2 semaphore(%arg28 : memref<!tpu.dma_semaphore, #tpu.memory_space<semaphore_mem>>) src(%arg19 : memref<32x512xf32, #tpu.memory_space<vmem>>) dst(%dma_wait3A_1003 : memref<32x512xf32, #tpu.memory_space<hbm>>)
    %get3A_1004 = arith.constant 0 : index
    %get3A_1005 = tpu.vector_load %arg13[%get3A_1004] {strides = array<i32>} : memref<32xi32, #tpu.memory_space<vmem>>, vector<16xi32>,
    %get3A_1006 = vector.shape_cast %get3A_1005 : vector<16xi32> to vector<16xi32>
    %mul3A_1007 = arith.constant 16 : i32
    %mul3A_1008 = vector.broadcast %mul3A_1007 : i32 to vector<16xi32>
    %mul3A_1009 = arith.muli %get3A_1006, %mul3A_1008 : vector<16xi32>
    %add3A_1010 = arith.constant 3 : i32
    %add3A_1011 = vector.broadcast %add3A_1010 : i32 to vector<16xi32>
    %add3A_1012 = arith.addi %mul3A_1009, %add3A_1011 : vector<16xi32>
    %swap3A_1013 = arith.constant 0 : index
    %swap3A_1014 = tpu.vector_load %arg15[%swap3A_1013] {strides = array<i32>} : memref<32xi32, #tpu.memory_space<vmem>>, vector<16xi32>,
    %swap3A_1015 = vector.shape_cast %swap3A_1014 : vector<16xi32> to vector<16xi32>
    %swap3A_1016 = vector.shape_cast %add3A_1012 : vector<16xi32> to vector<16xi32>
    tpu.vector_store %arg15[%swap3A_1013], %swap3A_1016 {strides = array<i32>} : memref<32xi32, #tpu.memory_space<vmem>>, vector<16xi32>,
    %get3A_1017 = arith.constant 16 : index
    %get3A_1018 = tpu.vector_load %arg13[%get3A_1017] {strides = array<i32>} : memref<32xi32, #tpu.memory_space<vmem>>, vector<16xi32>,
    %get3A_1019 = vector.shape_cast %get3A_1018 : vector<16xi32> to vector<16xi32>
    %mul3A_1020 = arith.constant 16 : i32
    %mul3A_1021 = vector.broadcast %mul3A_1020 : i32 to vector<16xi32>
    %mul3A_1022 = arith.muli %get3A_1019, %mul3A_1021 : vector<16xi32>
    %add3A_1023 = arith.constant 3 : i32
    %add3A_1024 = vector.broadcast %add3A_1023 : i32 to vector<16xi32>
    %add3A_1025 = arith.addi %mul3A_1022, %add3A_1024 : vector<16xi32>
    %swap3A_1026 = arith.constant 16 : index
    %swap3A_1027 = tpu.vector_load %arg15[%swap3A_1026] {strides = array<i32>} : memref<32xi32, #tpu.memory_space<vmem>>, vector<16xi32>,
    %swap3A_1028 = vector.shape_cast %swap3A_1027 : vector<16xi32> to vector<16xi32>
    %swap3A_1029 = vector.shape_cast %add3A_1025 : vector<16xi32> to vector<16xi32>
    tpu.vector_store %arg15[%swap3A_1026], %swap3A_1029 {strides = array<i32>} : memref<32xi32, #tpu.memory_space<vmem>>, vector<16xi32>,
    %dma_start3A_1030 = arith.constant 0 : i32
    %dma_start3A_1031 = arith.constant 0 : i32
    %dma_start3A_1032 = tpu.memref_slice %arg7[%dma_start3A_1030, %dma_start3A_1031] : memref<16000x512xf32, #tpu.memory_space<hbm>> -> memref<16000x512xf32, #tpu.memory_space<hbm>>
    tpu.enqueue_indirect_dma source(%dma_start3A_1032 : memref<16000x512xf32, #tpu.memory_space<hbm>>) target(%arg19 : memref<32x512xf32, #tpu.memory_space<vmem>>) offsets(%arg15 : memref<32xi32, #tpu.memory_space<vmem>>) semaphore(%arg24 : memref<!tpu.dma_semaphore, #tpu.memory_space<semaphore_mem>>)
    %dma_wait3A_1033 = arith.constant 0 : i32
    %dma_wait3A_1034 = arith.constant 0 : i32
    %dma_wait3A_1035 = tpu.memref_slice %arg11[%dma_wait3A_1033, %dma_wait3A_1034] : memref<157696x512xf32, #tpu.memory_space<hbm>> -> memref<32x512xf32, #tpu.memory_space<hbm>>
    %dma_wait3A_1036 = arith.constant 0 : i32
    %dma_wait3A_1037 = arith.constant 0 : i32
    %dma_wait3A_1038 = tpu.memref_slice %arg11[%dma_wait3A_1036, %dma_wait3A_1037] : memref<157696x512xf32, #tpu.memory_space<hbm>> -> memref<32x512xf32, #tpu.memory_space<hbm>>
    tpu.wait_dma2 semaphore(%arg29 : memref<!tpu.dma_semaphore, #tpu.memory_space<semaphore_mem>>) src(%arg20 : memref<32x512xf32, #tpu.memory_space<vmem>>) dst(%dma_wait3A_1038 : memref<32x512xf32, #tpu.memory_space<hbm>>)
    %get3A_1039 = arith.constant 0 : index
    %get3A_1040 = tpu.vector_load %arg13[%get3A_1039] {strides = array<i32>} : memref<32xi32, #tpu.memory_space<vmem>>, vector<16xi32>,
    %get3A_1041 = vector.shape_cast %get3A_1040 : vector<16xi32> to vector<16xi32>
    %mul3A_1042 = arith.constant 16 : i32
    %mul3A_1043 = vector.broadcast %mul3A_1042 : i32 to vector<16xi32>
    %mul3A_1044 = arith.muli %get3A_1041, %mul3A_1043 : vector<16xi32>
    %add3A_1045 = arith.constant 4 : i32
    %add3A_1046 = vector.broadcast %add3A_1045 : i32 to vector<16xi32>
    %add3A_1047 = arith.addi %mul3A_1044, %add3A_1046 : vector<16xi32>
    %swap3A_1048 = arith.constant 0 : index
    %swap3A_1049 = tpu.vector_load %arg16[%swap3A_1048] {strides = array<i32>} : memref<32xi32, #tpu.memory_space<vmem>>, vector<16xi32>,
    %swap3A_1050 = vector.shape_cast %swap3A_1049 : vector<16xi32> to vector<16xi32>
    %swap3A_1051 = vector.shape_cast %add3A_1047 : vector<16xi32> to vector<16xi32>
    tpu.vector_store %arg16[%swap3A_1048], %swap3A_1051 {strides = array<i32>} : memref<32xi32, #tpu.memory_space<vmem>>, vector<16xi32>,
    %get3A_1052 = arith.constant 16 : index
    %get3A_1053 = tpu.vector_load %arg13[%get3A_1052] {strides = array<i32>} : memref<32xi32, #tpu.memory_space<vmem>>, vector<16xi32>,
    %get3A_1054 = vector.shape_cast %get3A_1053 : vector<16xi32> to vector<16xi32>
    %mul3A_1055 = arith.constant 16 : i32
    %mul3A_1056 = vector.broadcast %mul3A_1055 : i32 to vector<16xi32>
    %mul3A_1057 = arith.muli %get3A_1054, %mul3A_1056 : vector<16xi32>
    %add3A_1058 = arith.constant 4 : i32
    %add3A_1059 = vector.broadcast %add3A_1058 : i32 to vector<16xi32>
    %add3A_1060 = arith.addi %mul3A_1057, %add3A_1059 : vector<16xi32>
    %swap3A_1061 = arith.constant 16 : index
    %swap3A_1062 = tpu.vector_load %arg16[%swap3A_1061] {strides = array<i32>} : memref<32xi32, #tpu.memory_space<vmem>>, vector<16xi32>,
    %swap3A_1063 = vector.shape_cast %swap3A_1062 : vector<16xi32> to vector<16xi32>
    %swap3A_1064 = vector.shape_cast %add3A_1060 : vector<16xi32> to vector<16xi32>
    tpu.vector_store %arg16[%swap3A_1061], %swap3A_1064 {strides = array<i32>} : memref<32xi32, #tpu.memory_space<vmem>>, vector<16xi32>,
    %dma_start3A_1065 = arith.constant 0 : i32
    %dma_start3A_1066 = arith.constant 0 : i32
    %dma_start3A_1067 = tpu.memref_slice %arg7[%dma_start3A_1065, %dma_start3A_1066] : memref<16000x512xf32, #tpu.memory_space<hbm>> -> memref<16000x512xf32, #tpu.memory_space<hbm>>
    tpu.enqueue_indirect_dma source(%dma_start3A_1067 : memref<16000x512xf32, #tpu.memory_space<hbm>>) target(%arg20 : memref<32x512xf32, #tpu.memory_space<vmem>>) offsets(%arg16 : memref<32xi32, #tpu.memory_space<vmem>>) semaphore(%arg25 : memref<!tpu.dma_semaphore, #tpu.memory_space<semaphore_mem>>)
    %dma_wait3A_1068 = arith.constant 0 : i32
    %dma_wait3A_1069 = arith.constant 0 : i32
    %dma_wait3A_1070 = tpu.memref_slice %arg11[%dma_wait3A_1068, %dma_wait3A_1069] : memref<157696x512xf32, #tpu.memory_space<hbm>> -> memref<32x512xf32, #tpu.memory_space<hbm>>
    %dma_wait3A_1071 = arith.constant 0 : i32
    %dma_wait3A_1072 = arith.constant 0 : i32
    %dma_wait3A_1073 = tpu.memref_slice %arg11[%dma_wait3A_1071, %dma_wait3A_1072] : memref<157696x512xf32, #tpu.memory_space<hbm>> -> memref<32x512xf32, #tpu.memory_space<hbm>>
    tpu.wait_dma2 semaphore(%arg30 : memref<!tpu.dma_semaphore, #tpu.memory_space<semaphore_mem>>) src(%arg21 : memref<32x512xf32, #tpu.memory_space<vmem>>) dst(%dma_wait3A_1073 : memref<32x512xf32, #tpu.memory_space<hbm>>)
    %get3A_1074 = arith.constant 0 : index
    %get3A_1075 = tpu.vector_load %arg13[%get3A_1074] {strides = array<i32>} : memref<32xi32, #tpu.memory_space<vmem>>, vector<16xi32>,
    %get3A_1076 = vector.shape_cast %get3A_1075 : vector<16xi32> to vector<16xi32>
    %mul3A_1077 = arith.constant 16 : i32
    %mul3A_1078 = vector.broadcast %mul3A_1077 : i32 to vector<16xi32>
    %mul3A_1079 = arith.muli %get3A_1076, %mul3A_1078 : vector<16xi32>
    %add3A_1080 = arith.constant 5 : i32
    %add3A_1081 = vector.broadcast %add3A_1080 : i32 to vector<16xi32>
    %add3A_1082 = arith.addi %mul3A_1079, %add3A_1081 : vector<16xi32>
    %swap3A_1083 = arith.constant 0 : index
    %swap3A_1084 = tpu.vector_load %arg17[%swap3A_1083] {strides = array<i32>} : memref<32xi32, #tpu.memory_space<vmem>>, vector<16xi32>,
    %swap3A_1085 = vector.shape_cast %swap3A_1084 : vector<16xi32> to vector<16xi32>
    %swap3A_1086 = vector.shape_cast %add3A_1082 : vector<16xi32> to vector<16xi32>
    tpu.vector_store %arg17[%swap3A_1083], %swap3A_1086 {strides = array<i32>} : memref<32xi32, #tpu.memory_space<vmem>>, vector<16xi32>,
    %get3A_1087 = arith.constant 16 : index
    %get3A_1088 = tpu.vector_load %arg13[%get3A_1087] {strides = array<i32>} : memref<32xi32, #tpu.memory_space<vmem>>, vector<16xi32>,
    %get3A_1089 = vector.shape_cast %get3A_1088 : vector<16xi32> to vector<16xi32>
    %mul3A_1090 = arith.constant 16 : i32
    %mul3A_1091 = vector.broadcast %mul3A_1090 : i32 to vector<16xi32>
    %mul3A_1092 = arith.muli %get3A_1089, %mul3A_1091 : vector<16xi32>
    %add3A_1093 = arith.constant 5 : i32
    %add3A_1094 = vector.broadcast %add3A_1093 : i32 to vector<16xi32>
    %add3A_1095 = arith.addi %mul3A_1092, %add3A_1094 : vector<16xi32>
    %swap3A_1096 = arith.constant 16 : index
    %swap3A_1097 = tpu.vector_load %arg17[%swap3A_1096] {strides = array<i32>} : memref<32xi32, #tpu.memory_space<vmem>>, vector<16xi32>,
    %swap3A_1098 = vector.shape_cast %swap3A_1097 : vector<16xi32> to vector<16xi32>
    %swap3A_1099 = vector.shape_cast %add3A_1095 : vector<16xi32> to vector<16xi32>
    tpu.vector_store %arg17[%swap3A_1096], %swap3A_1099 {strides = array<i32>} : memref<32xi32, #tpu.memory_space<vmem>>, vector<16xi32>,
    %dma_start3A_1100 = arith.constant 0 : i32
    %dma_start3A_1101 = arith.constant 0 : i32
    %dma_start3A_1102 = tpu.memref_slice %arg7[%dma_start3A_1100, %dma_start3A_1101] : memref<16000x512xf32, #tpu.memory_space<hbm>> -> memref<16000x512xf32, #tpu.memory_space<hbm>>
    tpu.enqueue_indirect_dma source(%dma_start3A_1102 : memref<16000x512xf32, #tpu.memory_space<hbm>>) target(%arg21 : memref<32x512xf32, #tpu.memory_space<vmem>>) offsets(%arg17 : memref<32xi32, #tpu.memory_space<vmem>>) semaphore(%arg26 : memref<!tpu.dma_semaphore, #tpu.memory_space<semaphore_mem>>)
    %dma_wait3A_1103 = arith.constant 0 : i32
    %dma_wait3A_1104 = arith.constant 0 : i32
    %dma_wait3A_1105 = tpu.memref_slice %arg11[%dma_wait3A_1103, %dma_wait3A_1104] : memref<157696x512xf32, #tpu.memory_space<hbm>> -> memref<32x512xf32, #tpu.memory_space<hbm>>
    %dma_wait3A_1106 = arith.constant 0 : i32
    %dma_wait3A_1107 = arith.constant 0 : i32
    %dma_wait3A_1108 = tpu.memref_slice %arg11[%dma_wait3A_1106, %dma_wait3A_1107] : memref<157696x512xf32, #tpu.memory_space<hbm>> -> memref<32x512xf32, #tpu.memory_space<hbm>>
    tpu.wait_dma2 semaphore(%arg27 : memref<!tpu.dma_semaphore, #tpu.memory_space<semaphore_mem>>) src(%arg18 : memref<32x512xf32, #tpu.memory_space<vmem>>) dst(%dma_wait3A_1108 : memref<32x512xf32, #tpu.memory_space<hbm>>)
    %get3A_1109 = arith.constant 0 : index
    %get3A_1110 = tpu.vector_load %arg13[%get3A_1109] {strides = array<i32>} : memref<32xi32, #tpu.memory_space<vmem>>, vector<16xi32>,
    %get3A_1111 = vector.shape_cast %get3A_1110 : vector<16xi32> to vector<16xi32>
    %mul3A_1112 = arith.constant 16 : i32
    %mul3A_1113 = vector.broadcast %mul3A_1112 : i32 to vector<16xi32>
    %mul3A_1114 = arith.muli %get3A_1111, %mul3A_1113 : vector<16xi32>
    %add3A_1115 = arith.constant 6 : i32
    %add3A_1116 = vector.broadcast %add3A_1115 : i32 to vector<16xi32>
    %add3A_1117 = arith.addi %mul3A_1114, %add3A_1116 : vector<16xi32>
    %swap3A_1118 = arith.constant 0 : index
    %swap3A_1119 = tpu.vector_load %arg14[%swap3A_1118] {strides = array<i32>} : memref<32xi32, #tpu.memory_space<vmem>>, vector<16xi32>,
    %swap3A_1120 = vector.shape_cast %swap3A_1119 : vector<16xi32> to vector<16xi32>
    %swap3A_1121 = vector.shape_cast %add3A_1117 : vector<16xi32> to vector<16xi32>
    tpu.vector_store %arg14[%swap3A_1118], %swap3A_1121 {strides = array<i32>} : memref<32xi32, #tpu.memory_space<vmem>>, vector<16xi32>,
    %get3A_1122 = arith.constant 16 : index
    %get3A_1123 = tpu.vector_load %arg13[%get3A_1122] {strides = array<i32>} : memref<32xi32, #tpu.memory_space<vmem>>, vector<16xi32>,
    %get3A_1124 = vector.shape_cast %get3A_1123 : vector<16xi32> to vector<16xi32>
    %mul3A_1125 = arith.constant 16 : i32
    %mul3A_1126 = vector.broadcast %mul3A_1125 : i32 to vector<16xi32>
    %mul3A_1127 = arith.muli %get3A_1124, %mul3A_1126 : vector<16xi32>
    %add3A_1128 = arith.constant 6 : i32
    %add3A_1129 = vector.broadcast %add3A_1128 : i32 to vector<16xi32>
    %add3A_1130 = arith.addi %mul3A_1127, %add3A_1129 : vector<16xi32>
    %swap3A_1131 = arith.constant 16 : index
    %swap3A_1132 = tpu.vector_load %arg14[%swap3A_1131] {strides = array<i32>} : memref<32xi32, #tpu.memory_space<vmem>>, vector<16xi32>,
    %swap3A_1133 = vector.shape_cast %swap3A_1132 : vector<16xi32> to vector<16xi32>
    %swap3A_1134 = vector.shape_cast %add3A_1130 : vector<16xi32> to vector<16xi32>
    tpu.vector_store %arg14[%swap3A_1131], %swap3A_1134 {strides = array<i32>} : memref<32xi32, #tpu.memory_space<vmem>>, vector<16xi32>,
    %dma_start3A_1135 = arith.constant 0 : i32
    %dma_start3A_1136 = arith.constant 0 : i32
    %dma_start3A_1137 = tpu.memref_slice %arg7[%dma_start3A_1135, %dma_start3A_1136] : memref<16000x512xf32, #tpu.memory_space<hbm>> -> memref<16000x512xf32, #tpu.memory_space<hbm>>
    tpu.enqueue_indirect_dma source(%dma_start3A_1137 : memref<16000x512xf32, #tpu.memory_space<hbm>>) target(%arg18 : memref<32x512xf32, #tpu.memory_space<vmem>>) offsets(%arg14 : memref<32xi32, #tpu.memory_space<vmem>>) semaphore(%arg23 : memref<!tpu.dma_semaphore, #tpu.memory_space<semaphore_mem>>)
    %dma_wait3A_1138 = arith.constant 0 : i32
    %dma_wait3A_1139 = arith.constant 0 : i32
    %dma_wait3A_1140 = tpu.memref_slice %arg11[%dma_wait3A_1138, %dma_wait3A_1139] : memref<157696x512xf32, #tpu.memory_space<hbm>> -> memref<32x512xf32, #tpu.memory_space<hbm>>
    %dma_wait3A_1141 = arith.constant 0 : i32
    %dma_wait3A_1142 = arith.constant 0 : i32
    %dma_wait3A_1143 = tpu.memref_slice %arg11[%dma_wait3A_1141, %dma_wait3A_1142] : memref<157696x512xf32, #tpu.memory_space<hbm>> -> memref<32x512xf32, #tpu.memory_space<hbm>>
    tpu.wait_dma2 semaphore(%arg24 : memref<!tpu.dma_semaphore, #tpu.memory_space<semaphore_mem>>) src(%dma_wait3A_1143 : memref<32x512xf32, #tpu.memory_space<hbm>>) dst(%arg19 : memref<32x512xf32, #tpu.memory_space<vmem>>)
    %dma_start3A_1144 = arith.constant 0 : i32
    %dma_start3A_1145 = tpu.memref_slice %arg11[%add3A_793, %dma_start3A_1144] : memref<157696x512xf32, #tpu.memory_space<hbm>> -> memref<32x512xf32, #tpu.memory_space<hbm>>
    %dma_start3A_1146 = arith.constant 0 : i32
    %dma_start3A_1147 = tpu.memref_slice %arg11[%add3A_793, %dma_start3A_1146] : memref<157696x512xf32, #tpu.memory_space<hbm>> -> memref<32x512xf32, #tpu.memory_space<hbm>>
    tpu.enqueue_dma source(%arg19 : memref<32x512xf32, #tpu.memory_space<vmem>>) target(%dma_start3A_1147 : memref<32x512xf32, #tpu.memory_space<hbm>>) target_semaphore(%arg28 : memref<!tpu.dma_semaphore, #tpu.memory_space<semaphore_mem>>)
    %dma_wait3A_1148 = arith.constant 0 : i32
    %dma_wait3A_1149 = arith.constant 0 : i32
    %dma_wait3A_1150 = tpu.memref_slice %arg11[%dma_wait3A_1148, %dma_wait3A_1149] : memref<157696x512xf32, #tpu.memory_space<hbm>> -> memref<32x512xf32, #tpu.memory_space<hbm>>
    %dma_wait3A_1151 = arith.constant 0 : i32
    %dma_wait3A_1152 = arith.constant 0 : i32
    %dma_wait3A_1153 = tpu.memref_slice %arg11[%dma_wait3A_1151, %dma_wait3A_1152] : memref<157696x512xf32, #tpu.memory_space<hbm>> -> memref<32x512xf32, #tpu.memory_space<hbm>>
    tpu.wait_dma2 semaphore(%arg25 : memref<!tpu.dma_semaphore, #tpu.memory_space<semaphore_mem>>) src(%dma_wait3A_1153 : memref<32x512xf32, #tpu.memory_space<hbm>>) dst(%arg20 : memref<32x512xf32, #tpu.memory_space<vmem>>)
    %dma_start3A_1154 = arith.constant 0 : i32
    %dma_start3A_1155 = tpu.memref_slice %arg11[%add3A_795, %dma_start3A_1154] : memref<157696x512xf32, #tpu.memory_space<hbm>> -> memref<32x512xf32, #tpu.memory_space<hbm>>
    %dma_start3A_1156 = arith.constant 0 : i32
    %dma_start3A_1157 = tpu.memref_slice %arg11[%add3A_795, %dma_start3A_1156] : memref<157696x512xf32, #tpu.memory_space<hbm>> -> memref<32x512xf32, #tpu.memory_space<hbm>>
    tpu.enqueue_dma source(%arg20 : memref<32x512xf32, #tpu.memory_space<vmem>>) target(%dma_start3A_1157 : memref<32x512xf32, #tpu.memory_space<hbm>>) target_semaphore(%arg29 : memref<!tpu.dma_semaphore, #tpu.memory_space<semaphore_mem>>)
    %dma_wait3A_1158 = arith.constant 0 : i32
    %dma_wait3A_1159 = arith.constant 0 : i32
    %dma_wait3A_1160 = tpu.memref_slice %arg11[%dma_wait3A_1158, %dma_wait3A_1159] : memref<157696x512xf32, #tpu.memory_space<hbm>> -> memref<32x512xf32, #tpu.memory_space<hbm>>
    %dma_wait3A_1161 = arith.constant 0 : i32
    %dma_wait3A_1162 = arith.constant 0 : i32
    %dma_wait3A_1163 = tpu.memref_slice %arg11[%dma_wait3A_1161, %dma_wait3A_1162] : memref<157696x512xf32, #tpu.memory_space<hbm>> -> memref<32x512xf32, #tpu.memory_space<hbm>>
    tpu.wait_dma2 semaphore(%arg26 : memref<!tpu.dma_semaphore, #tpu.memory_space<semaphore_mem>>) src(%dma_wait3A_1163 : memref<32x512xf32, #tpu.memory_space<hbm>>) dst(%arg21 : memref<32x512xf32, #tpu.memory_space<vmem>>)
    %dma_start3A_1164 = arith.constant 0 : i32
    %dma_start3A_1165 = tpu.memref_slice %arg11[%add3A_797, %dma_start3A_1164] : memref<157696x512xf32, #tpu.memory_space<hbm>> -> memref<32x512xf32, #tpu.memory_space<hbm>>
    %dma_start3A_1166 = arith.constant 0 : i32
    %dma_start3A_1167 = tpu.memref_slice %arg11[%add3A_797, %dma_start3A_1166] : memref<157696x512xf32, #tpu.memory_space<hbm>> -> memref<32x512xf32, #tpu.memory_space<hbm>>
    tpu.enqueue_dma source(%arg21 : memref<32x512xf32, #tpu.memory_space<vmem>>) target(%dma_start3A_1167 : memref<32x512xf32, #tpu.memory_space<hbm>>) target_semaphore(%arg30 : memref<!tpu.dma_semaphore, #tpu.memory_space<semaphore_mem>>)
    %dma_wait3A_1168 = arith.constant 0 : i32
    %dma_wait3A_1169 = arith.constant 0 : i32
    %dma_wait3A_1170 = tpu.memref_slice %arg11[%dma_wait3A_1168, %dma_wait3A_1169] : memref<157696x512xf32, #tpu.memory_space<hbm>> -> memref<32x512xf32, #tpu.memory_space<hbm>>
    %dma_wait3A_1171 = arith.constant 0 : i32
    %dma_wait3A_1172 = arith.constant 0 : i32
    %dma_wait3A_1173 = tpu.memref_slice %arg11[%dma_wait3A_1171, %dma_wait3A_1172] : memref<157696x512xf32, #tpu.memory_space<hbm>> -> memref<32x512xf32, #tpu.memory_space<hbm>>
    tpu.wait_dma2 semaphore(%arg23 : memref<!tpu.dma_semaphore, #tpu.memory_space<semaphore_mem>>) src(%dma_wait3A_1173 : memref<32x512xf32, #tpu.memory_space<hbm>>) dst(%arg18 : memref<32x512xf32, #tpu.memory_space<vmem>>)
    %dma_start3A_1174 = arith.constant 0 : i32
    %dma_start3A_1175 = tpu.memref_slice %arg11[%add3A_799, %dma_start3A_1174] : memref<157696x512xf32, #tpu.memory_space<hbm>> -> memref<32x512xf32, #tpu.memory_space<hbm>>
    %dma_start3A_1176 = arith.constant 0 : i32
    %dma_start3A_1177 = tpu.memref_slice %arg11[%add3A_799, %dma_start3A_1176] : memref<157696x512xf32, #tpu.memory_space<hbm>> -> memref<32x512xf32, #tpu.memory_space<hbm>>
    tpu.enqueue_dma source(%arg18 : memref<32x512xf32, #tpu.memory_space<vmem>>) target(%dma_start3A_1177 : memref<32x512xf32, #tpu.memory_space<hbm>>) target_semaphore(%arg27 : memref<!tpu.dma_semaphore, #tpu.memory_space<semaphore_mem>>)
    %dma_wait3A_1178 = arith.constant 0 : i32
    %dma_wait3A_1179 = arith.constant 0 : i32
    %dma_wait3A_1180 = tpu.memref_slice %arg11[%dma_wait3A_1178, %dma_wait3A_1179] : memref<157696x512xf32, #tpu.memory_space<hbm>> -> memref<32x512xf32, #tpu.memory_space<hbm>>
    %dma_wait3A_1181 = arith.constant 0 : i32
    %dma_wait3A_1182 = arith.constant 0 : i32
    %dma_wait3A_1183 = tpu.memref_slice %arg11[%dma_wait3A_1181, %dma_wait3A_1182] : memref<157696x512xf32, #tpu.memory_space<hbm>> -> memref<32x512xf32, #tpu.memory_space<hbm>>
    tpu.wait_dma2 semaphore(%arg28 : memref<!tpu.dma_semaphore, #tpu.memory_space<semaphore_mem>>) src(%arg19 : memref<32x512xf32, #tpu.memory_space<vmem>>) dst(%dma_wait3A_1183 : memref<32x512xf32, #tpu.memory_space<hbm>>)
    %get3A_1184 = arith.constant 0 : index
    %get3A_1185 = tpu.vector_load %arg13[%get3A_1184] {strides = array<i32>} : memref<32xi32, #tpu.memory_space<vmem>>, vector<16xi32>,
    %get3A_1186 = vector.shape_cast %get3A_1185 : vector<16xi32> to vector<16xi32>
    %mul3A_1187 = arith.constant 16 : i32
    %mul3A_1188 = vector.broadcast %mul3A_1187 : i32 to vector<16xi32>
    %mul3A_1189 = arith.muli %get3A_1186, %mul3A_1188 : vector<16xi32>
    %add3A_1190 = arith.constant 7 : i32
    %add3A_1191 = vector.broadcast %add3A_1190 : i32 to vector<16xi32>
    %add3A_1192 = arith.addi %mul3A_1189, %add3A_1191 : vector<16xi32>
    %swap3A_1193 = arith.constant 0 : index
    %swap3A_1194 = tpu.vector_load %arg15[%swap3A_1193] {strides = array<i32>} : memref<32xi32, #tpu.memory_space<vmem>>, vector<16xi32>,
    %swap3A_1195 = vector.shape_cast %swap3A_1194 : vector<16xi32> to vector<16xi32>
    %swap3A_1196 = vector.shape_cast %add3A_1192 : vector<16xi32> to vector<16xi32>
    tpu.vector_store %arg15[%swap3A_1193], %swap3A_1196 {strides = array<i32>} : memref<32xi32, #tpu.memory_space<vmem>>, vector<16xi32>,
    %get3A_1197 = arith.constant 16 : index
    %get3A_1198 = tpu.vector_load %arg13[%get3A_1197] {strides = array<i32>} : memref<32xi32, #tpu.memory_space<vmem>>, vector<16xi32>,
    %get3A_1199 = vector.shape_cast %get3A_1198 : vector<16xi32> to vector<16xi32>
    %mul3A_1200 = arith.constant 16 : i32
    %mul3A_1201 = vector.broadcast %mul3A_1200 : i32 to vector<16xi32>
    %mul3A_1202 = arith.muli %get3A_1199, %mul3A_1201 : vector<16xi32>
    %add3A_1203 = arith.constant 7 : i32
    %add3A_1204 = vector.broadcast %add3A_1203 : i32 to vector<16xi32>
    %add3A_1205 = arith.addi %mul3A_1202, %add3A_1204 : vector<16xi32>
    %swap3A_1206 = arith.constant 16 : index
    %swap3A_1207 = tpu.vector_load %arg15[%swap3A_1206] {strides = array<i32>} : memref<32xi32, #tpu.memory_space<vmem>>, vector<16xi32>,
    %swap3A_1208 = vector.shape_cast %swap3A_1207 : vector<16xi32> to vector<16xi32>
    %swap3A_1209 = vector.shape_cast %add3A_1205 : vector<16xi32> to vector<16xi32>
    tpu.vector_store %arg15[%swap3A_1206], %swap3A_1209 {strides = array<i32>} : memref<32xi32, #tpu.memory_space<vmem>>, vector<16xi32>,
    %dma_start3A_1210 = arith.constant 0 : i32
    %dma_start3A_1211 = arith.constant 0 : i32
    %dma_start3A_1212 = tpu.memref_slice %arg7[%dma_start3A_1210, %dma_start3A_1211] : memref<16000x512xf32, #tpu.memory_space<hbm>> -> memref<16000x512xf32, #tpu.memory_space<hbm>>
    tpu.enqueue_indirect_dma source(%dma_start3A_1212 : memref<16000x512xf32, #tpu.memory_space<hbm>>) target(%arg19 : memref<32x512xf32, #tpu.memory_space<vmem>>) offsets(%arg15 : memref<32xi32, #tpu.memory_space<vmem>>) semaphore(%arg24 : memref<!tpu.dma_semaphore, #tpu.memory_space<semaphore_mem>>)
    %dma_wait3A_1213 = arith.constant 0 : i32
    %dma_wait3A_1214 = arith.constant 0 : i32
    %dma_wait3A_1215 = tpu.memref_slice %arg11[%dma_wait3A_1213, %dma_wait3A_1214] : memref<157696x512xf32, #tpu.memory_space<hbm>> -> memref<32x512xf32, #tpu.memory_space<hbm>>
    %dma_wait3A_1216 = arith.constant 0 : i32
    %dma_wait3A_1217 = arith.constant 0 : i32
    %dma_wait3A_1218 = tpu.memref_slice %arg11[%dma_wait3A_1216, %dma_wait3A_1217] : memref<157696x512xf32, #tpu.memory_space<hbm>> -> memref<32x512xf32, #tpu.memory_space<hbm>>
    tpu.wait_dma2 semaphore(%arg29 : memref<!tpu.dma_semaphore, #tpu.memory_space<semaphore_mem>>) src(%arg20 : memref<32x512xf32, #tpu.memory_space<vmem>>) dst(%dma_wait3A_1218 : memref<32x512xf32, #tpu.memory_space<hbm>>)
    %get3A_1219 = arith.constant 0 : index
    %get3A_1220 = tpu.vector_load %arg13[%get3A_1219] {strides = array<i32>} : memref<32xi32, #tpu.memory_space<vmem>>, vector<16xi32>,
    %get3A_1221 = vector.shape_cast %get3A_1220 : vector<16xi32> to vector<16xi32>
    %mul3A_1222 = arith.constant 16 : i32
    %mul3A_1223 = vector.broadcast %mul3A_1222 : i32 to vector<16xi32>
    %mul3A_1224 = arith.muli %get3A_1221, %mul3A_1223 : vector<16xi32>
    %add3A_1225 = arith.constant 8 : i32
    %add3A_1226 = vector.broadcast %add3A_1225 : i32 to vector<16xi32>
    %add3A_1227 = arith.addi %mul3A_1224, %add3A_1226 : vector<16xi32>
    %swap3A_1228 = arith.constant 0 : index
    %swap3A_1229 = tpu.vector_load %arg16[%swap3A_1228] {strides = array<i32>} : memref<32xi32, #tpu.memory_space<vmem>>, vector<16xi32>,
    %swap3A_1230 = vector.shape_cast %swap3A_1229 : vector<16xi32> to vector<16xi32>
    %swap3A_1231 = vector.shape_cast %add3A_1227 : vector<16xi32> to vector<16xi32>
    tpu.vector_store %arg16[%swap3A_1228], %swap3A_1231 {strides = array<i32>} : memref<32xi32, #tpu.memory_space<vmem>>, vector<16xi32>,
    %get3A_1232 = arith.constant 16 : index
    %get3A_1233 = tpu.vector_load %arg13[%get3A_1232] {strides = array<i32>} : memref<32xi32, #tpu.memory_space<vmem>>, vector<16xi32>,
    %get3A_1234 = vector.shape_cast %get3A_1233 : vector<16xi32> to vector<16xi32>
    %mul3A_1235 = arith.constant 16 : i32
    %mul3A_1236 = vector.broadcast %mul3A_1235 : i32 to vector<16xi32>
    %mul3A_1237 = arith.muli %get3A_1234, %mul3A_1236 : vector<16xi32>
    %add3A_1238 = arith.constant 8 : i32
    %add3A_1239 = vector.broadcast %add3A_1238 : i32 to vector<16xi32>
    %add3A_1240 = arith.addi %mul3A_1237, %add3A_1239 : vector<16xi32>
    %swap3A_1241 = arith.constant 16 : index
    %swap3A_1242 = tpu.vector_load %arg16[%swap3A_1241] {strides = array<i32>} : memref<32xi32, #tpu.memory_space<vmem>>, vector<16xi32>,
    %swap3A_1243 = vector.shape_cast %swap3A_1242 : vector<16xi32> to vector<16xi32>
    %swap3A_1244 = vector.shape_cast %add3A_1240 : vector<16xi32> to vector<16xi32>
    tpu.vector_store %arg16[%swap3A_1241], %swap3A_1244 {strides = array<i32>} : memref<32xi32, #tpu.memory_space<vmem>>, vector<16xi32>,
    %dma_start3A_1245 = arith.constant 0 : i32
    %dma_start3A_1246 = arith.constant 0 : i32
    %dma_start3A_1247 = tpu.memref_slice %arg7[%dma_start3A_1245, %dma_start3A_1246] : memref<16000x512xf32, #tpu.memory_space<hbm>> -> memref<16000x512xf32, #tpu.memory_space<hbm>>
    tpu.enqueue_indirect_dma source(%dma_start3A_1247 : memref<16000x512xf32, #tpu.memory_space<hbm>>) target(%arg20 : memref<32x512xf32, #tpu.memory_space<vmem>>) offsets(%arg16 : memref<32xi32, #tpu.memory_space<vmem>>) semaphore(%arg25 : memref<!tpu.dma_semaphore, #tpu.memory_space<semaphore_mem>>)
    %dma_wait3A_1248 = arith.constant 0 : i32
    %dma_wait3A_1249 = arith.constant 0 : i32
    %dma_wait3A_1250 = tpu.memref_slice %arg11[%dma_wait3A_1248, %dma_wait3A_1249] : memref<157696x512xf32, #tpu.memory_space<hbm>> -> memref<32x512xf32, #tpu.memory_space<hbm>>
    %dma_wait3A_1251 = arith.constant 0 : i32
    %dma_wait3A_1252 = arith.constant 0 : i32
    %dma_wait3A_1253 = tpu.memref_slice %arg11[%dma_wait3A_1251, %dma_wait3A_1252] : memref<157696x512xf32, #tpu.memory_space<hbm>> -> memref<32x512xf32, #tpu.memory_space<hbm>>
    tpu.wait_dma2 semaphore(%arg30 : memref<!tpu.dma_semaphore, #tpu.memory_space<semaphore_mem>>) src(%arg21 : memref<32x512xf32, #tpu.memory_space<vmem>>) dst(%dma_wait3A_1253 : memref<32x512xf32, #tpu.memory_space<hbm>>)
    %get3A_1254 = arith.constant 0 : index
    %get3A_1255 = tpu.vector_load %arg13[%get3A_1254] {strides = array<i32>} : memref<32xi32, #tpu.memory_space<vmem>>, vector<16xi32>,
    %get3A_1256 = vector.shape_cast %get3A_1255 : vector<16xi32> to vector<16xi32>
    %mul3A_1257 = arith.constant 16 : i32
    %mul3A_1258 = vector.broadcast %mul3A_1257 : i32 to vector<16xi32>
    %mul3A_1259 = arith.muli %get3A_1256, %mul3A_1258 : vector<16xi32>
    %add3A_1260 = arith.constant 9 : i32
    %add3A_1261 = vector.broadcast %add3A_1260 : i32 to vector<16xi32>
    %add3A_1262 = arith.addi %mul3A_1259, %add3A_1261 : vector<16xi32>
    %swap3A_1263 = arith.constant 0 : index
    %swap3A_1264 = tpu.vector_load %arg17[%swap3A_1263] {strides = array<i32>} : memref<32xi32, #tpu.memory_space<vmem>>, vector<16xi32>,
    %swap3A_1265 = vector.shape_cast %swap3A_1264 : vector<16xi32> to vector<16xi32>
    %swap3A_1266 = vector.shape_cast %add3A_1262 : vector<16xi32> to vector<16xi32>
    tpu.vector_store %arg17[%swap3A_1263], %swap3A_1266 {strides = array<i32>} : memref<32xi32, #tpu.memory_space<vmem>>, vector<16xi32>,
    %get3A_1267 = arith.constant 16 : index
    %get3A_1268 = tpu.vector_load %arg13[%get3A_1267] {strides = array<i32>} : memref<32xi32, #tpu.memory_space<vmem>>, vector<16xi32>,
    %get3A_1269 = vector.shape_cast %get3A_1268 : vector<16xi32> to vector<16xi32>
    %mul3A_1270 = arith.constant 16 : i32
    %mul3A_1271 = vector.broadcast %mul3A_1270 : i32 to vector<16xi32>
    %mul3A_1272 = arith.muli %get3A_1269, %mul3A_1271 : vector<16xi32>
    %add3A_1273 = arith.constant 9 : i32
    %add3A_1274 = vector.broadcast %add3A_1273 : i32 to vector<16xi32>
    %add3A_1275 = arith.addi %mul3A_1272, %add3A_1274 : vector<16xi32>
    %swap3A_1276 = arith.constant 16 : index
    %swap3A_1277 = tpu.vector_load %arg17[%swap3A_1276] {strides = array<i32>} : memref<32xi32, #tpu.memory_space<vmem>>, vector<16xi32>,
    %swap3A_1278 = vector.shape_cast %swap3A_1277 : vector<16xi32> to vector<16xi32>
    %swap3A_1279 = vector.shape_cast %add3A_1275 : vector<16xi32> to vector<16xi32>
    tpu.vector_store %arg17[%swap3A_1276], %swap3A_1279 {strides = array<i32>} : memref<32xi32, #tpu.memory_space<vmem>>, vector<16xi32>,
    %dma_start3A_1280 = arith.constant 0 : i32
    %dma_start3A_1281 = arith.constant 0 : i32
    %dma_start3A_1282 = tpu.memref_slice %arg7[%dma_start3A_1280, %dma_start3A_1281] : memref<16000x512xf32, #tpu.memory_space<hbm>> -> memref<16000x512xf32, #tpu.memory_space<hbm>>
    tpu.enqueue_indirect_dma source(%dma_start3A_1282 : memref<16000x512xf32, #tpu.memory_space<hbm>>) target(%arg21 : memref<32x512xf32, #tpu.memory_space<vmem>>) offsets(%arg17 : memref<32xi32, #tpu.memory_space<vmem>>) semaphore(%arg26 : memref<!tpu.dma_semaphore, #tpu.memory_space<semaphore_mem>>)
    %dma_wait3A_1283 = arith.constant 0 : i32
    %dma_wait3A_1284 = arith.constant 0 : i32
    %dma_wait3A_1285 = tpu.memref_slice %arg11[%dma_wait3A_1283, %dma_wait3A_1284] : memref<157696x512xf32, #tpu.memory_space<hbm>> -> memref<32x512xf32, #tpu.memory_space<hbm>>
    %dma_wait3A_1286 = arith.constant 0 : i32
    %dma_wait3A_1287 = arith.constant 0 : i32
    %dma_wait3A_1288 = tpu.memref_slice %arg11[%dma_wait3A_1286, %dma_wait3A_1287] : memref<157696x512xf32, #tpu.memory_space<hbm>> -> memref<32x512xf32, #tpu.memory_space<hbm>>
    tpu.wait_dma2 semaphore(%arg27 : memref<!tpu.dma_semaphore, #tpu.memory_space<semaphore_mem>>) src(%arg18 : memref<32x512xf32, #tpu.memory_space<vmem>>) dst(%dma_wait3A_1288 : memref<32x512xf32, #tpu.memory_space<hbm>>)
    %get3A_1289 = arith.constant 0 : index
    %get3A_1290 = tpu.vector_load %arg13[%get3A_1289] {strides = array<i32>} : memref<32xi32, #tpu.memory_space<vmem>>, vector<16xi32>,
    %get3A_1291 = vector.shape_cast %get3A_1290 : vector<16xi32> to vector<16xi32>
    %mul3A_1292 = arith.constant 16 : i32
    %mul3A_1293 = vector.broadcast %mul3A_1292 : i32 to vector<16xi32>
    %mul3A_1294 = arith.muli %get3A_1291, %mul3A_1293 : vector<16xi32>
    %add3A_1295 = arith.constant 10 : i32
    %add3A_1296 = vector.broadcast %add3A_1295 : i32 to vector<16xi32>
    %add3A_1297 = arith.addi %mul3A_1294, %add3A_1296 : vector<16xi32>
    %swap3A_1298 = arith.constant 0 : index
    %swap3A_1299 = tpu.vector_load %arg14[%swap3A_1298] {strides = array<i32>} : memref<32xi32, #tpu.memory_space<vmem>>, vector<16xi32>,
    %swap3A_1300 = vector.shape_cast %swap3A_1299 : vector<16xi32> to vector<16xi32>
    %swap3A_1301 = vector.shape_cast %add3A_1297 : vector<16xi32> to vector<16xi32>
    tpu.vector_store %arg14[%swap3A_1298], %swap3A_1301 {strides = array<i32>} : memref<32xi32, #tpu.memory_space<vmem>>, vector<16xi32>,
    %get3A_1302 = arith.constant 16 : index
    %get3A_1303 = tpu.vector_load %arg13[%get3A_1302] {strides = array<i32>} : memref<32xi32, #tpu.memory_space<vmem>>, vector<16xi32>,
    %get3A_1304 = vector.shape_cast %get3A_1303 : vector<16xi32> to vector<16xi32>
    %mul3A_1305 = arith.constant 16 : i32
    %mul3A_1306 = vector.broadcast %mul3A_1305 : i32 to vector<16xi32>
    %mul3A_1307 = arith.muli %get3A_1304, %mul3A_1306 : vector<16xi32>
    %add3A_1308 = arith.constant 10 : i32
    %add3A_1309 = vector.broadcast %add3A_1308 : i32 to vector<16xi32>
    %add3A_1310 = arith.addi %mul3A_1307, %add3A_1309 : vector<16xi32>
    %swap3A_1311 = arith.constant 16 : index
    %swap3A_1312 = tpu.vector_load %arg14[%swap3A_1311] {strides = array<i32>} : memref<32xi32, #tpu.memory_space<vmem>>, vector<16xi32>,
    %swap3A_1313 = vector.shape_cast %swap3A_1312 : vector<16xi32> to vector<16xi32>
    %swap3A_1314 = vector.shape_cast %add3A_1310 : vector<16xi32> to vector<16xi32>
    tpu.vector_store %arg14[%swap3A_1311], %swap3A_1314 {strides = array<i32>} : memref<32xi32, #tpu.memory_space<vmem>>, vector<16xi32>,
    %dma_start3A_1315 = arith.constant 0 : i32
    %dma_start3A_1316 = arith.constant 0 : i32
    %dma_start3A_1317 = tpu.memref_slice %arg7[%dma_start3A_1315, %dma_start3A_1316] : memref<16000x512xf32, #tpu.memory_space<hbm>> -> memref<16000x512xf32, #tpu.memory_space<hbm>>
    tpu.enqueue_indirect_dma source(%dma_start3A_1317 : memref<16000x512xf32, #tpu.memory_space<hbm>>) target(%arg18 : memref<32x512xf32, #tpu.memory_space<vmem>>) offsets(%arg14 : memref<32xi32, #tpu.memory_space<vmem>>) semaphore(%arg23 : memref<!tpu.dma_semaphore, #tpu.memory_space<semaphore_mem>>)
    %dma_wait3A_1318 = arith.constant 0 : i32
    %dma_wait3A_1319 = arith.constant 0 : i32
    %dma_wait3A_1320 = tpu.memref_slice %arg11[%dma_wait3A_1318, %dma_wait3A_1319] : memref<157696x512xf32, #tpu.memory_space<hbm>> -> memref<32x512xf32, #tpu.memory_space<hbm>>
    %dma_wait3A_1321 = arith.constant 0 : i32
    %dma_wait3A_1322 = arith.constant 0 : i32
    %dma_wait3A_1323 = tpu.memref_slice %arg11[%dma_wait3A_1321, %dma_wait3A_1322] : memref<157696x512xf32, #tpu.memory_space<hbm>> -> memref<32x512xf32, #tpu.memory_space<hbm>>
    tpu.wait_dma2 semaphore(%arg24 : memref<!tpu.dma_semaphore, #tpu.memory_space<semaphore_mem>>) src(%dma_wait3A_1323 : memref<32x512xf32, #tpu.memory_space<hbm>>) dst(%arg19 : memref<32x512xf32, #tpu.memory_space<vmem>>)
    %dma_start3A_1324 = arith.constant 0 : i32
    %dma_start3A_1325 = tpu.memref_slice %arg11[%add3A_801, %dma_start3A_1324] : memref<157696x512xf32, #tpu.memory_space<hbm>> -> memref<32x512xf32, #tpu.memory_space<hbm>>
    %dma_start3A_1326 = arith.constant 0 : i32
    %dma_start3A_1327 = tpu.memref_slice %arg11[%add3A_801, %dma_start3A_1326] : memref<157696x512xf32, #tpu.memory_space<hbm>> -> memref<32x512xf32, #tpu.memory_space<hbm>>
    tpu.enqueue_dma source(%arg19 : memref<32x512xf32, #tpu.memory_space<vmem>>) target(%dma_start3A_1327 : memref<32x512xf32, #tpu.memory_space<hbm>>) target_semaphore(%arg28 : memref<!tpu.dma_semaphore, #tpu.memory_space<semaphore_mem>>)
    %dma_wait3A_1328 = arith.constant 0 : i32
    %dma_wait3A_1329 = arith.constant 0 : i32
    %dma_wait3A_1330 = tpu.memref_slice %arg11[%dma_wait3A_1328, %dma_wait3A_1329] : memref<157696x512xf32, #tpu.memory_space<hbm>> -> memref<32x512xf32, #tpu.memory_space<hbm>>
    %dma_wait3A_1331 = arith.constant 0 : i32
    %dma_wait3A_1332 = arith.constant 0 : i32
    %dma_wait3A_1333 = tpu.memref_slice %arg11[%dma_wait3A_1331, %dma_wait3A_1332] : memref<157696x512xf32, #tpu.memory_space<hbm>> -> memref<32x512xf32, #tpu.memory_space<hbm>>
    tpu.wait_dma2 semaphore(%arg25 : memref<!tpu.dma_semaphore, #tpu.memory_space<semaphore_mem>>) src(%dma_wait3A_1333 : memref<32x512xf32, #tpu.memory_space<hbm>>) dst(%arg20 : memref<32x512xf32, #tpu.memory_space<vmem>>)
    %dma_start3A_1334 = arith.constant 0 : i32
    %dma_start3A_1335 = tpu.memref_slice %arg11[%add3A_803, %dma_start3A_1334] : memref<157696x512xf32, #tpu.memory_space<hbm>> -> memref<32x512xf32, #tpu.memory_space<hbm>>
    %dma_start3A_1336 = arith.constant 0 : i32
    %dma_start3A_1337 = tpu.memref_slice %arg11[%add3A_803, %dma_start3A_1336] : memref<157696x512xf32, #tpu.memory_space<hbm>> -> memref<32x512xf32, #tpu.memory_space<hbm>>
    tpu.enqueue_dma source(%arg20 : memref<32x512xf32, #tpu.memory_space<vmem>>) target(%dma_start3A_1337 : memref<32x512xf32, #tpu.memory_space<hbm>>) target_semaphore(%arg29 : memref<!tpu.dma_semaphore, #tpu.memory_space<semaphore_mem>>)
    %dma_wait3A_1338 = arith.constant 0 : i32
    %dma_wait3A_1339 = arith.constant 0 : i32
    %dma_wait3A_1340 = tpu.memref_slice %arg11[%dma_wait3A_1338, %dma_wait3A_1339] : memref<157696x512xf32, #tpu.memory_space<hbm>> -> memref<32x512xf32, #tpu.memory_space<hbm>>
    %dma_wait3A_1341 = arith.constant 0 : i32
    %dma_wait3A_1342 = arith.constant 0 : i32
    %dma_wait3A_1343 = tpu.memref_slice %arg11[%dma_wait3A_1341, %dma_wait3A_1342] : memref<157696x512xf32, #tpu.memory_space<hbm>> -> memref<32x512xf32, #tpu.memory_space<hbm>>
    tpu.wait_dma2 semaphore(%arg26 : memref<!tpu.dma_semaphore, #tpu.memory_space<semaphore_mem>>) src(%dma_wait3A_1343 : memref<32x512xf32, #tpu.memory_space<hbm>>) dst(%arg21 : memref<32x512xf32, #tpu.memory_space<vmem>>)
    %dma_start3A_1344 = arith.constant 0 : i32
    %dma_start3A_1345 = tpu.memref_slice %arg11[%add3A_805, %dma_start3A_1344] : memref<157696x512xf32, #tpu.memory_space<hbm>> -> memref<32x512xf32, #tpu.memory_space<hbm>>
    %dma_start3A_1346 = arith.constant 0 : i32
    %dma_start3A_1347 = tpu.memref_slice %arg11[%add3A_805, %dma_start3A_1346] : memref<157696x512xf32, #tpu.memory_space<hbm>> -> memref<32x512xf32, #tpu.memory_space<hbm>>
    tpu.enqueue_dma source(%arg21 : memref<32x512xf32, #tpu.memory_space<vmem>>) target(%dma_start3A_1347 : memref<32x512xf32, #tpu.memory_space<hbm>>) target_semaphore(%arg30 : memref<!tpu.dma_semaphore, #tpu.memory_space<semaphore_mem>>)
    %dma_wait3A_1348 = arith.constant 0 : i32
    %dma_wait3A_1349 = arith.constant 0 : i32
    %dma_wait3A_1350 = tpu.memref_slice %arg11[%dma_wait3A_1348, %dma_wait3A_1349] : memref<157696x512xf32, #tpu.memory_space<hbm>> -> memref<32x512xf32, #tpu.memory_space<hbm>>
    %dma_wait3A_1351 = arith.constant 0 : i32
    %dma_wait3A_1352 = arith.constant 0 : i32
    %dma_wait3A_1353 = tpu.memref_slice %arg11[%dma_wait3A_1351, %dma_wait3A_1352] : memref<157696x512xf32, #tpu.memory_space<hbm>> -> memref<32x512xf32, #tpu.memory_space<hbm>>
    tpu.wait_dma2 semaphore(%arg23 : memref<!tpu.dma_semaphore, #tpu.memory_space<semaphore_mem>>) src(%dma_wait3A_1353 : memref<32x512xf32, #tpu.memory_space<hbm>>) dst(%arg18 : memref<32x512xf32, #tpu.memory_space<vmem>>)
    %dma_start3A_1354 = arith.constant 0 : i32
    %dma_start3A_1355 = tpu.memref_slice %arg11[%add3A_807, %dma_start3A_1354] : memref<157696x512xf32, #tpu.memory_space<hbm>> -> memref<32x512xf32, #tpu.memory_space<hbm>>
    %dma_start3A_1356 = arith.constant 0 : i32
    %dma_start3A_1357 = tpu.memref_slice %arg11[%add3A_807, %dma_start3A_1356] : memref<157696x512xf32, #tpu.memory_space<hbm>> -> memref<32x512xf32, #tpu.memory_space<hbm>>
    tpu.enqueue_dma source(%arg18 : memref<32x512xf32, #tpu.memory_space<vmem>>) target(%dma_start3A_1357 : memref<32x512xf32, #tpu.memory_space<hbm>>) target_semaphore(%arg27 : memref<!tpu.dma_semaphore, #tpu.memory_space<semaphore_mem>>)
    %dma_wait3A_1358 = arith.constant 0 : i32
    %dma_wait3A_1359 = arith.constant 0 : i32
    %dma_wait3A_1360 = tpu.memref_slice %arg11[%dma_wait3A_1358, %dma_wait3A_1359] : memref<157696x512xf32, #tpu.memory_space<hbm>> -> memref<32x512xf32, #tpu.memory_space<hbm>>
    %dma_wait3A_1361 = arith.constant 0 : i32
    %dma_wait3A_1362 = arith.constant 0 : i32
    %dma_wait3A_1363 = tpu.memref_slice %arg11[%dma_wait3A_1361, %dma_wait3A_1362] : memref<157696x512xf32, #tpu.memory_space<hbm>> -> memref<32x512xf32, #tpu.memory_space<hbm>>
    tpu.wait_dma2 semaphore(%arg28 : memref<!tpu.dma_semaphore, #tpu.memory_space<semaphore_mem>>) src(%arg19 : memref<32x512xf32, #tpu.memory_space<vmem>>) dst(%dma_wait3A_1363 : memref<32x512xf32, #tpu.memory_space<hbm>>)
    %get3A_1364 = arith.constant 0 : index
    %get3A_1365 = tpu.vector_load %arg13[%get3A_1364] {strides = array<i32>} : memref<32xi32, #tpu.memory_space<vmem>>, vector<16xi32>,
    %get3A_1366 = vector.shape_cast %get3A_1365 : vector<16xi32> to vector<16xi32>
    %mul3A_1367 = arith.constant 16 : i32
    %mul3A_1368 = vector.broadcast %mul3A_1367 : i32 to vector<16xi32>
    %mul3A_1369 = arith.muli %get3A_1366, %mul3A_1368 : vector<16xi32>
    %add3A_1370 = arith.constant 11 : i32
    %add3A_1371 = vector.broadcast %add3A_1370 : i32 to vector<16xi32>
    %add3A_1372 = arith.addi %mul3A_1369, %add3A_1371 : vector<16xi32>
    %swap3A_1373 = arith.constant 0 : index
    %swap3A_1374 = tpu.vector_load %arg15[%swap3A_1373] {strides = array<i32>} : memref<32xi32, #tpu.memory_space<vmem>>, vector<16xi32>,
    %swap3A_1375 = vector.shape_cast %swap3A_1374 : vector<16xi32> to vector<16xi32>
    %swap3A_1376 = vector.shape_cast %add3A_1372 : vector<16xi32> to vector<16xi32>
    tpu.vector_store %arg15[%swap3A_1373], %swap3A_1376 {strides = array<i32>} : memref<32xi32, #tpu.memory_space<vmem>>, vector<16xi32>,
    %get3A_1377 = arith.constant 16 : index
    %get3A_1378 = tpu.vector_load %arg13[%get3A_1377] {strides = array<i32>} : memref<32xi32, #tpu.memory_space<vmem>>, vector<16xi32>,
    %get3A_1379 = vector.shape_cast %get3A_1378 : vector<16xi32> to vector<16xi32>
    %mul3A_1380 = arith.constant 16 : i32
    %mul3A_1381 = vector.broadcast %mul3A_1380 : i32 to vector<16xi32>
    %mul3A_1382 = arith.muli %get3A_1379, %mul3A_1381 : vector<16xi32>
    %add3A_1383 = arith.constant 11 : i32
    %add3A_1384 = vector.broadcast %add3A_1383 : i32 to vector<16xi32>
    %add3A_1385 = arith.addi %mul3A_1382, %add3A_1384 : vector<16xi32>
    %swap3A_1386 = arith.constant 16 : index
    %swap3A_1387 = tpu.vector_load %arg15[%swap3A_1386] {strides = array<i32>} : memref<32xi32, #tpu.memory_space<vmem>>, vector<16xi32>,
    %swap3A_1388 = vector.shape_cast %swap3A_1387 : vector<16xi32> to vector<16xi32>
    %swap3A_1389 = vector.shape_cast %add3A_1385 : vector<16xi32> to vector<16xi32>
    tpu.vector_store %arg15[%swap3A_1386], %swap3A_1389 {strides = array<i32>} : memref<32xi32, #tpu.memory_space<vmem>>, vector<16xi32>,
    %dma_start3A_1390 = arith.constant 0 : i32
    %dma_start3A_1391 = arith.constant 0 : i32
    %dma_start3A_1392 = tpu.memref_slice %arg7[%dma_start3A_1390, %dma_start3A_1391] : memref<16000x512xf32, #tpu.memory_space<hbm>> -> memref<16000x512xf32, #tpu.memory_space<hbm>>
    tpu.enqueue_indirect_dma source(%dma_start3A_1392 : memref<16000x512xf32, #tpu.memory_space<hbm>>) target(%arg19 : memref<32x512xf32, #tpu.memory_space<vmem>>) offsets(%arg15 : memref<32xi32, #tpu.memory_space<vmem>>) semaphore(%arg24 : memref<!tpu.dma_semaphore, #tpu.memory_space<semaphore_mem>>)
    %dma_wait3A_1393 = arith.constant 0 : i32
    %dma_wait3A_1394 = arith.constant 0 : i32
    %dma_wait3A_1395 = tpu.memref_slice %arg11[%dma_wait3A_1393, %dma_wait3A_1394] : memref<157696x512xf32, #tpu.memory_space<hbm>> -> memref<32x512xf32, #tpu.memory_space<hbm>>
    %dma_wait3A_1396 = arith.constant 0 : i32
    %dma_wait3A_1397 = arith.constant 0 : i32
    %dma_wait3A_1398 = tpu.memref_slice %arg11[%dma_wait3A_1396, %dma_wait3A_1397] : memref<157696x512xf32, #tpu.memory_space<hbm>> -> memref<32x512xf32, #tpu.memory_space<hbm>>
    tpu.wait_dma2 semaphore(%arg29 : memref<!tpu.dma_semaphore, #tpu.memory_space<semaphore_mem>>) src(%arg20 : memref<32x512xf32, #tpu.memory_space<vmem>>) dst(%dma_wait3A_1398 : memref<32x512xf32, #tpu.memory_space<hbm>>)
    %get3A_1399 = arith.constant 0 : index
    %get3A_1400 = tpu.vector_load %arg13[%get3A_1399] {strides = array<i32>} : memref<32xi32, #tpu.memory_space<vmem>>, vector<16xi32>,
    %get3A_1401 = vector.shape_cast %get3A_1400 : vector<16xi32> to vector<16xi32>
    %mul3A_1402 = arith.constant 16 : i32
    %mul3A_1403 = vector.broadcast %mul3A_1402 : i32 to vector<16xi32>
    %mul3A_1404 = arith.muli %get3A_1401, %mul3A_1403 : vector<16xi32>
    %add3A_1405 = arith.constant 12 : i32
    %add3A_1406 = vector.broadcast %add3A_1405 : i32 to vector<16xi32>
    %add3A_1407 = arith.addi %mul3A_1404, %add3A_1406 : vector<16xi32>
    %swap3A_1408 = arith.constant 0 : index
    %swap3A_1409 = tpu.vector_load %arg16[%swap3A_1408] {strides = array<i32>} : memref<32xi32, #tpu.memory_space<vmem>>, vector<16xi32>,
    %swap3A_1410 = vector.shape_cast %swap3A_1409 : vector<16xi32> to vector<16xi32>
    %swap3A_1411 = vector.shape_cast %add3A_1407 : vector<16xi32> to vector<16xi32>
    tpu.vector_store %arg16[%swap3A_1408], %swap3A_1411 {strides = array<i32>} : memref<32xi32, #tpu.memory_space<vmem>>, vector<16xi32>,
    %get3A_1412 = arith.constant 16 : index
    %get3A_1413 = tpu.vector_load %arg13[%get3A_1412] {strides = array<i32>} : memref<32xi32, #tpu.memory_space<vmem>>, vector<16xi32>,
    %get3A_1414 = vector.shape_cast %get3A_1413 : vector<16xi32> to vector<16xi32>
    %mul3A_1415 = arith.constant 16 : i32
    %mul3A_1416 = vector.broadcast %mul3A_1415 : i32 to vector<16xi32>
    %mul3A_1417 = arith.muli %get3A_1414, %mul3A_1416 : vector<16xi32>
    %add3A_1418 = arith.constant 12 : i32
    %add3A_1419 = vector.broadcast %add3A_1418 : i32 to vector<16xi32>
    %add3A_1420 = arith.addi %mul3A_1417, %add3A_1419 : vector<16xi32>
    %swap3A_1421 = arith.constant 16 : index
    %swap3A_1422 = tpu.vector_load %arg16[%swap3A_1421] {strides = array<i32>} : memref<32xi32, #tpu.memory_space<vmem>>, vector<16xi32>,
    %swap3A_1423 = vector.shape_cast %swap3A_1422 : vector<16xi32> to vector<16xi32>
    %swap3A_1424 = vector.shape_cast %add3A_1420 : vector<16xi32> to vector<16xi32>
    tpu.vector_store %arg16[%swap3A_1421], %swap3A_1424 {strides = array<i32>} : memref<32xi32, #tpu.memory_space<vmem>>, vector<16xi32>,
    %dma_start3A_1425 = arith.constant 0 : i32
    %dma_start3A_1426 = arith.constant 0 : i32
    %dma_start3A_1427 = tpu.memref_slice %arg7[%dma_start3A_1425, %dma_start3A_1426] : memref<16000x512xf32, #tpu.memory_space<hbm>> -> memref<16000x512xf32, #tpu.memory_space<hbm>>
    tpu.enqueue_indirect_dma source(%dma_start3A_1427 : memref<16000x512xf32, #tpu.memory_space<hbm>>) target(%arg20 : memref<32x512xf32, #tpu.memory_space<vmem>>) offsets(%arg16 : memref<32xi32, #tpu.memory_space<vmem>>) semaphore(%arg25 : memref<!tpu.dma_semaphore, #tpu.memory_space<semaphore_mem>>)
    %dma_wait3A_1428 = arith.constant 0 : i32
    %dma_wait3A_1429 = arith.constant 0 : i32
    %dma_wait3A_1430 = tpu.memref_slice %arg11[%dma_wait3A_1428, %dma_wait3A_1429] : memref<157696x512xf32, #tpu.memory_space<hbm>> -> memref<32x512xf32, #tpu.memory_space<hbm>>
    %dma_wait3A_1431 = arith.constant 0 : i32
    %dma_wait3A_1432 = arith.constant 0 : i32
    %dma_wait3A_1433 = tpu.memref_slice %arg11[%dma_wait3A_1431, %dma_wait3A_1432] : memref<157696x512xf32, #tpu.memory_space<hbm>> -> memref<32x512xf32, #tpu.memory_space<hbm>>
    tpu.wait_dma2 semaphore(%arg30 : memref<!tpu.dma_semaphore, #tpu.memory_space<semaphore_mem>>) src(%arg21 : memref<32x512xf32, #tpu.memory_space<vmem>>) dst(%dma_wait3A_1433 : memref<32x512xf32, #tpu.memory_space<hbm>>)
    %get3A_1434 = arith.constant 0 : index
    %get3A_1435 = tpu.vector_load %arg13[%get3A_1434] {strides = array<i32>} : memref<32xi32, #tpu.memory_space<vmem>>, vector<16xi32>,
    %get3A_1436 = vector.shape_cast %get3A_1435 : vector<16xi32> to vector<16xi32>
    %mul3A_1437 = arith.constant 16 : i32
    %mul3A_1438 = vector.broadcast %mul3A_1437 : i32 to vector<16xi32>
    %mul3A_1439 = arith.muli %get3A_1436, %mul3A_1438 : vector<16xi32>
    %add3A_1440 = arith.constant 13 : i32
    %add3A_1441 = vector.broadcast %add3A_1440 : i32 to vector<16xi32>
    %add3A_1442 = arith.addi %mul3A_1439, %add3A_1441 : vector<16xi32>
    %swap3A_1443 = arith.constant 0 : index
    %swap3A_1444 = tpu.vector_load %arg17[%swap3A_1443] {strides = array<i32>} : memref<32xi32, #tpu.memory_space<vmem>>, vector<16xi32>,
    %swap3A_1445 = vector.shape_cast %swap3A_1444 : vector<16xi32> to vector<16xi32>
    %swap3A_1446 = vector.shape_cast %add3A_1442 : vector<16xi32> to vector<16xi32>
    tpu.vector_store %arg17[%swap3A_1443], %swap3A_1446 {strides = array<i32>} : memref<32xi32, #tpu.memory_space<vmem>>, vector<16xi32>,
    %get3A_1447 = arith.constant 16 : index
    %get3A_1448 = tpu.vector_load %arg13[%get3A_1447] {strides = array<i32>} : memref<32xi32, #tpu.memory_space<vmem>>, vector<16xi32>,
    %get3A_1449 = vector.shape_cast %get3A_1448 : vector<16xi32> to vector<16xi32>
    %mul3A_1450 = arith.constant 16 : i32
    %mul3A_1451 = vector.broadcast %mul3A_1450 : i32 to vector<16xi32>
    %mul3A_1452 = arith.muli %get3A_1449, %mul3A_1451 : vector<16xi32>
    %add3A_1453 = arith.constant 13 : i32
    %add3A_1454 = vector.broadcast %add3A_1453 : i32 to vector<16xi32>
    %add3A_1455 = arith.addi %mul3A_1452, %add3A_1454 : vector<16xi32>
    %swap3A_1456 = arith.constant 16 : index
    %swap3A_1457 = tpu.vector_load %arg17[%swap3A_1456] {strides = array<i32>} : memref<32xi32, #tpu.memory_space<vmem>>, vector<16xi32>,
    %swap3A_1458 = vector.shape_cast %swap3A_1457 : vector<16xi32> to vector<16xi32>
    %swap3A_1459 = vector.shape_cast %add3A_1455 : vector<16xi32> to vector<16xi32>
    tpu.vector_store %arg17[%swap3A_1456], %swap3A_1459 {strides = array<i32>} : memref<32xi32, #tpu.memory_space<vmem>>, vector<16xi32>,
    %dma_start3A_1460 = arith.constant 0 : i32
    %dma_start3A_1461 = arith.constant 0 : i32
    %dma_start3A_1462 = tpu.memref_slice %arg7[%dma_start3A_1460, %dma_start3A_1461] : memref<16000x512xf32, #tpu.memory_space<hbm>> -> memref<16000x512xf32, #tpu.memory_space<hbm>>
    tpu.enqueue_indirect_dma source(%dma_start3A_1462 : memref<16000x512xf32, #tpu.memory_space<hbm>>) target(%arg21 : memref<32x512xf32, #tpu.memory_space<vmem>>) offsets(%arg17 : memref<32xi32, #tpu.memory_space<vmem>>) semaphore(%arg26 : memref<!tpu.dma_semaphore, #tpu.memory_space<semaphore_mem>>)
    %dma_wait3A_1463 = arith.constant 0 : i32
    %dma_wait3A_1464 = arith.constant 0 : i32
    %dma_wait3A_1465 = tpu.memref_slice %arg11[%dma_wait3A_1463, %dma_wait3A_1464] : memref<157696x512xf32, #tpu.memory_space<hbm>> -> memref<32x512xf32, #tpu.memory_space<hbm>>
    %dma_wait3A_1466 = arith.constant 0 : i32
    %dma_wait3A_1467 = arith.constant 0 : i32
    %dma_wait3A_1468 = tpu.memref_slice %arg11[%dma_wait3A_1466, %dma_wait3A_1467] : memref<157696x512xf32, #tpu.memory_space<hbm>> -> memref<32x512xf32, #tpu.memory_space<hbm>>
    tpu.wait_dma2 semaphore(%arg27 : memref<!tpu.dma_semaphore, #tpu.memory_space<semaphore_mem>>) src(%arg18 : memref<32x512xf32, #tpu.memory_space<vmem>>) dst(%dma_wait3A_1468 : memref<32x512xf32, #tpu.memory_space<hbm>>)
    %get3A_1469 = arith.constant 0 : index
    %get3A_1470 = tpu.vector_load %arg13[%get3A_1469] {strides = array<i32>} : memref<32xi32, #tpu.memory_space<vmem>>, vector<16xi32>,
    %get3A_1471 = vector.shape_cast %get3A_1470 : vector<16xi32> to vector<16xi32>
    %mul3A_1472 = arith.constant 16 : i32
    %mul3A_1473 = vector.broadcast %mul3A_1472 : i32 to vector<16xi32>
    %mul3A_1474 = arith.muli %get3A_1471, %mul3A_1473 : vector<16xi32>
    %add3A_1475 = arith.constant 14 : i32
    %add3A_1476 = vector.broadcast %add3A_1475 : i32 to vector<16xi32>
    %add3A_1477 = arith.addi %mul3A_1474, %add3A_1476 : vector<16xi32>
    %swap3A_1478 = arith.constant 0 : index
    %swap3A_1479 = tpu.vector_load %arg14[%swap3A_1478] {strides = array<i32>} : memref<32xi32, #tpu.memory_space<vmem>>, vector<16xi32>,
    %swap3A_1480 = vector.shape_cast %swap3A_1479 : vector<16xi32> to vector<16xi32>
    %swap3A_1481 = vector.shape_cast %add3A_1477 : vector<16xi32> to vector<16xi32>
    tpu.vector_store %arg14[%swap3A_1478], %swap3A_1481 {strides = array<i32>} : memref<32xi32, #tpu.memory_space<vmem>>, vector<16xi32>,
    %get3A_1482 = arith.constant 16 : index
    %get3A_1483 = tpu.vector_load %arg13[%get3A_1482] {strides = array<i32>} : memref<32xi32, #tpu.memory_space<vmem>>, vector<16xi32>,
    %get3A_1484 = vector.shape_cast %get3A_1483 : vector<16xi32> to vector<16xi32>
    %mul3A_1485 = arith.constant 16 : i32
    %mul3A_1486 = vector.broadcast %mul3A_1485 : i32 to vector<16xi32>
    %mul3A_1487 = arith.muli %get3A_1484, %mul3A_1486 : vector<16xi32>
    %add3A_1488 = arith.constant 14 : i32
    %add3A_1489 = vector.broadcast %add3A_1488 : i32 to vector<16xi32>
    %add3A_1490 = arith.addi %mul3A_1487, %add3A_1489 : vector<16xi32>
    %swap3A_1491 = arith.constant 16 : index
    %swap3A_1492 = tpu.vector_load %arg14[%swap3A_1491] {strides = array<i32>} : memref<32xi32, #tpu.memory_space<vmem>>, vector<16xi32>,
    %swap3A_1493 = vector.shape_cast %swap3A_1492 : vector<16xi32> to vector<16xi32>
    %swap3A_1494 = vector.shape_cast %add3A_1490 : vector<16xi32> to vector<16xi32>
    tpu.vector_store %arg14[%swap3A_1491], %swap3A_1494 {strides = array<i32>} : memref<32xi32, #tpu.memory_space<vmem>>, vector<16xi32>,
    %dma_start3A_1495 = arith.constant 0 : i32
    %dma_start3A_1496 = arith.constant 0 : i32
    %dma_start3A_1497 = tpu.memref_slice %arg7[%dma_start3A_1495, %dma_start3A_1496] : memref<16000x512xf32, #tpu.memory_space<hbm>> -> memref<16000x512xf32, #tpu.memory_space<hbm>>
    tpu.enqueue_indirect_dma source(%dma_start3A_1497 : memref<16000x512xf32, #tpu.memory_space<hbm>>) target(%arg18 : memref<32x512xf32, #tpu.memory_space<vmem>>) offsets(%arg14 : memref<32xi32, #tpu.memory_space<vmem>>) semaphore(%arg23 : memref<!tpu.dma_semaphore, #tpu.memory_space<semaphore_mem>>)
    %dma_wait3A_1498 = arith.constant 0 : i32
    %dma_wait3A_1499 = arith.constant 0 : i32
    %dma_wait3A_1500 = tpu.memref_slice %arg11[%dma_wait3A_1498, %dma_wait3A_1499] : memref<157696x512xf32, #tpu.memory_space<hbm>> -> memref<32x512xf32, #tpu.memory_space<hbm>>
    %dma_wait3A_1501 = arith.constant 0 : i32
    %dma_wait3A_1502 = arith.constant 0 : i32
    %dma_wait3A_1503 = tpu.memref_slice %arg11[%dma_wait3A_1501, %dma_wait3A_1502] : memref<157696x512xf32, #tpu.memory_space<hbm>> -> memref<32x512xf32, #tpu.memory_space<hbm>>
    tpu.wait_dma2 semaphore(%arg24 : memref<!tpu.dma_semaphore, #tpu.memory_space<semaphore_mem>>) src(%dma_wait3A_1503 : memref<32x512xf32, #tpu.memory_space<hbm>>) dst(%arg19 : memref<32x512xf32, #tpu.memory_space<vmem>>)
    %dma_start3A_1504 = arith.constant 0 : i32
    %dma_start3A_1505 = tpu.memref_slice %arg11[%add3A_809, %dma_start3A_1504] : memref<157696x512xf32, #tpu.memory_space<hbm>> -> memref<32x512xf32, #tpu.memory_space<hbm>>
    %dma_start3A_1506 = arith.constant 0 : i32
    %dma_start3A_1507 = tpu.memref_slice %arg11[%add3A_809, %dma_start3A_1506] : memref<157696x512xf32, #tpu.memory_space<hbm>> -> memref<32x512xf32, #tpu.memory_space<hbm>>
    tpu.enqueue_dma source(%arg19 : memref<32x512xf32, #tpu.memory_space<vmem>>) target(%dma_start3A_1507 : memref<32x512xf32, #tpu.memory_space<hbm>>) target_semaphore(%arg28 : memref<!tpu.dma_semaphore, #tpu.memory_space<semaphore_mem>>)
    %dma_wait3A_1508 = arith.constant 0 : i32
    %dma_wait3A_1509 = arith.constant 0 : i32
    %dma_wait3A_1510 = tpu.memref_slice %arg11[%dma_wait3A_1508, %dma_wait3A_1509] : memref<157696x512xf32, #tpu.memory_space<hbm>> -> memref<32x512xf32, #tpu.memory_space<hbm>>
    %dma_wait3A_1511 = arith.constant 0 : i32
    %dma_wait3A_1512 = arith.constant 0 : i32
    %dma_wait3A_1513 = tpu.memref_slice %arg11[%dma_wait3A_1511, %dma_wait3A_1512] : memref<157696x512xf32, #tpu.memory_space<hbm>> -> memref<32x512xf32, #tpu.memory_space<hbm>>
    tpu.wait_dma2 semaphore(%arg25 : memref<!tpu.dma_semaphore, #tpu.memory_space<semaphore_mem>>) src(%dma_wait3A_1513 : memref<32x512xf32, #tpu.memory_space<hbm>>) dst(%arg20 : memref<32x512xf32, #tpu.memory_space<vmem>>)
    %dma_start3A_1514 = arith.constant 0 : i32
    %dma_start3A_1515 = tpu.memref_slice %arg11[%add3A_811, %dma_start3A_1514] : memref<157696x512xf32, #tpu.memory_space<hbm>> -> memref<32x512xf32, #tpu.memory_space<hbm>>
    %dma_start3A_1516 = arith.constant 0 : i32
    %dma_start3A_1517 = tpu.memref_slice %arg11[%add3A_811, %dma_start3A_1516] : memref<157696x512xf32, #tpu.memory_space<hbm>> -> memref<32x512xf32, #tpu.memory_space<hbm>>
    tpu.enqueue_dma source(%arg20 : memref<32x512xf32, #tpu.memory_space<vmem>>) target(%dma_start3A_1517 : memref<32x512xf32, #tpu.memory_space<hbm>>) target_semaphore(%arg29 : memref<!tpu.dma_semaphore, #tpu.memory_space<semaphore_mem>>)
    %dma_wait3A_1518 = arith.constant 0 : i32
    %dma_wait3A_1519 = arith.constant 0 : i32
    %dma_wait3A_1520 = tpu.memref_slice %arg11[%dma_wait3A_1518, %dma_wait3A_1519] : memref<157696x512xf32, #tpu.memory_space<hbm>> -> memref<32x512xf32, #tpu.memory_space<hbm>>
    %dma_wait3A_1521 = arith.constant 0 : i32
    %dma_wait3A_1522 = arith.constant 0 : i32
    %dma_wait3A_1523 = tpu.memref_slice %arg11[%dma_wait3A_1521, %dma_wait3A_1522] : memref<157696x512xf32, #tpu.memory_space<hbm>> -> memref<32x512xf32, #tpu.memory_space<hbm>>
    tpu.wait_dma2 semaphore(%arg26 : memref<!tpu.dma_semaphore, #tpu.memory_space<semaphore_mem>>) src(%dma_wait3A_1523 : memref<32x512xf32, #tpu.memory_space<hbm>>) dst(%arg21 : memref<32x512xf32, #tpu.memory_space<vmem>>)
    %dma_start3A_1524 = arith.constant 0 : i32
    %dma_start3A_1525 = tpu.memref_slice %arg11[%add3A_813, %dma_start3A_1524] : memref<157696x512xf32, #tpu.memory_space<hbm>> -> memref<32x512xf32, #tpu.memory_space<hbm>>
    %dma_start3A_1526 = arith.constant 0 : i32
    %dma_start3A_1527 = tpu.memref_slice %arg11[%add3A_813, %dma_start3A_1526] : memref<157696x512xf32, #tpu.memory_space<hbm>> -> memref<32x512xf32, #tpu.memory_space<hbm>>
    tpu.enqueue_dma source(%arg21 : memref<32x512xf32, #tpu.memory_space<vmem>>) target(%dma_start3A_1527 : memref<32x512xf32, #tpu.memory_space<hbm>>) target_semaphore(%arg30 : memref<!tpu.dma_semaphore, #tpu.memory_space<semaphore_mem>>)
    %dma_wait3A_1528 = arith.constant 0 : i32
    %dma_wait3A_1529 = arith.constant 0 : i32
    %dma_wait3A_1530 = tpu.memref_slice %arg11[%dma_wait3A_1528, %dma_wait3A_1529] : memref<157696x512xf32, #tpu.memory_space<hbm>> -> memref<32x512xf32, #tpu.memory_space<hbm>>
    %dma_wait3A_1531 = arith.constant 0 : i32
    %dma_wait3A_1532 = arith.constant 0 : i32
    %dma_wait3A_1533 = tpu.memref_slice %arg11[%dma_wait3A_1531, %dma_wait3A_1532] : memref<157696x512xf32, #tpu.memory_space<hbm>> -> memref<32x512xf32, #tpu.memory_space<hbm>>
    tpu.wait_dma2 semaphore(%arg23 : memref<!tpu.dma_semaphore, #tpu.memory_space<semaphore_mem>>) src(%dma_wait3A_1533 : memref<32x512xf32, #tpu.memory_space<hbm>>) dst(%arg18 : memref<32x512xf32, #tpu.memory_space<vmem>>)
    %dma_start3A_1534 = arith.constant 0 : i32
    %dma_start3A_1535 = tpu.memref_slice %arg11[%add3A_815, %dma_start3A_1534] : memref<157696x512xf32, #tpu.memory_space<hbm>> -> memref<32x512xf32, #tpu.memory_space<hbm>>
    %dma_start3A_1536 = arith.constant 0 : i32
    %dma_start3A_1537 = tpu.memref_slice %arg11[%add3A_815, %dma_start3A_1536] : memref<157696x512xf32, #tpu.memory_space<hbm>> -> memref<32x512xf32, #tpu.memory_space<hbm>>
    tpu.enqueue_dma source(%arg18 : memref<32x512xf32, #tpu.memory_space<vmem>>) target(%dma_start3A_1537 : memref<32x512xf32, #tpu.memory_space<hbm>>) target_semaphore(%arg27 : memref<!tpu.dma_semaphore, #tpu.memory_space<semaphore_mem>>)
    %dma_wait3A_1538 = arith.constant 0 : i32
    %dma_wait3A_1539 = arith.constant 0 : i32
    %dma_wait3A_1540 = tpu.memref_slice %arg11[%dma_wait3A_1538, %dma_wait3A_1539] : memref<157696x512xf32, #tpu.memory_space<hbm>> -> memref<32x512xf32, #tpu.memory_space<hbm>>
    %dma_wait3A_1541 = arith.constant 0 : i32
    %dma_wait3A_1542 = arith.constant 0 : i32
    %dma_wait3A_1543 = tpu.memref_slice %arg11[%dma_wait3A_1541, %dma_wait3A_1542] : memref<157696x512xf32, #tpu.memory_space<hbm>> -> memref<32x512xf32, #tpu.memory_space<hbm>>
    tpu.wait_dma2 semaphore(%arg28 : memref<!tpu.dma_semaphore, #tpu.memory_space<semaphore_mem>>) src(%arg19 : memref<32x512xf32, #tpu.memory_space<vmem>>) dst(%dma_wait3A_1543 : memref<32x512xf32, #tpu.memory_space<hbm>>)
    %get3A_1544 = arith.constant 0 : index
    %get3A_1545 = tpu.vector_load %arg13[%get3A_1544] {strides = array<i32>} : memref<32xi32, #tpu.memory_space<vmem>>, vector<16xi32>,
    %get3A_1546 = vector.shape_cast %get3A_1545 : vector<16xi32> to vector<16xi32>
    %mul3A_1547 = arith.constant 16 : i32
    %mul3A_1548 = vector.broadcast %mul3A_1547 : i32 to vector<16xi32>
    %mul3A_1549 = arith.muli %get3A_1546, %mul3A_1548 : vector<16xi32>
    %add3A_1550 = arith.constant 15 : i32
    %add3A_1551 = vector.broadcast %add3A_1550 : i32 to vector<16xi32>
    %add3A_1552 = arith.addi %mul3A_1549, %add3A_1551 : vector<16xi32>
    %swap3A_1553 = arith.constant 0 : index
    %swap3A_1554 = tpu.vector_load %arg15[%swap3A_1553] {strides = array<i32>} : memref<32xi32, #tpu.memory_space<vmem>>, vector<16xi32>,
    %swap3A_1555 = vector.shape_cast %swap3A_1554 : vector<16xi32> to vector<16xi32>
    %swap3A_1556 = vector.shape_cast %add3A_1552 : vector<16xi32> to vector<16xi32>
    tpu.vector_store %arg15[%swap3A_1553], %swap3A_1556 {strides = array<i32>} : memref<32xi32, #tpu.memory_space<vmem>>, vector<16xi32>,
    %get3A_1557 = arith.constant 16 : index
    %get3A_1558 = tpu.vector_load %arg13[%get3A_1557] {strides = array<i32>} : memref<32xi32, #tpu.memory_space<vmem>>, vector<16xi32>,
    %get3A_1559 = vector.shape_cast %get3A_1558 : vector<16xi32> to vector<16xi32>
    %mul3A_1560 = arith.constant 16 : i32
    %mul3A_1561 = vector.broadcast %mul3A_1560 : i32 to vector<16xi32>
    %mul3A_1562 = arith.muli %get3A_1559, %mul3A_1561 : vector<16xi32>
    %add3A_1563 = arith.constant 15 : i32
    %add3A_1564 = vector.broadcast %add3A_1563 : i32 to vector<16xi32>
    %add3A_1565 = arith.addi %mul3A_1562, %add3A_1564 : vector<16xi32>
    %swap3A_1566 = arith.constant 16 : index
    %swap3A_1567 = tpu.vector_load %arg15[%swap3A_1566] {strides = array<i32>} : memref<32xi32, #tpu.memory_space<vmem>>, vector<16xi32>,
    %swap3A_1568 = vector.shape_cast %swap3A_1567 : vector<16xi32> to vector<16xi32>
    %swap3A_1569 = vector.shape_cast %add3A_1565 : vector<16xi32> to vector<16xi32>
    tpu.vector_store %arg15[%swap3A_1566], %swap3A_1569 {strides = array<i32>} : memref<32xi32, #tpu.memory_space<vmem>>, vector<16xi32>,
    %dma_start3A_1570 = arith.constant 0 : i32
    %dma_start3A_1571 = arith.constant 0 : i32
    %dma_start3A_1572 = tpu.memref_slice %arg7[%dma_start3A_1570, %dma_start3A_1571] : memref<16000x512xf32, #tpu.memory_space<hbm>> -> memref<16000x512xf32, #tpu.memory_space<hbm>>
    tpu.enqueue_indirect_dma source(%dma_start3A_1572 : memref<16000x512xf32, #tpu.memory_space<hbm>>) target(%arg19 : memref<32x512xf32, #tpu.memory_space<vmem>>) offsets(%arg15 : memref<32xi32, #tpu.memory_space<vmem>>) semaphore(%arg24 : memref<!tpu.dma_semaphore, #tpu.memory_space<semaphore_mem>>)
    %dma_wait3A_1573 = arith.constant 0 : i32
    %dma_wait3A_1574 = arith.constant 0 : i32
    %dma_wait3A_1575 = tpu.memref_slice %arg11[%dma_wait3A_1573, %dma_wait3A_1574] : memref<157696x512xf32, #tpu.memory_space<hbm>> -> memref<32x512xf32, #tpu.memory_space<hbm>>
    %dma_wait3A_1576 = arith.constant 0 : i32
    %dma_wait3A_1577 = arith.constant 0 : i32
    %dma_wait3A_1578 = tpu.memref_slice %arg11[%dma_wait3A_1576, %dma_wait3A_1577] : memref<157696x512xf32, #tpu.memory_space<hbm>> -> memref<32x512xf32, #tpu.memory_space<hbm>>
    tpu.wait_dma2 semaphore(%arg24 : memref<!tpu.dma_semaphore, #tpu.memory_space<semaphore_mem>>) src(%dma_wait3A_1578 : memref<32x512xf32, #tpu.memory_space<hbm>>) dst(%arg19 : memref<32x512xf32, #tpu.memory_space<vmem>>)
    %dma_start3A_1579 = arith.constant 0 : i32
    %dma_start3A_1580 = tpu.memref_slice %arg11[%add3A_817, %dma_start3A_1579] : memref<157696x512xf32, #tpu.memory_space<hbm>> -> memref<32x512xf32, #tpu.memory_space<hbm>>
    %dma_start3A_1581 = arith.constant 0 : i32
    %dma_start3A_1582 = tpu.memref_slice %arg11[%add3A_817, %dma_start3A_1581] : memref<157696x512xf32, #tpu.memory_space<hbm>> -> memref<32x512xf32, #tpu.memory_space<hbm>>
    tpu.enqueue_dma source(%arg19 : memref<32x512xf32, #tpu.memory_space<vmem>>) target(%dma_start3A_1582 : memref<32x512xf32, #tpu.memory_space<hbm>>) target_semaphore(%arg28 : memref<!tpu.dma_semaphore, #tpu.memory_space<semaphore_mem>>)
    %scan3A_1583 = arith.constant 0 : i32
    %scan3A_1584 = arith.constant 15 : i32
    %scan3A_1585 = arith.addi %scan3A_1583, %scan3A_1584 : i32
    %scan3A_1586 = arith.constant 1 : i32
    scf.for %scan3A_1618 = %scan3A_1583 to %scan3A_1585 step %scan3A_1586  : i32 {
      %mul3A_1619 = arith.constant 4 : i32
      %mul3A_1620 = arith.muli %scan3A_1618, %mul3A_1619 : i32
      %add3A_1621 = arith.constant 0 : i32
      %add3A_1622 = arith.addi %mul3A_1620, %add3A_1621 : i32
      %dma_wait3A_1623 = arith.constant 0 : i32
      %dma_wait3A_1624 = arith.constant 0 : i32
      %dma_wait3A_1625 = tpu.memref_slice %arg11[%dma_wait3A_1623, %dma_wait3A_1624] : memref<157696x512xf32, #tpu.memory_space<hbm>> -> memref<32x512xf32, #tpu.memory_space<hbm>>
      %dma_wait3A_1626 = arith.constant 0 : i32
      %dma_wait3A_1627 = arith.constant 0 : i32
      %dma_wait3A_1628 = tpu.memref_slice %arg11[%dma_wait3A_1626, %dma_wait3A_1627] : memref<157696x512xf32, #tpu.memory_space<hbm>> -> memref<32x512xf32, #tpu.memory_space<hbm>>
      tpu.wait_dma2 semaphore(%arg29 : memref<!tpu.dma_semaphore, #tpu.memory_space<semaphore_mem>>) src(%arg20 : memref<32x512xf32, #tpu.memory_space<vmem>>) dst(%dma_wait3A_1628 : memref<32x512xf32, #tpu.memory_space<hbm>>)
      %mul3A_1629 = arith.constant 1000 : i32
      %mul3A_1630 = arith.muli %add3A_1622, %mul3A_1629 : i32
      %get3A_1631 = arith.constant 0 : index
      %get3A_1632 = tpu.vector_load %arg13[%get3A_1631] {strides = array<i32>} : memref<32xi32, #tpu.memory_space<vmem>>, vector<16xi32>,
      %get3A_1633 = vector.shape_cast %get3A_1632 : vector<16xi32> to vector<16xi32>
      %mul3A_1634 = arith.constant 1 : i32
      %mul3A_1635 = vector.broadcast %mul3A_1634 : i32 to vector<16xi32>
      %mul3A_1636 = arith.muli %get3A_1633, %mul3A_1635 : vector<16xi32>
      %add3A_1637 = vector.broadcast %mul3A_1630 : i32 to vector<16xi32>
      %add3A_1638 = arith.addi %mul3A_1636, %add3A_1637 : vector<16xi32>
      %swap3A_1639 = arith.constant 0 : index
      %swap3A_1640 = tpu.vector_load %arg16[%swap3A_1639] {strides = array<i32>} : memref<32xi32, #tpu.memory_space<vmem>>, vector<16xi32>,
      %swap3A_1641 = vector.shape_cast %swap3A_1640 : vector<16xi32> to vector<16xi32>
      %swap3A_1642 = vector.shape_cast %add3A_1638 : vector<16xi32> to vector<16xi32>
      tpu.vector_store %arg16[%swap3A_1639], %swap3A_1642 {strides = array<i32>} : memref<32xi32, #tpu.memory_space<vmem>>, vector<16xi32>,
      %get3A_1643 = arith.constant 16 : index
      %get3A_1644 = tpu.vector_load %arg13[%get3A_1643] {strides = array<i32>} : memref<32xi32, #tpu.memory_space<vmem>>, vector<16xi32>,
      %get3A_1645 = vector.shape_cast %get3A_1644 : vector<16xi32> to vector<16xi32>
      %mul3A_1646 = arith.constant 1 : i32
      %mul3A_1647 = vector.broadcast %mul3A_1646 : i32 to vector<16xi32>
      %mul3A_1648 = arith.muli %get3A_1645, %mul3A_1647 : vector<16xi32>
      %add3A_1649 = vector.broadcast %mul3A_1630 : i32 to vector<16xi32>
      %add3A_1650 = arith.addi %mul3A_1648, %add3A_1649 : vector<16xi32>
      %swap3A_1651 = arith.constant 16 : index
      %swap3A_1652 = tpu.vector_load %arg16[%swap3A_1651] {strides = array<i32>} : memref<32xi32, #tpu.memory_space<vmem>>, vector<16xi32>,
      %swap3A_1653 = vector.shape_cast %swap3A_1652 : vector<16xi32> to vector<16xi32>
      %swap3A_1654 = vector.shape_cast %add3A_1650 : vector<16xi32> to vector<16xi32>
      tpu.vector_store %arg16[%swap3A_1651], %swap3A_1654 {strides = array<i32>} : memref<32xi32, #tpu.memory_space<vmem>>, vector<16xi32>,
      %dma_start3A_1655 = arith.constant 0 : i32
      %dma_start3A_1656 = arith.constant 0 : i32
      %dma_start3A_1657 = tpu.memref_slice %arg8[%dma_start3A_1655, %dma_start3A_1656] : memref<60000x512xf32, #tpu.memory_space<hbm>> -> memref<60000x512xf32, #tpu.memory_space<hbm>>
      tpu.enqueue_indirect_dma source(%dma_start3A_1657 : memref<60000x512xf32, #tpu.memory_space<hbm>>) target(%arg20 : memref<32x512xf32, #tpu.memory_space<vmem>>) offsets(%arg16 : memref<32xi32, #tpu.memory_space<vmem>>) semaphore(%arg25 : memref<!tpu.dma_semaphore, #tpu.memory_space<semaphore_mem>>)
      %mul3A_1658 = arith.constant 4 : i32
      %mul3A_1659 = arith.muli %scan3A_1618, %mul3A_1658 : i32
      %add3A_1660 = arith.constant 1 : i32
      %add3A_1661 = arith.addi %mul3A_1659, %add3A_1660 : i32
      %dma_wait3A_1662 = arith.constant 0 : i32
      %dma_wait3A_1663 = arith.constant 0 : i32
      %dma_wait3A_1664 = tpu.memref_slice %arg11[%dma_wait3A_1662, %dma_wait3A_1663] : memref<157696x512xf32, #tpu.memory_space<hbm>> -> memref<32x512xf32, #tpu.memory_space<hbm>>
      %dma_wait3A_1665 = arith.constant 0 : i32
      %dma_wait3A_1666 = arith.constant 0 : i32
      %dma_wait3A_1667 = tpu.memref_slice %arg11[%dma_wait3A_1665, %dma_wait3A_1666] : memref<157696x512xf32, #tpu.memory_space<hbm>> -> memref<32x512xf32, #tpu.memory_space<hbm>>
      tpu.wait_dma2 semaphore(%arg30 : memref<!tpu.dma_semaphore, #tpu.memory_space<semaphore_mem>>) src(%arg21 : memref<32x512xf32, #tpu.memory_space<vmem>>) dst(%dma_wait3A_1667 : memref<32x512xf32, #tpu.memory_space<hbm>>)
      %mul3A_1668 = arith.constant 1000 : i32
      %mul3A_1669 = arith.muli %add3A_1661, %mul3A_1668 : i32
      %get3A_1670 = arith.constant 0 : index
      %get3A_1671 = tpu.vector_load %arg13[%get3A_1670] {strides = array<i32>} : memref<32xi32, #tpu.memory_space<vmem>>, vector<16xi32>,
      %get3A_1672 = vector.shape_cast %get3A_1671 : vector<16xi32> to vector<16xi32>
      %mul3A_1673 = arith.constant 1 : i32
      %mul3A_1674 = vector.broadcast %mul3A_1673 : i32 to vector<16xi32>
      %mul3A_1675 = arith.muli %get3A_1672, %mul3A_1674 : vector<16xi32>
      %add3A_1676 = vector.broadcast %mul3A_1669 : i32 to vector<16xi32>
      %add3A_1677 = arith.addi %mul3A_1675, %add3A_1676 : vector<16xi32>
      %swap3A_1678 = arith.constant 0 : index
      %swap3A_1679 = tpu.vector_load %arg17[%swap3A_1678] {strides = array<i32>} : memref<32xi32, #tpu.memory_space<vmem>>, vector<16xi32>,
      %swap3A_1680 = vector.shape_cast %swap3A_1679 : vector<16xi32> to vector<16xi32>
      %swap3A_1681 = vector.shape_cast %add3A_1677 : vector<16xi32> to vector<16xi32>
      tpu.vector_store %arg17[%swap3A_1678], %swap3A_1681 {strides = array<i32>} : memref<32xi32, #tpu.memory_space<vmem>>, vector<16xi32>,
      %get3A_1682 = arith.constant 16 : index
      %get3A_1683 = tpu.vector_load %arg13[%get3A_1682] {strides = array<i32>} : memref<32xi32, #tpu.memory_space<vmem>>, vector<16xi32>,
      %get3A_1684 = vector.shape_cast %get3A_1683 : vector<16xi32> to vector<16xi32>
      %mul3A_1685 = arith.constant 1 : i32
      %mul3A_1686 = vector.broadcast %mul3A_1685 : i32 to vector<16xi32>
      %mul3A_1687 = arith.muli %get3A_1684, %mul3A_1686 : vector<16xi32>
      %add3A_1688 = vector.broadcast %mul3A_1669 : i32 to vector<16xi32>
      %add3A_1689 = arith.addi %mul3A_1687, %add3A_1688 : vector<16xi32>
      %swap3A_1690 = arith.constant 16 : index
      %swap3A_1691 = tpu.vector_load %arg17[%swap3A_1690] {strides = array<i32>} : memref<32xi32, #tpu.memory_space<vmem>>, vector<16xi32>,
      %swap3A_1692 = vector.shape_cast %swap3A_1691 : vector<16xi32> to vector<16xi32>
      %swap3A_1693 = vector.shape_cast %add3A_1689 : vector<16xi32> to vector<16xi32>
      tpu.vector_store %arg17[%swap3A_1690], %swap3A_1693 {strides = array<i32>} : memref<32xi32, #tpu.memory_space<vmem>>, vector<16xi32>,
      %dma_start3A_1694 = arith.constant 0 : i32
      %dma_start3A_1695 = arith.constant 0 : i32
      %dma_start3A_1696 = tpu.memref_slice %arg8[%dma_start3A_1694, %dma_start3A_1695] : memref<60000x512xf32, #tpu.memory_space<hbm>> -> memref<60000x512xf32, #tpu.memory_space<hbm>>
      tpu.enqueue_indirect_dma source(%dma_start3A_1696 : memref<60000x512xf32, #tpu.memory_space<hbm>>) target(%arg21 : memref<32x512xf32, #tpu.memory_space<vmem>>) offsets(%arg17 : memref<32xi32, #tpu.memory_space<vmem>>) semaphore(%arg26 : memref<!tpu.dma_semaphore, #tpu.memory_space<semaphore_mem>>)
      %mul3A_1697 = arith.constant 4 : i32
      %mul3A_1698 = arith.muli %scan3A_1618, %mul3A_1697 : i32
      %add3A_1699 = arith.constant 2 : i32
      %add3A_1700 = arith.addi %mul3A_1698, %add3A_1699 : i32
      %dma_wait3A_1701 = arith.constant 0 : i32
      %dma_wait3A_1702 = arith.constant 0 : i32
      %dma_wait3A_1703 = tpu.memref_slice %arg11[%dma_wait3A_1701, %dma_wait3A_1702] : memref<157696x512xf32, #tpu.memory_space<hbm>> -> memref<32x512xf32, #tpu.memory_space<hbm>>
      %dma_wait3A_1704 = arith.constant 0 : i32
      %dma_wait3A_1705 = arith.constant 0 : i32
      %dma_wait3A_1706 = tpu.memref_slice %arg11[%dma_wait3A_1704, %dma_wait3A_1705] : memref<157696x512xf32, #tpu.memory_space<hbm>> -> memref<32x512xf32, #tpu.memory_space<hbm>>
      tpu.wait_dma2 semaphore(%arg27 : memref<!tpu.dma_semaphore, #tpu.memory_space<semaphore_mem>>) src(%arg18 : memref<32x512xf32, #tpu.memory_space<vmem>>) dst(%dma_wait3A_1706 : memref<32x512xf32, #tpu.memory_space<hbm>>)
      %mul3A_1707 = arith.constant 1000 : i32
      %mul3A_1708 = arith.muli %add3A_1700, %mul3A_1707 : i32
      %get3A_1709 = arith.constant 0 : index
      %get3A_1710 = tpu.vector_load %arg13[%get3A_1709] {strides = array<i32>} : memref<32xi32, #tpu.memory_space<vmem>>, vector<16xi32>,
      %get3A_1711 = vector.shape_cast %get3A_1710 : vector<16xi32> to vector<16xi32>
      %mul3A_1712 = arith.constant 1 : i32
      %mul3A_1713 = vector.broadcast %mul3A_1712 : i32 to vector<16xi32>
      %mul3A_1714 = arith.muli %get3A_1711, %mul3A_1713 : vector<16xi32>
      %add3A_1715 = vector.broadcast %mul3A_1708 : i32 to vector<16xi32>
      %add3A_1716 = arith.addi %mul3A_1714, %add3A_1715 : vector<16xi32>
      %swap3A_1717 = arith.constant 0 : index
      %swap3A_1718 = tpu.vector_load %arg14[%swap3A_1717] {strides = array<i32>} : memref<32xi32, #tpu.memory_space<vmem>>, vector<16xi32>,
      %swap3A_1719 = vector.shape_cast %swap3A_1718 : vector<16xi32> to vector<16xi32>
      %swap3A_1720 = vector.shape_cast %add3A_1716 : vector<16xi32> to vector<16xi32>
      tpu.vector_store %arg14[%swap3A_1717], %swap3A_1720 {strides = array<i32>} : memref<32xi32, #tpu.memory_space<vmem>>, vector<16xi32>,
      %get3A_1721 = arith.constant 16 : index
      %get3A_1722 = tpu.vector_load %arg13[%get3A_1721] {strides = array<i32>} : memref<32xi32, #tpu.memory_space<vmem>>, vector<16xi32>,
      %get3A_1723 = vector.shape_cast %get3A_1722 : vector<16xi32> to vector<16xi32>
      %mul3A_1724 = arith.constant 1 : i32
      %mul3A_1725 = vector.broadcast %mul3A_1724 : i32 to vector<16xi32>
      %mul3A_1726 = arith.muli %get3A_1723, %mul3A_1725 : vector<16xi32>
      %add3A_1727 = vector.broadcast %mul3A_1708 : i32 to vector<16xi32>
      %add3A_1728 = arith.addi %mul3A_1726, %add3A_1727 : vector<16xi32>
      %swap3A_1729 = arith.constant 16 : index
      %swap3A_1730 = tpu.vector_load %arg14[%swap3A_1729] {strides = array<i32>} : memref<32xi32, #tpu.memory_space<vmem>>, vector<16xi32>,
      %swap3A_1731 = vector.shape_cast %swap3A_1730 : vector<16xi32> to vector<16xi32>
      %swap3A_1732 = vector.shape_cast %add3A_1728 : vector<16xi32> to vector<16xi32>
      tpu.vector_store %arg14[%swap3A_1729], %swap3A_1732 {strides = array<i32>} : memref<32xi32, #tpu.memory_space<vmem>>, vector<16xi32>,
      %dma_start3A_1733 = arith.constant 0 : i32
      %dma_start3A_1734 = arith.constant 0 : i32
      %dma_start3A_1735 = tpu.memref_slice %arg8[%dma_start3A_1733, %dma_start3A_1734] : memref<60000x512xf32, #tpu.memory_space<hbm>> -> memref<60000x512xf32, #tpu.memory_space<hbm>>
      tpu.enqueue_indirect_dma source(%dma_start3A_1735 : memref<60000x512xf32, #tpu.memory_space<hbm>>) target(%arg18 : memref<32x512xf32, #tpu.memory_space<vmem>>) offsets(%arg14 : memref<32xi32, #tpu.memory_space<vmem>>) semaphore(%arg23 : memref<!tpu.dma_semaphore, #tpu.memory_space<semaphore_mem>>)
      %mul3A_1736 = arith.constant 4 : i32
      %mul3A_1737 = arith.muli %scan3A_1618, %mul3A_1736 : i32
      %add3A_1738 = arith.constant 3 : i32
      %add3A_1739 = arith.addi %mul3A_1737, %add3A_1738 : i32
      %dma_wait3A_1740 = arith.constant 0 : i32
      %dma_wait3A_1741 = arith.constant 0 : i32
      %dma_wait3A_1742 = tpu.memref_slice %arg11[%dma_wait3A_1740, %dma_wait3A_1741] : memref<157696x512xf32, #tpu.memory_space<hbm>> -> memref<32x512xf32, #tpu.memory_space<hbm>>
      %dma_wait3A_1743 = arith.constant 0 : i32
      %dma_wait3A_1744 = arith.constant 0 : i32
      %dma_wait3A_1745 = tpu.memref_slice %arg11[%dma_wait3A_1743, %dma_wait3A_1744] : memref<157696x512xf32, #tpu.memory_space<hbm>> -> memref<32x512xf32, #tpu.memory_space<hbm>>
      tpu.wait_dma2 semaphore(%arg28 : memref<!tpu.dma_semaphore, #tpu.memory_space<semaphore_mem>>) src(%arg19 : memref<32x512xf32, #tpu.memory_space<vmem>>) dst(%dma_wait3A_1745 : memref<32x512xf32, #tpu.memory_space<hbm>>)
      %mul3A_1746 = arith.constant 1000 : i32
      %mul3A_1747 = arith.muli %add3A_1739, %mul3A_1746 : i32
      %get3A_1748 = arith.constant 0 : index
      %get3A_1749 = tpu.vector_load %arg13[%get3A_1748] {strides = array<i32>} : memref<32xi32, #tpu.memory_space<vmem>>, vector<16xi32>,
      %get3A_1750 = vector.shape_cast %get3A_1749 : vector<16xi32> to vector<16xi32>
      %mul3A_1751 = arith.constant 1 : i32
      %mul3A_1752 = vector.broadcast %mul3A_1751 : i32 to vector<16xi32>
      %mul3A_1753 = arith.muli %get3A_1750, %mul3A_1752 : vector<16xi32>
      %add3A_1754 = vector.broadcast %mul3A_1747 : i32 to vector<16xi32>
      %add3A_1755 = arith.addi %mul3A_1753, %add3A_1754 : vector<16xi32>
      %swap3A_1756 = arith.constant 0 : index
      %swap3A_1757 = tpu.vector_load %arg15[%swap3A_1756] {strides = array<i32>} : memref<32xi32, #tpu.memory_space<vmem>>, vector<16xi32>,
      %swap3A_1758 = vector.shape_cast %swap3A_1757 : vector<16xi32> to vector<16xi32>
      %swap3A_1759 = vector.shape_cast %add3A_1755 : vector<16xi32> to vector<16xi32>
      tpu.vector_store %arg15[%swap3A_1756], %swap3A_1759 {strides = array<i32>} : memref<32xi32, #tpu.memory_space<vmem>>, vector<16xi32>,
      %get3A_1760 = arith.constant 16 : index
      %get3A_1761 = tpu.vector_load %arg13[%get3A_1760] {strides = array<i32>} : memref<32xi32, #tpu.memory_space<vmem>>, vector<16xi32>,
      %get3A_1762 = vector.shape_cast %get3A_1761 : vector<16xi32> to vector<16xi32>
      %mul3A_1763 = arith.constant 1 : i32
      %mul3A_1764 = vector.broadcast %mul3A_1763 : i32 to vector<16xi32>
      %mul3A_1765 = arith.muli %get3A_1762, %mul3A_1764 : vector<16xi32>
      %add3A_1766 = vector.broadcast %mul3A_1747 : i32 to vector<16xi32>
      %add3A_1767 = arith.addi %mul3A_1765, %add3A_1766 : vector<16xi32>
      %swap3A_1768 = arith.constant 16 : index
      %swap3A_1769 = tpu.vector_load %arg15[%swap3A_1768] {strides = array<i32>} : memref<32xi32, #tpu.memory_space<vmem>>, vector<16xi32>,
      %swap3A_1770 = vector.shape_cast %swap3A_1769 : vector<16xi32> to vector<16xi32>
      %swap3A_1771 = vector.shape_cast %add3A_1767 : vector<16xi32> to vector<16xi32>
      tpu.vector_store %arg15[%swap3A_1768], %swap3A_1771 {strides = array<i32>} : memref<32xi32, #tpu.memory_space<vmem>>, vector<16xi32>,
      %dma_start3A_1772 = arith.constant 0 : i32
      %dma_start3A_1773 = arith.constant 0 : i32
      %dma_start3A_1774 = tpu.memref_slice %arg8[%dma_start3A_1772, %dma_start3A_1773] : memref<60000x512xf32, #tpu.memory_space<hbm>> -> memref<60000x512xf32, #tpu.memory_space<hbm>>
      tpu.enqueue_indirect_dma source(%dma_start3A_1774 : memref<60000x512xf32, #tpu.memory_space<hbm>>) target(%arg19 : memref<32x512xf32, #tpu.memory_space<vmem>>) offsets(%arg15 : memref<32xi32, #tpu.memory_space<vmem>>) semaphore(%arg24 : memref<!tpu.dma_semaphore, #tpu.memory_space<semaphore_mem>>)
      %dma_wait3A_1775 = arith.constant 0 : i32
      %dma_wait3A_1776 = arith.constant 0 : i32
      %dma_wait3A_1777 = tpu.memref_slice %arg11[%dma_wait3A_1775, %dma_wait3A_1776] : memref<157696x512xf32, #tpu.memory_space<hbm>> -> memref<32x512xf32, #tpu.memory_space<hbm>>
      %dma_wait3A_1778 = arith.constant 0 : i32
      %dma_wait3A_1779 = arith.constant 0 : i32
      %dma_wait3A_1780 = tpu.memref_slice %arg11[%dma_wait3A_1778, %dma_wait3A_1779] : memref<157696x512xf32, #tpu.memory_space<hbm>> -> memref<32x512xf32, #tpu.memory_space<hbm>>
      tpu.wait_dma2 semaphore(%arg25 : memref<!tpu.dma_semaphore, #tpu.memory_space<semaphore_mem>>) src(%dma_wait3A_1780 : memref<32x512xf32, #tpu.memory_space<hbm>>) dst(%arg20 : memref<32x512xf32, #tpu.memory_space<vmem>>)
      %add3A_1781 = arith.constant 17 : i32
      %add3A_1782 = arith.addi %add3A_1781, %add3A_1622 : i32
      %mul3A_1783 = arith.constant 2 : i32
      %mul3A_1784 = arith.muli %add3A_1782, %mul3A_1783 : i32
      %mul3A_1785 = arith.constant 1024 : i32
      %mul3A_1786 = arith.muli %mul3A_1784, %mul3A_1785 : i32
      %add3A_1787 = arith.addi %mul3A_1786, %add3A_785 : i32
      %dma_start3A_1788 = arith.constant 0 : i32
      %dma_start3A_1789 = tpu.memref_slice %arg11[%add3A_1787, %dma_start3A_1788] : memref<157696x512xf32, #tpu.memory_space<hbm>> -> memref<32x512xf32, #tpu.memory_space<hbm>>
      %dma_start3A_1790 = arith.constant 0 : i32
      %dma_start3A_1791 = tpu.memref_slice %arg11[%add3A_1787, %dma_start3A_1790] : memref<157696x512xf32, #tpu.memory_space<hbm>> -> memref<32x512xf32, #tpu.memory_space<hbm>>
      tpu.enqueue_dma source(%arg20 : memref<32x512xf32, #tpu.memory_space<vmem>>) target(%dma_start3A_1791 : memref<32x512xf32, #tpu.memory_space<hbm>>) target_semaphore(%arg29 : memref<!tpu.dma_semaphore, #tpu.memory_space<semaphore_mem>>)
      %dma_wait3A_1792 = arith.constant 0 : i32
      %dma_wait3A_1793 = arith.constant 0 : i32
      %dma_wait3A_1794 = tpu.memref_slice %arg11[%dma_wait3A_1792, %dma_wait3A_1793] : memref<157696x512xf32, #tpu.memory_space<hbm>> -> memref<32x512xf32, #tpu.memory_space<hbm>>
      %dma_wait3A_1795 = arith.constant 0 : i32
      %dma_wait3A_1796 = arith.constant 0 : i32
      %dma_wait3A_1797 = tpu.memref_slice %arg11[%dma_wait3A_1795, %dma_wait3A_1796] : memref<157696x512xf32, #tpu.memory_space<hbm>> -> memref<32x512xf32, #tpu.memory_space<hbm>>
      tpu.wait_dma2 semaphore(%arg26 : memref<!tpu.dma_semaphore, #tpu.memory_space<semaphore_mem>>) src(%dma_wait3A_1797 : memref<32x512xf32, #tpu.memory_space<hbm>>) dst(%arg21 : memref<32x512xf32, #tpu.memory_space<vmem>>)
      %add3A_1798 = arith.constant 17 : i32
      %add3A_1799 = arith.addi %add3A_1798, %add3A_1661 : i32
      %mul3A_1800 = arith.constant 2 : i32
      %mul3A_1801 = arith.muli %add3A_1799, %mul3A_1800 : i32
      %mul3A_1802 = arith.constant 1024 : i32
      %mul3A_1803 = arith.muli %mul3A_1801, %mul3A_1802 : i32
      %add3A_1804 = arith.addi %mul3A_1803, %add3A_785 : i32
      %dma_start3A_1805 = arith.constant 0 : i32
      %dma_start3A_1806 = tpu.memref_slice %arg11[%add3A_1804, %dma_start3A_1805] : memref<157696x512xf32, #tpu.memory_space<hbm>> -> memref<32x512xf32, #tpu.memory_space<hbm>>
      %dma_start3A_1807 = arith.constant 0 : i32
      %dma_start3A_1808 = tpu.memref_slice %arg11[%add3A_1804, %dma_start3A_1807] : memref<157696x512xf32, #tpu.memory_space<hbm>> -> memref<32x512xf32, #tpu.memory_space<hbm>>
      tpu.enqueue_dma source(%arg21 : memref<32x512xf32, #tpu.memory_space<vmem>>) target(%dma_start3A_1808 : memref<32x512xf32, #tpu.memory_space<hbm>>) target_semaphore(%arg30 : memref<!tpu.dma_semaphore, #tpu.memory_space<semaphore_mem>>)
      %dma_wait3A_1809 = arith.constant 0 : i32
      %dma_wait3A_1810 = arith.constant 0 : i32
      %dma_wait3A_1811 = tpu.memref_slice %arg11[%dma_wait3A_1809, %dma_wait3A_1810] : memref<157696x512xf32, #tpu.memory_space<hbm>> -> memref<32x512xf32, #tpu.memory_space<hbm>>
      %dma_wait3A_1812 = arith.constant 0 : i32
      %dma_wait3A_1813 = arith.constant 0 : i32
      %dma_wait3A_1814 = tpu.memref_slice %arg11[%dma_wait3A_1812, %dma_wait3A_1813] : memref<157696x512xf32, #tpu.memory_space<hbm>> -> memref<32x512xf32, #tpu.memory_space<hbm>>
      tpu.wait_dma2 semaphore(%arg23 : memref<!tpu.dma_semaphore, #tpu.memory_space<semaphore_mem>>) src(%dma_wait3A_1814 : memref<32x512xf32, #tpu.memory_space<hbm>>) dst(%arg18 : memref<32x512xf32, #tpu.memory_space<vmem>>)
      %add3A_1815 = arith.constant 17 : i32
      %add3A_1816 = arith.addi %add3A_1815, %add3A_1700 : i32
      %mul3A_1817 = arith.constant 2 : i32
      %mul3A_1818 = arith.muli %add3A_1816, %mul3A_1817 : i32
      %mul3A_1819 = arith.constant 1024 : i32
      %mul3A_1820 = arith.muli %mul3A_1818, %mul3A_1819 : i32
      %add3A_1821 = arith.addi %mul3A_1820, %add3A_785 : i32
      %dma_start3A_1822 = arith.constant 0 : i32
      %dma_start3A_1823 = tpu.memref_slice %arg11[%add3A_1821, %dma_start3A_1822] : memref<157696x512xf32, #tpu.memory_space<hbm>> -> memref<32x512xf32, #tpu.memory_space<hbm>>
      %dma_start3A_1824 = arith.constant 0 : i32
      %dma_start3A_1825 = tpu.memref_slice %arg11[%add3A_1821, %dma_start3A_1824] : memref<157696x512xf32, #tpu.memory_space<hbm>> -> memref<32x512xf32, #tpu.memory_space<hbm>>
      tpu.enqueue_dma source(%arg18 : memref<32x512xf32, #tpu.memory_space<vmem>>) target(%dma_start3A_1825 : memref<32x512xf32, #tpu.memory_space<hbm>>) target_semaphore(%arg27 : memref<!tpu.dma_semaphore, #tpu.memory_space<semaphore_mem>>)
      %dma_wait3A_1826 = arith.constant 0 : i32
      %dma_wait3A_1827 = arith.constant 0 : i32
      %dma_wait3A_1828 = tpu.memref_slice %arg11[%dma_wait3A_1826, %dma_wait3A_1827] : memref<157696x512xf32, #tpu.memory_space<hbm>> -> memref<32x512xf32, #tpu.memory_space<hbm>>
      %dma_wait3A_1829 = arith.constant 0 : i32
      %dma_wait3A_1830 = arith.constant 0 : i32
      %dma_wait3A_1831 = tpu.memref_slice %arg11[%dma_wait3A_1829, %dma_wait3A_1830] : memref<157696x512xf32, #tpu.memory_space<hbm>> -> memref<32x512xf32, #tpu.memory_space<hbm>>
      tpu.wait_dma2 semaphore(%arg24 : memref<!tpu.dma_semaphore, #tpu.memory_space<semaphore_mem>>) src(%dma_wait3A_1831 : memref<32x512xf32, #tpu.memory_space<hbm>>) dst(%arg19 : memref<32x512xf32, #tpu.memory_space<vmem>>)
      %add3A_1832 = arith.constant 17 : i32
      %add3A_1833 = arith.addi %add3A_1832, %add3A_1739 : i32
      %mul3A_1834 = arith.constant 2 : i32
      %mul3A_1835 = arith.muli %add3A_1833, %mul3A_1834 : i32
      %mul3A_1836 = arith.constant 1024 : i32
      %mul3A_1837 = arith.muli %mul3A_1835, %mul3A_1836 : i32
      %add3A_1838 = arith.addi %mul3A_1837, %add3A_785 : i32
      %dma_start3A_1839 = arith.constant 0 : i32
      %dma_start3A_1840 = tpu.memref_slice %arg11[%add3A_1838, %dma_start3A_1839] : memref<157696x512xf32, #tpu.memory_space<hbm>> -> memref<32x512xf32, #tpu.memory_space<hbm>>
      %dma_start3A_1841 = arith.constant 0 : i32
      %dma_start3A_1842 = tpu.memref_slice %arg11[%add3A_1838, %dma_start3A_1841] : memref<157696x512xf32, #tpu.memory_space<hbm>> -> memref<32x512xf32, #tpu.memory_space<hbm>>
      tpu.enqueue_dma source(%arg19 : memref<32x512xf32, #tpu.memory_space<vmem>>) target(%dma_start3A_1842 : memref<32x512xf32, #tpu.memory_space<hbm>>) target_semaphore(%arg28 : memref<!tpu.dma_semaphore, #tpu.memory_space<semaphore_mem>>)
    }
    %scan3A_1587 = arith.constant 15 : i32
    %dma_start3A_1588 = arith.constant 0 : i32
    %dma_start3A_1589 = arith.constant 0 : i32
    %dma_start3A_1590 = tpu.memref_slice %arg10[%dma_start3A_1588, %dma_start3A_1589] : memref<1000x128xi32, #tpu.memory_space<hbm>> -> memref<1000x128xi32, #tpu.memory_space<hbm>>
    tpu.enqueue_indirect_dma source(%dma_start3A_1590 : memref<1000x128xi32, #tpu.memory_space<hbm>>) target(%arg22 : memref<32x128xi32, #tpu.memory_space<vmem>>) offsets(%arg13 : memref<32xi32, #tpu.memory_space<vmem>>) semaphore(%arg31 : memref<!tpu.dma_semaphore, #tpu.memory_space<semaphore_mem>>)
    %dma_wait3A_1591 = arith.constant 0 : i32
    %dma_wait3A_1592 = arith.constant 0 : i32
    %dma_wait3A_1593 = tpu.memref_slice %arg10[%dma_wait3A_1591, %dma_wait3A_1592] : memref<1000x128xi32, #tpu.memory_space<hbm>> -> memref<1000x128xi32, #tpu.memory_space<hbm>>
    tpu.wait_indirect_dma semaphore(%arg31 : memref<!tpu.dma_semaphore, #tpu.memory_space<semaphore_mem>>) src(%dma_wait3A_1593 : memref<1000x128xi32, #tpu.memory_space<hbm>>) dst(%arg22 : memref<32x128xi32, #tpu.memory_space<vmem>>)
    "tpu.region"() ({
      %run_scoped3A = tpu.sem_alloc : memref<!tpu.dma_semaphore, #tpu.memory_space<semaphore_mem>>
      %dma_start3A_1618 = arith.constant 0 : i32
      %dma_start3A_1619 = tpu.memref_slice %arg12[%add3A_785, %dma_start3A_1618] : memref<2048x128xi32, #tpu.memory_space<hbm>> -> memref<32x128xi32, #tpu.memory_space<hbm>>
      %dma_start3A_1620 = arith.constant 0 : i32
      %dma_start3A_1621 = tpu.memref_slice %arg12[%add3A_785, %dma_start3A_1620] : memref<2048x128xi32, #tpu.memory_space<hbm>> -> memref<32x128xi32, #tpu.memory_space<hbm>>
      tpu.enqueue_dma source(%arg22 : memref<32x128xi32, #tpu.memory_space<vmem>>) target(%dma_start3A_1621 : memref<32x128xi32, #tpu.memory_space<hbm>>) target_semaphore(%run_scoped3A : memref<!tpu.dma_semaphore, #tpu.memory_space<semaphore_mem>>)
      %dma_wait3A_1622 = arith.constant 0 : i32
      %dma_wait3A_1623 = tpu.memref_slice %arg12[%add3A_785, %dma_wait3A_1622] : memref<2048x128xi32, #tpu.memory_space<hbm>> -> memref<32x128xi32, #tpu.memory_space<hbm>>
      %dma_wait3A_1624 = arith.constant 0 : i32
      %dma_wait3A_1625 = tpu.memref_slice %arg12[%add3A_785, %dma_wait3A_1624] : memref<2048x128xi32, #tpu.memory_space<hbm>> -> memref<32x128xi32, #tpu.memory_space<hbm>>
      tpu.wait_dma2 semaphore(%run_scoped3A : memref<!tpu.dma_semaphore, #tpu.memory_space<semaphore_mem>>) src(%arg22 : memref<32x128xi32, #tpu.memory_space<vmem>>) dst(%dma_wait3A_1625 : memref<32x128xi32, #tpu.memory_space<hbm>>)
      tpu.yield
    }) : () -> ()
    %dma_wait3A_1594 = arith.constant 0 : i32
    %dma_wait3A_1595 = arith.constant 0 : i32
    %dma_wait3A_1596 = tpu.memref_slice %arg11[%dma_wait3A_1594, %dma_wait3A_1595] : memref<157696x512xf32, #tpu.memory_space<hbm>> -> memref<32x512xf32, #tpu.memory_space<hbm>>
    %dma_wait3A_1597 = arith.constant 0 : i32
    %dma_wait3A_1598 = arith.constant 0 : i32
    %dma_wait3A_1599 = tpu.memref_slice %arg11[%dma_wait3A_1597, %dma_wait3A_1598] : memref<157696x512xf32, #tpu.memory_space<hbm>> -> memref<32x512xf32, #tpu.memory_space<hbm>>
    tpu.wait_dma2 semaphore(%arg27 : memref<!tpu.dma_semaphore, #tpu.memory_space<semaphore_mem>>) src(%arg18 : memref<32x512xf32, #tpu.memory_space<vmem>>) dst(%dma_wait3A_1599 : memref<32x512xf32, #tpu.memory_space<hbm>>)
    %dma_wait3A_1600 = arith.constant 0 : i32
    %dma_wait3A_1601 = arith.constant 0 : i32
    %dma_wait3A_1602 = tpu.memref_slice %arg11[%dma_wait3A_1600, %dma_wait3A_1601] : memref<157696x512xf32, #tpu.memory_space<hbm>> -> memref<32x512xf32, #tpu.memory_space<hbm>>
    %dma_wait3A_1603 = arith.constant 0 : i32
    %dma_wait3A_1604 = arith.constant 0 : i32
    %dma_wait3A_1605 = tpu.memref_slice %arg11[%dma_wait3A_1603, %dma_wait3A_1604] : memref<157696x512xf32, #tpu.memory_space<hbm>> -> memref<32x512xf32, #tpu.memory_space<hbm>>
    tpu.wait_dma2 semaphore(%arg28 : memref<!tpu.dma_semaphore, #tpu.memory_space<semaphore_mem>>) src(%arg19 : memref<32x512xf32, #tpu.memory_space<vmem>>) dst(%dma_wait3A_1605 : memref<32x512xf32, #tpu.memory_space<hbm>>)
    %dma_wait3A_1606 = arith.constant 0 : i32
    %dma_wait3A_1607 = arith.constant 0 : i32
    %dma_wait3A_1608 = tpu.memref_slice %arg11[%dma_wait3A_1606, %dma_wait3A_1607] : memref<157696x512xf32, #tpu.memory_space<hbm>> -> memref<32x512xf32, #tpu.memory_space<hbm>>
    %dma_wait3A_1609 = arith.constant 0 : i32
    %dma_wait3A_1610 = arith.constant 0 : i32
    %dma_wait3A_1611 = tpu.memref_slice %arg11[%dma_wait3A_1609, %dma_wait3A_1610] : memref<157696x512xf32, #tpu.memory_space<hbm>> -> memref<32x512xf32, #tpu.memory_space<hbm>>
    tpu.wait_dma2 semaphore(%arg29 : memref<!tpu.dma_semaphore, #tpu.memory_space<semaphore_mem>>) src(%arg20 : memref<32x512xf32, #tpu.memory_space<vmem>>) dst(%dma_wait3A_1611 : memref<32x512xf32, #tpu.memory_space<hbm>>)
    %dma_wait3A_1612 = arith.constant 0 : i32
    %dma_wait3A_1613 = arith.constant 0 : i32
    %dma_wait3A_1614 = tpu.memref_slice %arg11[%dma_wait3A_1612, %dma_wait3A_1613] : memref<157696x512xf32, #tpu.memory_space<hbm>> -> memref<32x512xf32, #tpu.memory_space<hbm>>
    %dma_wait3A_1615 = arith.constant 0 : i32
    %dma_wait3A_1616 = arith.constant 0 : i32
    %dma_wait3A_1617 = tpu.memref_slice %arg11[%dma_wait3A_1615, %dma_wait3A_1616] : memref<157696x512xf32, #tpu.memory_space<hbm>> -> memref<32x512xf32, #tpu.memory_space<hbm>>
    tpu.wait_dma2 semaphore(%arg30 : memref<!tpu.dma_semaphore, #tpu.memory_space<semaphore_mem>>) src(%arg21 : memref<32x512xf32, #tpu.memory_space<vmem>>) dst(%dma_wait3A_1617 : memref<32x512xf32, #tpu.memory_space<hbm>>)
    return
  }
}

</mosaic_0001>

<sc_bundles>
// kernel: _prompt_gather.3.cloned.1.call-start
scs
__scs_entry_jumppad:
0x0: {  	(pc) =	sbr.rel $0x88, $3  }
0x1: {  	(tag) =	ssettag $0x0;
	lr =	simm.s32 $0x1  }
0x2: {  	[smem:$0x3F98] =	sst lr;
	_ =	strace $0xD0000000  }
0x3: {  	_ = 	snop  }
0x4: {  	_ = 	snop  }
0x5: {  	_ = 	snop  }
0x6: {  	_ = 	snop  }
0x7: {  	_ = 	snop  }
__scs_overlays_trampoline_lowered:
0x8: {  	[smem:$0x3FA7] =	sst s0  }
0x9: {  	[smem:$0x3FA8] =	sst s1  }
0xa: {  	[smem:$0x3FA9] =	sst s2  }
0xb: {  	[smem:$0x3FAA] =	sst s3  }
0xc: {  	[smem:$0x3FAB] =	sst s4  }
0xd: {  	[smem:$0x3FAC] =	sst s5  }
0xe: {  	[smem:$0x3FAD] =	sst s6  }
0xf: {  	[smem:$0x3FAE] =	sst s7  }
0x10: {  	[smem:$0x3FAF] =	sst s8  }
0x11: {  	[smem:$0x3FB0] =	sst s9;
	s0 =	simm.s32 @!p0 $0x0  }
0x12: {  	s1 =	sld [smem:$0x3F96];
	s0 =	simm.s32 @p0 $0x1  }
0x13: {  	[smem:$0x3FB1] =	sst s0;
	s0 =	simm.s32 @!p1 $0x0  }
0x14: {  	s2 =	sld [smem:$0x3F95];
	s0 =	simm.s32 @p1 $0x1  }
0x15: {  	[smem:$0x3FB2] =	sst s0;
	s0 =	simm.s32 @!p2 $0x0  }
0x16: {  	s3 =	sld [smem:$0x3FDB];
	s0 =	simm.s32 @p2 $0x1  }
0x17: {  	s4 =	simm.s32 $0x1BF5;
	[smem:$0x3FB4] =	sst s0  }
0x18: {  	s0 =	sld [smem:$0x3F97];
	_ =	swait.ge [sflag:s4], $0x0  }
0x19: {  	s7 =	sld [smem:$0x3F98]  }
0x1a: {  	s8 =	sadd.s32 $0xFFFFE003, lr  }
0x1b: {  	s9 =	sadd.s32 $0xFFFFFEF7, lr;
	s5 =	simm.s32 $0xFFFFFFFF;
	p2 =	slt.u32 s8, $0xFFFFF086  }
0x1c: {  	p1 =	slt.u32 s9, $0xF7A;
	s5 =	simm.s32 @!p2 $0x0  }
0x1d: {  	s5 =	simm.s32 @p1 $0x1;
	p0 =	seq.s32 s7, s2  }
0x1e: {  	s7 =	smul.u32 @!p0 $0xF7A, s2;
	p2 =	seq.s32 @!p0 s5, $0x0  }
0x1f: {  	s9 =	smul.u32 $0xF7A, s1;
	s8 =	simm.s32 @!p0 $0x1BF5;
	p2 =	por !p2, p0  }
0x20: {  	[sflag:s8] =	ssyncset.s32 @!p0 $0xFFFFF086;
	s6 =	sadd.s32 @!p0 s3, s7;
	s7 =	simm.s32 @!p0 $0x108  }
0x21: {  	s3 =	sadd.s32 s3, s9;
	s6 =	sadd.s32 @!p0 $0x88, s6;
	s7 =	simm.s32 @p2 $0x1082  }
0x22: {  	[simem:s7], [sflag:s8] =	dma.local @!p0 [hbm:s6], $0xF7A  }
0x23: {  	s9 =	sor.u32 $0xD0000000, s2;
	s6 =	simm.s32 $0x108;
	_ =	swait.ge @!p0 [sflag:s8], $0x0  }
0x24: {  	s3 =	sadd.s32 $0x88, s3;
	s6 =	simm.s32 @!p1 $0x1082;
	[sflag:s4] =	ssyncset.s32 $0xFFFFF086  }
0x25: {  	[simem:s6], [sflag:s4] =	dma.local [hbm:s3], $0xF7A  }
0x26: {  	[smem:$0x3F98] =	sst s1;
	(tag) =	ssettag s2;
	_ =	strace s9  }
0x27: {  	s1 =	sld [smem:$0x3FA8]  }
0x28: {  	s2 =	sld [smem:$0x3FA9]  }
0x29: {  	s4 =	sld [smem:$0x3FAB]  }
0x2a: {  	p0 =	seq.s32 s5, $0x0;
	s5 =	sld [smem:$0x3FAC]  }
0x2b: {  	s6 =	sld [smem:$0x3FAD]  }
0x2c: {  	s7 =	sld [smem:$0x3FAE]  }
0x2d: {  	s3 =	simm.s32 $0x108;
	s8 =	sld [smem:$0x3FAF]  }
0x2e: {  	s3 =	simm.s32 @!p0 $0x1082;
	s9 =	sld [smem:$0x3FB0]  }
0x2f: {  	lr =	sadd.s32 s0, s3;
	s0 =	sld [smem:$0x3FA7]  }
0x30: {  	s3 =	sld [smem:$0x3FAA]  }
0x31: {  	[smem:$0x3FB3] =	sst s10  }
0x32: {  	s10 =	sld [smem:$0x3FB1];
	_ =	sdelay $0x3  }
0x33: {  	p0 =	seq.s32 s10, $0x1;
	s10 =	sld [smem:$0x3FB3];
	_ =	sdelay $0x3  }
0x34: {  	[smem:$0x3FB3] =	sst s10  }
0x35: {  	s10 =	sld [smem:$0x3FB2];
	_ =	sdelay $0x3  }
0x36: {  	p1 =	seq.s32 s10, $0x1;
	s10 =	sld [smem:$0x3FB3];
	_ =	sdelay $0x3  }
0x37: {  	[smem:$0x3FB3] =	sst s10  }
0x38: {  	s10 =	sld [smem:$0x3FB4]  }
0x39: {  	_ = 	snop;
	(pc) =	sbr.ind lr, $3  }
0x3a: {  	_ = 	snop  }
0x3b: {  	_ = 	snop  }
0x3c: {  	p2 =	seq.s32 s10, $0x1;
	s10 =	sld [smem:$0x3FB3]  }
0x3d: {  	_ =	shalt  }
0x3e: {  	_ =	shalt  }
0x3f: {  	_ =	shalt  }
0x40: {  	_ =	shalt  }
0x41: {  	_ =	shalt  }
0x42: {  	_ =	shalt  }
0x43: {  	_ =	shalt  }
0x44: {  	_ =	shalt  }
0x45: {  	_ =	shalt  }
0x46: {  	_ =	shalt  }
0x47: {  	_ =	shalt  }
0x48: {  	_ =	shalt  }
0x49: {  	_ =	shalt  }
0x4a: {  	_ =	shalt  }
0x4b: {  	_ =	shalt  }
0x4c: {  	_ =	shalt  }
0x4d: {  	_ =	shalt  }
0x4e: {  	_ =	shalt  }
0x4f: {  	_ =	shalt  }
0x50: {  	_ =	shalt  }
0x51: {  	_ =	shalt  }
0x52: {  	_ =	shalt  }
0x53: {  	_ =	shalt  }
0x54: {  	_ =	shalt  }
0x55: {  	_ =	shalt  }
0x56: {  	_ =	shalt  }
0x57: {  	_ =	shalt  }
0x58: {  	_ =	shalt  }
0x59: {  	_ =	shalt  }
0x5a: {  	_ =	shalt  }
0x5b: {  	_ =	shalt  }
0x5c: {  	_ =	shalt  }
0x5d: {  	_ =	shalt  }
0x5e: {  	_ =	shalt  }
0x5f: {  	_ =	shalt  }
0x60: {  	_ =	shalt  }
0x61: {  	_ =	shalt  }
0x62: {  	_ =	shalt  }
0x63: {  	_ =	shalt  }
0x64: {  	_ =	shalt  }
0x65: {  	_ =	shalt  }
0x66: {  	_ =	shalt  }
0x67: {  	_ =	shalt  }
0x68: {  	_ =	shalt  }
0x69: {  	_ =	shalt  }
0x6a: {  	_ =	shalt  }
0x6b: {  	_ =	shalt  }
0x6c: {  	_ =	shalt  }
0x6d: {  	_ =	shalt  }
0x6e: {  	_ =	shalt  }
0x6f: {  	_ =	shalt  }
0x70: {  	_ =	shalt  }
0x71: {  	_ =	shalt  }
0x72: {  	_ =	shalt  }
0x73: {  	_ =	shalt  }
0x74: {  	_ =	shalt  }
0x75: {  	_ =	shalt  }
0x76: {  	_ =	shalt  }
0x77: {  	_ =	shalt  }
0x78: {  	_ =	shalt  }
0x79: {  	_ =	shalt  }
0x7a: {  	_ =	shalt  }
0x7b: {  	_ =	shalt  }
0x7c: {  	_ =	shalt  }
0x7d: {  	_ =	shalt  }
0x7e: {  	_ =	shalt  }
0x7f: {  	_ =	shalt  }
0x80: {  	_ =	shalt  }
0x81: {  	_ =	shalt  }
0x82: {  	_ =	shalt  }
0x83: {  	_ =	shalt  }
0x84: {  	_ =	shalt  }
0x85: {  	_ =	shalt  }
0x86: {  	_ =	shalt  }
0x87: {  	_ =	shalt  }
.Lfunc_end0:
.L_simem_size_0:
called_computation_lowered:
.L_overlay_start_0:
0x88: {  	s2 =	sld [smem:$0x3FD9]  }
0x89: {  	s3 =	sld [smem:$0x3FFE];
	_ =	sdelay $0x1  }
0x8a: {  	s1 =	srdreg.scid  }
0x8b: {  	s0 =	sand.u32 $0x1, s1  }
0x8c: {  	s14 =	sshll.u32 s0, $0xA;
	s2 =	sadd.s32 s3, s2  }
0x8d: {  	s2 =	sadd.s32 s2, s14  }
0x8e: {  	[smem:$0x3FBF] =	sst s2  }
0x8f: {  	_ = 	snop  }
0x90: {  	s2 =	sld [smem:$0x3FC8]  }
0x91: {  	s15 =	sld [smem:$0x3FC7]  }
0x92: {  	s4 =	sld [smem:$0x3FC5]  }
0x93: {  	s5 =	sld [smem:$0x3FD0]  }
0x94: {  	s6 =	sld [smem:$0x3FC3]  }
0x95: {  	s7 =	sld [smem:$0x3FC2]  }
0x96: {  	s9 =	simm.s32 $0xA;
	s10 =	simm.s32 $0x10;
	s8 =	sld [smem:$0x3FC1]  }
0x97: {  	[smem:s10], [sflag:s9] =	dma.local [hbm:s5], $0x1  }
0x98: {  	_ =	swait.eq [sflag:s9], $0x1  }
0x99: {  	[sflag:s9] =	ssyncset.done $0x0  }
0x9a: {  	s16 =	sld [smem:$0x10];
	[sflag:s9] =	ssyncadd.s32 $0xFFFFFFFF  }
0x9b: {  	s17 =	sld [smem:$0x11];
	(tm) =	ssettm $0x1  }
0x9c: {  	s18 =	sld [smem:$0x3FFB];
	_ =	sdelay $0x3  }
0x9d: {  	_ =	strace s18  }
0x9e: {  	s10 =	sld [smem:$0x3FFC];
	_ =	sdelay $0x3  }
0x9f: {  	_ =	strace s10  }
0xa0: {  	s10 =	sld [smem:$0x3FFD];
	_ =	sdelay $0x3  }
0xa1: {  	_ =	strace s10  }
0xa2: {  	_ =	strace $0x8FFFFFFF  }
0xa3: {  	s19 =	sld [smem:$0x3FDB];
	_ =	sdelay $0x1  }
0xa4: {  	s11 =	simm.s32 $_scs_section_size  }
0xa5: {  	s12 =	simm.s32 $_size__tile_overlayer_lowered;
	s13 =	simm.s32 $_tile_overlayer_lowered  }
0xa6: {  	s22 =	simm.s32 $0x1BFF;
	s21 =	sshll.u32 s13, $0x1;
	s10 =	sadd.s32 s11, s19  }
0xa7: {  	s20 =	sshll.u32 s12, $0x1;
	s14 =	simm.s32 $0x0;
	s12 =	sadd.s32 s21, s10  }
0xa8: {  	[timem:s14], [sflag:s22] =	dma.local [hbm:s12], s20  }
0xa9: {  	_ =	swait.ge [sflag:s22], s20  }
0xaa: {  	s11 =	ssub.s32 $0x0, s20;
	[sflag:s22] =	ssyncset.done $0x0  }
0xab: {  	[sflag:s22] =	ssyncadd.s32 s11;
	_ =	sdelay $0x1  }
0xac: {  	s23 =	simm.s32 $0x1B8B  }
0xad: {  	_ =	swait.ge [sflag:s23], $0x1  }
0xae: {  	[sflag:s23] =	ssyncset.done $0x0  }
0xaf: {  	s25 =	simm.s32 $0x1B8E;
	s24 =	sld [smem:$0x3FFE];
	[sflag:s23] =	ssyncadd.s32 $0xFFFFFFFF  }
0xb0: {  	s26 =	simm.s32 $execute0_lowered;
	[smem:$0x3FD2] =	sst s25  }
0xb1: {  	s12 =	sshll.u32 s26, $0x1;
	_ =	strace $0x80000046;
	[dreg:$0x1] =	wrdreg $0xFFFFFFFF  }
0xb2: {  	s28 =	simm.s32 $_size_execute0_lowered;
	s10 =	sadd.s32 s10, s12;
	[dreg:$0x0] =	wrdreg $0x0  }
0xb3: {  	s12 =	sshll.u32 s28, $0x1;
	[dreg:$0x2] =	wrdreg s10  }
0xb4: {  	[dreg:$0x3] =	wrdreg s12  }
0xb5: {  	[dreg:$0x4] =	wrdreg $0xC0  }
0xb6: {  	_ =	task [dreg:s14], $0x5FFFF  }
0xb7: {  	[dreg:$0x1] =	wrdreg $0xFFFFFFFF  }
0xb8: {  	[dreg:$0x0] =	wrdreg $0x60  }
0xb9: {  	[dreg:$0x2] =	wrdreg s17  }
0xba: {  	[dreg:$0x3] =	wrdreg s24  }
0xbb: {  	[dreg:$0x4] =	wrdreg s15  }
0xbc: {  	[dreg:$0x5] =	wrdreg s6  }
0xbd: {  	[dreg:$0x6] =	wrdreg s2  }
0xbe: {  	[dreg:$0x7] =	wrdreg s4  }
0xbf: {  	[dreg:$0x8] =	wrdreg s7  }
0xc0: {  	[dreg:$0x9] =	wrdreg s8  }
0xc1: {  	[dreg:$0xa] =	wrdreg s16  }
0xc2: {  	[dreg:$0xb] =	wrdreg $0x9  }
0xc3: {  	_ =	task.clear_ibuf [dreg:s14], $0xCFFFF;
	_ =	strace $0x90000046  }
0xc4: {  	s29 =	simm.s32 $0x9;
	_ =	strace $0x80000048  }
0xc5: {  	_ =	swait.ge [sflag:s29], $0x1  }
0xc6: {  	[sflag:s29] =	ssyncadd.s32 $0xFFFFFFFF  }
0xc7: {  	_ =	strace $0x90000048  }
0xc8: {  	_ =	sfence  }
0xc9: {  	s30 =	sld [smem:$0x0];
	_ =	sdelay $0x2  }
0xca: {  	s31 =	sshll.u32 s1, $0xD;
	s1 =	sshrl.u32 s1, $0x2  }
0xcb: {  	s3 =	sand.u32 $0x4000, s31;
	s1 =	sadd.s32 s1, s30  }
0xcc: {  	s0 =	sor.u32 s3, s0;
	s1 =	sshll.u32 s1, $0x11  }
0xcd: {  	s0 =	sor.u32 s1, s0  }
0xce: {  	s0 =	sadd.s32 $0x8F2B, s0  }
0xcf: {  	[sflag:s0] =	ssyncadd.remote.s32 $0x1  }
0xd0: {  	_ =	sfence.sel $0xFFFF  }
0xd1: {  	[dreg:$0x0] =	wrdreg $0xFFFFFFFF;
	(pc) =	sbr.abs _section_cstart, $3  }
0xd2: {  	[dreg:$0x1] =	wrdreg $0xFFFFFFFF  }
0xd3: {  	_ =	task.clear_ibuf [dreg:s14], $0x2FFFF;
	_ =	strace $0x9FFFFFFF  }
0xd4: {  	(tm) =	ssettm $0x7FFFFFFF  }
0xd5: {  	_ =	shalt  }
tec
execute0_lowered:
.L_overlay_start_1:
0x0: {  	(tag) =	ssettag $0x1  }
0x1: {  	s0 =	rddreg [dreg:$0x0]  }
0x2: {  	s1 =	rddreg [dreg:$0x1]  }
0x3: {  	s13 =	rddreg [dreg:$0x2]  }
0x4: {  	s2 =	rddreg [dreg:$0x3]  }
0x5: {  	s15 =	rddreg [dreg:$0x4]  }
0x6: {  	s4 =	rddreg [dreg:$0x5]  }
0x7: {  	s3 =	rddreg [dreg:$0x8];
	s7 =	simm.s32 $0x0;
	s5 =	srdreg.scid  }
0x8: {  	s16 =	stileid.u32;
	[smem:$0x7FF] =	sst s7  }
0x9: {  	s5 =	sand.u32 $0x1, s5;
	s6 =	sadd.s32 $0x10400, s1;
	s8 =	sadd.s32 $0xA00, s1  }
0xa: {  	s9 =	sshll.u32 s16, $0x1;
	_ =	strace $0x80000047;
	[dreg:$0xa] =	wrdreg s6  }
0xb: {  	s10 =	sadd.s32 $0x1FE00, s1;
	s23 =	sadd.s32 $0x10500, s1;
	[dreg:$0xb] =	wrdreg s8  }
0xc: {  	s24 =	sadd.s32 $0x100, s13;
	s22 =	sor.u32 s5, s9;
	[dreg:$0xd] =	wrdreg s23  }
0xd: {  	s1 =	sadd.s32 $0xB00, s1;
	[smem:$0x7E5] =	sst s24;
	s11 =	sshll.u32 s22, $0x4  }
0xe: {  	[dreg:$0x16] =	wrdreg s1;
	s12 =	sshll.u32 s22, $0xB;
	s0 =	sadd.s32 s0, s11  }
0xf: {  	s11 =	sadd.s32 s3, s12;
	[dreg:$0xc] =	wrdreg s0  }
0x10: {  	s14 =	sshll.u32 s16, $0xC;
	s25 =	sadd.s32 $0x20000, s11;
	[dreg:$0xe] =	wrdreg s11  }
0x11: {  	s20 =	ssub.s32 $0x2, s5;
	s26 =	sadd.s32 $0x40000, s11;
	[dreg:$0xf] =	wrdreg s25  }
0x12: {  	s8 =	sshll.u32 s22, $0x9;
	s29 =	sadd.s32 $0x60000, s11;
	[dreg:$0x10] =	wrdreg s26  }
0x13: {  	s21 =	sshrl.u32 s20, $0x1;
	s0 =	sadd.s32 s10, s8;
	[dreg:$0x11] =	wrdreg s29  }
0x14: {  	s6 =	ssub.s32 s20, s21;
	s16 =	sadd.s32 $0x80000, s11;
	[dreg:$0x12] =	wrdreg s0  }
0x15: {  	s18 =	smax.u32 s6, $0x1;
	[dreg:$0x15] =	wrdreg s16  }
0x16: {  	s20 =	sadd.s32 $0xA0000, s11;
	[dreg:$0x17] =	wrdreg s18  }
0x17: {  	s21 =	sadd.s32 $0xC0000, s11;
	[dreg:$0x1a] =	wrdreg s20  }
0x18: {  	s9 =	sshll.u32 s22, $0x5;
	s22 =	sadd.s32 $0xE0000, s11;
	[dreg:$0x1b] =	wrdreg s21  }
0x19: {  	s23 =	sadd.s32 $0x100000, s11;
	[dreg:$0x1c] =	wrdreg s22  }
0x1a: {  	s24 =	sadd.s32 $0x120000, s11;
	[dreg:$0x1d] =	wrdreg s23  }
0x1b: {  	s17 =	sshll.u32 s5, $0xB;
	s1 =	sadd.s32 $0x1A0000, s11;
	[dreg:$0x1e] =	wrdreg s24  }
0x1c: {  	s9 =	sor.u32 $0x400, s9;
	s5 =	sadd.s32 $0x1E0000, s11;
	[smem:$0x7E8] =	sst s1  }
0x1d: {  	s12 =	sshll.u32 s9, $0x6;
	s6 =	sadd.s32 $0x200000, s11;
	[smem:$0x7EA] =	sst s5  }
0x1e: {  	s8 =	sshll.u32 s9, $0x4;
	s9 =	sadd.s32 $0x30000, s11;
	[smem:$0x7EB] =	sst s6  }
0x1f: {  	s0 =	sadd.s32 s3, s12;
	[smem:$0x7ED] =	sst s9  }
0x20: {  	s13 =	sadd.s32 s10, s8;
	[dreg:$0x13] =	wrdreg s0  }
0x21: {  	s25 =	sadd.s32 $0x140000, s11;
	[dreg:$0x14] =	wrdreg s13  }
0x22: {  	s26 =	sadd.s32 $0x160000, s11;
	[dreg:$0x1f] =	wrdreg s25  }
0x23: {  	s29 =	sadd.s32 $0x180000, s11;
	[smem:$0x7E6] =	sst s26  }
0x24: {  	s31 =	simm.s32 $0x1280;
	s8 =	sadd.s32 $0x100, s15;
	[smem:$0x7E7] =	sst s29  }
0x25: {  	s30 =	simm.s32 $0x5A80;
	s10 =	sadd.s32 $0x50000, s11;
	[smem:$0x7EC] =	sst s8  }
0x26: {  	s28 =	simm.s32 $0x8;
	s12 =	sadd.s32 $0x70000, s11;
	[smem:$0x7EE] =	sst s10  }
0x27: {  	s15 =	sadd.s32 $0xD0000, s11;
	s16 =	sadd.s32 $0xF0000, s11;
	[smem:$0x7EF] =	sst s12  }
0x28: {  	s18 =	sadd.s32 $0x110000, s11;
	s20 =	sadd.s32 $0x150000, s11;
	[smem:$0x7F2] =	sst s15  }
0x29: {  	s21 =	sadd.s32 $0x170000, s11;
	s22 =	sadd.s32 $0x190000, s11;
	[smem:$0x7F3] =	sst s16  }
0x2a: {  	s23 =	sadd.s32 $0x1B0000, s11;
	s24 =	sadd.s32 $0x1D0000, s11;
	[smem:$0x7F4] =	sst s18  }
0x2b: {  	s5 =	simm.s32 $0x280;
	s9 =	simm.s32 $0x1A80;
	[smem:$0x7F6] =	sst s20  }
0x2c: {  	s1 =	simm.s32 $0x8280;
	s6 =	simm.s32 $0xC280;
	[smem:$0x7F7] =	sst s21  }
0x2d: {  	s0 =	sadd.s32 s14, s3;
	s3 =	sadd.s32 $0x1C0000, s11;
	[smem:$0x7F8] =	sst s22  }
0x2e: {  	s13 =	sadd.s32 $0x90000, s11;
	s14 =	sadd.s32 $0xB0000, s11;
	[smem:$0x7F9] =	sst s23  }
0x2f: {  	[smem:$0x7FA] =	sst s24;
	s25 =	sadd.s32 $0x1F0000, s11;
	s26 =	sadd.s32 $0x210000, s11  }
0x30: {  	s18 =	simm.s32 $0x2280;
	s20 =	simm.s32 $0x2A80;
	s21 =	simm.s32 $0x3280  }
0x31: {  	s24 =	simm.s32 $0x3A80;
	s8 =	simm.s32 $0x4280;
	[smem:$0x7E9] =	sst s3  }
0x32: {  	s15 =	simm.s32 $0x4A80;
	s16 =	simm.s32 $0x5280;
	[smem:$0x7F0] =	sst s13  }
0x33: {  	s10 =	simm.s32 $0x1;
	s22 =	simm.s32 $0x2;
	[smem:$0x7F1] =	sst s14  }
0x34: {  	s12 =	simm.s32 $0x3;
	s23 =	simm.s32 $0x4;
	[smem:$0x7FB] =	sst s25  }
0x35: {  	s29 =	simm.s32 $0x0;
	s0 =	sadd.s32 s17, s0;
	[smem:$0x7FC] =	sst s26  }
0x36: {  	s17 =	sadd.s32 $0x100, s2;
	[smem:$0x7FD] =	sst s29;
	s19 =	sadd.s32 $0x280000, s0  }
0x37: {  	v2 =	vlaneseq.u32;
	s3 =	simm.s32 $0xA;
	s0 =	sadd.s32 $0x290000, s0;
	[dreg:$0x18] =	wrdreg s19  }
0x38: {  	vm0 =	vmmov $0xffff;
	v1 =	vshrl.u32 v2, $0x3;
	s25 =	simm.s32 $0xA80;
	[dreg:$0x19] =	wrdreg s0;
	s19 =	sadd.s32 $0x130000, s11  }
0x39: {  	v0 =	vand.u32 $0x7, v2;
	v2 =	vor.u32 $0x8, v2;
	v1 =	vmul.u32 $0x8, v1;
	s26 =	simm.s32 $0x6;
	[smem:$0x7F5] =	sst s19;
	s19 =	sadd.s32 $0x100, s4  }
.LBB2_1:
0x3a: {  	s0 =	rddreg [dreg:$0xc]  }
0x3b: {  	[tilespmem:s7], [sflag:$0xA] =	stream.linear.gather [hbm4b:s0+s7], $0x80, $0x38;
	[tilespmem:$0x11280] =	vst v63  }
0x3c: {  	_ =	swait.ge [sflag:s3], $0x80  }
0x3d: {  	[sflag:s3] =	ssyncset.done $0x0  }
0x3e: {  	[sflag:s3] =	ssyncadd.s32 $0xFFFFFF80  }
0x3f: {  	v3 =	vld [tilespmem:$0x0];
	_ =	sdelay $0x4  }
0x40: {  	v4 =	vshll.u32 v3, $0x2  }
0x41: {  	v5 =	vand.u32 $0x7, v3;
	v4 =	vand.u32 $0xFFFFFFE0, v4  }
0x42: {  	v4 =	vor.u32 v5, v4  }
0x43: {  	v5 =	vperm.xlane v4, v0  }
0x44: {  	v6 =	vld [tilespmem:$0x10]  }
0x45: {  	v5 =	vadd.s32 v1, v5;
	_ =	sdelay $0x1  }
0x46: {  	v4 =	vperm.xlane v4, v2  }
0x47: {  	[tilespmem:$0x80] =	vst v3  }
0x48: {  	s11 =	rddreg [dreg:$0xa];
	[tilespmem:$0x90] =	vst v6;
	v3 =	vadd.s32 v1, v4  }
0x49: {  	[tilespmem:s5], [sflag:$0x1] =	stream.indirect_vreg.gather [hbm4b:s11+s7], $0x80, v5, vm0, $0xb8;
	[tilespmem:$0x11280] =	vst v63  }
0x4a: {  	s13 =	rddreg [dreg:$0xd]  }
0x4b: {  	[tilespmem:s25], [sflag:$0x1] =	stream.indirect_vreg.gather [hbm4b:s13+s7], $0x80, v5, vm0, $0xb8;
	[tilespmem:$0x11280] =	vst v63  }
0x4c: {  	_ = 	snop  }
0x4d: {  	[tilespmem:s31], [sflag:$0x1] =	stream.indirect_vreg.gather [hbm4b:s11+s7], $0x80, v3, vm0, $0xb8;
	[tilespmem:$0x11280] =	vst v63  }
0x4e: {  	_ = 	snop  }
0x4f: {  	[tilespmem:s9], [sflag:$0x1] =	stream.indirect_vreg.gather [hbm4b:s13+s7], $0x80, v3, vm0, $0xb8;
	[tilespmem:$0x11280] =	vst v63  }
0x50: {  	v3 =	vld [tilespmem:$0x90];
	_ =	sdelay $0x4  }
0x51: {  	v56 =	vshll.u32 v3, $0x2  }
0x52: {  	v3 =	vand.u32 $0x7, v3;
	v4 =	vand.u32 $0xFFFFFFE0, v56  }
0x53: {  	v3 =	vor.u32 v3, v4  }
0x54: {  	v4 =	vperm.xlane v3, v0;
	_ =	sdelay $0x1  }
0x55: {  	v4 =	vadd.s32 v1, v4;
	_ =	sdelay $0x1  }
0x56: {  	v3 =	vperm.xlane v3, v2;
	_ =	sdelay $0x1  }
0x57: {  	v3 =	vadd.s32 v1, v3  }
0x58: {  	[tilespmem:s18], [sflag:$0x1] =	stream.indirect_vreg.gather [hbm4b:s11+s7], $0x80, v4, vm0, $0xb8;
	[tilespmem:$0x11280] =	vst v63  }
0x59: {  	_ = 	snop  }
0x5a: {  	[tilespmem:s20], [sflag:$0x1] =	stream.indirect_vreg.gather [hbm4b:s13+s7], $0x80, v4, vm0, $0xb8;
	[tilespmem:$0x11280] =	vst v63  }
0x5b: {  	_ = 	snop  }
0x5c: {  	[tilespmem:s21], [sflag:$0x1] =	stream.indirect_vreg.gather [hbm4b:s11+s7], $0x80, v3, vm0, $0xb8;
	[tilespmem:$0x11280] =	vst v63  }
0x5d: {  	_ = 	snop  }
0x5e: {  	[tilespmem:s24], [sflag:$0x1] =	stream.indirect_vreg.gather [hbm4b:s13+s7], $0x80, v3, vm0, $0xb8;
	[tilespmem:$0x11280] =	vst v63  }
0x5f: {  	v3 =	vld [tilespmem:$0x0];
	_ =	sdelay $0x4  }
0x60: {  	v57 =	vshll.u32 v3, $0x6  }
0x61: {  	v5 =	vld [tilespmem:$0x10];
	v58 =	vperm.xlane v57, v0;
	_ =	sdelay $0x1  }
0x62: {  	v6 =	vadd.s32 v1, v58;
	_ =	sdelay $0x1  }
0x63: {  	v3 =	vshll.u32 v3, $0x4;
	v4 =	vperm.xlane v57, v2  }
0x64: {  	s29 =	sld [smem:$0x7E5];
	[tilespmem:$0x100] =	vst v3;
	v3 =	vshll.u32 v5, $0x4  }
0x65: {  	s0 =	rddreg [dreg:$0x2];
	[tilespmem:$0x110] =	vst v3;
	v3 =	vadd.s32 v1, v4  }
0x66: {  	[tilespmem:s8], [sflag:$0x2] =	stream.indirect_vreg.gather [hbm4b:s0+s7], $0x80, v6, vm0, $0xb8;
	[tilespmem:$0x11280] =	vst v63  }
0x67: {  	_ = 	snop  }
0x68: {  	[tilespmem:s15], [sflag:$0x2] =	stream.indirect_vreg.gather [hbm4b:s29+s7], $0x80, v6, vm0, $0xb8;
	[tilespmem:$0x11280] =	vst v63  }
0x69: {  	_ = 	snop  }
0x6a: {  	[tilespmem:s16], [sflag:$0x2] =	stream.indirect_vreg.gather [hbm4b:s0+s7], $0x80, v3, vm0, $0xb8;
	[tilespmem:$0x11280] =	vst v63  }
0x6b: {  	_ = 	snop  }
0x6c: {  	[tilespmem:s30], [sflag:$0x2] =	stream.indirect_vreg.gather [hbm4b:s29+s7], $0x80, v3, vm0, $0xb8;
	[tilespmem:$0x11280] =	vst v63  }
0x6d: {  	v3 =	vld [tilespmem:$0x110];
	_ =	sdelay $0x4  }
0x6e: {  	v59 =	vshll.u32 v3, $0x2  }
0x6f: {  	v3 =	vand.u32 $0x7, v3;
	v4 =	vand.u32 $0xFFFFFFE0, v59  }
0x70: {  	v3 =	vor.u32 v3, v4  }
0x71: {  	v4 =	vperm.xlane v3, v0;
	_ =	sdelay $0x1  }
0x72: {  	v4 =	vadd.s32 v1, v4;
	_ =	sdelay $0x1  }
0x73: {  	v3 =	vperm.xlane v3, v2;
	_ =	sdelay $0x1  }
0x74: {  	s14 =	simm.s32 $0x6280;
	v3 =	vadd.s32 v1, v3  }
0x75: {  	[tilespmem:s14], [sflag:$0x2] =	stream.indirect_vreg.gather [hbm4b:s0+s7], $0x80, v4, vm0, $0xb8;
	[tilespmem:$0x11280] =	vst v63  }
0x76: {  	s11 =	simm.s32 $0x6A80  }
0x77: {  	[tilespmem:s11], [sflag:$0x2] =	stream.indirect_vreg.gather [hbm4b:s29+s7], $0x80, v4, vm0, $0xb8;
	[tilespmem:$0x11280] =	vst v63  }
0x78: {  	s13 =	simm.s32 $0x7280  }
0x79: {  	[tilespmem:s13], [sflag:$0x2] =	stream.indirect_vreg.gather [hbm4b:s0+s7], $0x80, v3, vm0, $0xb8;
	[tilespmem:$0x11280] =	vst v63  }
0x7a: {  	s11 =	simm.s32 $0x7A80  }
0x7b: {  	[tilespmem:s11], [sflag:$0x2] =	stream.indirect_vreg.gather [hbm4b:s29+s7], $0x80, v3, vm0, $0xb8;
	[tilespmem:$0x11280] =	vst v63  }
0x7c: {  	v3 =	vld [tilespmem:$0x0];
	_ =	sdelay $0x4  }
0x7d: {  	v60 =	vshll.u32 v3, $0x6  }
0x7e: {  	v61 =	vld [tilespmem:$0x10];
	v4 =	vor.u32 $0x1, v60  }
0x7f: {  	v62 =	vperm.xlane v4, v0;
	_ =	sdelay $0x1  }
0x80: {  	v6 =	vadd.s32 v1, v62  }
0x81: {  	v3 =	vshll.u32 v3, $0x4  }
0x82: {  	v5 =	vshll.u32 v61, $0x4;
	v3 =	vor.u32 $0x1, v3;
	v4 =	vperm.xlane v4, v2  }
0x83: {  	[tilespmem:$0x180] =	vst v3;
	v3 =	vor.u32 $0x1, v5  }
0x84: {  	[tilespmem:$0x190] =	vst v3;
	v3 =	vadd.s32 v1, v4  }
0x85: {  	[tilespmem:s1], [sflag:$0x3] =	stream.indirect_vreg.gather [hbm4b:s0+s7], $0x80, v6, vm0, $0xb8;
	[tilespmem:$0x11280] =	vst v63  }
0x86: {  	s13 =	simm.s32 $0x8A80  }
0x87: {  	[tilespmem:s13], [sflag:$0x3] =	stream.indirect_vreg.gather [hbm4b:s29+s7], $0x80, v6, vm0, $0xb8;
	[tilespmem:$0x11280] =	vst v63  }
0x88: {  	s13 =	simm.s32 $0x9280  }
0x89: {  	[tilespmem:s13], [sflag:$0x3] =	stream.indirect_vreg.gather [hbm4b:s0+s7], $0x80, v3, vm0, $0xb8;
	[tilespmem:$0x11280] =	vst v63  }
0x8a: {  	s13 =	simm.s32 $0x9A80  }
0x8b: {  	[tilespmem:s13], [sflag:$0x3] =	stream.indirect_vreg.gather [hbm4b:s29+s7], $0x80, v3, vm0, $0xb8;
	[tilespmem:$0x11280] =	vst v63  }
0x8c: {  	v3 =	vld [tilespmem:$0x190];
	_ =	sdelay $0x4  }
0x8d: {  	v63 =	vshll.u32 v3, $0x2  }
0x8e: {  	v3 =	vand.u32 $0x7, v3;
	v4 =	vand.u32 $0xFFFFFFE0, v63  }
0x8f: {  	v3 =	vor.u32 v3, v4  }
0x90: {  	v4 =	vperm.xlane v3, v0;
	_ =	sdelay $0x1  }
0x91: {  	v4 =	vadd.s32 v1, v4;
	_ =	sdelay $0x1  }
0x92: {  	v3 =	vperm.xlane v3, v2;
	_ =	sdelay $0x1  }
0x93: {  	s13 =	simm.s32 $0xA280;
	v3 =	vadd.s32 v1, v3  }
0x94: {  	[tilespmem:s13], [sflag:$0x3] =	stream.indirect_vreg.gather [hbm4b:s0+s7], $0x80, v4, vm0, $0xb8;
	[tilespmem:$0x11280] =	vst v63  }
0x95: {  	s13 =	simm.s32 $0xAA80  }
0x96: {  	[tilespmem:s13], [sflag:$0x3] =	stream.indirect_vreg.gather [hbm4b:s29+s7], $0x80, v4, vm0, $0xb8;
	[tilespmem:$0x11280] =	vst v63  }
0x97: {  	s13 =	simm.s32 $0xB280  }
0x98: {  	[tilespmem:s13], [sflag:$0x3] =	stream.indirect_vreg.gather [hbm4b:s0+s7], $0x80, v3, vm0, $0xb8;
	[tilespmem:$0x11280] =	vst v63  }
0x99: {  	s13 =	simm.s32 $0xBA80  }
0x9a: {  	[tilespmem:s13], [sflag:$0x3] =	stream.indirect_vreg.gather [hbm4b:s29+s7], $0x80, v3, vm0, $0xb8;
	[tilespmem:$0x11280] =	vst v63  }
0x9b: {  	v3 =	vld [tilespmem:$0x0];
	_ =	sdelay $0x4  }
0x9c: {  	v8 =	vshll.u32 v3, $0x6  }
0x9d: {  	v9 =	vld [tilespmem:$0x10];
	v4 =	vor.u32 $0x2, v8  }
0x9e: {  	v10 =	vperm.xlane v4, v0;
	_ =	sdelay $0x1  }
0x9f: {  	v6 =	vadd.s32 v1, v10  }
0xa0: {  	v3 =	vshll.u32 v3, $0x4  }
0xa1: {  	v5 =	vshll.u32 v9, $0x4;
	v3 =	vor.u32 $0x2, v3;
	v4 =	vperm.xlane v4, v2  }
0xa2: {  	[tilespmem:$0x200] =	vst v3;
	v3 =	vor.u32 $0x2, v5  }
0xa3: {  	[tilespmem:$0x210] =	vst v3;
	v3 =	vadd.s32 v1, v4  }
0xa4: {  	[tilespmem:s6], [sflag:$0x4] =	stream.indirect_vreg.gather [hbm4b:s0+s7], $0x80, v6, vm0, $0xb8;
	[tilespmem:$0x11280] =	vst v63  }
0xa5: {  	s13 =	simm.s32 $0xCA80  }
0xa6: {  	[tilespmem:s13], [sflag:$0x4] =	stream.indirect_vreg.gather [hbm4b:s29+s7], $0x80, v6, vm0, $0xb8;
	[tilespmem:$0x11280] =	vst v63  }
0xa7: {  	s13 =	simm.s32 $0xD280  }
0xa8: {  	[tilespmem:s13], [sflag:$0x4] =	stream.indirect_vreg.gather [hbm4b:s0+s7], $0x80, v3, vm0, $0xb8;
	[tilespmem:$0x11280] =	vst v63  }
0xa9: {  	s13 =	simm.s32 $0xDA80  }
0xaa: {  	[tilespmem:s13], [sflag:$0x4] =	stream.indirect_vreg.gather [hbm4b:s29+s7], $0x80, v3, vm0, $0xb8;
	[tilespmem:$0x11280] =	vst v63  }
0xab: {  	v3 =	vld [tilespmem:$0x210];
	_ =	sdelay $0x4  }
0xac: {  	v11 =	vshll.u32 v3, $0x2  }
0xad: {  	v3 =	vand.u32 $0x7, v3;
	v4 =	vand.u32 $0xFFFFFFE0, v11  }
0xae: {  	v3 =	vor.u32 v3, v4  }
0xaf: {  	v4 =	vperm.xlane v3, v0;
	_ =	sdelay $0x1  }
0xb0: {  	v4 =	vadd.s32 v1, v4;
	_ =	sdelay $0x1  }
0xb1: {  	v3 =	vperm.xlane v3, v2;
	_ =	sdelay $0x1  }
0xb2: {  	s13 =	simm.s32 $0xE280;
	v3 =	vadd.s32 v1, v3  }
0xb3: {  	[tilespmem:s13], [sflag:$0x4] =	stream.indirect_vreg.gather [hbm4b:s0+s7], $0x80, v4, vm0, $0xb8;
	[tilespmem:$0x11280] =	vst v63  }
0xb4: {  	s13 =	simm.s32 $0xEA80  }
0xb5: {  	[tilespmem:s13], [sflag:$0x4] =	stream.indirect_vreg.gather [hbm4b:s29+s7], $0x80, v4, vm0, $0xb8;
	[tilespmem:$0x11280] =	vst v63  }
0xb6: {  	s13 =	simm.s32 $0xF280  }
0xb7: {  	[tilespmem:s13], [sflag:$0x4] =	stream.indirect_vreg.gather [hbm4b:s0+s7], $0x80, v3, vm0, $0xb8;
	[tilespmem:$0x11280] =	vst v63  }
0xb8: {  	s13 =	simm.s32 $0xFA80  }
0xb9: {  	[tilespmem:s13], [sflag:$0x4] =	stream.indirect_vreg.gather [hbm4b:s29+s7], $0x80, v3, vm0, $0xb8;
	[tilespmem:$0x11280] =	vst v63  }
0xba: {  	_ =	swait.ge [sflag:s10], $0x4000  }
0xbb: {  	[sflag:s10] =	ssyncset.done $0x0  }
0xbc: {  	s13 =	rddreg [dreg:$0xe];
	[sflag:s10] =	ssyncadd.s32 $0xFFFFC000  }
0xbd: {  	[hbm4b:s13+s7] =	stream.linear.scatter [tilespmem:s5], [sflag:$0x5], $0x4000, $0x38;
	[tilespmem:$0x11280] =	vst v63  }
0xbe: {  	_ =	swait.ge [sflag:s22], $0x4000  }
0xbf: {  	[sflag:s22] =	ssyncset.done $0x0  }
0xc0: {  	s13 =	rddreg [dreg:$0xf];
	[sflag:s22] =	ssyncadd.s32 $0xFFFFC000  }
0xc1: {  	[hbm4b:s13+s7] =	stream.linear.scatter [tilespmem:s8], [sflag:$0x6], $0x4000, $0x38;
	[tilespmem:$0x11280] =	vst v63  }
0xc2: {  	_ =	swait.ge [sflag:s12], $0x4000  }
0xc3: {  	[sflag:s12] =	ssyncset.done $0x0  }
0xc4: {  	s13 =	rddreg [dreg:$0x10];
	[sflag:s12] =	ssyncadd.s32 $0xFFFFC000  }
0xc5: {  	[hbm4b:s13+s7] =	stream.linear.scatter [tilespmem:s1], [sflag:$0x7], $0x4000, $0x38;
	[tilespmem:$0x11280] =	vst v63  }
0xc6: {  	_ =	swait.ge [sflag:s23], $0x4000  }
0xc7: {  	[sflag:s23] =	ssyncset.done $0x0  }
0xc8: {  	s13 =	rddreg [dreg:$0x11];
	[sflag:s23] =	ssyncadd.s32 $0xFFFFC000  }
0xc9: {  	[hbm4b:s13+s7] =	stream.linear.scatter [tilespmem:s6], [sflag:$0x8], $0x4000, $0x38;
	[tilespmem:$0x11280] =	vst v63  }
0xca: {  	s13 =	simm.s32 $0x5  }
0xcb: {  	_ =	swait.ge [sflag:s13], $0x4000  }
0xcc: {  	[sflag:s13] =	ssyncset.done $0x0  }
0xcd: {  	[sflag:s13] =	ssyncadd.s32 $0xFFFFC000  }
0xce: {  	v3 =	vld [tilespmem:$0x0];
	_ =	sdelay $0x4  }
0xcf: {  	v12 =	vshll.u32 v3, $0x6  }
0xd0: {  	v13 =	vld [tilespmem:$0x10];
	v4 =	vor.u32 $0x3, v12  }
0xd1: {  	v14 =	vperm.xlane v4, v0;
	_ =	sdelay $0x1  }
0xd2: {  	v6 =	vadd.s32 v1, v14  }
0xd3: {  	v3 =	vshll.u32 v3, $0x4  }
0xd4: {  	v5 =	vshll.u32 v13, $0x4;
	v3 =	vor.u32 $0x3, v3;
	v4 =	vperm.xlane v4, v2  }
0xd5: {  	[tilespmem:$0x80] =	vst v3;
	v3 =	vor.u32 $0x3, v5  }
0xd6: {  	[tilespmem:$0x90] =	vst v3;
	v3 =	vadd.s32 v1, v4  }
0xd7: {  	[tilespmem:s5], [sflag:$0x1] =	stream.indirect_vreg.gather [hbm4b:s0+s7], $0x80, v6, vm0, $0xb8;
	[tilespmem:$0x11280] =	vst v63  }
0xd8: {  	_ = 	snop  }
0xd9: {  	[tilespmem:s25], [sflag:$0x1] =	stream.indirect_vreg.gather [hbm4b:s29+s7], $0x80, v6, vm0, $0xb8;
	[tilespmem:$0x11280] =	vst v63  }
0xda: {  	_ = 	snop  }
0xdb: {  	[tilespmem:s31], [sflag:$0x1] =	stream.indirect_vreg.gather [hbm4b:s0+s7], $0x80, v3, vm0, $0xb8;
	[tilespmem:$0x11280] =	vst v63  }
0xdc: {  	_ = 	snop  }
0xdd: {  	[tilespmem:s9], [sflag:$0x1] =	stream.indirect_vreg.gather [hbm4b:s29+s7], $0x80, v3, vm0, $0xb8;
	[tilespmem:$0x11280] =	vst v63  }
0xde: {  	v3 =	vld [tilespmem:$0x90];
	_ =	sdelay $0x4  }
0xdf: {  	v15 =	vshll.u32 v3, $0x2  }
0xe0: {  	v3 =	vand.u32 $0x7, v3;
	v4 =	vand.u32 $0xFFFFFFE0, v15  }
0xe1: {  	v3 =	vor.u32 v3, v4  }
0xe2: {  	v4 =	vperm.xlane v3, v0;
	_ =	sdelay $0x1  }
0xe3: {  	v4 =	vadd.s32 v1, v4;
	_ =	sdelay $0x1  }
0xe4: {  	v3 =	vperm.xlane v3, v2;
	_ =	sdelay $0x1  }
0xe5: {  	v3 =	vadd.s32 v1, v3  }
0xe6: {  	[tilespmem:s18], [sflag:$0x1] =	stream.indirect_vreg.gather [hbm4b:s0+s7], $0x80, v4, vm0, $0xb8;
	[tilespmem:$0x11280] =	vst v63  }
0xe7: {  	_ = 	snop  }
0xe8: {  	[tilespmem:s20], [sflag:$0x1] =	stream.indirect_vreg.gather [hbm4b:s29+s7], $0x80, v4, vm0, $0xb8;
	[tilespmem:$0x11280] =	vst v63  }
0xe9: {  	_ = 	snop  }
0xea: {  	[tilespmem:s21], [sflag:$0x1] =	stream.indirect_vreg.gather [hbm4b:s0+s7], $0x80, v3, vm0, $0xb8;
	[tilespmem:$0x11280] =	vst v63  }
0xeb: {  	_ = 	snop  }
0xec: {  	[tilespmem:s24], [sflag:$0x1] =	stream.indirect_vreg.gather [hbm4b:s29+s7], $0x80, v3, vm0, $0xb8;
	[tilespmem:$0x11280] =	vst v63  }
0xed: {  	_ =	swait.ge [sflag:s26], $0x4000  }
0xee: {  	[sflag:s26] =	ssyncset.done $0x0  }
0xef: {  	[sflag:s26] =	ssyncadd.s32 $0xFFFFC000  }
0xf0: {  	v3 =	vld [tilespmem:$0x0];
	_ =	sdelay $0x4  }
0xf1: {  	v16 =	vshll.u32 v3, $0x6  }
0xf2: {  	v17 =	vld [tilespmem:$0x10];
	v4 =	vor.u32 $0x4, v16  }
0xf3: {  	v18 =	vperm.xlane v4, v0;
	_ =	sdelay $0x1  }
0xf4: {  	v6 =	vadd.s32 v1, v18  }
0xf5: {  	v3 =	vshll.u32 v3, $0x4  }
0xf6: {  	v5 =	vshll.u32 v17, $0x4;
	v3 =	vor.u32 $0x4, v3;
	v4 =	vperm.xlane v4, v2  }
0xf7: {  	[tilespmem:$0x100] =	vst v3;
	v3 =	vor.u32 $0x4, v5  }
0xf8: {  	[tilespmem:$0x110] =	vst v3;
	v3 =	vadd.s32 v1, v4  }
0xf9: {  	[tilespmem:s8], [sflag:$0x2] =	stream.indirect_vreg.gather [hbm4b:s0+s7], $0x80, v6, vm0, $0xb8;
	[tilespmem:$0x11280] =	vst v63  }
0xfa: {  	_ = 	snop  }
0xfb: {  	[tilespmem:s15], [sflag:$0x2] =	stream.indirect_vreg.gather [hbm4b:s29+s7], $0x80, v6, vm0, $0xb8;
	[tilespmem:$0x11280] =	vst v63  }
0xfc: {  	_ = 	snop  }
0xfd: {  	[tilespmem:s16], [sflag:$0x2] =	stream.indirect_vreg.gather [hbm4b:s0+s7], $0x80, v3, vm0, $0xb8;
	[tilespmem:$0x11280] =	vst v63  }
0xfe: {  	_ = 	snop  }
0xff: {  	[tilespmem:s30], [sflag:$0x2] =	stream.indirect_vreg.gather [hbm4b:s29+s7], $0x80, v3, vm0, $0xb8;
	[tilespmem:$0x11280] =	vst v63  }
0x100: {  	v3 =	vld [tilespmem:$0x110];
	_ =	sdelay $0x4  }
0x101: {  	v19 =	vshll.u32 v3, $0x2  }
0x102: {  	v3 =	vand.u32 $0x7, v3;
	v4 =	vand.u32 $0xFFFFFFE0, v19  }
0x103: {  	v3 =	vor.u32 v3, v4  }
0x104: {  	v4 =	vperm.xlane v3, v0;
	_ =	sdelay $0x1  }
0x105: {  	v4 =	vadd.s32 v1, v4;
	_ =	sdelay $0x1  }
0x106: {  	v3 =	vperm.xlane v3, v2;
	_ =	sdelay $0x1  }
0x107: {  	s14 =	simm.s32 $0x6280;
	v3 =	vadd.s32 v1, v3  }
0x108: {  	[tilespmem:s14], [sflag:$0x2] =	stream.indirect_vreg.gather [hbm4b:s0+s7], $0x80, v4, vm0, $0xb8;
	[tilespmem:$0x11280] =	vst v63  }
0x109: {  	s3 =	simm.s32 $0x6A80  }
0x10a: {  	[tilespmem:s3], [sflag:$0x2] =	stream.indirect_vreg.gather [hbm4b:s29+s7], $0x80, v4, vm0, $0xb8;
	[tilespmem:$0x11280] =	vst v63  }
0x10b: {  	s3 =	simm.s32 $0x7280  }
0x10c: {  	[tilespmem:s3], [sflag:$0x2] =	stream.indirect_vreg.gather [hbm4b:s0+s7], $0x80, v3, vm0, $0xb8;
	[tilespmem:$0x11280] =	vst v63  }
0x10d: {  	s11 =	simm.s32 $0x7A80  }
0x10e: {  	[tilespmem:s11], [sflag:$0x2] =	stream.indirect_vreg.gather [hbm4b:s29+s7], $0x80, v3, vm0, $0xb8;
	[tilespmem:$0x11280] =	vst v63  }
0x10f: {  	s11 =	simm.s32 $0x7  }
0x110: {  	_ =	swait.ge [sflag:s11], $0x4000  }
0x111: {  	[sflag:s11] =	ssyncset.done $0x0  }
0x112: {  	[sflag:s11] =	ssyncadd.s32 $0xFFFFC000  }
0x113: {  	v3 =	vld [tilespmem:$0x0];
	_ =	sdelay $0x4  }
0x114: {  	v20 =	vshll.u32 v3, $0x6  }
0x115: {  	v21 =	vld [tilespmem:$0x10];
	v4 =	vor.u32 $0x5, v20  }
0x116: {  	v22 =	vperm.xlane v4, v0;
	_ =	sdelay $0x1  }
0x117: {  	v6 =	vadd.s32 v1, v22  }
0x118: {  	v3 =	vshll.u32 v3, $0x4  }
0x119: {  	v5 =	vshll.u32 v21, $0x4;
	v3 =	vor.u32 $0x5, v3;
	v4 =	vperm.xlane v4, v2  }
0x11a: {  	[tilespmem:$0x180] =	vst v3;
	v3 =	vor.u32 $0x5, v5  }
0x11b: {  	[tilespmem:$0x190] =	vst v3;
	v3 =	vadd.s32 v1, v4  }
0x11c: {  	[tilespmem:s1], [sflag:$0x3] =	stream.indirect_vreg.gather [hbm4b:s0+s7], $0x80, v6, vm0, $0xb8;
	[tilespmem:$0x11280] =	vst v63  }
0x11d: {  	s3 =	simm.s32 $0x8A80  }
0x11e: {  	[tilespmem:s3], [sflag:$0x3] =	stream.indirect_vreg.gather [hbm4b:s29+s7], $0x80, v6, vm0, $0xb8;
	[tilespmem:$0x11280] =	vst v63  }
0x11f: {  	s3 =	simm.s32 $0x9280  }
0x120: {  	[tilespmem:s3], [sflag:$0x3] =	stream.indirect_vreg.gather [hbm4b:s0+s7], $0x80, v3, vm0, $0xb8;
	[tilespmem:$0x11280] =	vst v63  }
0x121: {  	s3 =	simm.s32 $0x9A80  }
0x122: {  	[tilespmem:s3], [sflag:$0x3] =	stream.indirect_vreg.gather [hbm4b:s29+s7], $0x80, v3, vm0, $0xb8;
	[tilespmem:$0x11280] =	vst v63  }
0x123: {  	v3 =	vld [tilespmem:$0x190];
	_ =	sdelay $0x4  }
0x124: {  	v23 =	vshll.u32 v3, $0x2  }
0x125: {  	v3 =	vand.u32 $0x7, v3;
	v4 =	vand.u32 $0xFFFFFFE0, v23  }
0x126: {  	v3 =	vor.u32 v3, v4  }
0x127: {  	v4 =	vperm.xlane v3, v0;
	_ =	sdelay $0x1  }
0x128: {  	v4 =	vadd.s32 v1, v4;
	_ =	sdelay $0x1  }
0x129: {  	v3 =	vperm.xlane v3, v2;
	_ =	sdelay $0x1  }
0x12a: {  	s3 =	simm.s32 $0xA280;
	v3 =	vadd.s32 v1, v3  }
0x12b: {  	[tilespmem:s3], [sflag:$0x3] =	stream.indirect_vreg.gather [hbm4b:s0+s7], $0x80, v4, vm0, $0xb8;
	[tilespmem:$0x11280] =	vst v63  }
0x12c: {  	s3 =	simm.s32 $0xAA80  }
0x12d: {  	[tilespmem:s3], [sflag:$0x3] =	stream.indirect_vreg.gather [hbm4b:s29+s7], $0x80, v4, vm0, $0xb8;
	[tilespmem:$0x11280] =	vst v63  }
0x12e: {  	s3 =	simm.s32 $0xB280  }
0x12f: {  	[tilespmem:s3], [sflag:$0x3] =	stream.indirect_vreg.gather [hbm4b:s0+s7], $0x80, v3, vm0, $0xb8;
	[tilespmem:$0x11280] =	vst v63  }
0x130: {  	s3 =	simm.s32 $0xBA80  }
0x131: {  	[tilespmem:s3], [sflag:$0x3] =	stream.indirect_vreg.gather [hbm4b:s29+s7], $0x80, v3, vm0, $0xb8;
	[tilespmem:$0x11280] =	vst v63  }
0x132: {  	_ =	swait.ge [sflag:s28], $0x4000  }
0x133: {  	[sflag:s28] =	ssyncset.done $0x0  }
0x134: {  	[sflag:s28] =	ssyncadd.s32 $0xFFFFC000  }
0x135: {  	v3 =	vld [tilespmem:$0x0];
	_ =	sdelay $0x4  }
0x136: {  	v24 =	vshll.u32 v3, $0x6  }
0x137: {  	v25 =	vld [tilespmem:$0x10];
	v4 =	vor.u32 $0x6, v24  }
0x138: {  	v26 =	vperm.xlane v4, v0;
	_ =	sdelay $0x1  }
0x139: {  	v6 =	vadd.s32 v1, v26  }
0x13a: {  	v3 =	vshll.u32 v3, $0x4  }
0x13b: {  	v5 =	vshll.u32 v25, $0x4;
	v3 =	vor.u32 $0x6, v3;
	v4 =	vperm.xlane v4, v2  }
0x13c: {  	[tilespmem:$0x200] =	vst v3;
	v3 =	vor.u32 $0x6, v5  }
0x13d: {  	[tilespmem:$0x210] =	vst v3;
	v3 =	vadd.s32 v1, v4  }
0x13e: {  	[tilespmem:s6], [sflag:$0x4] =	stream.indirect_vreg.gather [hbm4b:s0+s7], $0x80, v6, vm0, $0xb8;
	[tilespmem:$0x11280] =	vst v63  }
0x13f: {  	s3 =	simm.s32 $0xCA80  }
0x140: {  	[tilespmem:s3], [sflag:$0x4] =	stream.indirect_vreg.gather [hbm4b:s29+s7], $0x80, v6, vm0, $0xb8;
	[tilespmem:$0x11280] =	vst v63  }
0x141: {  	s3 =	simm.s32 $0xD280  }
0x142: {  	[tilespmem:s3], [sflag:$0x4] =	stream.indirect_vreg.gather [hbm4b:s0+s7], $0x80, v3, vm0, $0xb8;
	[tilespmem:$0x11280] =	vst v63  }
0x143: {  	s3 =	simm.s32 $0xDA80  }
0x144: {  	[tilespmem:s3], [sflag:$0x4] =	stream.indirect_vreg.gather [hbm4b:s29+s7], $0x80, v3, vm0, $0xb8;
	[tilespmem:$0x11280] =	vst v63  }
0x145: {  	v3 =	vld [tilespmem:$0x210];
	_ =	sdelay $0x4  }
0x146: {  	v27 =	vshll.u32 v3, $0x2  }
0x147: {  	v3 =	vand.u32 $0x7, v3;
	v4 =	vand.u32 $0xFFFFFFE0, v27  }
0x148: {  	v3 =	vor.u32 v3, v4  }
0x149: {  	v4 =	vperm.xlane v3, v0;
	_ =	sdelay $0x1  }
0x14a: {  	v4 =	vadd.s32 v1, v4;
	_ =	sdelay $0x1  }
0x14b: {  	v3 =	vperm.xlane v3, v2;
	_ =	sdelay $0x1  }
0x14c: {  	s3 =	simm.s32 $0xE280;
	v3 =	vadd.s32 v1, v3  }
0x14d: {  	[tilespmem:s3], [sflag:$0x4] =	stream.indirect_vreg.gather [hbm4b:s0+s7], $0x80, v4, vm0, $0xb8;
	[tilespmem:$0x11280] =	vst v63  }
0x14e: {  	s3 =	simm.s32 $0xEA80  }
0x14f: {  	[tilespmem:s3], [sflag:$0x4] =	stream.indirect_vreg.gather [hbm4b:s29+s7], $0x80, v4, vm0, $0xb8;
	[tilespmem:$0x11280] =	vst v63  }
0x150: {  	s3 =	simm.s32 $0xF280  }
0x151: {  	[tilespmem:s3], [sflag:$0x4] =	stream.indirect_vreg.gather [hbm4b:s0+s7], $0x80, v3, vm0, $0xb8;
	[tilespmem:$0x11280] =	vst v63  }
0x152: {  	s3 =	simm.s32 $0xFA80  }
0x153: {  	[tilespmem:s3], [sflag:$0x4] =	stream.indirect_vreg.gather [hbm4b:s29+s7], $0x80, v3, vm0, $0xb8;
	[tilespmem:$0x11280] =	vst v63  }
0x154: {  	_ =	swait.ge [sflag:s10], $0x4000  }
0x155: {  	[sflag:s10] =	ssyncset.done $0x0  }
0x156: {  	s3 =	rddreg [dreg:$0x15];
	[sflag:s10] =	ssyncadd.s32 $0xFFFFC000  }
0x157: {  	[hbm4b:s3+s7] =	stream.linear.scatter [tilespmem:s5], [sflag:$0x5], $0x4000, $0x38;
	[tilespmem:$0x11280] =	vst v63  }
0x158: {  	_ =	swait.ge [sflag:s22], $0x4000  }
0x159: {  	[sflag:s22] =	ssyncset.done $0x0  }
0x15a: {  	s3 =	rddreg [dreg:$0x1a];
	[sflag:s22] =	ssyncadd.s32 $0xFFFFC000  }
0x15b: {  	[hbm4b:s3+s7] =	stream.linear.scatter [tilespmem:s8], [sflag:$0x6], $0x4000, $0x38;
	[tilespmem:$0x11280] =	vst v63  }
0x15c: {  	_ =	swait.ge [sflag:s12], $0x4000  }
0x15d: {  	[sflag:s12] =	ssyncset.done $0x0  }
0x15e: {  	s3 =	rddreg [dreg:$0x1b];
	[sflag:s12] =	ssyncadd.s32 $0xFFFFC000  }
0x15f: {  	[hbm4b:s3+s7] =	stream.linear.scatter [tilespmem:s1], [sflag:$0x7], $0x4000, $0x38;
	[tilespmem:$0x11280] =	vst v63  }
0x160: {  	_ =	swait.ge [sflag:s23], $0x4000  }
0x161: {  	[sflag:s23] =	ssyncset.done $0x0  }
0x162: {  	s3 =	rddreg [dreg:$0x1c];
	[sflag:s23] =	ssyncadd.s32 $0xFFFFC000  }
0x163: {  	[hbm4b:s3+s7] =	stream.linear.scatter [tilespmem:s6], [sflag:$0x8], $0x4000, $0x38;
	[tilespmem:$0x11280] =	vst v63  }
0x164: {  	_ =	swait.ge [sflag:s13], $0x4000  }
0x165: {  	[sflag:s13] =	ssyncset.done $0x0  }
0x166: {  	[sflag:s13] =	ssyncadd.s32 $0xFFFFC000  }
0x167: {  	v3 =	vld [tilespmem:$0x0];
	_ =	sdelay $0x4  }
0x168: {  	v28 =	vshll.u32 v3, $0x6  }
0x169: {  	v29 =	vld [tilespmem:$0x10];
	v4 =	vor.u32 $0x7, v28  }
0x16a: {  	v30 =	vperm.xlane v4, v0;
	_ =	sdelay $0x1  }
0x16b: {  	v6 =	vadd.s32 v1, v30  }
0x16c: {  	v3 =	vshll.u32 v3, $0x4  }
0x16d: {  	v5 =	vshll.u32 v29, $0x4;
	v3 =	vor.u32 $0x7, v3;
	v4 =	vperm.xlane v4, v2  }
0x16e: {  	[tilespmem:$0x80] =	vst v3;
	v3 =	vor.u32 $0x7, v5  }
0x16f: {  	[tilespmem:$0x90] =	vst v3;
	v3 =	vadd.s32 v1, v4  }
0x170: {  	[tilespmem:s5], [sflag:$0x1] =	stream.indirect_vreg.gather [hbm4b:s0+s7], $0x80, v6, vm0, $0xb8;
	[tilespmem:$0x11280] =	vst v63  }
0x171: {  	_ = 	snop  }
0x172: {  	[tilespmem:s25], [sflag:$0x1] =	stream.indirect_vreg.gather [hbm4b:s29+s7], $0x80, v6, vm0, $0xb8;
	[tilespmem:$0x11280] =	vst v63  }
0x173: {  	_ = 	snop  }
0x174: {  	[tilespmem:s31], [sflag:$0x1] =	stream.indirect_vreg.gather [hbm4b:s0+s7], $0x80, v3, vm0, $0xb8;
	[tilespmem:$0x11280] =	vst v63  }
0x175: {  	_ = 	snop  }
0x176: {  	[tilespmem:s9], [sflag:$0x1] =	stream.indirect_vreg.gather [hbm4b:s29+s7], $0x80, v3, vm0, $0xb8;
	[tilespmem:$0x11280] =	vst v63  }
0x177: {  	v3 =	vld [tilespmem:$0x90];
	_ =	sdelay $0x4  }
0x178: {  	v31 =	vshll.u32 v3, $0x2  }
0x179: {  	v3 =	vand.u32 $0x7, v3;
	v4 =	vand.u32 $0xFFFFFFE0, v31  }
0x17a: {  	v3 =	vor.u32 v3, v4  }
0x17b: {  	v4 =	vperm.xlane v3, v0;
	_ =	sdelay $0x1  }
0x17c: {  	v4 =	vadd.s32 v1, v4;
	_ =	sdelay $0x1  }
0x17d: {  	v3 =	vperm.xlane v3, v2;
	_ =	sdelay $0x1  }
0x17e: {  	v3 =	vadd.s32 v1, v3  }
0x17f: {  	[tilespmem:s18], [sflag:$0x1] =	stream.indirect_vreg.gather [hbm4b:s0+s7], $0x80, v4, vm0, $0xb8;
	[tilespmem:$0x11280] =	vst v63  }
0x180: {  	_ = 	snop  }
0x181: {  	[tilespmem:s20], [sflag:$0x1] =	stream.indirect_vreg.gather [hbm4b:s29+s7], $0x80, v4, vm0, $0xb8;
	[tilespmem:$0x11280] =	vst v63  }
0x182: {  	_ = 	snop  }
0x183: {  	[tilespmem:s21], [sflag:$0x1] =	stream.indirect_vreg.gather [hbm4b:s0+s7], $0x80, v3, vm0, $0xb8;
	[tilespmem:$0x11280] =	vst v63  }
0x184: {  	_ = 	snop  }
0x185: {  	[tilespmem:s24], [sflag:$0x1] =	stream.indirect_vreg.gather [hbm4b:s29+s7], $0x80, v3, vm0, $0xb8;
	[tilespmem:$0x11280] =	vst v63  }
0x186: {  	_ =	swait.ge [sflag:s26], $0x4000  }
0x187: {  	[sflag:s26] =	ssyncset.done $0x0  }
0x188: {  	[sflag:s26] =	ssyncadd.s32 $0xFFFFC000  }
0x189: {  	v3 =	vld [tilespmem:$0x0];
	_ =	sdelay $0x4  }
0x18a: {  	v3 =	vshll.u32 v3, $0x4  }
0x18b: {  	v3 =	vor.u32 $0x8, v3  }
0x18c: {  	v32 =	vld [tilespmem:$0x10];
	v33 =	vshll.u32 v3, $0x2  }
0x18d: {  	v34 =	vperm.xlane v33, v0;
	_ =	sdelay $0x1  }
0x18e: {  	v6 =	vadd.s32 v1, v34;
	_ =	sdelay $0x1  }
0x18f: {  	v4 =	vshll.u32 v32, $0x4;
	v5 =	vperm.xlane v33, v2  }
0x190: {  	[tilespmem:$0x100] =	vst v3;
	v3 =	vor.u32 $0x8, v4  }
0x191: {  	[tilespmem:$0x110] =	vst v3;
	v3 =	vadd.s32 v1, v5  }
0x192: {  	[tilespmem:s8], [sflag:$0x2] =	stream.indirect_vreg.gather [hbm4b:s0+s7], $0x80, v6, vm0, $0xb8;
	[tilespmem:$0x11280] =	vst v63  }
0x193: {  	_ = 	snop  }
0x194: {  	[tilespmem:s15], [sflag:$0x2] =	stream.indirect_vreg.gather [hbm4b:s29+s7], $0x80, v6, vm0, $0xb8;
	[tilespmem:$0x11280] =	vst v63  }
0x195: {  	_ = 	snop  }
0x196: {  	[tilespmem:s16], [sflag:$0x2] =	stream.indirect_vreg.gather [hbm4b:s0+s7], $0x80, v3, vm0, $0xb8;
	[tilespmem:$0x11280] =	vst v63  }
0x197: {  	_ = 	snop  }
0x198: {  	[tilespmem:s30], [sflag:$0x2] =	stream.indirect_vreg.gather [hbm4b:s29+s7], $0x80, v3, vm0, $0xb8;
	[tilespmem:$0x11280] =	vst v63  }
0x199: {  	v3 =	vld [tilespmem:$0x110];
	_ =	sdelay $0x4  }
0x19a: {  	v35 =	vshll.u32 v3, $0x2  }
0x19b: {  	v3 =	vand.u32 $0x7, v3;
	v4 =	vand.u32 $0xFFFFFFE0, v35  }
0x19c: {  	v3 =	vor.u32 v3, v4  }
0x19d: {  	v4 =	vperm.xlane v3, v0;
	_ =	sdelay $0x1  }
0x19e: {  	v4 =	vadd.s32 v1, v4;
	_ =	sdelay $0x1  }
0x19f: {  	v3 =	vperm.xlane v3, v2;
	_ =	sdelay $0x1  }
0x1a0: {  	s14 =	simm.s32 $0x6280;
	v3 =	vadd.s32 v1, v3  }
0x1a1: {  	[tilespmem:s14], [sflag:$0x2] =	stream.indirect_vreg.gather [hbm4b:s0+s7], $0x80, v4, vm0, $0xb8;
	[tilespmem:$0x11280] =	vst v63  }
0x1a2: {  	s3 =	simm.s32 $0x6A80  }
0x1a3: {  	[tilespmem:s3], [sflag:$0x2] =	stream.indirect_vreg.gather [hbm4b:s29+s7], $0x80, v4, vm0, $0xb8;
	[tilespmem:$0x11280] =	vst v63  }
0x1a4: {  	s3 =	simm.s32 $0x7280  }
0x1a5: {  	[tilespmem:s3], [sflag:$0x2] =	stream.indirect_vreg.gather [hbm4b:s0+s7], $0x80, v3, vm0, $0xb8;
	[tilespmem:$0x11280] =	vst v63  }
0x1a6: {  	s3 =	simm.s32 $0x7A80  }
0x1a7: {  	[tilespmem:s3], [sflag:$0x2] =	stream.indirect_vreg.gather [hbm4b:s29+s7], $0x80, v3, vm0, $0xb8;
	[tilespmem:$0x11280] =	vst v63  }
0x1a8: {  	_ =	swait.ge [sflag:s11], $0x4000  }
0x1a9: {  	[sflag:s11] =	ssyncset.done $0x0  }
0x1aa: {  	[sflag:s11] =	ssyncadd.s32 $0xFFFFC000  }
0x1ab: {  	v3 =	vld [tilespmem:$0x0];
	_ =	sdelay $0x4  }
0x1ac: {  	v3 =	vshll.u32 v3, $0x4  }
0x1ad: {  	v3 =	vor.u32 $0x9, v3  }
0x1ae: {  	v36 =	vshll.u32 v3, $0x2  }
0x1af: {  	v4 =	vand.u32 $0xFFFFFFE0, v36  }
0x1b0: {  	v37 =	vld [tilespmem:$0x10];
	v4 =	vor.u32 $0x1, v4  }
0x1b1: {  	v38 =	vperm.xlane v4, v0;
	_ =	sdelay $0x1  }
0x1b2: {  	v6 =	vadd.s32 v1, v38;
	_ =	sdelay $0x1  }
0x1b3: {  	v5 =	vshll.u32 v37, $0x4;
	v4 =	vperm.xlane v4, v2  }
0x1b4: {  	[tilespmem:$0x180] =	vst v3;
	v3 =	vor.u32 $0x9, v5  }
0x1b5: {  	[tilespmem:$0x190] =	vst v3;
	v3 =	vadd.s32 v1, v4  }
0x1b6: {  	[tilespmem:s1], [sflag:$0x3] =	stream.indirect_vreg.gather [hbm4b:s0+s7], $0x80, v6, vm0, $0xb8;
	[tilespmem:$0x11280] =	vst v63  }
0x1b7: {  	s3 =	simm.s32 $0x8A80  }
0x1b8: {  	[tilespmem:s3], [sflag:$0x3] =	stream.indirect_vreg.gather [hbm4b:s29+s7], $0x80, v6, vm0, $0xb8;
	[tilespmem:$0x11280] =	vst v63  }
0x1b9: {  	s3 =	simm.s32 $0x9280  }
0x1ba: {  	[tilespmem:s3], [sflag:$0x3] =	stream.indirect_vreg.gather [hbm4b:s0+s7], $0x80, v3, vm0, $0xb8;
	[tilespmem:$0x11280] =	vst v63  }
0x1bb: {  	s3 =	simm.s32 $0x9A80  }
0x1bc: {  	[tilespmem:s3], [sflag:$0x3] =	stream.indirect_vreg.gather [hbm4b:s29+s7], $0x80, v3, vm0, $0xb8;
	[tilespmem:$0x11280] =	vst v63  }
0x1bd: {  	v3 =	vld [tilespmem:$0x190];
	_ =	sdelay $0x4  }
0x1be: {  	v39 =	vshll.u32 v3, $0x2  }
0x1bf: {  	v3 =	vand.u32 $0x7, v3;
	v4 =	vand.u32 $0xFFFFFFE0, v39  }
0x1c0: {  	v3 =	vor.u32 v3, v4  }
0x1c1: {  	v4 =	vperm.xlane v3, v0;
	_ =	sdelay $0x1  }
0x1c2: {  	v4 =	vadd.s32 v1, v4;
	_ =	sdelay $0x1  }
0x1c3: {  	v3 =	vperm.xlane v3, v2;
	_ =	sdelay $0x1  }
0x1c4: {  	s3 =	simm.s32 $0xA280;
	v3 =	vadd.s32 v1, v3  }
0x1c5: {  	[tilespmem:s3], [sflag:$0x3] =	stream.indirect_vreg.gather [hbm4b:s0+s7], $0x80, v4, vm0, $0xb8;
	[tilespmem:$0x11280] =	vst v63  }
0x1c6: {  	s3 =	simm.s32 $0xAA80  }
0x1c7: {  	[tilespmem:s3], [sflag:$0x3] =	stream.indirect_vreg.gather [hbm4b:s29+s7], $0x80, v4, vm0, $0xb8;
	[tilespmem:$0x11280] =	vst v63  }
0x1c8: {  	s3 =	simm.s32 $0xB280  }
0x1c9: {  	[tilespmem:s3], [sflag:$0x3] =	stream.indirect_vreg.gather [hbm4b:s0+s7], $0x80, v3, vm0, $0xb8;
	[tilespmem:$0x11280] =	vst v63  }
0x1ca: {  	s3 =	simm.s32 $0xBA80  }
0x1cb: {  	[tilespmem:s3], [sflag:$0x3] =	stream.indirect_vreg.gather [hbm4b:s29+s7], $0x80, v3, vm0, $0xb8;
	[tilespmem:$0x11280] =	vst v63  }
0x1cc: {  	_ =	swait.ge [sflag:s28], $0x4000  }
0x1cd: {  	[sflag:s28] =	ssyncset.done $0x0  }
0x1ce: {  	[sflag:s28] =	ssyncadd.s32 $0xFFFFC000  }
0x1cf: {  	v3 =	vld [tilespmem:$0x0];
	_ =	sdelay $0x4  }
0x1d0: {  	v3 =	vshll.u32 v3, $0x4  }
0x1d1: {  	v3 =	vor.u32 $0xA, v3  }
0x1d2: {  	v40 =	vshll.u32 v3, $0x2  }
0x1d3: {  	v4 =	vand.u32 $0xFFFFFFE0, v40  }
0x1d4: {  	v41 =	vld [tilespmem:$0x10];
	v4 =	vor.u32 $0x2, v4  }
0x1d5: {  	v42 =	vperm.xlane v4, v0;
	_ =	sdelay $0x1  }
0x1d6: {  	v6 =	vadd.s32 v1, v42;
	_ =	sdelay $0x1  }
0x1d7: {  	v5 =	vshll.u32 v41, $0x4;
	v4 =	vperm.xlane v4, v2  }
0x1d8: {  	[tilespmem:$0x200] =	vst v3;
	v3 =	vor.u32 $0xA, v5  }
0x1d9: {  	[tilespmem:$0x210] =	vst v3;
	v3 =	vadd.s32 v1, v4  }
0x1da: {  	[tilespmem:s6], [sflag:$0x4] =	stream.indirect_vreg.gather [hbm4b:s0+s7], $0x80, v6, vm0, $0xb8;
	[tilespmem:$0x11280] =	vst v63  }
0x1db: {  	s3 =	simm.s32 $0xCA80  }
0x1dc: {  	[tilespmem:s3], [sflag:$0x4] =	stream.indirect_vreg.gather [hbm4b:s29+s7], $0x80, v6, vm0, $0xb8;
	[tilespmem:$0x11280] =	vst v63  }
0x1dd: {  	s3 =	simm.s32 $0xD280  }
0x1de: {  	[tilespmem:s3], [sflag:$0x4] =	stream.indirect_vreg.gather [hbm4b:s0+s7], $0x80, v3, vm0, $0xb8;
	[tilespmem:$0x11280] =	vst v63  }
0x1df: {  	s3 =	simm.s32 $0xDA80  }
0x1e0: {  	[tilespmem:s3], [sflag:$0x4] =	stream.indirect_vreg.gather [hbm4b:s29+s7], $0x80, v3, vm0, $0xb8;
	[tilespmem:$0x11280] =	vst v63  }
0x1e1: {  	v3 =	vld [tilespmem:$0x210];
	_ =	sdelay $0x4  }
0x1e2: {  	v43 =	vshll.u32 v3, $0x2  }
0x1e3: {  	v3 =	vand.u32 $0x7, v3;
	v4 =	vand.u32 $0xFFFFFFE0, v43  }
0x1e4: {  	v3 =	vor.u32 v3, v4  }
0x1e5: {  	v4 =	vperm.xlane v3, v0;
	_ =	sdelay $0x1  }
0x1e6: {  	v4 =	vadd.s32 v1, v4;
	_ =	sdelay $0x1  }
0x1e7: {  	v3 =	vperm.xlane v3, v2;
	_ =	sdelay $0x1  }
0x1e8: {  	s3 =	simm.s32 $0xE280;
	v3 =	vadd.s32 v1, v3  }
0x1e9: {  	[tilespmem:s3], [sflag:$0x4] =	stream.indirect_vreg.gather [hbm4b:s0+s7], $0x80, v4, vm0, $0xb8;
	[tilespmem:$0x11280] =	vst v63  }
0x1ea: {  	s3 =	simm.s32 $0xEA80  }
0x1eb: {  	[tilespmem:s3], [sflag:$0x4] =	stream.indirect_vreg.gather [hbm4b:s29+s7], $0x80, v4, vm0, $0xb8;
	[tilespmem:$0x11280] =	vst v63  }
0x1ec: {  	s3 =	simm.s32 $0xF280  }
0x1ed: {  	[tilespmem:s3], [sflag:$0x4] =	stream.indirect_vreg.gather [hbm4b:s0+s7], $0x80, v3, vm0, $0xb8;
	[tilespmem:$0x11280] =	vst v63  }
0x1ee: {  	s3 =	simm.s32 $0xFA80  }
0x1ef: {  	[tilespmem:s3], [sflag:$0x4] =	stream.indirect_vreg.gather [hbm4b:s29+s7], $0x80, v3, vm0, $0xb8;
	[tilespmem:$0x11280] =	vst v63  }
0x1f0: {  	_ =	swait.ge [sflag:s10], $0x4000  }
0x1f1: {  	[sflag:s10] =	ssyncset.done $0x0  }
0x1f2: {  	s3 =	rddreg [dreg:$0x1d];
	[sflag:s10] =	ssyncadd.s32 $0xFFFFC000  }
0x1f3: {  	[hbm4b:s3+s7] =	stream.linear.scatter [tilespmem:s5], [sflag:$0x5], $0x4000, $0x38;
	[tilespmem:$0x11280] =	vst v63  }
0x1f4: {  	_ =	swait.ge [sflag:s22], $0x4000  }
0x1f5: {  	[sflag:s22] =	ssyncset.done $0x0  }
0x1f6: {  	s3 =	rddreg [dreg:$0x1e];
	[sflag:s22] =	ssyncadd.s32 $0xFFFFC000  }
0x1f7: {  	[hbm4b:s3+s7] =	stream.linear.scatter [tilespmem:s8], [sflag:$0x6], $0x4000, $0x38;
	[tilespmem:$0x11280] =	vst v63  }
0x1f8: {  	_ =	swait.ge [sflag:s12], $0x4000  }
0x1f9: {  	[sflag:s12] =	ssyncset.done $0x0  }
0x1fa: {  	s3 =	rddreg [dreg:$0x1f];
	[sflag:s12] =	ssyncadd.s32 $0xFFFFC000  }
0x1fb: {  	[hbm4b:s3+s7] =	stream.linear.scatter [tilespmem:s1], [sflag:$0x7], $0x4000, $0x38;
	[tilespmem:$0x11280] =	vst v63  }
0x1fc: {  	_ =	swait.ge [sflag:s23], $0x4000  }
0x1fd: {  	s1 =	sld [smem:$0x7E6]  }
0x1fe: {  	[sflag:s23] =	ssyncset.done $0x0  }
0x1ff: {  	[sflag:s23] =	ssyncadd.s32 $0xFFFFC000  }
0x200: {  	[hbm4b:s1+s7] =	stream.linear.scatter [tilespmem:s6], [sflag:$0x8], $0x4000, $0x38;
	[tilespmem:$0x11280] =	vst v63  }
0x201: {  	_ =	swait.ge [sflag:s13], $0x4000  }
0x202: {  	[sflag:s13] =	ssyncset.done $0x0  }
0x203: {  	[sflag:s13] =	ssyncadd.s32 $0xFFFFC000  }
0x204: {  	v3 =	vld [tilespmem:$0x0];
	_ =	sdelay $0x4  }
0x205: {  	v3 =	vshll.u32 v3, $0x4  }
0x206: {  	v3 =	vor.u32 $0xB, v3  }
0x207: {  	v44 =	vshll.u32 v3, $0x2  }
0x208: {  	v4 =	vand.u32 $0xFFFFFFE0, v44  }
0x209: {  	v45 =	vld [tilespmem:$0x10];
	v4 =	vor.u32 $0x3, v4  }
0x20a: {  	v46 =	vperm.xlane v4, v0;
	_ =	sdelay $0x1  }
0x20b: {  	v6 =	vadd.s32 v1, v46;
	_ =	sdelay $0x1  }
0x20c: {  	v5 =	vshll.u32 v45, $0x4;
	v4 =	vperm.xlane v4, v2  }
0x20d: {  	[tilespmem:$0x80] =	vst v3;
	v3 =	vor.u32 $0xB, v5  }
0x20e: {  	[tilespmem:$0x90] =	vst v3;
	v3 =	vadd.s32 v1, v4  }
0x20f: {  	[tilespmem:s5], [sflag:$0x1] =	stream.indirect_vreg.gather [hbm4b:s0+s7], $0x80, v6, vm0, $0xb8;
	[tilespmem:$0x11280] =	vst v63  }
0x210: {  	_ = 	snop  }
0x211: {  	[tilespmem:s25], [sflag:$0x1] =	stream.indirect_vreg.gather [hbm4b:s29+s7], $0x80, v6, vm0, $0xb8;
	[tilespmem:$0x11280] =	vst v63  }
0x212: {  	_ = 	snop  }
0x213: {  	[tilespmem:s31], [sflag:$0x1] =	stream.indirect_vreg.gather [hbm4b:s0+s7], $0x80, v3, vm0, $0xb8;
	[tilespmem:$0x11280] =	vst v63  }
0x214: {  	_ = 	snop  }
0x215: {  	[tilespmem:s9], [sflag:$0x1] =	stream.indirect_vreg.gather [hbm4b:s29+s7], $0x80, v3, vm0, $0xb8;
	[tilespmem:$0x11280] =	vst v63  }
0x216: {  	v3 =	vld [tilespmem:$0x90];
	_ =	sdelay $0x4  }
0x217: {  	v47 =	vshll.u32 v3, $0x2  }
0x218: {  	v3 =	vand.u32 $0x7, v3;
	v4 =	vand.u32 $0xFFFFFFE0, v47  }
0x219: {  	v3 =	vor.u32 v3, v4  }
0x21a: {  	v4 =	vperm.xlane v3, v0;
	_ =	sdelay $0x1  }
0x21b: {  	v4 =	vadd.s32 v1, v4;
	_ =	sdelay $0x1  }
0x21c: {  	v3 =	vperm.xlane v3, v2;
	_ =	sdelay $0x1  }
0x21d: {  	v3 =	vadd.s32 v1, v3  }
0x21e: {  	[tilespmem:s18], [sflag:$0x1] =	stream.indirect_vreg.gather [hbm4b:s0+s7], $0x80, v4, vm0, $0xb8;
	[tilespmem:$0x11280] =	vst v63  }
0x21f: {  	_ = 	snop  }
0x220: {  	[tilespmem:s20], [sflag:$0x1] =	stream.indirect_vreg.gather [hbm4b:s29+s7], $0x80, v4, vm0, $0xb8;
	[tilespmem:$0x11280] =	vst v63  }
0x221: {  	_ = 	snop  }
0x222: {  	[tilespmem:s21], [sflag:$0x1] =	stream.indirect_vreg.gather [hbm4b:s0+s7], $0x80, v3, vm0, $0xb8;
	[tilespmem:$0x11280] =	vst v63  }
0x223: {  	_ = 	snop  }
0x224: {  	[tilespmem:s24], [sflag:$0x1] =	stream.indirect_vreg.gather [hbm4b:s29+s7], $0x80, v3, vm0, $0xb8;
	[tilespmem:$0x11280] =	vst v63  }
0x225: {  	_ =	swait.ge [sflag:s26], $0x4000  }
0x226: {  	[sflag:s26] =	ssyncset.done $0x0  }
0x227: {  	[sflag:s26] =	ssyncadd.s32 $0xFFFFC000  }
0x228: {  	v3 =	vld [tilespmem:$0x0];
	_ =	sdelay $0x4  }
0x229: {  	v3 =	vshll.u32 v3, $0x4  }
0x22a: {  	v3 =	vor.u32 $0xC, v3  }
0x22b: {  	v48 =	vshll.u32 v3, $0x2  }
0x22c: {  	v4 =	vand.u32 $0xFFFFFFE0, v48  }
0x22d: {  	v49 =	vld [tilespmem:$0x10];
	v4 =	vor.u32 $0x4, v4  }
0x22e: {  	v50 =	vperm.xlane v4, v0;
	_ =	sdelay $0x1  }
0x22f: {  	v6 =	vadd.s32 v1, v50;
	_ =	sdelay $0x1  }
0x230: {  	v5 =	vshll.u32 v49, $0x4;
	v4 =	vperm.xlane v4, v2  }
0x231: {  	[tilespmem:$0x100] =	vst v3;
	v3 =	vor.u32 $0xC, v5  }
0x232: {  	[tilespmem:$0x110] =	vst v3;
	v3 =	vadd.s32 v1, v4  }
0x233: {  	[tilespmem:s8], [sflag:$0x2] =	stream.indirect_vreg.gather [hbm4b:s0+s7], $0x80, v6, vm0, $0xb8;
	[tilespmem:$0x11280] =	vst v63  }
0x234: {  	_ = 	snop  }
0x235: {  	[tilespmem:s15], [sflag:$0x2] =	stream.indirect_vreg.gather [hbm4b:s29+s7], $0x80, v6, vm0, $0xb8;
	[tilespmem:$0x11280] =	vst v63  }
0x236: {  	_ = 	snop  }
0x237: {  	[tilespmem:s16], [sflag:$0x2] =	stream.indirect_vreg.gather [hbm4b:s0+s7], $0x80, v3, vm0, $0xb8;
	[tilespmem:$0x11280] =	vst v63  }
0x238: {  	_ = 	snop  }
0x239: {  	[tilespmem:s30], [sflag:$0x2] =	stream.indirect_vreg.gather [hbm4b:s29+s7], $0x80, v3, vm0, $0xb8;
	[tilespmem:$0x11280] =	vst v63  }
0x23a: {  	v3 =	vld [tilespmem:$0x110];
	_ =	sdelay $0x4  }
0x23b: {  	v51 =	vshll.u32 v3, $0x2  }
0x23c: {  	v3 =	vand.u32 $0x7, v3;
	v4 =	vand.u32 $0xFFFFFFE0, v51  }
0x23d: {  	v3 =	vor.u32 v3, v4  }
0x23e: {  	v4 =	vperm.xlane v3, v0;
	_ =	sdelay $0x1  }
0x23f: {  	v4 =	vadd.s32 v1, v4;
	_ =	sdelay $0x1  }
0x240: {  	v3 =	vperm.xlane v3, v2;
	_ =	sdelay $0x1  }
0x241: {  	s14 =	simm.s32 $0x6280;
	v3 =	vadd.s32 v1, v3  }
0x242: {  	[tilespmem:s14], [sflag:$0x2] =	stream.indirect_vreg.gather [hbm4b:s0+s7], $0x80, v4, vm0, $0xb8;
	[tilespmem:$0x11280] =	vst v63  }
0x243: {  	s5 =	simm.s32 $0x6A80  }
0x244: {  	[tilespmem:s5], [sflag:$0x2] =	stream.indirect_vreg.gather [hbm4b:s29+s7], $0x80, v4, vm0, $0xb8;
	[tilespmem:$0x11280] =	vst v63  }
0x245: {  	s6 =	simm.s32 $0x7280  }
0x246: {  	[tilespmem:s6], [sflag:$0x2] =	stream.indirect_vreg.gather [hbm4b:s0+s7], $0x80, v3, vm0, $0xb8;
	[tilespmem:$0x11280] =	vst v63  }
0x247: {  	s8 =	simm.s32 $0x7A80  }
0x248: {  	[tilespmem:s8], [sflag:$0x2] =	stream.indirect_vreg.gather [hbm4b:s29+s7], $0x80, v3, vm0, $0xb8;
	[tilespmem:$0x11280] =	vst v63  }
0x249: {  	_ =	swait.ge [sflag:s11], $0x4000  }
0x24a: {  	[sflag:s11] =	ssyncset.done $0x0  }
0x24b: {  	[sflag:s11] =	ssyncadd.s32 $0xFFFFC000  }
0x24c: {  	v3 =	vld [tilespmem:$0x0];
	_ =	sdelay $0x4  }
0x24d: {  	v3 =	vshll.u32 v3, $0x4  }
0x24e: {  	v3 =	vor.u32 $0xD, v3  }
0x24f: {  	v52 =	vshll.u32 v3, $0x2  }
0x250: {  	v4 =	vand.u32 $0xFFFFFFE0, v52  }
0x251: {  	v53 =	vld [tilespmem:$0x10];
	v4 =	vor.u32 $0x5, v4  }
0x252: {  	v54 =	vperm.xlane v4, v0;
	_ =	sdelay $0x1  }
0x253: {  	v6 =	vadd.s32 v1, v54;
	_ =	sdelay $0x1  }
0x254: {  	v5 =	vshll.u32 v53, $0x4;
	v4 =	vperm.xlane v4, v2  }
0x255: {  	[tilespmem:$0x180] =	vst v3;
	v3 =	vor.u32 $0xD, v5  }
0x256: {  	s14 =	simm.s32 $0x8280;
	[tilespmem:$0x190] =	vst v3;
	v3 =	vadd.s32 v1, v4  }
0x257: {  	[tilespmem:s14], [sflag:$0x3] =	stream.indirect_vreg.gather [hbm4b:s0+s7], $0x80, v6, vm0, $0xb8;
	[tilespmem:$0x11280] =	vst v63  }
0x258: {  	s15 =	simm.s32 $0x8A80  }
0x259: {  	[tilespmem:s15], [sflag:$0x3] =	stream.indirect_vreg.gather [hbm4b:s29+s7], $0x80, v6, vm0, $0xb8;
	[tilespmem:$0x11280] =	vst v63  }
0x25a: {  	s5 =	simm.s32 $0x9280  }
0x25b: {  	[tilespmem:s5], [sflag:$0x3] =	stream.indirect_vreg.gather [hbm4b:s0+s7], $0x80, v3, vm0, $0xb8;
	[tilespmem:$0x11280] =	vst v63  }
0x25c: {  	s8 =	simm.s32 $0x9A80  }
0x25d: {  	[tilespmem:s8], [sflag:$0x3] =	stream.indirect_vreg.gather [hbm4b:s29+s7], $0x80, v3, vm0, $0xb8;
	[tilespmem:$0x11280] =	vst v63  }
0x25e: {  	v3 =	vld [tilespmem:$0x190];
	_ =	sdelay $0x4  }
0x25f: {  	v55 =	vshll.u32 v3, $0x2  }
0x260: {  	v3 =	vand.u32 $0x7, v3;
	v4 =	vand.u32 $0xFFFFFFE0, v55  }
0x261: {  	v3 =	vor.u32 v3, v4  }
0x262: {  	v4 =	vperm.xlane v3, v0;
	_ =	sdelay $0x1  }
0x263: {  	v4 =	vadd.s32 v1, v4;
	_ =	sdelay $0x1  }
0x264: {  	v3 =	vperm.xlane v3, v2;
	_ =	sdelay $0x1  }
0x265: {  	s11 =	simm.s32 $0xA280;
	v3 =	vadd.s32 v1, v3  }
0x266: {  	[tilespmem:s11], [sflag:$0x3] =	stream.indirect_vreg.gather [hbm4b:s0+s7], $0x80, v4, vm0, $0xb8;
	[tilespmem:$0x11280] =	vst v63  }
0x267: {  	s15 =	simm.s32 $0xAA80  }
0x268: {  	[tilespmem:s15], [sflag:$0x3] =	stream.indirect_vreg.gather [hbm4b:s29+s7], $0x80, v4, vm0, $0xb8;
	[tilespmem:$0x11280] =	vst v63  }
0x269: {  	s5 =	simm.s32 $0xB280  }
0x26a: {  	[tilespmem:s5], [sflag:$0x3] =	stream.indirect_vreg.gather [hbm4b:s0+s7], $0x80, v3, vm0, $0xb8;
	[tilespmem:$0x11280] =	vst v63  }
0x26b: {  	s8 =	simm.s32 $0xBA80  }
0x26c: {  	[tilespmem:s8], [sflag:$0x3] =	stream.indirect_vreg.gather [hbm4b:s29+s7], $0x80, v3, vm0, $0xb8;
	[tilespmem:$0x11280] =	vst v63  }
0x26d: {  	_ =	swait.ge [sflag:s28], $0x4000  }
0x26e: {  	[sflag:s28] =	ssyncset.done $0x0  }
0x26f: {  	[sflag:s28] =	ssyncadd.s32 $0xFFFFC000  }
0x270: {  	v3 =	vld [tilespmem:$0x0];
	_ =	sdelay $0x4  }
0x271: {  	v3 =	vshll.u32 v3, $0x4  }
0x272: {  	v3 =	vor.u32 $0xE, v3  }
0x273: {  	v56 =	vshll.u32 v3, $0x2  }
0x274: {  	v4 =	vand.u32 $0xFFFFFFE0, v56  }
0x275: {  	v57 =	vld [tilespmem:$0x10];
	v4 =	vor.u32 $0x6, v4  }
0x276: {  	v58 =	vperm.xlane v4, v0;
	_ =	sdelay $0x1  }
0x277: {  	v6 =	vadd.s32 v1, v58;
	_ =	sdelay $0x1  }
0x278: {  	v5 =	vshll.u32 v57, $0x4;
	v4 =	vperm.xlane v4, v2  }
0x279: {  	[tilespmem:$0x200] =	vst v3;
	v3 =	vor.u32 $0xE, v5  }
0x27a: {  	s16 =	simm.s32 $0xC280;
	[tilespmem:$0x210] =	vst v3;
	v3 =	vadd.s32 v1, v4  }
0x27b: {  	[tilespmem:s16], [sflag:$0x4] =	stream.indirect_vreg.gather [hbm4b:s0+s7], $0x80, v6, vm0, $0xb8;
	[tilespmem:$0x11280] =	vst v63  }
0x27c: {  	s11 =	simm.s32 $0xCA80  }
0x27d: {  	[tilespmem:s11], [sflag:$0x4] =	stream.indirect_vreg.gather [hbm4b:s29+s7], $0x80, v6, vm0, $0xb8;
	[tilespmem:$0x11280] =	vst v63  }
0x27e: {  	s15 =	simm.s32 $0xD280  }
0x27f: {  	[tilespmem:s15], [sflag:$0x4] =	stream.indirect_vreg.gather [hbm4b:s0+s7], $0x80, v3, vm0, $0xb8;
	[tilespmem:$0x11280] =	vst v63  }
0x280: {  	s5 =	simm.s32 $0xDA80  }
0x281: {  	[tilespmem:s5], [sflag:$0x4] =	stream.indirect_vreg.gather [hbm4b:s29+s7], $0x80, v3, vm0, $0xb8;
	[tilespmem:$0x11280] =	vst v63  }
0x282: {  	v3 =	vld [tilespmem:$0x210];
	_ =	sdelay $0x4  }
0x283: {  	v59 =	vshll.u32 v3, $0x2  }
0x284: {  	v3 =	vand.u32 $0x7, v3;
	v4 =	vand.u32 $0xFFFFFFE0, v59  }
0x285: {  	v3 =	vor.u32 v3, v4  }
0x286: {  	v4 =	vperm.xlane v3, v0;
	_ =	sdelay $0x1  }
0x287: {  	v4 =	vadd.s32 v1, v4;
	_ =	sdelay $0x1  }
0x288: {  	v3 =	vperm.xlane v3, v2;
	_ =	sdelay $0x1  }
0x289: {  	s8 =	simm.s32 $0xE280;
	v3 =	vadd.s32 v1, v3  }
0x28a: {  	[tilespmem:s8], [sflag:$0x4] =	stream.indirect_vreg.gather [hbm4b:s0+s7], $0x80, v4, vm0, $0xb8;
	[tilespmem:$0x11280] =	vst v63  }
0x28b: {  	s11 =	simm.s32 $0xEA80  }
0x28c: {  	[tilespmem:s11], [sflag:$0x4] =	stream.indirect_vreg.gather [hbm4b:s29+s7], $0x80, v4, vm0, $0xb8;
	[tilespmem:$0x11280] =	vst v63  }
0x28d: {  	s15 =	simm.s32 $0xF280  }
0x28e: {  	[tilespmem:s15], [sflag:$0x4] =	stream.indirect_vreg.gather [hbm4b:s0+s7], $0x80, v3, vm0, $0xb8;
	[tilespmem:$0x11280] =	vst v63  }
0x28f: {  	s8 =	simm.s32 $0xFA80  }
0x290: {  	[tilespmem:s8], [sflag:$0x4] =	stream.indirect_vreg.gather [hbm4b:s29+s7], $0x80, v3, vm0, $0xb8;
	[tilespmem:$0x11280] =	vst v63  }
0x291: {  	_ =	swait.ge [sflag:s10], $0x4000  }
0x292: {  	s8 =	sld [smem:$0x7E7]  }
0x293: {  	[sflag:s10] =	ssyncset.done $0x0  }
0x294: {  	s9 =	simm.s32 $0x280;
	[sflag:s10] =	ssyncadd.s32 $0xFFFFC000  }
0x295: {  	[hbm4b:s8+s7] =	stream.linear.scatter [tilespmem:s9], [sflag:$0x5], $0x4000, $0x38;
	[tilespmem:$0x11280] =	vst v63  }
0x296: {  	_ =	swait.ge [sflag:s22], $0x4000  }
0x297: {  	s8 =	sld [smem:$0x7E8]  }
0x298: {  	[sflag:s22] =	ssyncset.done $0x0  }
0x299: {  	s6 =	simm.s32 $0x4280;
	[sflag:s22] =	ssyncadd.s32 $0xFFFFC000  }
0x29a: {  	[hbm4b:s8+s7] =	stream.linear.scatter [tilespmem:s6], [sflag:$0x6], $0x4000, $0x38;
	[tilespmem:$0x11280] =	vst v63  }
0x29b: {  	_ =	swait.ge [sflag:s12], $0x4000  }
0x29c: {  	s22 =	sld [smem:$0x7E9]  }
0x29d: {  	[sflag:s12] =	ssyncset.done $0x0  }
0x29e: {  	[sflag:s12] =	ssyncadd.s32 $0xFFFFC000  }
0x29f: {  	[hbm4b:s22+s7] =	stream.linear.scatter [tilespmem:s14], [sflag:$0x7], $0x4000, $0x38;
	[tilespmem:$0x11280] =	vst v63  }
0x2a0: {  	_ =	swait.ge [sflag:s23], $0x4000  }
0x2a1: {  	[sflag:s23] =	ssyncset.done $0x0  }
0x2a2: {  	[sflag:s23] =	ssyncadd.s32 $0xFFFFC000;
	s23 =	sld [smem:$0x7EA];
	_ =	sdelay $0x2  }
0x2a3: {  	[hbm4b:s23+s7] =	stream.linear.scatter [tilespmem:s16], [sflag:$0x8], $0x4000, $0x38;
	[tilespmem:$0x11280] =	vst v63  }
0x2a4: {  	_ =	swait.ge [sflag:s13], $0x4000  }
0x2a5: {  	[sflag:s13] =	ssyncset.done $0x0  }
0x2a6: {  	[sflag:s13] =	ssyncadd.s32 $0xFFFFC000  }
0x2a7: {  	v3 =	vld [tilespmem:$0x0];
	_ =	sdelay $0x4  }
0x2a8: {  	v3 =	vshll.u32 v3, $0x4  }
0x2a9: {  	v3 =	vor.u32 $0xF, v3  }
0x2aa: {  	v60 =	vshll.u32 v3, $0x2  }
0x2ab: {  	v4 =	vand.u32 $0xFFFFFFE0, v60  }
0x2ac: {  	v61 =	vld [tilespmem:$0x10];
	v4 =	vor.u32 $0x7, v4  }
0x2ad: {  	v62 =	vperm.xlane v4, v0;
	_ =	sdelay $0x1  }
0x2ae: {  	v6 =	vadd.s32 v1, v62;
	_ =	sdelay $0x1  }
0x2af: {  	v5 =	vshll.u32 v61, $0x4;
	v4 =	vperm.xlane v4, v2  }
0x2b0: {  	[tilespmem:$0x80] =	vst v3;
	v3 =	vor.u32 $0xF, v5  }
0x2b1: {  	[tilespmem:$0x90] =	vst v3;
	v3 =	vadd.s32 v1, v4  }
0x2b2: {  	[tilespmem:s9], [sflag:$0x1] =	stream.indirect_vreg.gather [hbm4b:s0+s7], $0x80, v6, vm0, $0xb8;
	[tilespmem:$0x11280] =	vst v63  }
0x2b3: {  	_ = 	snop  }
0x2b4: {  	[tilespmem:s25], [sflag:$0x1] =	stream.indirect_vreg.gather [hbm4b:s29+s7], $0x80, v6, vm0, $0xb8;
	[tilespmem:$0x11280] =	vst v63  }
0x2b5: {  	_ = 	snop  }
0x2b6: {  	[tilespmem:s31], [sflag:$0x1] =	stream.indirect_vreg.gather [hbm4b:s0+s7], $0x80, v3, vm0, $0xb8;
	[tilespmem:$0x11280] =	vst v63  }
0x2b7: {  	s1 =	simm.s32 $0x1A80  }
0x2b8: {  	[tilespmem:s1], [sflag:$0x1] =	stream.indirect_vreg.gather [hbm4b:s29+s7], $0x80, v3, vm0, $0xb8;
	[tilespmem:$0x11280] =	vst v63  }
0x2b9: {  	v3 =	vld [tilespmem:$0x90];
	_ =	sdelay $0x4  }
0x2ba: {  	v63 =	vshll.u32 v3, $0x2  }
0x2bb: {  	v3 =	vand.u32 $0x7, v3;
	v4 =	vand.u32 $0xFFFFFFE0, v63  }
0x2bc: {  	v3 =	vor.u32 v3, v4  }
0x2bd: {  	v4 =	vperm.xlane v3, v0;
	_ =	sdelay $0x1  }
0x2be: {  	v4 =	vadd.s32 v1, v4;
	_ =	sdelay $0x1  }
0x2bf: {  	v3 =	vperm.xlane v3, v2;
	_ =	sdelay $0x1  }
0x2c0: {  	s30 =	simm.s32 $0xEA80;
	s28 =	simm.s32 $0x5A80;
	s5 =	simm.s32 $0xE280;
	v3 =	vadd.s32 v1, v3  }
0x2c1: {  	[tilespmem:s18], [sflag:$0x1] =	stream.indirect_vreg.gather [hbm4b:s0+s7], $0x80, v4, vm0, $0xb8;
	[tilespmem:$0x11280] =	vst v63  }
0x2c2: {  	s11 =	simm.s32 $0xF280;
	s15 =	simm.s32 $0xFA80;
	s8 =	simm.s32 $0x4A80  }
0x2c3: {  	[tilespmem:s20], [sflag:$0x1] =	stream.indirect_vreg.gather [hbm4b:s29+s7], $0x80, v4, vm0, $0xb8;
	[tilespmem:$0x11280] =	vst v63  }
0x2c4: {  	s12 =	simm.s32 $0x5280;
	s14 =	simm.s32 $0x2280;
	s22 =	simm.s32 $0x2  }
0x2c5: {  	[tilespmem:s21], [sflag:$0x1] =	stream.indirect_vreg.gather [hbm4b:s0+s7], $0x80, v3, vm0, $0xb8;
	[tilespmem:$0x11280] =	vst v63  }
0x2c6: {  	s16 =	simm.s32 $0x1280;
	s23 =	simm.s32 $0x3;
	s25 =	simm.s32 $0x1  }
0x2c7: {  	[tilespmem:s24], [sflag:$0x1] =	stream.indirect_vreg.gather [hbm4b:s29+s7], $0x80, v3, vm0, $0xb8;
	[tilespmem:$0x11280] =	vst v63  }
0x2c8: {  	s1 =	simm.s32 $0x3A80;
	s18 =	simm.s32 $0x2A80;
	_ =	swait.ge [sflag:s10], $0x4000  }
0x2c9: {  	s20 =	simm.s32 $0x4;
	s0 =	simm.s32 $0xBB8;
	s31 =	sld [smem:$0x7EB]  }
0x2ca: {  	s21 =	simm.s32 $0x1A80;
	s24 =	simm.s32 $0x3280;
	[sflag:s10] =	ssyncset.done $0x0  }
0x2cb: {  	s29 =	rddreg [dreg:$0x18];
	[sflag:s10] =	ssyncadd.s32 $0xFFFFC000;
	s10 =	simm.s32 $0xA80  }
0x2cc: {  	[hbm4b:s31+s7] =	stream.linear.scatter [tilespmem:s9], [sflag:$0x5], $0x4000, $0x38;
	[tilespmem:$0x11280] =	vst v63  }
.LBB2_2:
0x2cd: {  	_ =	swait.ge [sflag:s26], $0x4000  }
0x2ce: {  	[sflag:s26] =	ssyncset.done $0x0  }
0x2cf: {  	[sflag:s26] =	ssyncadd.s32 $0xFFFFC000  }
0x2d0: {  	v3 =	vld [tilespmem:$0x0];
	_ =	sdelay $0x3  }
0x2d1: {  	s3 =	sadd.s32 $0xFFFFF448, s0  }
0x2d2: {  	v4 =	vadd.s32 s3, v3  }
0x2d3: {  	v5 =	vshll.u32 v4, $0x2  }
0x2d4: {  	v3 =	vand.u32 $0x7, v3;
	v5 =	vand.u32 $0xFFFFFFE0, v5  }
0x2d5: {  	v3 =	vor.u32 v3, v5  }
0x2d6: {  	v43 =	vld [tilespmem:$0x10];
	v6 =	vperm.xlane v3, v0;
	_ =	sdelay $0x1  }
0x2d7: {  	v6 =	vadd.s32 v1, v6;
	_ =	sdelay $0x1  }
0x2d8: {  	v3 =	vperm.xlane v3, v2  }
0x2d9: {  	v44 =	vadd.s32 s3, v43;
	[tilespmem:$0x100] =	vst v4  }
0x2da: {  	s13 =	simm.s32 $0x4280;
	[tilespmem:$0x110] =	vst v44;
	v3 =	vadd.s32 v1, v3  }
0x2db: {  	[tilespmem:s13], [sflag:$0x2] =	stream.indirect_vreg.gather [hbm4b:s2+s7], $0x80, v6, vm0, $0xb8;
	[tilespmem:$0x11280] =	vst v63  }
0x2dc: {  	_ = 	snop  }
0x2dd: {  	[tilespmem:s8], [sflag:$0x2] =	stream.indirect_vreg.gather [hbm4b:s17+s7], $0x80, v6, vm0, $0xb8;
	[tilespmem:$0x11280] =	vst v63  }
0x2de: {  	_ = 	snop  }
0x2df: {  	[tilespmem:s12], [sflag:$0x2] =	stream.indirect_vreg.gather [hbm4b:s2+s7], $0x80, v3, vm0, $0xb8;
	[tilespmem:$0x11280] =	vst v63  }
0x2e0: {  	_ = 	snop  }
0x2e1: {  	[tilespmem:s28], [sflag:$0x2] =	stream.indirect_vreg.gather [hbm4b:s17+s7], $0x80, v3, vm0, $0xb8;
	[tilespmem:$0x11280] =	vst v63  }
0x2e2: {  	v3 =	vld [tilespmem:$0x110];
	_ =	sdelay $0x4  }
0x2e3: {  	v45 =	vshll.u32 v3, $0x2  }
0x2e4: {  	v3 =	vand.u32 $0x7, v3;
	v4 =	vand.u32 $0xFFFFFFE0, v45  }
0x2e5: {  	v3 =	vor.u32 v3, v4  }
0x2e6: {  	v4 =	vperm.xlane v3, v0;
	_ =	sdelay $0x1  }
0x2e7: {  	v4 =	vadd.s32 v1, v4;
	_ =	sdelay $0x1  }
0x2e8: {  	v3 =	vperm.xlane v3, v2;
	_ =	sdelay $0x1  }
0x2e9: {  	s9 =	simm.s32 $0x6280;
	v3 =	vadd.s32 v1, v3  }
0x2ea: {  	[tilespmem:s9], [sflag:$0x2] =	stream.indirect_vreg.gather [hbm4b:s2+s7], $0x80, v4, vm0, $0xb8;
	[tilespmem:$0x11280] =	vst v63  }
0x2eb: {  	s31 =	simm.s32 $0x6A80  }
0x2ec: {  	[tilespmem:s31], [sflag:$0x2] =	stream.indirect_vreg.gather [hbm4b:s17+s7], $0x80, v4, vm0, $0xb8;
	[tilespmem:$0x11280] =	vst v63  }
0x2ed: {  	s6 =	simm.s32 $0x7280  }
0x2ee: {  	[tilespmem:s6], [sflag:$0x2] =	stream.indirect_vreg.gather [hbm4b:s2+s7], $0x80, v3, vm0, $0xb8;
	[tilespmem:$0x11280] =	vst v63  }
0x2ef: {  	s9 =	simm.s32 $0x7A80;
	s31 =	simm.s32 $0x7  }
0x2f0: {  	[tilespmem:s9], [sflag:$0x2] =	stream.indirect_vreg.gather [hbm4b:s17+s7], $0x80, v3, vm0, $0xb8;
	[tilespmem:$0x11280] =	vst v63  }
0x2f1: {  	_ =	swait.ge [sflag:s31], $0x4000  }
0x2f2: {  	[sflag:s31] =	ssyncset.done $0x0  }
0x2f3: {  	[sflag:s31] =	ssyncadd.s32 $0xFFFFC000  }
0x2f4: {  	v3 =	vld [tilespmem:$0x0];
	_ =	sdelay $0x3  }
0x2f5: {  	s6 =	sadd.s32 $0xFFFFF830, s0  }
0x2f6: {  	v46 =	vadd.s32 s6, v3  }
0x2f7: {  	v47 =	vshll.u32 v46, $0x2  }
0x2f8: {  	v3 =	vand.u32 $0x7, v3;
	v5 =	vand.u32 $0xFFFFFFE0, v47  }
0x2f9: {  	v3 =	vor.u32 v3, v5  }
0x2fa: {  	v48 =	vld [tilespmem:$0x10];
	v49 =	vperm.xlane v3, v0;
	_ =	sdelay $0x1  }
0x2fb: {  	v6 =	vadd.s32 v1, v49;
	_ =	sdelay $0x1  }
0x2fc: {  	v3 =	vperm.xlane v3, v2  }
0x2fd: {  	v50 =	vadd.s32 s6, v48;
	[tilespmem:$0x180] =	vst v46  }
0x2fe: {  	s31 =	simm.s32 $0x8280;
	[tilespmem:$0x190] =	vst v50;
	v3 =	vadd.s32 v1, v3  }
0x2ff: {  	[tilespmem:s31], [sflag:$0x3] =	stream.indirect_vreg.gather [hbm4b:s2+s7], $0x80, v6, vm0, $0xb8;
	[tilespmem:$0x11280] =	vst v63  }
0x300: {  	s9 =	simm.s32 $0x8A80  }
0x301: {  	[tilespmem:s9], [sflag:$0x3] =	stream.indirect_vreg.gather [hbm4b:s17+s7], $0x80, v6, vm0, $0xb8;
	[tilespmem:$0x11280] =	vst v63  }
0x302: {  	s6 =	simm.s32 $0x9280  }
0x303: {  	[tilespmem:s6], [sflag:$0x3] =	stream.indirect_vreg.gather [hbm4b:s2+s7], $0x80, v3, vm0, $0xb8;
	[tilespmem:$0x11280] =	vst v63  }
0x304: {  	s9 =	simm.s32 $0x9A80  }
0x305: {  	[tilespmem:s9], [sflag:$0x3] =	stream.indirect_vreg.gather [hbm4b:s17+s7], $0x80, v3, vm0, $0xb8;
	[tilespmem:$0x11280] =	vst v63  }
0x306: {  	v3 =	vld [tilespmem:$0x190];
	_ =	sdelay $0x4  }
0x307: {  	v51 =	vshll.u32 v3, $0x2  }
0x308: {  	v3 =	vand.u32 $0x7, v3;
	v4 =	vand.u32 $0xFFFFFFE0, v51  }
0x309: {  	v3 =	vor.u32 v3, v4  }
0x30a: {  	v4 =	vperm.xlane v3, v0;
	_ =	sdelay $0x1  }
0x30b: {  	v4 =	vadd.s32 v1, v4;
	_ =	sdelay $0x1  }
0x30c: {  	v3 =	vperm.xlane v3, v2;
	_ =	sdelay $0x1  }
0x30d: {  	s6 =	simm.s32 $0xA280;
	v3 =	vadd.s32 v1, v3  }
0x30e: {  	[tilespmem:s6], [sflag:$0x3] =	stream.indirect_vreg.gather [hbm4b:s2+s7], $0x80, v4, vm0, $0xb8;
	[tilespmem:$0x11280] =	vst v63  }
0x30f: {  	s9 =	simm.s32 $0xAA80  }
0x310: {  	[tilespmem:s9], [sflag:$0x3] =	stream.indirect_vreg.gather [hbm4b:s17+s7], $0x80, v4, vm0, $0xb8;
	[tilespmem:$0x11280] =	vst v63  }
0x311: {  	s6 =	simm.s32 $0xB280  }
0x312: {  	[tilespmem:s6], [sflag:$0x3] =	stream.indirect_vreg.gather [hbm4b:s2+s7], $0x80, v3, vm0, $0xb8;
	[tilespmem:$0x11280] =	vst v63  }
0x313: {  	s9 =	simm.s32 $0xBA80;
	s6 =	simm.s32 $0x8  }
0x314: {  	[tilespmem:s9], [sflag:$0x3] =	stream.indirect_vreg.gather [hbm4b:s17+s7], $0x80, v3, vm0, $0xb8;
	[tilespmem:$0x11280] =	vst v63  }
0x315: {  	_ =	swait.ge [sflag:s6], $0x4000  }
0x316: {  	[sflag:s6] =	ssyncset.done $0x0  }
0x317: {  	[sflag:s6] =	ssyncadd.s32 $0xFFFFC000  }
0x318: {  	v3 =	vld [tilespmem:$0x0];
	_ =	sdelay $0x3  }
0x319: {  	s9 =	sadd.s32 $0xFFFFFC18, s0  }
0x31a: {  	v52 =	vadd.s32 s9, v3  }
0x31b: {  	v53 =	vshll.u32 v52, $0x2  }
0x31c: {  	v3 =	vand.u32 $0x7, v3;
	v5 =	vand.u32 $0xFFFFFFE0, v53  }
0x31d: {  	v3 =	vor.u32 v3, v5  }
0x31e: {  	v54 =	vld [tilespmem:$0x10];
	v55 =	vperm.xlane v3, v0;
	_ =	sdelay $0x1  }
0x31f: {  	v6 =	vadd.s32 v1, v55;
	_ =	sdelay $0x1  }
0x320: {  	v3 =	vperm.xlane v3, v2  }
0x321: {  	v56 =	vadd.s32 s9, v54;
	[tilespmem:$0x200] =	vst v52  }
0x322: {  	s9 =	simm.s32 $0xC280;
	[tilespmem:$0x210] =	vst v56;
	v3 =	vadd.s32 v1, v3  }
0x323: {  	[tilespmem:s9], [sflag:$0x4] =	stream.indirect_vreg.gather [hbm4b:s2+s7], $0x80, v6, vm0, $0xb8;
	[tilespmem:$0x11280] =	vst v63  }
0x324: {  	s6 =	simm.s32 $0xCA80  }
0x325: {  	[tilespmem:s6], [sflag:$0x4] =	stream.indirect_vreg.gather [hbm4b:s17+s7], $0x80, v6, vm0, $0xb8;
	[tilespmem:$0x11280] =	vst v63  }
0x326: {  	s6 =	simm.s32 $0xD280  }
0x327: {  	[tilespmem:s6], [sflag:$0x4] =	stream.indirect_vreg.gather [hbm4b:s2+s7], $0x80, v3, vm0, $0xb8;
	[tilespmem:$0x11280] =	vst v63  }
0x328: {  	s6 =	simm.s32 $0xDA80  }
0x329: {  	[tilespmem:s6], [sflag:$0x4] =	stream.indirect_vreg.gather [hbm4b:s17+s7], $0x80, v3, vm0, $0xb8;
	[tilespmem:$0x11280] =	vst v63  }
0x32a: {  	v3 =	vld [tilespmem:$0x210];
	_ =	sdelay $0x4  }
0x32b: {  	v57 =	vshll.u32 v3, $0x2  }
0x32c: {  	v3 =	vand.u32 $0x7, v3;
	v4 =	vand.u32 $0xFFFFFFE0, v57  }
0x32d: {  	v3 =	vor.u32 v3, v4  }
0x32e: {  	v4 =	vperm.xlane v3, v0;
	_ =	sdelay $0x1  }
0x32f: {  	v4 =	vadd.s32 v1, v4;
	_ =	sdelay $0x1  }
0x330: {  	v3 =	vperm.xlane v3, v2;
	_ =	sdelay $0x1  }
0x331: {  	v3 =	vadd.s32 v1, v3  }
0x332: {  	[tilespmem:s5], [sflag:$0x4] =	stream.indirect_vreg.gather [hbm4b:s2+s7], $0x80, v4, vm0, $0xb8;
	[tilespmem:$0x11280] =	vst v63  }
0x333: {  	_ = 	snop  }
0x334: {  	[tilespmem:s30], [sflag:$0x4] =	stream.indirect_vreg.gather [hbm4b:s17+s7], $0x80, v4, vm0, $0xb8;
	[tilespmem:$0x11280] =	vst v63  }
0x335: {  	_ = 	snop  }
0x336: {  	[tilespmem:s11], [sflag:$0x4] =	stream.indirect_vreg.gather [hbm4b:s2+s7], $0x80, v3, vm0, $0xb8;
	[tilespmem:$0x11280] =	vst v63  }
0x337: {  	s6 =	simm.s32 $0x5  }
0x338: {  	[tilespmem:s15], [sflag:$0x4] =	stream.indirect_vreg.gather [hbm4b:s17+s7], $0x80, v3, vm0, $0xb8;
	[tilespmem:$0x11280] =	vst v63  }
0x339: {  	_ =	swait.ge [sflag:s6], $0x4000  }
0x33a: {  	[sflag:s6] =	ssyncset.done $0x0  }
0x33b: {  	[sflag:s6] =	ssyncadd.s32 $0xFFFFC000  }
0x33c: {  	v3 =	vld [tilespmem:$0x0];
	_ =	sdelay $0x4  }
0x33d: {  	v58 =	vadd.s32 s0, v3  }
0x33e: {  	v59 =	vshll.u32 v58, $0x2  }
0x33f: {  	v3 =	vand.u32 $0x7, v3;
	v5 =	vand.u32 $0xFFFFFFE0, v59  }
0x340: {  	v3 =	vor.u32 v3, v5  }
0x341: {  	v60 =	vld [tilespmem:$0x10];
	v61 =	vperm.xlane v3, v0;
	_ =	sdelay $0x1  }
0x342: {  	v6 =	vadd.s32 v1, v61;
	_ =	sdelay $0x1  }
0x343: {  	v3 =	vperm.xlane v3, v2  }
0x344: {  	v62 =	vadd.s32 s0, v60;
	[tilespmem:$0x80] =	vst v58  }
0x345: {  	s6 =	simm.s32 $0x280;
	[tilespmem:$0x90] =	vst v62;
	v3 =	vadd.s32 v1, v3  }
0x346: {  	[tilespmem:s6], [sflag:$0x1] =	stream.indirect_vreg.gather [hbm4b:s2+s7], $0x80, v6, vm0, $0xb8;
	[tilespmem:$0x11280] =	vst v63  }
0x347: {  	_ = 	snop  }
0x348: {  	[tilespmem:s10], [sflag:$0x1] =	stream.indirect_vreg.gather [hbm4b:s17+s7], $0x80, v6, vm0, $0xb8;
	[tilespmem:$0x11280] =	vst v63  }
0x349: {  	_ = 	snop  }
0x34a: {  	[tilespmem:s16], [sflag:$0x1] =	stream.indirect_vreg.gather [hbm4b:s2+s7], $0x80, v3, vm0, $0xb8;
	[tilespmem:$0x11280] =	vst v63  }
0x34b: {  	_ = 	snop  }
0x34c: {  	[tilespmem:s21], [sflag:$0x1] =	stream.indirect_vreg.gather [hbm4b:s17+s7], $0x80, v3, vm0, $0xb8;
	[tilespmem:$0x11280] =	vst v63  }
0x34d: {  	v3 =	vld [tilespmem:$0x90];
	_ =	sdelay $0x4  }
0x34e: {  	v63 =	vshll.u32 v3, $0x2  }
0x34f: {  	v3 =	vand.u32 $0x7, v3;
	v4 =	vand.u32 $0xFFFFFFE0, v63  }
0x350: {  	v3 =	vor.u32 v3, v4  }
0x351: {  	v4 =	vperm.xlane v3, v0;
	_ =	sdelay $0x1  }
0x352: {  	v4 =	vadd.s32 v1, v4;
	_ =	sdelay $0x1  }
0x353: {  	v3 =	vperm.xlane v3, v2;
	_ =	sdelay $0x1  }
0x354: {  	v3 =	vadd.s32 v1, v3  }
0x355: {  	[tilespmem:s14], [sflag:$0x1] =	stream.indirect_vreg.gather [hbm4b:s2+s7], $0x80, v4, vm0, $0xb8;
	[tilespmem:$0x11280] =	vst v63  }
0x356: {  	_ = 	snop  }
0x357: {  	[tilespmem:s18], [sflag:$0x1] =	stream.indirect_vreg.gather [hbm4b:s17+s7], $0x80, v4, vm0, $0xb8;
	[tilespmem:$0x11280] =	vst v63  }
0x358: {  	_ = 	snop  }
0x359: {  	[tilespmem:s24], [sflag:$0x1] =	stream.indirect_vreg.gather [hbm4b:s2+s7], $0x80, v3, vm0, $0xb8;
	[tilespmem:$0x11280] =	vst v63  }
0x35a: {  	_ = 	snop  }
0x35b: {  	[tilespmem:s1], [sflag:$0x1] =	stream.indirect_vreg.gather [hbm4b:s17+s7], $0x80, v3, vm0, $0xb8;
	[tilespmem:$0x11280] =	vst v63  }
0x35c: {  	_ =	swait.ge [sflag:s22], $0x4000  }
0x35d: {  	[sflag:s22] =	ssyncset.done $0x0  }
0x35e: {  	s3 =	sadd.s32 $0xFFFA0000, s29;
	[sflag:s22] =	ssyncadd.s32 $0xFFFFC000  }
0x35f: {  	[hbm4b:s3+s7] =	stream.linear.scatter [tilespmem:s13], [sflag:$0x6], $0x4000, $0x38;
	[tilespmem:$0x11280] =	vst v63  }
0x360: {  	_ =	swait.ge [sflag:s23], $0x4000  }
0x361: {  	[sflag:s23] =	ssyncset.done $0x0  }
0x362: {  	s13 =	sadd.s32 $0xFFFC0000, s29;
	[sflag:s23] =	ssyncadd.s32 $0xFFFFC000  }
0x363: {  	[hbm4b:s13+s7] =	stream.linear.scatter [tilespmem:s31], [sflag:$0x7], $0x4000, $0x38;
	[tilespmem:$0x11280] =	vst v63  }
0x364: {  	_ =	swait.ge [sflag:s20], $0x4000  }
0x365: {  	[sflag:s20] =	ssyncset.done $0x0  }
0x366: {  	p0 =	sne.s32 s0, $0xE678;
	s31 =	sadd.s32 $0xFFFE0000, s29;
	[sflag:s20] =	ssyncadd.s32 $0xFFFFC000  }
0x367: {  	[hbm4b:s31+s7] =	stream.linear.scatter [tilespmem:s9], [sflag:$0x8], $0x4000, $0x38;
	[tilespmem:$0x11280] =	vst v63  }
.Ltmp0:
0x368: {  	_ =	swait.ge [sflag:s25], $0x4000;
	(pc) =	sbr.rel @p0 .LBB2_2-.Ltmp0, $4  }
0x369: {  	[sflag:s25] =	ssyncset.done $0x0  }
0x36a: {  	[sflag:s25] =	ssyncadd.s32 $0xFFFFC000  }
0x36b: {  	[hbm4b:s29+s7] =	stream.linear.scatter [tilespmem:s6], [sflag:$0x5], $0x4000, $0x38;
	[tilespmem:$0x11280] =	vst v63  }
0x36c: {  	s0 =	sadd.s32 $0xFA0, s0;
	s29 =	sadd.s32 $0x80000, s29  }
0x36d: {  	s0 =	rddreg [dreg:$0x6]  }
0x36e: {  	s3 =	simm.s32 $0x20;
	s29 =	simm.s32 $0x10280;
	s10 =	simm.s32 $0x9  }
0x36f: {  	[tilespmem:s29], [sflag:$0x9] =	stream.indirect.gather [hbm4b:s0+s3], $0x80, s7, s3, $0xb8;
	[tilespmem:$0x11280] =	vst v63  }
0x370: {  	_ =	swait.ge [sflag:s10], $0x1000  }
0x371: {  	[sflag:s10] =	ssyncset.done $0x0  }
0x372: {  	s12 =	simm.s32 $0xA;
	s11 =	rddreg [dreg:$0x12];
	[sflag:s10] =	ssyncadd.s32 $0xFFFFF000  }
0x373: {  	[hbm4b:s11+s7] =	stream.linear.scatter [tilespmem:s29], [sflag:$0xA], $0x1000, $0x38;
	[tilespmem:$0x11280] =	vst v63  }
0x374: {  	_ =	swait.ge [sflag:s12], $0x1000  }
0x375: {  	[sflag:s12] =	ssyncset.done $0x0  }
0x376: {  	[sflag:s12] =	ssyncadd.s32 $0xFFFFF000  }
0x377: {  	_ =	swait.ge [sflag:s26], $0x4000  }
0x378: {  	[sflag:s26] =	ssyncset.done $0x0  }
0x379: {  	[sflag:s26] =	ssyncadd.s32 $0xFFFFC000  }
0x37a: {  	v3 =	vld [tilespmem:$0x0];
	_ =	sdelay $0x4  }
0x37b: {  	v4 =	vshll.u32 v3, $0x2  }
0x37c: {  	v5 =	vand.u32 $0x7, v3;
	v4 =	vand.u32 $0xFFFFFFE0, v4  }
0x37d: {  	v4 =	vor.u32 v5, v4  }
0x37e: {  	v5 =	vperm.xlane v4, v0  }
0x37f: {  	v6 =	vld [tilespmem:$0x10]  }
0x380: {  	v5 =	vadd.s32 v1, v5;
	_ =	sdelay $0x1  }
0x381: {  	v4 =	vperm.xlane v4, v2  }
0x382: {  	[tilespmem:$0x100] =	vst v3  }
0x383: {  	s1 =	simm.s32 $0x4280;
	s13 =	rddreg [dreg:$0xb];
	[tilespmem:$0x110] =	vst v6;
	v3 =	vadd.s32 v1, v4  }
0x384: {  	[tilespmem:s1], [sflag:$0x2] =	stream.indirect_vreg.gather [hbm4b:s13+s7], $0x80, v5, vm0, $0xb8;
	[tilespmem:$0x11280] =	vst v63  }
0x385: {  	s16 =	simm.s32 $0x4A80;
	s14 =	rddreg [dreg:$0x16]  }
0x386: {  	[tilespmem:s16], [sflag:$0x2] =	stream.indirect_vreg.gather [hbm4b:s14+s7], $0x80, v5, vm0, $0xb8;
	[tilespmem:$0x11280] =	vst v63  }
0x387: {  	s18 =	simm.s32 $0x5280  }
0x388: {  	[tilespmem:s18], [sflag:$0x2] =	stream.indirect_vreg.gather [hbm4b:s13+s7], $0x80, v3, vm0, $0xb8;
	[tilespmem:$0x11280] =	vst v63  }
0x389: {  	s21 =	simm.s32 $0x5A80  }
0x38a: {  	[tilespmem:s21], [sflag:$0x2] =	stream.indirect_vreg.gather [hbm4b:s14+s7], $0x80, v3, vm0, $0xb8;
	[tilespmem:$0x11280] =	vst v63  }
0x38b: {  	v3 =	vld [tilespmem:$0x110];
	_ =	sdelay $0x4  }
0x38c: {  	v55 =	vshll.u32 v3, $0x2  }
0x38d: {  	v3 =	vand.u32 $0x7, v3;
	v4 =	vand.u32 $0xFFFFFFE0, v55  }
0x38e: {  	v3 =	vor.u32 v3, v4  }
0x38f: {  	v4 =	vperm.xlane v3, v0;
	_ =	sdelay $0x1  }
0x390: {  	v4 =	vadd.s32 v1, v4;
	_ =	sdelay $0x1  }
0x391: {  	v3 =	vperm.xlane v3, v2;
	_ =	sdelay $0x1  }
0x392: {  	s24 =	simm.s32 $0x6280;
	v3 =	vadd.s32 v1, v3  }
0x393: {  	[tilespmem:s24], [sflag:$0x2] =	stream.indirect_vreg.gather [hbm4b:s13+s7], $0x80, v4, vm0, $0xb8;
	[tilespmem:$0x11280] =	vst v63  }
0x394: {  	s31 =	simm.s32 $0x6A80  }
0x395: {  	[tilespmem:s31], [sflag:$0x2] =	stream.indirect_vreg.gather [hbm4b:s14+s7], $0x80, v4, vm0, $0xb8;
	[tilespmem:$0x11280] =	vst v63  }
0x396: {  	s5 =	simm.s32 $0x7280  }
0x397: {  	[tilespmem:s5], [sflag:$0x2] =	stream.indirect_vreg.gather [hbm4b:s13+s7], $0x80, v3, vm0, $0xb8;
	[tilespmem:$0x11280] =	vst v63  }
0x398: {  	s6 =	simm.s32 $0x7A80;
	s11 =	simm.s32 $0x7  }
0x399: {  	[tilespmem:s6], [sflag:$0x2] =	stream.indirect_vreg.gather [hbm4b:s14+s7], $0x80, v3, vm0, $0xb8;
	[tilespmem:$0x11280] =	vst v63  }
0x39a: {  	_ =	swait.ge [sflag:s11], $0x4000  }
0x39b: {  	[sflag:s11] =	ssyncset.done $0x0  }
0x39c: {  	[sflag:s11] =	ssyncadd.s32 $0xFFFFC000  }
0x39d: {  	v3 =	vld [tilespmem:$0x0];
	_ =	sdelay $0x4  }
0x39e: {  	v56 =	vshll.u32 v3, $0x6  }
0x39f: {  	v57 =	vld [tilespmem:$0x10];
	v58 =	vperm.xlane v56, v0;
	_ =	sdelay $0x1  }
0x3a0: {  	v6 =	vadd.s32 v1, v58;
	_ =	sdelay $0x1  }
0x3a1: {  	v3 =	vshll.u32 v3, $0x4;
	v4 =	vperm.xlane v56, v2  }
0x3a2: {  	s29 =	sld [smem:$0x7EC];
	[tilespmem:$0x180] =	vst v3;
	v3 =	vshll.u32 v57, $0x4  }
0x3a3: {  	s8 =	simm.s32 $0x8280;
	s0 =	rddreg [dreg:$0x4];
	[tilespmem:$0x190] =	vst v3;
	v3 =	vadd.s32 v1, v4  }
0x3a4: {  	[tilespmem:s8], [sflag:$0x3] =	stream.indirect_vreg.gather [hbm4b:s0+s7], $0x80, v6, vm0, $0xb8;
	[tilespmem:$0x11280] =	vst v63  }
0x3a5: {  	s9 =	simm.s32 $0x8A80  }
0x3a6: {  	[tilespmem:s9], [sflag:$0x3] =	stream.indirect_vreg.gather [hbm4b:s29+s7], $0x80, v6, vm0, $0xb8;
	[tilespmem:$0x11280] =	vst v63  }
0x3a7: {  	s10 =	simm.s32 $0x9280  }
0x3a8: {  	[tilespmem:s10], [sflag:$0x3] =	stream.indirect_vreg.gather [hbm4b:s0+s7], $0x80, v3, vm0, $0xb8;
	[tilespmem:$0x11280] =	vst v63  }
0x3a9: {  	s14 =	simm.s32 $0x9A80  }
0x3aa: {  	[tilespmem:s14], [sflag:$0x3] =	stream.indirect_vreg.gather [hbm4b:s29+s7], $0x80, v3, vm0, $0xb8;
	[tilespmem:$0x11280] =	vst v63  }
0x3ab: {  	v3 =	vld [tilespmem:$0x190];
	_ =	sdelay $0x4  }
0x3ac: {  	v59 =	vshll.u32 v3, $0x2  }
0x3ad: {  	v3 =	vand.u32 $0x7, v3;
	v4 =	vand.u32 $0xFFFFFFE0, v59  }
0x3ae: {  	v3 =	vor.u32 v3, v4  }
0x3af: {  	v4 =	vperm.xlane v3, v0;
	_ =	sdelay $0x1  }
0x3b0: {  	v4 =	vadd.s32 v1, v4;
	_ =	sdelay $0x1  }
0x3b1: {  	v3 =	vperm.xlane v3, v2;
	_ =	sdelay $0x1  }
0x3b2: {  	s24 =	simm.s32 $0xA280;
	v3 =	vadd.s32 v1, v3  }
0x3b3: {  	[tilespmem:s24], [sflag:$0x3] =	stream.indirect_vreg.gather [hbm4b:s0+s7], $0x80, v4, vm0, $0xb8;
	[tilespmem:$0x11280] =	vst v63  }
0x3b4: {  	s31 =	simm.s32 $0xAA80  }
0x3b5: {  	[tilespmem:s31], [sflag:$0x3] =	stream.indirect_vreg.gather [hbm4b:s29+s7], $0x80, v4, vm0, $0xb8;
	[tilespmem:$0x11280] =	vst v63  }
0x3b6: {  	s3 =	simm.s32 $0xB280  }
0x3b7: {  	[tilespmem:s3], [sflag:$0x3] =	stream.indirect_vreg.gather [hbm4b:s0+s7], $0x80, v3, vm0, $0xb8;
	[tilespmem:$0x11280] =	vst v63  }
0x3b8: {  	s28 =	simm.s32 $0x8;
	s6 =	simm.s32 $0xBA80  }
0x3b9: {  	[tilespmem:s6], [sflag:$0x3] =	stream.indirect_vreg.gather [hbm4b:s29+s7], $0x80, v3, vm0, $0xb8;
	[tilespmem:$0x11280] =	vst v63  }
0x3ba: {  	_ =	swait.ge [sflag:s28], $0x4000  }
0x3bb: {  	[sflag:s28] =	ssyncset.done $0x0  }
0x3bc: {  	[sflag:s28] =	ssyncadd.s32 $0xFFFFC000  }
0x3bd: {  	v3 =	vld [tilespmem:$0x0];
	_ =	sdelay $0x4  }
0x3be: {  	v60 =	vshll.u32 v3, $0x6  }
0x3bf: {  	v61 =	vld [tilespmem:$0x10];
	v4 =	vor.u32 $0x1, v60  }
0x3c0: {  	v62 =	vperm.xlane v4, v0;
	_ =	sdelay $0x1  }
0x3c1: {  	v6 =	vadd.s32 v1, v62  }
0x3c2: {  	v3 =	vshll.u32 v3, $0x4  }
0x3c3: {  	v5 =	vshll.u32 v61, $0x4;
	v3 =	vor.u32 $0x1, v3;
	v4 =	vperm.xlane v4, v2  }
0x3c4: {  	[tilespmem:$0x200] =	vst v3;
	v3 =	vor.u32 $0x1, v5  }
0x3c5: {  	s9 =	simm.s32 $0xC280;
	[tilespmem:$0x210] =	vst v3;
	v3 =	vadd.s32 v1, v4  }
0x3c6: {  	[tilespmem:s9], [sflag:$0x4] =	stream.indirect_vreg.gather [hbm4b:s0+s7], $0x80, v6, vm0, $0xb8;
	[tilespmem:$0x11280] =	vst v63  }
0x3c7: {  	s10 =	simm.s32 $0xCA80  }
0x3c8: {  	[tilespmem:s10], [sflag:$0x4] =	stream.indirect_vreg.gather [hbm4b:s29+s7], $0x80, v6, vm0, $0xb8;
	[tilespmem:$0x11280] =	vst v63  }
0x3c9: {  	s24 =	simm.s32 $0xD280  }
0x3ca: {  	[tilespmem:s24], [sflag:$0x4] =	stream.indirect_vreg.gather [hbm4b:s0+s7], $0x80, v3, vm0, $0xb8;
	[tilespmem:$0x11280] =	vst v63  }
0x3cb: {  	s31 =	simm.s32 $0xDA80  }
0x3cc: {  	[tilespmem:s31], [sflag:$0x4] =	stream.indirect_vreg.gather [hbm4b:s29+s7], $0x80, v3, vm0, $0xb8;
	[tilespmem:$0x11280] =	vst v63  }
0x3cd: {  	v3 =	vld [tilespmem:$0x210];
	_ =	sdelay $0x4  }
0x3ce: {  	v63 =	vshll.u32 v3, $0x2  }
0x3cf: {  	v3 =	vand.u32 $0x7, v3;
	v4 =	vand.u32 $0xFFFFFFE0, v63  }
0x3d0: {  	v3 =	vor.u32 v3, v4  }
0x3d1: {  	v4 =	vperm.xlane v3, v0;
	_ =	sdelay $0x1  }
0x3d2: {  	v4 =	vadd.s32 v1, v4;
	_ =	sdelay $0x1  }
0x3d3: {  	v3 =	vperm.xlane v3, v2;
	_ =	sdelay $0x1  }
0x3d4: {  	s3 =	simm.s32 $0xE280;
	v3 =	vadd.s32 v1, v3  }
0x3d5: {  	[tilespmem:s3], [sflag:$0x4] =	stream.indirect_vreg.gather [hbm4b:s0+s7], $0x80, v4, vm0, $0xb8;
	[tilespmem:$0x11280] =	vst v63  }
0x3d6: {  	s6 =	simm.s32 $0xEA80  }
0x3d7: {  	[tilespmem:s6], [sflag:$0x4] =	stream.indirect_vreg.gather [hbm4b:s29+s7], $0x80, v4, vm0, $0xb8;
	[tilespmem:$0x11280] =	vst v63  }
0x3d8: {  	s9 =	simm.s32 $0xF280  }
0x3d9: {  	[tilespmem:s9], [sflag:$0x4] =	stream.indirect_vreg.gather [hbm4b:s0+s7], $0x80, v3, vm0, $0xb8;
	[tilespmem:$0x11280] =	vst v63  }
0x3da: {  	s10 =	simm.s32 $0xFA80  }
0x3db: {  	[tilespmem:s10], [sflag:$0x4] =	stream.indirect_vreg.gather [hbm4b:s29+s7], $0x80, v3, vm0, $0xb8;
	[tilespmem:$0x11280] =	vst v63  }
0x3dc: {  	s10 =	simm.s32 $0x5  }
0x3dd: {  	_ =	swait.ge [sflag:s10], $0x4000  }
0x3de: {  	[sflag:s10] =	ssyncset.done $0x0  }
0x3df: {  	[sflag:s10] =	ssyncadd.s32 $0xFFFFC000  }
0x3e0: {  	v3 =	vld [tilespmem:$0x0];
	_ =	sdelay $0x4  }
0x3e1: {  	v8 =	vshll.u32 v3, $0x6  }
0x3e2: {  	v9 =	vld [tilespmem:$0x10];
	v4 =	vor.u32 $0x2, v8  }
0x3e3: {  	v10 =	vperm.xlane v4, v0;
	_ =	sdelay $0x1  }
0x3e4: {  	v6 =	vadd.s32 v1, v10  }
0x3e5: {  	v3 =	vshll.u32 v3, $0x4  }
0x3e6: {  	v5 =	vshll.u32 v9, $0x4;
	v3 =	vor.u32 $0x2, v3;
	v4 =	vperm.xlane v4, v2  }
0x3e7: {  	[tilespmem:$0x80] =	vst v3;
	v3 =	vor.u32 $0x2, v5  }
0x3e8: {  	s9 =	simm.s32 $0x280;
	[tilespmem:$0x90] =	vst v3;
	v3 =	vadd.s32 v1, v4  }
0x3e9: {  	[tilespmem:s9], [sflag:$0x1] =	stream.indirect_vreg.gather [hbm4b:s0+s7], $0x80, v6, vm0, $0xb8;
	[tilespmem:$0x11280] =	vst v63  }
0x3ea: {  	s31 =	simm.s32 $0xA80  }
0x3eb: {  	[tilespmem:s31], [sflag:$0x1] =	stream.indirect_vreg.gather [hbm4b:s29+s7], $0x80, v6, vm0, $0xb8;
	[tilespmem:$0x11280] =	vst v63  }
0x3ec: {  	s3 =	simm.s32 $0x1280  }
0x3ed: {  	[tilespmem:s3], [sflag:$0x1] =	stream.indirect_vreg.gather [hbm4b:s0+s7], $0x80, v3, vm0, $0xb8;
	[tilespmem:$0x11280] =	vst v63  }
0x3ee: {  	s6 =	simm.s32 $0x1A80  }
0x3ef: {  	[tilespmem:s6], [sflag:$0x1] =	stream.indirect_vreg.gather [hbm4b:s29+s7], $0x80, v3, vm0, $0xb8;
	[tilespmem:$0x11280] =	vst v63  }
0x3f0: {  	v3 =	vld [tilespmem:$0x90];
	_ =	sdelay $0x4  }
0x3f1: {  	v11 =	vshll.u32 v3, $0x2  }
0x3f2: {  	v3 =	vand.u32 $0x7, v3;
	v4 =	vand.u32 $0xFFFFFFE0, v11  }
0x3f3: {  	v3 =	vor.u32 v3, v4  }
0x3f4: {  	v4 =	vperm.xlane v3, v0;
	_ =	sdelay $0x1  }
0x3f5: {  	v4 =	vadd.s32 v1, v4;
	_ =	sdelay $0x1  }
0x3f6: {  	v3 =	vperm.xlane v3, v2;
	_ =	sdelay $0x1  }
0x3f7: {  	s31 =	simm.s32 $0x2280;
	v3 =	vadd.s32 v1, v3  }
0x3f8: {  	[tilespmem:s31], [sflag:$0x1] =	stream.indirect_vreg.gather [hbm4b:s0+s7], $0x80, v4, vm0, $0xb8;
	[tilespmem:$0x11280] =	vst v63  }
0x3f9: {  	s3 =	simm.s32 $0x2A80  }
0x3fa: {  	[tilespmem:s3], [sflag:$0x1] =	stream.indirect_vreg.gather [hbm4b:s29+s7], $0x80, v4, vm0, $0xb8;
	[tilespmem:$0x11280] =	vst v63  }
0x3fb: {  	s6 =	simm.s32 $0x3280  }
0x3fc: {  	[tilespmem:s6], [sflag:$0x1] =	stream.indirect_vreg.gather [hbm4b:s0+s7], $0x80, v3, vm0, $0xb8;
	[tilespmem:$0x11280] =	vst v63  }
0x3fd: {  	s31 =	simm.s32 $0x3A80  }
0x3fe: {  	[tilespmem:s31], [sflag:$0x1] =	stream.indirect_vreg.gather [hbm4b:s29+s7], $0x80, v3, vm0, $0xb8;
	[tilespmem:$0x11280] =	vst v63  }
0x3ff: {  	_ =	swait.ge [sflag:s22], $0x4000  }
0x400: {  	[sflag:s22] =	ssyncset.done $0x0  }
0x401: {  	s6 =	simm.s32 $0x4280;
	s1 =	rddreg [dreg:$0x13];
	[sflag:s22] =	ssyncadd.s32 $0xFFFFC000  }
0x402: {  	[hbm4b:s1+s7] =	stream.linear.scatter [tilespmem:s6], [sflag:$0x6], $0x4000, $0x38;
	[tilespmem:$0x11280] =	vst v63  }
0x403: {  	_ =	swait.ge [sflag:s23], $0x4000  }
0x404: {  	s31 =	sld [smem:$0x7ED]  }
0x405: {  	[sflag:s23] =	ssyncset.done $0x0  }
0x406: {  	s1 =	simm.s32 $0x8280;
	[sflag:s23] =	ssyncadd.s32 $0xFFFFC000  }
0x407: {  	[hbm4b:s31+s7] =	stream.linear.scatter [tilespmem:s1], [sflag:$0x7], $0x4000, $0x38;
	[tilespmem:$0x11280] =	vst v63  }
0x408: {  	_ =	swait.ge [sflag:s20], $0x4000  }
0x409: {  	s31 =	sld [smem:$0x7EE]  }
0x40a: {  	[sflag:s20] =	ssyncset.done $0x0  }
0x40b: {  	s14 =	simm.s32 $0xC280;
	[sflag:s20] =	ssyncadd.s32 $0xFFFFC000  }
0x40c: {  	[hbm4b:s31+s7] =	stream.linear.scatter [tilespmem:s14], [sflag:$0x8], $0x4000, $0x38;
	[tilespmem:$0x11280] =	vst v63  }
0x40d: {  	_ =	swait.ge [sflag:s25], $0x4000  }
0x40e: {  	s31 =	sld [smem:$0x7EF]  }
0x40f: {  	[sflag:s25] =	ssyncset.done $0x0  }
0x410: {  	[sflag:s25] =	ssyncadd.s32 $0xFFFFC000  }
0x411: {  	[hbm4b:s31+s7] =	stream.linear.scatter [tilespmem:s9], [sflag:$0x5], $0x4000, $0x38;
	[tilespmem:$0x11280] =	vst v63  }
0x412: {  	_ =	swait.ge [sflag:s26], $0x4000  }
0x413: {  	[sflag:s26] =	ssyncset.done $0x0  }
0x414: {  	[sflag:s26] =	ssyncadd.s32 $0xFFFFC000  }
0x415: {  	v3 =	vld [tilespmem:$0x0];
	_ =	sdelay $0x4  }
0x416: {  	v12 =	vshll.u32 v3, $0x6  }
0x417: {  	v13 =	vld [tilespmem:$0x10];
	v4 =	vor.u32 $0x3, v12  }
0x418: {  	v14 =	vperm.xlane v4, v0;
	_ =	sdelay $0x1  }
0x419: {  	v6 =	vadd.s32 v1, v14  }
0x41a: {  	v3 =	vshll.u32 v3, $0x4  }
0x41b: {  	v5 =	vshll.u32 v13, $0x4;
	v3 =	vor.u32 $0x3, v3;
	v4 =	vperm.xlane v4, v2  }
0x41c: {  	[tilespmem:$0x100] =	vst v3;
	v3 =	vor.u32 $0x3, v5  }
0x41d: {  	[tilespmem:$0x110] =	vst v3;
	v3 =	vadd.s32 v1, v4  }
0x41e: {  	[tilespmem:s6], [sflag:$0x2] =	stream.indirect_vreg.gather [hbm4b:s0+s7], $0x80, v6, vm0, $0xb8;
	[tilespmem:$0x11280] =	vst v63  }
0x41f: {  	s31 =	simm.s32 $0x4A80  }
0x420: {  	[tilespmem:s31], [sflag:$0x2] =	stream.indirect_vreg.gather [hbm4b:s29+s7], $0x80, v6, vm0, $0xb8;
	[tilespmem:$0x11280] =	vst v63  }
0x421: {  	s18 =	simm.s32 $0x5280  }
0x422: {  	[tilespmem:s18], [sflag:$0x2] =	stream.indirect_vreg.gather [hbm4b:s0+s7], $0x80, v3, vm0, $0xb8;
	[tilespmem:$0x11280] =	vst v63  }
0x423: {  	s18 =	simm.s32 $0x5A80  }
0x424: {  	[tilespmem:s18], [sflag:$0x2] =	stream.indirect_vreg.gather [hbm4b:s29+s7], $0x80, v3, vm0, $0xb8;
	[tilespmem:$0x11280] =	vst v63  }
0x425: {  	v3 =	vld [tilespmem:$0x110];
	_ =	sdelay $0x4  }
0x426: {  	v15 =	vshll.u32 v3, $0x2  }
0x427: {  	v3 =	vand.u32 $0x7, v3;
	v4 =	vand.u32 $0xFFFFFFE0, v15  }
0x428: {  	v3 =	vor.u32 v3, v4  }
0x429: {  	v4 =	vperm.xlane v3, v0;
	_ =	sdelay $0x1  }
0x42a: {  	v4 =	vadd.s32 v1, v4;
	_ =	sdelay $0x1  }
0x42b: {  	v3 =	vperm.xlane v3, v2;
	_ =	sdelay $0x1  }
0x42c: {  	s15 =	simm.s32 $0x6280;
	v3 =	vadd.s32 v1, v3  }
0x42d: {  	[tilespmem:s15], [sflag:$0x2] =	stream.indirect_vreg.gather [hbm4b:s0+s7], $0x80, v4, vm0, $0xb8;
	[tilespmem:$0x11280] =	vst v63  }
0x42e: {  	s16 =	simm.s32 $0x6A80  }
0x42f: {  	[tilespmem:s16], [sflag:$0x2] =	stream.indirect_vreg.gather [hbm4b:s29+s7], $0x80, v4, vm0, $0xb8;
	[tilespmem:$0x11280] =	vst v63  }
0x430: {  	s21 =	simm.s32 $0x7280  }
0x431: {  	[tilespmem:s21], [sflag:$0x2] =	stream.indirect_vreg.gather [hbm4b:s0+s7], $0x80, v3, vm0, $0xb8;
	[tilespmem:$0x11280] =	vst v63  }
0x432: {  	s13 =	simm.s32 $0x7A80  }
0x433: {  	[tilespmem:s13], [sflag:$0x2] =	stream.indirect_vreg.gather [hbm4b:s29+s7], $0x80, v3, vm0, $0xb8;
	[tilespmem:$0x11280] =	vst v63  }
0x434: {  	_ =	swait.ge [sflag:s11], $0x4000  }
0x435: {  	[sflag:s11] =	ssyncset.done $0x0  }
0x436: {  	[sflag:s11] =	ssyncadd.s32 $0xFFFFC000  }
0x437: {  	v3 =	vld [tilespmem:$0x0];
	_ =	sdelay $0x4  }
0x438: {  	v16 =	vshll.u32 v3, $0x6  }
0x439: {  	v17 =	vld [tilespmem:$0x10];
	v4 =	vor.u32 $0x4, v16  }
0x43a: {  	v18 =	vperm.xlane v4, v0;
	_ =	sdelay $0x1  }
0x43b: {  	v6 =	vadd.s32 v1, v18  }
0x43c: {  	v3 =	vshll.u32 v3, $0x4  }
0x43d: {  	v5 =	vshll.u32 v17, $0x4;
	v3 =	vor.u32 $0x4, v3;
	v4 =	vperm.xlane v4, v2  }
0x43e: {  	[tilespmem:$0x180] =	vst v3;
	v3 =	vor.u32 $0x4, v5  }
0x43f: {  	[tilespmem:$0x190] =	vst v3;
	v3 =	vadd.s32 v1, v4  }
0x440: {  	[tilespmem:s1], [sflag:$0x3] =	stream.indirect_vreg.gather [hbm4b:s0+s7], $0x80, v6, vm0, $0xb8;
	[tilespmem:$0x11280] =	vst v63  }
0x441: {  	s12 =	simm.s32 $0x8A80  }
0x442: {  	[tilespmem:s12], [sflag:$0x3] =	stream.indirect_vreg.gather [hbm4b:s29+s7], $0x80, v6, vm0, $0xb8;
	[tilespmem:$0x11280] =	vst v63  }
0x443: {  	s6 =	simm.s32 $0x9280  }
0x444: {  	[tilespmem:s6], [sflag:$0x3] =	stream.indirect_vreg.gather [hbm4b:s0+s7], $0x80, v3, vm0, $0xb8;
	[tilespmem:$0x11280] =	vst v63  }
0x445: {  	s8 =	simm.s32 $0x9A80  }
0x446: {  	[tilespmem:s8], [sflag:$0x3] =	stream.indirect_vreg.gather [hbm4b:s29+s7], $0x80, v3, vm0, $0xb8;
	[tilespmem:$0x11280] =	vst v63  }
0x447: {  	v3 =	vld [tilespmem:$0x190];
	_ =	sdelay $0x4  }
0x448: {  	v19 =	vshll.u32 v3, $0x2  }
0x449: {  	v3 =	vand.u32 $0x7, v3;
	v4 =	vand.u32 $0xFFFFFFE0, v19  }
0x44a: {  	v3 =	vor.u32 v3, v4  }
0x44b: {  	v4 =	vperm.xlane v3, v0;
	_ =	sdelay $0x1  }
0x44c: {  	v4 =	vadd.s32 v1, v4;
	_ =	sdelay $0x1  }
0x44d: {  	v3 =	vperm.xlane v3, v2;
	_ =	sdelay $0x1  }
0x44e: {  	s5 =	simm.s32 $0xA280;
	v3 =	vadd.s32 v1, v3  }
0x44f: {  	[tilespmem:s5], [sflag:$0x3] =	stream.indirect_vreg.gather [hbm4b:s0+s7], $0x80, v4, vm0, $0xb8;
	[tilespmem:$0x11280] =	vst v63  }
0x450: {  	s8 =	simm.s32 $0xAA80  }
0x451: {  	[tilespmem:s8], [sflag:$0x3] =	stream.indirect_vreg.gather [hbm4b:s29+s7], $0x80, v4, vm0, $0xb8;
	[tilespmem:$0x11280] =	vst v63  }
0x452: {  	s12 =	simm.s32 $0xB280  }
0x453: {  	[tilespmem:s12], [sflag:$0x3] =	stream.indirect_vreg.gather [hbm4b:s0+s7], $0x80, v3, vm0, $0xb8;
	[tilespmem:$0x11280] =	vst v63  }
0x454: {  	s13 =	simm.s32 $0xBA80  }
0x455: {  	[tilespmem:s13], [sflag:$0x3] =	stream.indirect_vreg.gather [hbm4b:s29+s7], $0x80, v3, vm0, $0xb8;
	[tilespmem:$0x11280] =	vst v63  }
0x456: {  	_ =	swait.ge [sflag:s28], $0x4000  }
0x457: {  	[sflag:s28] =	ssyncset.done $0x0  }
0x458: {  	[sflag:s28] =	ssyncadd.s32 $0xFFFFC000  }
0x459: {  	v3 =	vld [tilespmem:$0x0];
	_ =	sdelay $0x4  }
0x45a: {  	v20 =	vshll.u32 v3, $0x6  }
0x45b: {  	v21 =	vld [tilespmem:$0x10];
	v4 =	vor.u32 $0x5, v20  }
0x45c: {  	v22 =	vperm.xlane v4, v0;
	_ =	sdelay $0x1  }
0x45d: {  	v6 =	vadd.s32 v1, v22  }
0x45e: {  	v3 =	vshll.u32 v3, $0x4  }
0x45f: {  	v5 =	vshll.u32 v21, $0x4;
	v3 =	vor.u32 $0x5, v3;
	v4 =	vperm.xlane v4, v2  }
0x460: {  	[tilespmem:$0x200] =	vst v3;
	v3 =	vor.u32 $0x5, v5  }
0x461: {  	s30 =	simm.s32 $0xC280;
	[tilespmem:$0x210] =	vst v3;
	v3 =	vadd.s32 v1, v4  }
0x462: {  	[tilespmem:s30], [sflag:$0x4] =	stream.indirect_vreg.gather [hbm4b:s0+s7], $0x80, v6, vm0, $0xb8;
	[tilespmem:$0x11280] =	vst v63  }
0x463: {  	s3 =	simm.s32 $0xCA80  }
0x464: {  	[tilespmem:s3], [sflag:$0x4] =	stream.indirect_vreg.gather [hbm4b:s29+s7], $0x80, v6, vm0, $0xb8;
	[tilespmem:$0x11280] =	vst v63  }
0x465: {  	s15 =	simm.s32 $0xD280  }
0x466: {  	[tilespmem:s15], [sflag:$0x4] =	stream.indirect_vreg.gather [hbm4b:s0+s7], $0x80, v3, vm0, $0xb8;
	[tilespmem:$0x11280] =	vst v63  }
0x467: {  	s24 =	simm.s32 $0xDA80  }
0x468: {  	[tilespmem:s24], [sflag:$0x4] =	stream.indirect_vreg.gather [hbm4b:s29+s7], $0x80, v3, vm0, $0xb8;
	[tilespmem:$0x11280] =	vst v63  }
0x469: {  	v3 =	vld [tilespmem:$0x210];
	_ =	sdelay $0x4  }
0x46a: {  	v23 =	vshll.u32 v3, $0x2  }
0x46b: {  	v3 =	vand.u32 $0x7, v3;
	v4 =	vand.u32 $0xFFFFFFE0, v23  }
0x46c: {  	v3 =	vor.u32 v3, v4  }
0x46d: {  	v4 =	vperm.xlane v3, v0;
	_ =	sdelay $0x1  }
0x46e: {  	v4 =	vadd.s32 v1, v4;
	_ =	sdelay $0x1  }
0x46f: {  	v3 =	vperm.xlane v3, v2;
	_ =	sdelay $0x1  }
0x470: {  	s30 =	simm.s32 $0xE280;
	v3 =	vadd.s32 v1, v3  }
0x471: {  	[tilespmem:s30], [sflag:$0x4] =	stream.indirect_vreg.gather [hbm4b:s0+s7], $0x80, v4, vm0, $0xb8;
	[tilespmem:$0x11280] =	vst v63  }
0x472: {  	s16 =	simm.s32 $0xEA80  }
0x473: {  	[tilespmem:s16], [sflag:$0x4] =	stream.indirect_vreg.gather [hbm4b:s29+s7], $0x80, v4, vm0, $0xb8;
	[tilespmem:$0x11280] =	vst v63  }
0x474: {  	s21 =	simm.s32 $0xF280  }
0x475: {  	[tilespmem:s21], [sflag:$0x4] =	stream.indirect_vreg.gather [hbm4b:s0+s7], $0x80, v3, vm0, $0xb8;
	[tilespmem:$0x11280] =	vst v63  }
0x476: {  	s24 =	simm.s32 $0xFA80  }
0x477: {  	[tilespmem:s24], [sflag:$0x4] =	stream.indirect_vreg.gather [hbm4b:s29+s7], $0x80, v3, vm0, $0xb8;
	[tilespmem:$0x11280] =	vst v63  }
0x478: {  	_ =	swait.ge [sflag:s10], $0x4000  }
0x479: {  	[sflag:s10] =	ssyncset.done $0x0  }
0x47a: {  	[sflag:s10] =	ssyncadd.s32 $0xFFFFC000  }
0x47b: {  	v3 =	vld [tilespmem:$0x0];
	_ =	sdelay $0x4  }
0x47c: {  	v24 =	vshll.u32 v3, $0x6  }
0x47d: {  	v25 =	vld [tilespmem:$0x10];
	v4 =	vor.u32 $0x6, v24  }
0x47e: {  	v26 =	vperm.xlane v4, v0;
	_ =	sdelay $0x1  }
0x47f: {  	v6 =	vadd.s32 v1, v26  }
0x480: {  	v3 =	vshll.u32 v3, $0x4  }
0x481: {  	v5 =	vshll.u32 v25, $0x4;
	v3 =	vor.u32 $0x6, v3;
	v4 =	vperm.xlane v4, v2  }
0x482: {  	[tilespmem:$0x80] =	vst v3;
	v3 =	vor.u32 $0x6, v5  }
0x483: {  	[tilespmem:$0x90] =	vst v3;
	v3 =	vadd.s32 v1, v4  }
0x484: {  	[tilespmem:s9], [sflag:$0x1] =	stream.indirect_vreg.gather [hbm4b:s0+s7], $0x80, v6, vm0, $0xb8;
	[tilespmem:$0x11280] =	vst v63  }
0x485: {  	s5 =	simm.s32 $0xA80  }
0x486: {  	[tilespmem:s5], [sflag:$0x1] =	stream.indirect_vreg.gather [hbm4b:s29+s7], $0x80, v6, vm0, $0xb8;
	[tilespmem:$0x11280] =	vst v63  }
0x487: {  	s1 =	simm.s32 $0x1280  }
0x488: {  	[tilespmem:s1], [sflag:$0x1] =	stream.indirect_vreg.gather [hbm4b:s0+s7], $0x80, v3, vm0, $0xb8;
	[tilespmem:$0x11280] =	vst v63  }
0x489: {  	s5 =	simm.s32 $0x1A80  }
0x48a: {  	[tilespmem:s5], [sflag:$0x1] =	stream.indirect_vreg.gather [hbm4b:s29+s7], $0x80, v3, vm0, $0xb8;
	[tilespmem:$0x11280] =	vst v63  }
0x48b: {  	v3 =	vld [tilespmem:$0x90];
	_ =	sdelay $0x4  }
0x48c: {  	v27 =	vshll.u32 v3, $0x2  }
0x48d: {  	v3 =	vand.u32 $0x7, v3;
	v4 =	vand.u32 $0xFFFFFFE0, v27  }
0x48e: {  	v3 =	vor.u32 v3, v4  }
0x48f: {  	v4 =	vperm.xlane v3, v0;
	_ =	sdelay $0x1  }
0x490: {  	v4 =	vadd.s32 v1, v4;
	_ =	sdelay $0x1  }
0x491: {  	v3 =	vperm.xlane v3, v2;
	_ =	sdelay $0x1  }
0x492: {  	s3 =	simm.s32 $0x2280;
	v3 =	vadd.s32 v1, v3  }
0x493: {  	[tilespmem:s3], [sflag:$0x1] =	stream.indirect_vreg.gather [hbm4b:s0+s7], $0x80, v4, vm0, $0xb8;
	[tilespmem:$0x11280] =	vst v63  }
0x494: {  	s5 =	simm.s32 $0x2A80  }
0x495: {  	[tilespmem:s5], [sflag:$0x1] =	stream.indirect_vreg.gather [hbm4b:s29+s7], $0x80, v4, vm0, $0xb8;
	[tilespmem:$0x11280] =	vst v63  }
0x496: {  	s3 =	simm.s32 $0x3280  }
0x497: {  	[tilespmem:s3], [sflag:$0x1] =	stream.indirect_vreg.gather [hbm4b:s0+s7], $0x80, v3, vm0, $0xb8;
	[tilespmem:$0x11280] =	vst v63  }
0x498: {  	s5 =	simm.s32 $0x3A80  }
0x499: {  	[tilespmem:s5], [sflag:$0x1] =	stream.indirect_vreg.gather [hbm4b:s29+s7], $0x80, v3, vm0, $0xb8;
	[tilespmem:$0x11280] =	vst v63  }
0x49a: {  	_ =	swait.ge [sflag:s22], $0x4000  }
0x49b: {  	s1 =	sld [smem:$0x7F0]  }
0x49c: {  	[sflag:s22] =	ssyncset.done $0x0  }
0x49d: {  	s5 =	simm.s32 $0x4280;
	[sflag:s22] =	ssyncadd.s32 $0xFFFFC000  }
0x49e: {  	[hbm4b:s1+s7] =	stream.linear.scatter [tilespmem:s5], [sflag:$0x6], $0x4000, $0x38;
	[tilespmem:$0x11280] =	vst v63  }
0x49f: {  	_ =	swait.ge [sflag:s23], $0x4000  }
0x4a0: {  	s3 =	sld [smem:$0x7F1]  }
0x4a1: {  	[sflag:s23] =	ssyncset.done $0x0  }
0x4a2: {  	s1 =	simm.s32 $0x8280;
	[sflag:s23] =	ssyncadd.s32 $0xFFFFC000  }
0x4a3: {  	[hbm4b:s3+s7] =	stream.linear.scatter [tilespmem:s1], [sflag:$0x7], $0x4000, $0x38;
	[tilespmem:$0x11280] =	vst v63  }
0x4a4: {  	_ =	swait.ge [sflag:s20], $0x4000  }
0x4a5: {  	s3 =	sld [smem:$0x7F2]  }
0x4a6: {  	[sflag:s20] =	ssyncset.done $0x0  }
0x4a7: {  	s14 =	simm.s32 $0xC280;
	[sflag:s20] =	ssyncadd.s32 $0xFFFFC000  }
0x4a8: {  	[hbm4b:s3+s7] =	stream.linear.scatter [tilespmem:s14], [sflag:$0x8], $0x4000, $0x38;
	[tilespmem:$0x11280] =	vst v63  }
0x4a9: {  	_ =	swait.ge [sflag:s25], $0x4000  }
0x4aa: {  	s3 =	sld [smem:$0x7F3]  }
0x4ab: {  	[sflag:s25] =	ssyncset.done $0x0  }
0x4ac: {  	[sflag:s25] =	ssyncadd.s32 $0xFFFFC000  }
0x4ad: {  	[hbm4b:s3+s7] =	stream.linear.scatter [tilespmem:s9], [sflag:$0x5], $0x4000, $0x38;
	[tilespmem:$0x11280] =	vst v63  }
0x4ae: {  	_ =	swait.ge [sflag:s26], $0x4000  }
0x4af: {  	[sflag:s26] =	ssyncset.done $0x0  }
0x4b0: {  	[sflag:s26] =	ssyncadd.s32 $0xFFFFC000  }
0x4b1: {  	v3 =	vld [tilespmem:$0x0];
	_ =	sdelay $0x4  }
0x4b2: {  	v28 =	vshll.u32 v3, $0x6  }
0x4b3: {  	v29 =	vld [tilespmem:$0x10];
	v4 =	vor.u32 $0x7, v28  }
0x4b4: {  	v30 =	vperm.xlane v4, v0;
	_ =	sdelay $0x1  }
0x4b5: {  	v6 =	vadd.s32 v1, v30  }
0x4b6: {  	v3 =	vshll.u32 v3, $0x4  }
0x4b7: {  	v5 =	vshll.u32 v29, $0x4;
	v3 =	vor.u32 $0x7, v3;
	v4 =	vperm.xlane v4, v2  }
0x4b8: {  	[tilespmem:$0x100] =	vst v3;
	v3 =	vor.u32 $0x7, v5  }
0x4b9: {  	[tilespmem:$0x110] =	vst v3;
	v3 =	vadd.s32 v1, v4  }
0x4ba: {  	[tilespmem:s5], [sflag:$0x2] =	stream.indirect_vreg.gather [hbm4b:s0+s7], $0x80, v6, vm0, $0xb8;
	[tilespmem:$0x11280] =	vst v63  }
0x4bb: {  	_ = 	snop  }
0x4bc: {  	[tilespmem:s31], [sflag:$0x2] =	stream.indirect_vreg.gather [hbm4b:s29+s7], $0x80, v6, vm0, $0xb8;
	[tilespmem:$0x11280] =	vst v63  }
0x4bd: {  	s31 =	simm.s32 $0x5280  }
0x4be: {  	[tilespmem:s31], [sflag:$0x2] =	stream.indirect_vreg.gather [hbm4b:s0+s7], $0x80, v3, vm0, $0xb8;
	[tilespmem:$0x11280] =	vst v63  }
0x4bf: {  	_ = 	snop  }
0x4c0: {  	[tilespmem:s18], [sflag:$0x2] =	stream.indirect_vreg.gather [hbm4b:s29+s7], $0x80, v3, vm0, $0xb8;
	[tilespmem:$0x11280] =	vst v63  }
0x4c1: {  	v3 =	vld [tilespmem:$0x110];
	_ =	sdelay $0x4  }
0x4c2: {  	v31 =	vshll.u32 v3, $0x2  }
0x4c3: {  	v3 =	vand.u32 $0x7, v3;
	v4 =	vand.u32 $0xFFFFFFE0, v31  }
0x4c4: {  	v3 =	vor.u32 v3, v4  }
0x4c5: {  	v4 =	vperm.xlane v3, v0;
	_ =	sdelay $0x1  }
0x4c6: {  	v4 =	vadd.s32 v1, v4;
	_ =	sdelay $0x1  }
0x4c7: {  	v3 =	vperm.xlane v3, v2;
	_ =	sdelay $0x1  }
0x4c8: {  	s18 =	simm.s32 $0x6280;
	v3 =	vadd.s32 v1, v3  }
0x4c9: {  	[tilespmem:s18], [sflag:$0x2] =	stream.indirect_vreg.gather [hbm4b:s0+s7], $0x80, v4, vm0, $0xb8;
	[tilespmem:$0x11280] =	vst v63  }
0x4ca: {  	s18 =	simm.s32 $0x6A80  }
0x4cb: {  	[tilespmem:s18], [sflag:$0x2] =	stream.indirect_vreg.gather [hbm4b:s29+s7], $0x80, v4, vm0, $0xb8;
	[tilespmem:$0x11280] =	vst v63  }
0x4cc: {  	s18 =	simm.s32 $0x7280  }
0x4cd: {  	[tilespmem:s18], [sflag:$0x2] =	stream.indirect_vreg.gather [hbm4b:s0+s7], $0x80, v3, vm0, $0xb8;
	[tilespmem:$0x11280] =	vst v63  }
0x4ce: {  	s18 =	simm.s32 $0x7A80  }
0x4cf: {  	[tilespmem:s18], [sflag:$0x2] =	stream.indirect_vreg.gather [hbm4b:s29+s7], $0x80, v3, vm0, $0xb8;
	[tilespmem:$0x11280] =	vst v63  }
0x4d0: {  	_ =	swait.ge [sflag:s11], $0x4000  }
0x4d1: {  	[sflag:s11] =	ssyncset.done $0x0  }
0x4d2: {  	[sflag:s11] =	ssyncadd.s32 $0xFFFFC000  }
0x4d3: {  	v3 =	vld [tilespmem:$0x0];
	_ =	sdelay $0x4  }
0x4d4: {  	v3 =	vshll.u32 v3, $0x4  }
0x4d5: {  	v3 =	vor.u32 $0x8, v3  }
0x4d6: {  	v32 =	vld [tilespmem:$0x10];
	v33 =	vshll.u32 v3, $0x2  }
0x4d7: {  	v34 =	vperm.xlane v33, v0;
	_ =	sdelay $0x1  }
0x4d8: {  	v6 =	vadd.s32 v1, v34;
	_ =	sdelay $0x1  }
0x4d9: {  	v4 =	vshll.u32 v32, $0x4;
	v5 =	vperm.xlane v33, v2  }
0x4da: {  	[tilespmem:$0x180] =	vst v3;
	v3 =	vor.u32 $0x8, v4  }
0x4db: {  	[tilespmem:$0x190] =	vst v3;
	v3 =	vadd.s32 v1, v5  }
0x4dc: {  	[tilespmem:s1], [sflag:$0x3] =	stream.indirect_vreg.gather [hbm4b:s0+s7], $0x80, v6, vm0, $0xb8;
	[tilespmem:$0x11280] =	vst v63  }
0x4dd: {  	s3 =	simm.s32 $0x8A80  }
0x4de: {  	[tilespmem:s3], [sflag:$0x3] =	stream.indirect_vreg.gather [hbm4b:s29+s7], $0x80, v6, vm0, $0xb8;
	[tilespmem:$0x11280] =	vst v63  }
0x4df: {  	_ = 	snop  }
0x4e0: {  	[tilespmem:s6], [sflag:$0x3] =	stream.indirect_vreg.gather [hbm4b:s0+s7], $0x80, v3, vm0, $0xb8;
	[tilespmem:$0x11280] =	vst v63  }
0x4e1: {  	s3 =	simm.s32 $0x9A80  }
0x4e2: {  	[tilespmem:s3], [sflag:$0x3] =	stream.indirect_vreg.gather [hbm4b:s29+s7], $0x80, v3, vm0, $0xb8;
	[tilespmem:$0x11280] =	vst v63  }
0x4e3: {  	v3 =	vld [tilespmem:$0x190];
	_ =	sdelay $0x4  }
0x4e4: {  	v35 =	vshll.u32 v3, $0x2  }
0x4e5: {  	v3 =	vand.u32 $0x7, v3;
	v4 =	vand.u32 $0xFFFFFFE0, v35  }
0x4e6: {  	v3 =	vor.u32 v3, v4  }
0x4e7: {  	v4 =	vperm.xlane v3, v0;
	_ =	sdelay $0x1  }
0x4e8: {  	v4 =	vadd.s32 v1, v4;
	_ =	sdelay $0x1  }
0x4e9: {  	v3 =	vperm.xlane v3, v2;
	_ =	sdelay $0x1  }
0x4ea: {  	s6 =	simm.s32 $0xA280;
	v3 =	vadd.s32 v1, v3  }
0x4eb: {  	[tilespmem:s6], [sflag:$0x3] =	stream.indirect_vreg.gather [hbm4b:s0+s7], $0x80, v4, vm0, $0xb8;
	[tilespmem:$0x11280] =	vst v63  }
0x4ec: {  	_ = 	snop  }
0x4ed: {  	[tilespmem:s8], [sflag:$0x3] =	stream.indirect_vreg.gather [hbm4b:s29+s7], $0x80, v4, vm0, $0xb8;
	[tilespmem:$0x11280] =	vst v63  }
0x4ee: {  	_ = 	snop  }
0x4ef: {  	[tilespmem:s12], [sflag:$0x3] =	stream.indirect_vreg.gather [hbm4b:s0+s7], $0x80, v3, vm0, $0xb8;
	[tilespmem:$0x11280] =	vst v63  }
0x4f0: {  	_ = 	snop  }
0x4f1: {  	[tilespmem:s13], [sflag:$0x3] =	stream.indirect_vreg.gather [hbm4b:s29+s7], $0x80, v3, vm0, $0xb8;
	[tilespmem:$0x11280] =	vst v63  }
0x4f2: {  	_ =	swait.ge [sflag:s28], $0x4000  }
0x4f3: {  	[sflag:s28] =	ssyncset.done $0x0  }
0x4f4: {  	[sflag:s28] =	ssyncadd.s32 $0xFFFFC000  }
0x4f5: {  	v3 =	vld [tilespmem:$0x0];
	_ =	sdelay $0x4  }
0x4f6: {  	v3 =	vshll.u32 v3, $0x4  }
0x4f7: {  	v3 =	vor.u32 $0x9, v3  }
0x4f8: {  	v36 =	vshll.u32 v3, $0x2  }
0x4f9: {  	v4 =	vand.u32 $0xFFFFFFE0, v36  }
0x4fa: {  	v37 =	vld [tilespmem:$0x10];
	v4 =	vor.u32 $0x1, v4  }
0x4fb: {  	v38 =	vperm.xlane v4, v0;
	_ =	sdelay $0x1  }
0x4fc: {  	v6 =	vadd.s32 v1, v38;
	_ =	sdelay $0x1  }
0x4fd: {  	v5 =	vshll.u32 v37, $0x4;
	v4 =	vperm.xlane v4, v2  }
0x4fe: {  	[tilespmem:$0x200] =	vst v3;
	v3 =	vor.u32 $0x9, v5  }
0x4ff: {  	[tilespmem:$0x210] =	vst v3;
	v3 =	vadd.s32 v1, v4  }
0x500: {  	[tilespmem:s14], [sflag:$0x4] =	stream.indirect_vreg.gather [hbm4b:s0+s7], $0x80, v6, vm0, $0xb8;
	[tilespmem:$0x11280] =	vst v63  }
0x501: {  	s14 =	simm.s32 $0xCA80  }
0x502: {  	[tilespmem:s14], [sflag:$0x4] =	stream.indirect_vreg.gather [hbm4b:s29+s7], $0x80, v6, vm0, $0xb8;
	[tilespmem:$0x11280] =	vst v63  }
0x503: {  	_ = 	snop  }
0x504: {  	[tilespmem:s15], [sflag:$0x4] =	stream.indirect_vreg.gather [hbm4b:s0+s7], $0x80, v3, vm0, $0xb8;
	[tilespmem:$0x11280] =	vst v63  }
0x505: {  	s15 =	simm.s32 $0xDA80  }
0x506: {  	[tilespmem:s15], [sflag:$0x4] =	stream.indirect_vreg.gather [hbm4b:s29+s7], $0x80, v3, vm0, $0xb8;
	[tilespmem:$0x11280] =	vst v63  }
0x507: {  	v3 =	vld [tilespmem:$0x210];
	_ =	sdelay $0x4  }
0x508: {  	v39 =	vshll.u32 v3, $0x2  }
0x509: {  	v3 =	vand.u32 $0x7, v3;
	v4 =	vand.u32 $0xFFFFFFE0, v39  }
0x50a: {  	v3 =	vor.u32 v3, v4  }
0x50b: {  	v4 =	vperm.xlane v3, v0;
	_ =	sdelay $0x1  }
0x50c: {  	v4 =	vadd.s32 v1, v4;
	_ =	sdelay $0x1  }
0x50d: {  	v3 =	vperm.xlane v3, v2;
	_ =	sdelay $0x1  }
0x50e: {  	v3 =	vadd.s32 v1, v3  }
0x50f: {  	[tilespmem:s30], [sflag:$0x4] =	stream.indirect_vreg.gather [hbm4b:s0+s7], $0x80, v4, vm0, $0xb8;
	[tilespmem:$0x11280] =	vst v63  }
0x510: {  	_ = 	snop  }
0x511: {  	[tilespmem:s16], [sflag:$0x4] =	stream.indirect_vreg.gather [hbm4b:s29+s7], $0x80, v4, vm0, $0xb8;
	[tilespmem:$0x11280] =	vst v63  }
0x512: {  	_ = 	snop  }
0x513: {  	[tilespmem:s21], [sflag:$0x4] =	stream.indirect_vreg.gather [hbm4b:s0+s7], $0x80, v3, vm0, $0xb8;
	[tilespmem:$0x11280] =	vst v63  }
0x514: {  	_ = 	snop  }
0x515: {  	[tilespmem:s24], [sflag:$0x4] =	stream.indirect_vreg.gather [hbm4b:s29+s7], $0x80, v3, vm0, $0xb8;
	[tilespmem:$0x11280] =	vst v63  }
0x516: {  	_ =	swait.ge [sflag:s10], $0x4000  }
0x517: {  	[sflag:s10] =	ssyncset.done $0x0  }
0x518: {  	[sflag:s10] =	ssyncadd.s32 $0xFFFFC000  }
0x519: {  	v3 =	vld [tilespmem:$0x0];
	_ =	sdelay $0x4  }
0x51a: {  	v3 =	vshll.u32 v3, $0x4  }
0x51b: {  	v3 =	vor.u32 $0xA, v3  }
0x51c: {  	v40 =	vshll.u32 v3, $0x2  }
0x51d: {  	v4 =	vand.u32 $0xFFFFFFE0, v40  }
0x51e: {  	v41 =	vld [tilespmem:$0x10];
	v4 =	vor.u32 $0x2, v4  }
0x51f: {  	v42 =	vperm.xlane v4, v0;
	_ =	sdelay $0x1  }
0x520: {  	v6 =	vadd.s32 v1, v42;
	_ =	sdelay $0x1  }
0x521: {  	v5 =	vshll.u32 v41, $0x4;
	v4 =	vperm.xlane v4, v2  }
0x522: {  	[tilespmem:$0x80] =	vst v3;
	v3 =	vor.u32 $0xA, v5  }
0x523: {  	[tilespmem:$0x90] =	vst v3;
	v3 =	vadd.s32 v1, v4  }
0x524: {  	[tilespmem:s9], [sflag:$0x1] =	stream.indirect_vreg.gather [hbm4b:s0+s7], $0x80, v6, vm0, $0xb8;
	[tilespmem:$0x11280] =	vst v63  }
0x525: {  	s16 =	simm.s32 $0xA80  }
0x526: {  	[tilespmem:s16], [sflag:$0x1] =	stream.indirect_vreg.gather [hbm4b:s29+s7], $0x80, v6, vm0, $0xb8;
	[tilespmem:$0x11280] =	vst v63  }
0x527: {  	s21 =	simm.s32 $0x1280  }
0x528: {  	[tilespmem:s21], [sflag:$0x1] =	stream.indirect_vreg.gather [hbm4b:s0+s7], $0x80, v3, vm0, $0xb8;
	[tilespmem:$0x11280] =	vst v63  }
0x529: {  	s24 =	simm.s32 $0x1A80  }
0x52a: {  	[tilespmem:s24], [sflag:$0x1] =	stream.indirect_vreg.gather [hbm4b:s29+s7], $0x80, v3, vm0, $0xb8;
	[tilespmem:$0x11280] =	vst v63  }
0x52b: {  	v3 =	vld [tilespmem:$0x90];
	_ =	sdelay $0x4  }
0x52c: {  	v43 =	vshll.u32 v3, $0x2  }
0x52d: {  	v3 =	vand.u32 $0x7, v3;
	v4 =	vand.u32 $0xFFFFFFE0, v43  }
0x52e: {  	v3 =	vor.u32 v3, v4  }
0x52f: {  	v4 =	vperm.xlane v3, v0;
	_ =	sdelay $0x1  }
0x530: {  	v4 =	vadd.s32 v1, v4;
	_ =	sdelay $0x1  }
0x531: {  	v3 =	vperm.xlane v3, v2;
	_ =	sdelay $0x1  }
0x532: {  	s1 =	simm.s32 $0x2280;
	v3 =	vadd.s32 v1, v3  }
0x533: {  	[tilespmem:s1], [sflag:$0x1] =	stream.indirect_vreg.gather [hbm4b:s0+s7], $0x80, v4, vm0, $0xb8;
	[tilespmem:$0x11280] =	vst v63  }
0x534: {  	s6 =	simm.s32 $0x2A80  }
0x535: {  	[tilespmem:s6], [sflag:$0x1] =	stream.indirect_vreg.gather [hbm4b:s29+s7], $0x80, v4, vm0, $0xb8;
	[tilespmem:$0x11280] =	vst v63  }
0x536: {  	s8 =	simm.s32 $0x3280  }
0x537: {  	[tilespmem:s8], [sflag:$0x1] =	stream.indirect_vreg.gather [hbm4b:s0+s7], $0x80, v3, vm0, $0xb8;
	[tilespmem:$0x11280] =	vst v63  }
0x538: {  	s1 =	simm.s32 $0x3A80  }
0x539: {  	[tilespmem:s1], [sflag:$0x1] =	stream.indirect_vreg.gather [hbm4b:s29+s7], $0x80, v3, vm0, $0xb8;
	[tilespmem:$0x11280] =	vst v63  }
0x53a: {  	_ =	swait.ge [sflag:s22], $0x4000  }
0x53b: {  	s21 =	sld [smem:$0x7F4]  }
0x53c: {  	[sflag:s22] =	ssyncset.done $0x0  }
0x53d: {  	[sflag:s22] =	ssyncadd.s32 $0xFFFFC000  }
0x53e: {  	[hbm4b:s21+s7] =	stream.linear.scatter [tilespmem:s5], [sflag:$0x6], $0x4000, $0x38;
	[tilespmem:$0x11280] =	vst v63  }
0x53f: {  	_ =	swait.ge [sflag:s23], $0x4000  }
0x540: {  	s24 =	sld [smem:$0x7F5]  }
0x541: {  	[sflag:s23] =	ssyncset.done $0x0  }
0x542: {  	s18 =	simm.s32 $0x8280;
	[sflag:s23] =	ssyncadd.s32 $0xFFFFC000  }
0x543: {  	[hbm4b:s24+s7] =	stream.linear.scatter [tilespmem:s18], [sflag:$0x7], $0x4000, $0x38;
	[tilespmem:$0x11280] =	vst v63  }
0x544: {  	_ =	swait.ge [sflag:s20], $0x4000  }
0x545: {  	s6 =	sld [smem:$0x7F6]  }
0x546: {  	[sflag:s20] =	ssyncset.done $0x0  }
0x547: {  	s21 =	simm.s32 $0xC280;
	[sflag:s20] =	ssyncadd.s32 $0xFFFFC000  }
0x548: {  	[hbm4b:s6+s7] =	stream.linear.scatter [tilespmem:s21], [sflag:$0x8], $0x4000, $0x38;
	[tilespmem:$0x11280] =	vst v63  }
0x549: {  	_ =	swait.ge [sflag:s25], $0x4000  }
0x54a: {  	s24 =	sld [smem:$0x7F7]  }
0x54b: {  	[sflag:s25] =	ssyncset.done $0x0  }
0x54c: {  	[sflag:s25] =	ssyncadd.s32 $0xFFFFC000  }
0x54d: {  	[hbm4b:s24+s7] =	stream.linear.scatter [tilespmem:s9], [sflag:$0x5], $0x4000, $0x38;
	[tilespmem:$0x11280] =	vst v63  }
0x54e: {  	_ =	swait.ge [sflag:s26], $0x4000  }
0x54f: {  	[sflag:s26] =	ssyncset.done $0x0  }
0x550: {  	[sflag:s26] =	ssyncadd.s32 $0xFFFFC000  }
0x551: {  	v3 =	vld [tilespmem:$0x0];
	_ =	sdelay $0x4  }
0x552: {  	v3 =	vshll.u32 v3, $0x4  }
0x553: {  	v3 =	vor.u32 $0xB, v3  }
0x554: {  	v44 =	vshll.u32 v3, $0x2  }
0x555: {  	v4 =	vand.u32 $0xFFFFFFE0, v44  }
0x556: {  	v45 =	vld [tilespmem:$0x10];
	v4 =	vor.u32 $0x3, v4  }
0x557: {  	v46 =	vperm.xlane v4, v0;
	_ =	sdelay $0x1  }
0x558: {  	v6 =	vadd.s32 v1, v46;
	_ =	sdelay $0x1  }
0x559: {  	v5 =	vshll.u32 v45, $0x4;
	v4 =	vperm.xlane v4, v2  }
0x55a: {  	[tilespmem:$0x100] =	vst v3;
	v3 =	vor.u32 $0xB, v5  }
0x55b: {  	[tilespmem:$0x110] =	vst v3;
	v3 =	vadd.s32 v1, v4  }
0x55c: {  	[tilespmem:s5], [sflag:$0x2] =	stream.indirect_vreg.gather [hbm4b:s0+s7], $0x80, v6, vm0, $0xb8;
	[tilespmem:$0x11280] =	vst v63  }
0x55d: {  	s5 =	simm.s32 $0x4A80  }
0x55e: {  	[tilespmem:s5], [sflag:$0x2] =	stream.indirect_vreg.gather [hbm4b:s29+s7], $0x80, v6, vm0, $0xb8;
	[tilespmem:$0x11280] =	vst v63  }
0x55f: {  	s24 =	simm.s32 $0x5280  }
0x560: {  	[tilespmem:s24], [sflag:$0x2] =	stream.indirect_vreg.gather [hbm4b:s0+s7], $0x80, v3, vm0, $0xb8;
	[tilespmem:$0x11280] =	vst v63  }
0x561: {  	s31 =	simm.s32 $0x5A80  }
0x562: {  	[tilespmem:s31], [sflag:$0x2] =	stream.indirect_vreg.gather [hbm4b:s29+s7], $0x80, v3, vm0, $0xb8;
	[tilespmem:$0x11280] =	vst v63  }
0x563: {  	v3 =	vld [tilespmem:$0x110];
	_ =	sdelay $0x4  }
0x564: {  	v47 =	vshll.u32 v3, $0x2  }
0x565: {  	v3 =	vand.u32 $0x7, v3;
	v4 =	vand.u32 $0xFFFFFFE0, v47  }
0x566: {  	v3 =	vor.u32 v3, v4  }
0x567: {  	v4 =	vperm.xlane v3, v0;
	_ =	sdelay $0x1  }
0x568: {  	v4 =	vadd.s32 v1, v4;
	_ =	sdelay $0x1  }
0x569: {  	v3 =	vperm.xlane v3, v2;
	_ =	sdelay $0x1  }
0x56a: {  	s31 =	simm.s32 $0x6280;
	v3 =	vadd.s32 v1, v3  }
0x56b: {  	[tilespmem:s31], [sflag:$0x2] =	stream.indirect_vreg.gather [hbm4b:s0+s7], $0x80, v4, vm0, $0xb8;
	[tilespmem:$0x11280] =	vst v63  }
0x56c: {  	s5 =	simm.s32 $0x6A80  }
0x56d: {  	[tilespmem:s5], [sflag:$0x2] =	stream.indirect_vreg.gather [hbm4b:s29+s7], $0x80, v4, vm0, $0xb8;
	[tilespmem:$0x11280] =	vst v63  }
0x56e: {  	s5 =	simm.s32 $0x7280  }
0x56f: {  	[tilespmem:s5], [sflag:$0x2] =	stream.indirect_vreg.gather [hbm4b:s0+s7], $0x80, v3, vm0, $0xb8;
	[tilespmem:$0x11280] =	vst v63  }
0x570: {  	s5 =	simm.s32 $0x7A80  }
0x571: {  	[tilespmem:s5], [sflag:$0x2] =	stream.indirect_vreg.gather [hbm4b:s29+s7], $0x80, v3, vm0, $0xb8;
	[tilespmem:$0x11280] =	vst v63  }
0x572: {  	_ =	swait.ge [sflag:s11], $0x4000  }
0x573: {  	[sflag:s11] =	ssyncset.done $0x0  }
0x574: {  	[sflag:s11] =	ssyncadd.s32 $0xFFFFC000  }
0x575: {  	v3 =	vld [tilespmem:$0x0];
	_ =	sdelay $0x4  }
0x576: {  	v3 =	vshll.u32 v3, $0x4  }
0x577: {  	v3 =	vor.u32 $0xC, v3  }
0x578: {  	v48 =	vshll.u32 v3, $0x2  }
0x579: {  	v4 =	vand.u32 $0xFFFFFFE0, v48  }
0x57a: {  	v49 =	vld [tilespmem:$0x10];
	v4 =	vor.u32 $0x4, v4  }
0x57b: {  	v50 =	vperm.xlane v4, v0;
	_ =	sdelay $0x1  }
0x57c: {  	v6 =	vadd.s32 v1, v50;
	_ =	sdelay $0x1  }
0x57d: {  	v5 =	vshll.u32 v49, $0x4;
	v4 =	vperm.xlane v4, v2  }
0x57e: {  	[tilespmem:$0x180] =	vst v3;
	v3 =	vor.u32 $0xC, v5  }
0x57f: {  	[tilespmem:$0x190] =	vst v3;
	v3 =	vadd.s32 v1, v4  }
0x580: {  	[tilespmem:s18], [sflag:$0x3] =	stream.indirect_vreg.gather [hbm4b:s0+s7], $0x80, v6, vm0, $0xb8;
	[tilespmem:$0x11280] =	vst v63  }
0x581: {  	s5 =	simm.s32 $0x8A80  }
0x582: {  	[tilespmem:s5], [sflag:$0x3] =	stream.indirect_vreg.gather [hbm4b:s29+s7], $0x80, v6, vm0, $0xb8;
	[tilespmem:$0x11280] =	vst v63  }
0x583: {  	s11 =	simm.s32 $0x9280  }
0x584: {  	[tilespmem:s11], [sflag:$0x3] =	stream.indirect_vreg.gather [hbm4b:s0+s7], $0x80, v3, vm0, $0xb8;
	[tilespmem:$0x11280] =	vst v63  }
0x585: {  	s5 =	simm.s32 $0x9A80  }
0x586: {  	[tilespmem:s5], [sflag:$0x3] =	stream.indirect_vreg.gather [hbm4b:s29+s7], $0x80, v3, vm0, $0xb8;
	[tilespmem:$0x11280] =	vst v63  }
0x587: {  	v3 =	vld [tilespmem:$0x190];
	_ =	sdelay $0x4  }
0x588: {  	v51 =	vshll.u32 v3, $0x2  }
0x589: {  	v3 =	vand.u32 $0x7, v3;
	v4 =	vand.u32 $0xFFFFFFE0, v51  }
0x58a: {  	v3 =	vor.u32 v3, v4  }
0x58b: {  	v4 =	vperm.xlane v3, v0;
	_ =	sdelay $0x1  }
0x58c: {  	v4 =	vadd.s32 v1, v4;
	_ =	sdelay $0x1  }
0x58d: {  	v3 =	vperm.xlane v3, v2;
	_ =	sdelay $0x1  }
0x58e: {  	s11 =	simm.s32 $0xA280;
	v3 =	vadd.s32 v1, v3  }
0x58f: {  	[tilespmem:s11], [sflag:$0x3] =	stream.indirect_vreg.gather [hbm4b:s0+s7], $0x80, v4, vm0, $0xb8;
	[tilespmem:$0x11280] =	vst v63  }
0x590: {  	s5 =	simm.s32 $0xAA80  }
0x591: {  	[tilespmem:s5], [sflag:$0x3] =	stream.indirect_vreg.gather [hbm4b:s29+s7], $0x80, v4, vm0, $0xb8;
	[tilespmem:$0x11280] =	vst v63  }
0x592: {  	s11 =	simm.s32 $0xB280  }
0x593: {  	[tilespmem:s11], [sflag:$0x3] =	stream.indirect_vreg.gather [hbm4b:s0+s7], $0x80, v3, vm0, $0xb8;
	[tilespmem:$0x11280] =	vst v63  }
0x594: {  	s5 =	simm.s32 $0xBA80  }
0x595: {  	[tilespmem:s5], [sflag:$0x3] =	stream.indirect_vreg.gather [hbm4b:s29+s7], $0x80, v3, vm0, $0xb8;
	[tilespmem:$0x11280] =	vst v63  }
0x596: {  	_ =	swait.ge [sflag:s28], $0x4000  }
0x597: {  	[sflag:s28] =	ssyncset.done $0x0  }
0x598: {  	[sflag:s28] =	ssyncadd.s32 $0xFFFFC000  }
0x599: {  	v3 =	vld [tilespmem:$0x0];
	_ =	sdelay $0x4  }
0x59a: {  	v3 =	vshll.u32 v3, $0x4  }
0x59b: {  	v3 =	vor.u32 $0xD, v3  }
0x59c: {  	v52 =	vshll.u32 v3, $0x2  }
0x59d: {  	v4 =	vand.u32 $0xFFFFFFE0, v52  }
0x59e: {  	v53 =	vld [tilespmem:$0x10];
	v4 =	vor.u32 $0x5, v4  }
0x59f: {  	v54 =	vperm.xlane v4, v0;
	_ =	sdelay $0x1  }
0x5a0: {  	v6 =	vadd.s32 v1, v54;
	_ =	sdelay $0x1  }
0x5a1: {  	v5 =	vshll.u32 v53, $0x4;
	v4 =	vperm.xlane v4, v2  }
0x5a2: {  	[tilespmem:$0x200] =	vst v3;
	v3 =	vor.u32 $0xD, v5  }
0x5a3: {  	[tilespmem:$0x210] =	vst v3;
	v3 =	vadd.s32 v1, v4  }
0x5a4: {  	[tilespmem:s21], [sflag:$0x4] =	stream.indirect_vreg.gather [hbm4b:s0+s7], $0x80, v6, vm0, $0xb8;
	[tilespmem:$0x11280] =	vst v63  }
0x5a5: {  	s11 =	simm.s32 $0xCA80  }
0x5a6: {  	[tilespmem:s11], [sflag:$0x4] =	stream.indirect_vreg.gather [hbm4b:s29+s7], $0x80, v6, vm0, $0xb8;
	[tilespmem:$0x11280] =	vst v63  }
0x5a7: {  	s13 =	simm.s32 $0xD280  }
0x5a8: {  	[tilespmem:s13], [sflag:$0x4] =	stream.indirect_vreg.gather [hbm4b:s0+s7], $0x80, v3, vm0, $0xb8;
	[tilespmem:$0x11280] =	vst v63  }
0x5a9: {  	s21 =	simm.s32 $0xDA80  }
0x5aa: {  	[tilespmem:s21], [sflag:$0x4] =	stream.indirect_vreg.gather [hbm4b:s29+s7], $0x80, v3, vm0, $0xb8;
	[tilespmem:$0x11280] =	vst v63  }
0x5ab: {  	v3 =	vld [tilespmem:$0x210];
	_ =	sdelay $0x4  }
0x5ac: {  	v55 =	vshll.u32 v3, $0x2  }
0x5ad: {  	v3 =	vand.u32 $0x7, v3;
	v4 =	vand.u32 $0xFFFFFFE0, v55  }
0x5ae: {  	v3 =	vor.u32 v3, v4  }
0x5af: {  	v4 =	vperm.xlane v3, v0;
	_ =	sdelay $0x1  }
0x5b0: {  	v4 =	vadd.s32 v1, v4;
	_ =	sdelay $0x1  }
0x5b1: {  	v3 =	vperm.xlane v3, v2;
	_ =	sdelay $0x1  }
0x5b2: {  	s15 =	simm.s32 $0xE280;
	v3 =	vadd.s32 v1, v3  }
0x5b3: {  	[tilespmem:s15], [sflag:$0x4] =	stream.indirect_vreg.gather [hbm4b:s0+s7], $0x80, v4, vm0, $0xb8;
	[tilespmem:$0x11280] =	vst v63  }
0x5b4: {  	s11 =	simm.s32 $0xEA80  }
0x5b5: {  	[tilespmem:s11], [sflag:$0x4] =	stream.indirect_vreg.gather [hbm4b:s29+s7], $0x80, v4, vm0, $0xb8;
	[tilespmem:$0x11280] =	vst v63  }
0x5b6: {  	s13 =	simm.s32 $0xF280  }
0x5b7: {  	[tilespmem:s13], [sflag:$0x4] =	stream.indirect_vreg.gather [hbm4b:s0+s7], $0x80, v3, vm0, $0xb8;
	[tilespmem:$0x11280] =	vst v63  }
0x5b8: {  	s12 =	simm.s32 $0xFA80  }
0x5b9: {  	[tilespmem:s12], [sflag:$0x4] =	stream.indirect_vreg.gather [hbm4b:s29+s7], $0x80, v3, vm0, $0xb8;
	[tilespmem:$0x11280] =	vst v63  }
0x5ba: {  	_ =	swait.ge [sflag:s10], $0x4000  }
0x5bb: {  	[sflag:s10] =	ssyncset.done $0x0  }
0x5bc: {  	[sflag:s10] =	ssyncadd.s32 $0xFFFFC000  }
0x5bd: {  	v3 =	vld [tilespmem:$0x0];
	_ =	sdelay $0x4  }
0x5be: {  	v3 =	vshll.u32 v3, $0x4  }
0x5bf: {  	v3 =	vor.u32 $0xE, v3  }
0x5c0: {  	v56 =	vshll.u32 v3, $0x2  }
0x5c1: {  	v4 =	vand.u32 $0xFFFFFFE0, v56  }
0x5c2: {  	v57 =	vld [tilespmem:$0x10];
	v4 =	vor.u32 $0x6, v4  }
0x5c3: {  	v58 =	vperm.xlane v4, v0;
	_ =	sdelay $0x1  }
0x5c4: {  	v6 =	vadd.s32 v1, v58;
	_ =	sdelay $0x1  }
0x5c5: {  	v5 =	vshll.u32 v57, $0x4;
	v4 =	vperm.xlane v4, v2  }
0x5c6: {  	[tilespmem:$0x80] =	vst v3;
	v3 =	vor.u32 $0xE, v5  }
0x5c7: {  	[tilespmem:$0x90] =	vst v3;
	v3 =	vadd.s32 v1, v4  }
0x5c8: {  	[tilespmem:s9], [sflag:$0x1] =	stream.indirect_vreg.gather [hbm4b:s0+s7], $0x80, v6, vm0, $0xb8;
	[tilespmem:$0x11280] =	vst v63  }
0x5c9: {  	s15 =	simm.s32 $0xA80  }
0x5ca: {  	[tilespmem:s15], [sflag:$0x1] =	stream.indirect_vreg.gather [hbm4b:s29+s7], $0x80, v6, vm0, $0xb8;
	[tilespmem:$0x11280] =	vst v63  }
0x5cb: {  	s16 =	simm.s32 $0x1280  }
0x5cc: {  	[tilespmem:s16], [sflag:$0x1] =	stream.indirect_vreg.gather [hbm4b:s0+s7], $0x80, v3, vm0, $0xb8;
	[tilespmem:$0x11280] =	vst v63  }
0x5cd: {  	s16 =	simm.s32 $0x1A80  }
0x5ce: {  	[tilespmem:s16], [sflag:$0x1] =	stream.indirect_vreg.gather [hbm4b:s29+s7], $0x80, v3, vm0, $0xb8;
	[tilespmem:$0x11280] =	vst v63  }
0x5cf: {  	v3 =	vld [tilespmem:$0x90];
	_ =	sdelay $0x4  }
0x5d0: {  	v59 =	vshll.u32 v3, $0x2  }
0x5d1: {  	v3 =	vand.u32 $0x7, v3;
	v4 =	vand.u32 $0xFFFFFFE0, v59  }
0x5d2: {  	v3 =	vor.u32 v3, v4  }
0x5d3: {  	v4 =	vperm.xlane v3, v0;
	_ =	sdelay $0x1  }
0x5d4: {  	v4 =	vadd.s32 v1, v4;
	_ =	sdelay $0x1  }
0x5d5: {  	v3 =	vperm.xlane v3, v2;
	_ =	sdelay $0x1  }
0x5d6: {  	s21 =	simm.s32 $0x2280;
	v3 =	vadd.s32 v1, v3  }
0x5d7: {  	[tilespmem:s21], [sflag:$0x1] =	stream.indirect_vreg.gather [hbm4b:s0+s7], $0x80, v4, vm0, $0xb8;
	[tilespmem:$0x11280] =	vst v63  }
0x5d8: {  	s14 =	simm.s32 $0x2A80  }
0x5d9: {  	[tilespmem:s14], [sflag:$0x1] =	stream.indirect_vreg.gather [hbm4b:s29+s7], $0x80, v4, vm0, $0xb8;
	[tilespmem:$0x11280] =	vst v63  }
0x5da: {  	s8 =	simm.s32 $0x3280  }
0x5db: {  	[tilespmem:s8], [sflag:$0x1] =	stream.indirect_vreg.gather [hbm4b:s0+s7], $0x80, v3, vm0, $0xb8;
	[tilespmem:$0x11280] =	vst v63  }
0x5dc: {  	_ = 	snop  }
0x5dd: {  	[tilespmem:s1], [sflag:$0x1] =	stream.indirect_vreg.gather [hbm4b:s29+s7], $0x80, v3, vm0, $0xb8;
	[tilespmem:$0x11280] =	vst v63  }
0x5de: {  	_ =	swait.ge [sflag:s22], $0x4000  }
0x5df: {  	s1 =	sld [smem:$0x7F8]  }
0x5e0: {  	[sflag:s22] =	ssyncset.done $0x0  }
0x5e1: {  	s6 =	simm.s32 $0x4280;
	[sflag:s22] =	ssyncadd.s32 $0xFFFFC000  }
0x5e2: {  	[hbm4b:s1+s7] =	stream.linear.scatter [tilespmem:s6], [sflag:$0x6], $0x4000, $0x38;
	[tilespmem:$0x11280] =	vst v63  }
0x5e3: {  	_ =	swait.ge [sflag:s23], $0x4000  }
0x5e4: {  	s6 =	sld [smem:$0x7F9]  }
0x5e5: {  	[sflag:s23] =	ssyncset.done $0x0  }
0x5e6: {  	[sflag:s23] =	ssyncadd.s32 $0xFFFFC000  }
0x5e7: {  	[hbm4b:s6+s7] =	stream.linear.scatter [tilespmem:s18], [sflag:$0x7], $0x4000, $0x38;
	[tilespmem:$0x11280] =	vst v63  }
0x5e8: {  	_ =	swait.ge [sflag:s20], $0x4000  }
0x5e9: {  	s8 =	sld [smem:$0x7FA]  }
0x5ea: {  	[sflag:s20] =	ssyncset.done $0x0  }
0x5eb: {  	s5 =	simm.s32 $0xC280;
	[sflag:s20] =	ssyncadd.s32 $0xFFFFC000  }
0x5ec: {  	[hbm4b:s8+s7] =	stream.linear.scatter [tilespmem:s5], [sflag:$0x8], $0x4000, $0x38;
	[tilespmem:$0x11280] =	vst v63  }
0x5ed: {  	_ =	swait.ge [sflag:s25], $0x4000  }
0x5ee: {  	s10 =	sld [smem:$0x7FB]  }
0x5ef: {  	[sflag:s25] =	ssyncset.done $0x0  }
0x5f0: {  	[sflag:s25] =	ssyncadd.s32 $0xFFFFC000  }
0x5f1: {  	[hbm4b:s10+s7] =	stream.linear.scatter [tilespmem:s9], [sflag:$0x5], $0x4000, $0x38;
	[tilespmem:$0x11280] =	vst v63  }
0x5f2: {  	_ =	swait.ge [sflag:s26], $0x4000  }
0x5f3: {  	[sflag:s26] =	ssyncset.done $0x0  }
0x5f4: {  	[sflag:s26] =	ssyncadd.s32 $0xFFFFC000  }
0x5f5: {  	v3 =	vld [tilespmem:$0x0];
	_ =	sdelay $0x4  }
0x5f6: {  	v3 =	vshll.u32 v3, $0x4  }
0x5f7: {  	v3 =	vor.u32 $0xF, v3  }
0x5f8: {  	v60 =	vshll.u32 v3, $0x2  }
0x5f9: {  	v4 =	vand.u32 $0xFFFFFFE0, v60  }
0x5fa: {  	v61 =	vld [tilespmem:$0x10];
	v4 =	vor.u32 $0x7, v4  }
0x5fb: {  	v62 =	vperm.xlane v4, v0;
	_ =	sdelay $0x1  }
0x5fc: {  	v6 =	vadd.s32 v1, v62;
	_ =	sdelay $0x1  }
0x5fd: {  	v5 =	vshll.u32 v61, $0x4;
	v4 =	vperm.xlane v4, v2  }
0x5fe: {  	[tilespmem:$0x100] =	vst v3;
	v3 =	vor.u32 $0xF, v5  }
0x5ff: {  	s12 =	simm.s32 $0x4280;
	[tilespmem:$0x110] =	vst v3;
	v3 =	vadd.s32 v1, v4  }
0x600: {  	[tilespmem:s12], [sflag:$0x2] =	stream.indirect_vreg.gather [hbm4b:s0+s7], $0x80, v6, vm0, $0xb8;
	[tilespmem:$0x11280] =	vst v63  }
0x601: {  	s30 =	simm.s32 $0x4A80  }
0x602: {  	[tilespmem:s30], [sflag:$0x2] =	stream.indirect_vreg.gather [hbm4b:s29+s7], $0x80, v6, vm0, $0xb8;
	[tilespmem:$0x11280] =	vst v63  }
0x603: {  	s20 =	simm.s32 $0x5280  }
0x604: {  	[tilespmem:s20], [sflag:$0x2] =	stream.indirect_vreg.gather [hbm4b:s0+s7], $0x80, v3, vm0, $0xb8;
	[tilespmem:$0x11280] =	vst v63  }
0x605: {  	s24 =	simm.s32 $0x5A80  }
0x606: {  	[tilespmem:s24], [sflag:$0x2] =	stream.indirect_vreg.gather [hbm4b:s29+s7], $0x80, v3, vm0, $0xb8;
	[tilespmem:$0x11280] =	vst v63  }
0x607: {  	v3 =	vld [tilespmem:$0x110];
	_ =	sdelay $0x4  }
0x608: {  	v63 =	vshll.u32 v3, $0x2  }
0x609: {  	v3 =	vand.u32 $0x7, v3;
	v4 =	vand.u32 $0xFFFFFFE0, v63  }
0x60a: {  	v3 =	vor.u32 v3, v4  }
0x60b: {  	v4 =	vperm.xlane v3, v0;
	_ =	sdelay $0x1  }
0x60c: {  	v4 =	vadd.s32 v1, v4;
	_ =	sdelay $0x1  }
0x60d: {  	v3 =	vperm.xlane v3, v2;
	_ =	sdelay $0x1  }
0x60e: {  	s31 =	simm.s32 $0x6280;
	s11 =	simm.s32 $0x1A80;
	v3 =	vadd.s32 v1, v3  }
0x60f: {  	[tilespmem:s31], [sflag:$0x2] =	stream.indirect_vreg.gather [hbm4b:s0+s7], $0x80, v4, vm0, $0xb8;
	[tilespmem:$0x11280] =	vst v63  }
0x610: {  	s13 =	simm.s32 $0x5280;
	s15 =	simm.s32 $0x2280;
	s23 =	simm.s32 $0x6A80  }
0x611: {  	[tilespmem:s23], [sflag:$0x2] =	stream.indirect_vreg.gather [hbm4b:s29+s7], $0x80, v4, vm0, $0xb8;
	[tilespmem:$0x11280] =	vst v63  }
0x612: {  	s16 =	simm.s32 $0x2A80;
	s21 =	simm.s32 $0x3280;
	s24 =	simm.s32 $0x7280  }
0x613: {  	[tilespmem:s24], [sflag:$0x2] =	stream.indirect_vreg.gather [hbm4b:s0+s7], $0x80, v3, vm0, $0xb8;
	[tilespmem:$0x11280] =	vst v63  }
0x614: {  	s14 =	simm.s32 $0x3A80;
	s1 =	simm.s32 $0x6A80;
	s25 =	simm.s32 $0x7A80  }
0x615: {  	[tilespmem:s25], [sflag:$0x2] =	stream.indirect_vreg.gather [hbm4b:s29+s7], $0x80, v3, vm0, $0xb8;
	[tilespmem:$0x11280] =	vst v63  }
0x616: {  	s18 =	simm.s32 $0x4A80;
	s8 =	simm.s32 $0x7280;
	_ =	swait.ge [sflag:s22], $0x4000  }
0x617: {  	s5 =	simm.s32 $0x7A80;
	s10 =	simm.s32 $0x1;
	s31 =	sld [smem:$0x7FC]  }
0x618: {  	s30 =	simm.s32 $0x6280;
	s20 =	simm.s32 $0x5A80;
	[sflag:s22] =	ssyncset.done $0x0  }
0x619: {  	s23 =	simm.s32 $0x4;
	s0 =	simm.s32 $0xBB8;
	[sflag:s22] =	ssyncadd.s32 $0xFFFFC000  }
0x61a: {  	[hbm4b:s31+s7] =	stream.linear.scatter [tilespmem:s12], [sflag:$0x6], $0x4000, $0x38;
	[tilespmem:$0x11280] =	vst v63  }
0x61b: {  	s29 =	rddreg [dreg:$0x19];
	s22 =	simm.s32 $0x2;
	s12 =	simm.s32 $0x3  }
.LBB2_4:
0x61c: {  	s3 =	simm.s32 $0x7  }
0x61d: {  	_ =	swait.ge [sflag:s3], $0x4000  }
0x61e: {  	[sflag:s3] =	ssyncset.done $0x0  }
0x61f: {  	[sflag:s3] =	ssyncadd.s32 $0xFFFFC000  }
0x620: {  	v3 =	vld [tilespmem:$0x0];
	_ =	sdelay $0x3  }
0x621: {  	s24 =	sadd.s32 $0xFFFFF448, s0  }
0x622: {  	v4 =	vadd.s32 s24, v3  }
0x623: {  	v5 =	vshll.u32 v4, $0x2  }
0x624: {  	v3 =	vand.u32 $0x7, v3;
	v5 =	vand.u32 $0xFFFFFFE0, v5  }
0x625: {  	v3 =	vor.u32 v3, v5  }
0x626: {  	v43 =	vld [tilespmem:$0x10];
	v6 =	vperm.xlane v3, v0;
	_ =	sdelay $0x1  }
0x627: {  	v6 =	vadd.s32 v1, v6;
	_ =	sdelay $0x1  }
0x628: {  	v3 =	vperm.xlane v3, v2  }
0x629: {  	v44 =	vadd.s32 s24, v43;
	[tilespmem:$0x180] =	vst v4  }
0x62a: {  	s24 =	simm.s32 $0x8280;
	[tilespmem:$0x190] =	vst v44;
	v3 =	vadd.s32 v1, v3  }
0x62b: {  	[tilespmem:s24], [sflag:$0x3] =	stream.indirect_vreg.gather [hbm4b:s4+s7], $0x80, v6, vm0, $0xb8;
	[tilespmem:$0x11280] =	vst v63  }
0x62c: {  	s25 =	simm.s32 $0x8A80  }
0x62d: {  	[tilespmem:s25], [sflag:$0x3] =	stream.indirect_vreg.gather [hbm4b:s19+s7], $0x80, v6, vm0, $0xb8;
	[tilespmem:$0x11280] =	vst v63  }
0x62e: {  	s31 =	simm.s32 $0x9280  }
0x62f: {  	[tilespmem:s31], [sflag:$0x3] =	stream.indirect_vreg.gather [hbm4b:s4+s7], $0x80, v3, vm0, $0xb8;
	[tilespmem:$0x11280] =	vst v63  }
0x630: {  	s6 =	simm.s32 $0x9A80  }
0x631: {  	[tilespmem:s6], [sflag:$0x3] =	stream.indirect_vreg.gather [hbm4b:s19+s7], $0x80, v3, vm0, $0xb8;
	[tilespmem:$0x11280] =	vst v63  }
0x632: {  	v3 =	vld [tilespmem:$0x190];
	_ =	sdelay $0x4  }
0x633: {  	v45 =	vshll.u32 v3, $0x2  }
0x634: {  	v3 =	vand.u32 $0x7, v3;
	v4 =	vand.u32 $0xFFFFFFE0, v45  }
0x635: {  	v3 =	vor.u32 v3, v4  }
0x636: {  	v4 =	vperm.xlane v3, v0;
	_ =	sdelay $0x1  }
0x637: {  	v4 =	vadd.s32 v1, v4;
	_ =	sdelay $0x1  }
0x638: {  	v3 =	vperm.xlane v3, v2;
	_ =	sdelay $0x1  }
0x639: {  	s9 =	simm.s32 $0xA280;
	v3 =	vadd.s32 v1, v3  }
0x63a: {  	[tilespmem:s9], [sflag:$0x3] =	stream.indirect_vreg.gather [hbm4b:s4+s7], $0x80, v4, vm0, $0xb8;
	[tilespmem:$0x11280] =	vst v63  }
0x63b: {  	s25 =	simm.s32 $0xAA80  }
0x63c: {  	[tilespmem:s25], [sflag:$0x3] =	stream.indirect_vreg.gather [hbm4b:s19+s7], $0x80, v4, vm0, $0xb8;
	[tilespmem:$0x11280] =	vst v63  }
0x63d: {  	s31 =	simm.s32 $0xB280  }
0x63e: {  	[tilespmem:s31], [sflag:$0x3] =	stream.indirect_vreg.gather [hbm4b:s4+s7], $0x80, v3, vm0, $0xb8;
	[tilespmem:$0x11280] =	vst v63  }
0x63f: {  	s6 =	simm.s32 $0xBA80  }
0x640: {  	[tilespmem:s6], [sflag:$0x3] =	stream.indirect_vreg.gather [hbm4b:s19+s7], $0x80, v3, vm0, $0xb8;
	[tilespmem:$0x11280] =	vst v63  }
0x641: {  	_ =	swait.ge [sflag:s28], $0x4000  }
0x642: {  	[sflag:s28] =	ssyncset.done $0x0  }
0x643: {  	[sflag:s28] =	ssyncadd.s32 $0xFFFFC000  }
0x644: {  	v3 =	vld [tilespmem:$0x0];
	_ =	sdelay $0x3  }
0x645: {  	s9 =	sadd.s32 $0xFFFFF830, s0  }
0x646: {  	v46 =	vadd.s32 s9, v3  }
0x647: {  	v47 =	vshll.u32 v46, $0x2  }
0x648: {  	v3 =	vand.u32 $0x7, v3;
	v5 =	vand.u32 $0xFFFFFFE0, v47  }
0x649: {  	v3 =	vor.u32 v3, v5  }
0x64a: {  	v48 =	vld [tilespmem:$0x10];
	v49 =	vperm.xlane v3, v0;
	_ =	sdelay $0x1  }
0x64b: {  	v6 =	vadd.s32 v1, v49;
	_ =	sdelay $0x1  }
0x64c: {  	v3 =	vperm.xlane v3, v2  }
0x64d: {  	v50 =	vadd.s32 s9, v48;
	[tilespmem:$0x200] =	vst v46  }
0x64e: {  	s31 =	simm.s32 $0xC280;
	[tilespmem:$0x210] =	vst v50;
	v3 =	vadd.s32 v1, v3  }
0x64f: {  	[tilespmem:s31], [sflag:$0x4] =	stream.indirect_vreg.gather [hbm4b:s4+s7], $0x80, v6, vm0, $0xb8;
	[tilespmem:$0x11280] =	vst v63  }
0x650: {  	s25 =	simm.s32 $0xCA80  }
0x651: {  	[tilespmem:s25], [sflag:$0x4] =	stream.indirect_vreg.gather [hbm4b:s19+s7], $0x80, v6, vm0, $0xb8;
	[tilespmem:$0x11280] =	vst v63  }
0x652: {  	s6 =	simm.s32 $0xD280  }
0x653: {  	[tilespmem:s6], [sflag:$0x4] =	stream.indirect_vreg.gather [hbm4b:s4+s7], $0x80, v3, vm0, $0xb8;
	[tilespmem:$0x11280] =	vst v63  }
0x654: {  	s9 =	simm.s32 $0xDA80  }
0x655: {  	[tilespmem:s9], [sflag:$0x4] =	stream.indirect_vreg.gather [hbm4b:s19+s7], $0x80, v3, vm0, $0xb8;
	[tilespmem:$0x11280] =	vst v63  }
0x656: {  	v3 =	vld [tilespmem:$0x210];
	_ =	sdelay $0x4  }
0x657: {  	v51 =	vshll.u32 v3, $0x2  }
0x658: {  	v3 =	vand.u32 $0x7, v3;
	v4 =	vand.u32 $0xFFFFFFE0, v51  }
0x659: {  	v3 =	vor.u32 v3, v4  }
0x65a: {  	v4 =	vperm.xlane v3, v0;
	_ =	sdelay $0x1  }
0x65b: {  	v4 =	vadd.s32 v1, v4;
	_ =	sdelay $0x1  }
0x65c: {  	v3 =	vperm.xlane v3, v2;
	_ =	sdelay $0x1  }
0x65d: {  	s25 =	simm.s32 $0xE280;
	v3 =	vadd.s32 v1, v3  }
0x65e: {  	[tilespmem:s25], [sflag:$0x4] =	stream.indirect_vreg.gather [hbm4b:s4+s7], $0x80, v4, vm0, $0xb8;
	[tilespmem:$0x11280] =	vst v63  }
0x65f: {  	s6 =	simm.s32 $0xEA80  }
0x660: {  	[tilespmem:s6], [sflag:$0x4] =	stream.indirect_vreg.gather [hbm4b:s19+s7], $0x80, v4, vm0, $0xb8;
	[tilespmem:$0x11280] =	vst v63  }
0x661: {  	s9 =	simm.s32 $0xF280  }
0x662: {  	[tilespmem:s9], [sflag:$0x4] =	stream.indirect_vreg.gather [hbm4b:s4+s7], $0x80, v3, vm0, $0xb8;
	[tilespmem:$0x11280] =	vst v63  }
0x663: {  	s25 =	simm.s32 $0xFA80;
	s6 =	simm.s32 $0x5  }
0x664: {  	[tilespmem:s25], [sflag:$0x4] =	stream.indirect_vreg.gather [hbm4b:s19+s7], $0x80, v3, vm0, $0xb8;
	[tilespmem:$0x11280] =	vst v63  }
0x665: {  	_ =	swait.ge [sflag:s6], $0x4000  }
0x666: {  	[sflag:s6] =	ssyncset.done $0x0  }
0x667: {  	[sflag:s6] =	ssyncadd.s32 $0xFFFFC000  }
0x668: {  	v3 =	vld [tilespmem:$0x0];
	_ =	sdelay $0x3  }
0x669: {  	s9 =	sadd.s32 $0xFFFFFC18, s0  }
0x66a: {  	v52 =	vadd.s32 s9, v3  }
0x66b: {  	v53 =	vshll.u32 v52, $0x2  }
0x66c: {  	v3 =	vand.u32 $0x7, v3;
	v5 =	vand.u32 $0xFFFFFFE0, v53  }
0x66d: {  	v3 =	vor.u32 v3, v5  }
0x66e: {  	v54 =	vld [tilespmem:$0x10];
	v55 =	vperm.xlane v3, v0;
	_ =	sdelay $0x1  }
0x66f: {  	v6 =	vadd.s32 v1, v55;
	_ =	sdelay $0x1  }
0x670: {  	v3 =	vperm.xlane v3, v2  }
0x671: {  	v56 =	vadd.s32 s9, v54;
	[tilespmem:$0x80] =	vst v52  }
0x672: {  	s9 =	simm.s32 $0x280;
	[tilespmem:$0x90] =	vst v56;
	v3 =	vadd.s32 v1, v3  }
0x673: {  	[tilespmem:s9], [sflag:$0x1] =	stream.indirect_vreg.gather [hbm4b:s4+s7], $0x80, v6, vm0, $0xb8;
	[tilespmem:$0x11280] =	vst v63  }
0x674: {  	s25 =	simm.s32 $0xA80  }
0x675: {  	[tilespmem:s25], [sflag:$0x1] =	stream.indirect_vreg.gather [hbm4b:s19+s7], $0x80, v6, vm0, $0xb8;
	[tilespmem:$0x11280] =	vst v63  }
0x676: {  	s6 =	simm.s32 $0x1280  }
0x677: {  	[tilespmem:s6], [sflag:$0x1] =	stream.indirect_vreg.gather [hbm4b:s4+s7], $0x80, v3, vm0, $0xb8;
	[tilespmem:$0x11280] =	vst v63  }
0x678: {  	_ = 	snop  }
0x679: {  	[tilespmem:s11], [sflag:$0x1] =	stream.indirect_vreg.gather [hbm4b:s19+s7], $0x80, v3, vm0, $0xb8;
	[tilespmem:$0x11280] =	vst v63  }
0x67a: {  	v3 =	vld [tilespmem:$0x90];
	_ =	sdelay $0x4  }
0x67b: {  	v57 =	vshll.u32 v3, $0x2  }
0x67c: {  	v3 =	vand.u32 $0x7, v3;
	v4 =	vand.u32 $0xFFFFFFE0, v57  }
0x67d: {  	v3 =	vor.u32 v3, v4  }
0x67e: {  	v4 =	vperm.xlane v3, v0;
	_ =	sdelay $0x1  }
0x67f: {  	v4 =	vadd.s32 v1, v4;
	_ =	sdelay $0x1  }
0x680: {  	v3 =	vperm.xlane v3, v2;
	_ =	sdelay $0x1  }
0x681: {  	v3 =	vadd.s32 v1, v3  }
0x682: {  	[tilespmem:s15], [sflag:$0x1] =	stream.indirect_vreg.gather [hbm4b:s4+s7], $0x80, v4, vm0, $0xb8;
	[tilespmem:$0x11280] =	vst v63  }
0x683: {  	_ = 	snop  }
0x684: {  	[tilespmem:s16], [sflag:$0x1] =	stream.indirect_vreg.gather [hbm4b:s19+s7], $0x80, v4, vm0, $0xb8;
	[tilespmem:$0x11280] =	vst v63  }
0x685: {  	_ = 	snop  }
0x686: {  	[tilespmem:s21], [sflag:$0x1] =	stream.indirect_vreg.gather [hbm4b:s4+s7], $0x80, v3, vm0, $0xb8;
	[tilespmem:$0x11280] =	vst v63  }
0x687: {  	_ = 	snop  }
0x688: {  	[tilespmem:s14], [sflag:$0x1] =	stream.indirect_vreg.gather [hbm4b:s19+s7], $0x80, v3, vm0, $0xb8;
	[tilespmem:$0x11280] =	vst v63  }
0x689: {  	_ =	swait.ge [sflag:s26], $0x4000  }
0x68a: {  	[sflag:s26] =	ssyncset.done $0x0  }
0x68b: {  	[sflag:s26] =	ssyncadd.s32 $0xFFFFC000  }
0x68c: {  	v3 =	vld [tilespmem:$0x0];
	_ =	sdelay $0x4  }
0x68d: {  	v58 =	vadd.s32 s0, v3  }
0x68e: {  	v59 =	vshll.u32 v58, $0x2  }
0x68f: {  	v3 =	vand.u32 $0x7, v3;
	v5 =	vand.u32 $0xFFFFFFE0, v59  }
0x690: {  	v3 =	vor.u32 v3, v5  }
0x691: {  	v60 =	vld [tilespmem:$0x10];
	v61 =	vperm.xlane v3, v0;
	_ =	sdelay $0x1  }
0x692: {  	v6 =	vadd.s32 v1, v61;
	_ =	sdelay $0x1  }
0x693: {  	v3 =	vperm.xlane v3, v2  }
0x694: {  	v62 =	vadd.s32 s0, v60;
	[tilespmem:$0x100] =	vst v58  }
0x695: {  	s6 =	simm.s32 $0x4280;
	[tilespmem:$0x110] =	vst v62;
	v3 =	vadd.s32 v1, v3  }
0x696: {  	[tilespmem:s6], [sflag:$0x2] =	stream.indirect_vreg.gather [hbm4b:s4+s7], $0x80, v6, vm0, $0xb8;
	[tilespmem:$0x11280] =	vst v63  }
0x697: {  	_ = 	snop  }
0x698: {  	[tilespmem:s18], [sflag:$0x2] =	stream.indirect_vreg.gather [hbm4b:s19+s7], $0x80, v6, vm0, $0xb8;
	[tilespmem:$0x11280] =	vst v63  }
0x699: {  	_ = 	snop  }
0x69a: {  	[tilespmem:s13], [sflag:$0x2] =	stream.indirect_vreg.gather [hbm4b:s4+s7], $0x80, v3, vm0, $0xb8;
	[tilespmem:$0x11280] =	vst v63  }
0x69b: {  	_ = 	snop  }
0x69c: {  	[tilespmem:s20], [sflag:$0x2] =	stream.indirect_vreg.gather [hbm4b:s19+s7], $0x80, v3, vm0, $0xb8;
	[tilespmem:$0x11280] =	vst v63  }
0x69d: {  	v3 =	vld [tilespmem:$0x110];
	_ =	sdelay $0x4  }
0x69e: {  	v63 =	vshll.u32 v3, $0x2  }
0x69f: {  	v3 =	vand.u32 $0x7, v3;
	v4 =	vand.u32 $0xFFFFFFE0, v63  }
0x6a0: {  	v3 =	vor.u32 v3, v4  }
0x6a1: {  	v4 =	vperm.xlane v3, v0;
	_ =	sdelay $0x1  }
0x6a2: {  	v4 =	vadd.s32 v1, v4;
	_ =	sdelay $0x1  }
0x6a3: {  	v3 =	vperm.xlane v3, v2;
	_ =	sdelay $0x1  }
0x6a4: {  	v3 =	vadd.s32 v1, v3  }
0x6a5: {  	[tilespmem:s30], [sflag:$0x2] =	stream.indirect_vreg.gather [hbm4b:s4+s7], $0x80, v4, vm0, $0xb8;
	[tilespmem:$0x11280] =	vst v63  }
0x6a6: {  	_ = 	snop  }
0x6a7: {  	[tilespmem:s1], [sflag:$0x2] =	stream.indirect_vreg.gather [hbm4b:s19+s7], $0x80, v4, vm0, $0xb8;
	[tilespmem:$0x11280] =	vst v63  }
0x6a8: {  	_ = 	snop  }
0x6a9: {  	[tilespmem:s8], [sflag:$0x2] =	stream.indirect_vreg.gather [hbm4b:s4+s7], $0x80, v3, vm0, $0xb8;
	[tilespmem:$0x11280] =	vst v63  }
0x6aa: {  	_ = 	snop  }
0x6ab: {  	[tilespmem:s5], [sflag:$0x2] =	stream.indirect_vreg.gather [hbm4b:s19+s7], $0x80, v3, vm0, $0xb8;
	[tilespmem:$0x11280] =	vst v63  }
0x6ac: {  	_ =	swait.ge [sflag:s12], $0x4000  }
0x6ad: {  	[sflag:s12] =	ssyncset.done $0x0  }
0x6ae: {  	s25 =	sadd.s32 $0xFFFA0000, s29;
	[sflag:s12] =	ssyncadd.s32 $0xFFFFC000  }
0x6af: {  	[hbm4b:s25+s7] =	stream.linear.scatter [tilespmem:s24], [sflag:$0x7], $0x4000, $0x38;
	[tilespmem:$0x11280] =	vst v63  }
0x6b0: {  	_ =	swait.ge [sflag:s23], $0x4000  }
0x6b1: {  	[sflag:s23] =	ssyncset.done $0x0  }
0x6b2: {  	s25 =	sadd.s32 $0xFFFC0000, s29;
	[sflag:s23] =	ssyncadd.s32 $0xFFFFC000  }
0x6b3: {  	[hbm4b:s25+s7] =	stream.linear.scatter [tilespmem:s31], [sflag:$0x8], $0x4000, $0x38;
	[tilespmem:$0x11280] =	vst v63  }
0x6b4: {  	_ =	swait.ge [sflag:s10], $0x4000  }
0x6b5: {  	[sflag:s10] =	ssyncset.done $0x0  }
0x6b6: {  	p0 =	sne.s32 s0, $0xE678;
	s31 =	sadd.s32 $0xFFFE0000, s29;
	[sflag:s10] =	ssyncadd.s32 $0xFFFFC000  }
0x6b7: {  	[hbm4b:s31+s7] =	stream.linear.scatter [tilespmem:s9], [sflag:$0x5], $0x4000, $0x38;
	[tilespmem:$0x11280] =	vst v63  }
.Ltmp1:
0x6b8: {  	_ =	swait.ge [sflag:s22], $0x4000;
	(pc) =	sbr.rel @p0 .LBB2_4-.Ltmp1, $4  }
0x6b9: {  	[sflag:s22] =	ssyncset.done $0x0  }
0x6ba: {  	[sflag:s22] =	ssyncadd.s32 $0xFFFFC000  }
0x6bb: {  	[hbm4b:s29+s7] =	stream.linear.scatter [tilespmem:s6], [sflag:$0x6], $0x4000, $0x38;
	[tilespmem:$0x11280] =	vst v63  }
0x6bc: {  	s0 =	sadd.s32 $0xFA0, s0;
	s29 =	sadd.s32 $0x80000, s29  }
0x6bd: {  	s0 =	rddreg [dreg:$0x7]  }
0x6be: {  	s1 =	simm.s32 $0x20;
	s3 =	simm.s32 $0x10280;
	s18 =	simm.s32 $0x9  }
0x6bf: {  	[tilespmem:s3], [sflag:$0x9] =	stream.indirect.gather [hbm4b:s0+s1], $0x80, s7, s1, $0xb8;
	[tilespmem:$0x11280] =	vst v63  }
0x6c0: {  	_ =	swait.ge [sflag:s18], $0x1000  }
0x6c1: {  	[sflag:s18] =	ssyncset.done $0x0  }
0x6c2: {  	s20 =	rddreg [dreg:$0x14];
	[sflag:s18] =	ssyncadd.s32 $0xFFFFF000  }
0x6c3: {  	[hbm4b:s20+s7] =	stream.linear.scatter [tilespmem:s3], [sflag:$0xA], $0x1000, $0x38;
	[tilespmem:$0x11280] =	vst v63  }
0x6c4: {  	s3 =	simm.s32 $0xA  }
0x6c5: {  	_ =	swait.ge [sflag:s3], $0x1000  }
0x6c6: {  	[sflag:s3] =	ssyncset.done $0x0  }
0x6c7: {  	s21 =	simm.s32 $0x5;
	[sflag:s3] =	ssyncadd.s32 $0xFFFFF000  }
0x6c8: {  	_ =	swait.ge [sflag:s21], $0x4000  }
0x6c9: {  	[sflag:s21] =	ssyncset.done $0x0  }
0x6ca: {  	[sflag:s21] =	ssyncadd.s32 $0xFFFFC000  }
0x6cb: {  	_ =	swait.ge [sflag:s26], $0x4000  }
0x6cc: {  	[sflag:s26] =	ssyncset.done $0x0  }
0x6cd: {  	s24 =	simm.s32 $0x7;
	[sflag:s26] =	ssyncadd.s32 $0xFFFFC000  }
0x6ce: {  	_ =	swait.ge [sflag:s24], $0x4000  }
0x6cf: {  	[sflag:s24] =	ssyncset.done $0x0  }
0x6d0: {  	[sflag:s24] =	ssyncadd.s32 $0xFFFFC000  }
0x6d1: {  	_ =	swait.ge [sflag:s28], $0x4000  }
0x6d2: {  	s25 =	sld [smem:$0x7FD];
	_ =	sdelay $0x2  }
0x6d3: {  	s31 =	simm.s32 $0x1280;
	s29 =	rddreg [dreg:$0x17];
	s1 =	sadd.s32 $0x1, s25  }
0x6d4: {  	s9 =	simm.s32 $0x1A80;
	s15 =	simm.s32 $0x4A80;
	p0 =	sne.s32 s1, s29  }
.Ltmp2:
0x6d5: {  	s16 =	simm.s32 $0x5280;
	s30 =	simm.s32 $0x5A80;
	(pc) =	sbr.rel @p0 .LBB2_1-.Ltmp2, $4  }
0x6d6: {  	s5 =	simm.s32 $0x280;
	s6 =	simm.s32 $0xC280;
	s8 =	simm.s32 $0x4280  }
0x6d7: {  	s18 =	simm.s32 $0x2280;
	s20 =	simm.s32 $0x2A80;
	[sflag:s28] =	ssyncset.done $0x0  }
0x6d8: {  	s21 =	simm.s32 $0x3280;
	s24 =	simm.s32 $0x3A80;
	[sflag:s28] =	ssyncadd.s32 $0xFFFFC000  }
0x6d9: {  	s25 =	simm.s32 $0xA80;
	[smem:$0x7FD] =	sst s1;
	s1 =	simm.s32 $0x8280  }
0x6da: {  	_ =	sfence.sel $0x180000  }
0x6db: {  	[bflag:$0x0] =	sbarrier.arrive $0xFFFF  }
0x6dc: {  	_ =	strace $0x90000047  }
0x6dd: {  	s0 =	stileid.u32;
	[bflag:$0x2] =	sbarrier.arrive $0xFFFF  }
0x6de: {  	p0 =	sne.s32 s0, $0x0;
	s0 =	rddreg [dreg:$0x9]  }
0x6df: {  	s0 =	sadd.s32 @!p0 $0x100000, s0  }
0x6e0: {  	[sflag:s0] =	ssyncadd.tile.s32 @!p0 $0x1;
	_ =	shalt  }
.Lfunc_end2:
_tile_overlayer_lowered:
.L_overlay_start_2:
0x6e1: {  	(tag) =	ssettag $0x2  }
0x6e2: {  	s0 =	rddreg [dreg:$0x0];
	s2 =	stileid.u32  }
0x6e3: {  	s1 =	rddreg [dreg:$0x1];
	p0 =	sne.s32 s2, $0x0  }
0x6e4: {  	s3 =	rddreg [dreg:$0x2];
	[bflag:$0x3] =	sbarrier.arrive $0xFFFF;
	s2 =	simm.s32 @!p0 $0x1C0A  }
0x6e5: {  	[timem:s3], [sflag:s2] =	dma.local @!p0 [hbm:s0], s1  }
0x6e6: {  	s0 =	simm.s32 @!p0 $0xA  }
0x6e7: {  	_ =	swait.ge @!p0 [sflag:s0], s1  }
0x6e8: {  	s1 =	ssub.s32 @!p0 $0x0, s1;
	[sflag:s0] =	ssyncset.done @!p0 $0x0  }
0x6e9: {  	[sflag:s0] =	ssyncadd.s32 @!p0 s1  }
0x6ea: {  	[bflag:$0x3] =	sbarrier.arrive $0xFFFF  }
0x6eb: {  	_ =	shalt  }

</sc_bundles>
